<compile_context>
chip_gen: v7x
topology: tpu7x:2x2x1
jax: 0.10.2.dev20260603
libtpu: 0.0.44.dev20260713+nightly
codegen_flags: <defaults>
</compile_context>

<pallas_src>
import functools

import jax
import jax.numpy as jnp
from jax import lax
from jax.experimental import pallas as pl
from jax.experimental.pallas import tpu as pltpu
from jax.experimental.pallas import tpu_sc as plsc

P = 102928
N = 256
TABLE = 25000000
CLIP = 40.0

NC, NS = 2, 16
NW = NC * NS
C = 3232
CH = C // 16
BUF = 3248

PD = 808 * 128
NPAD = N + 16
G = 16
NPAIR = N // (2 * G)


def _coeff_body(ret_ref, retT_ref, sc_ref, pos_ref, c_ref, s0_ref):
    ii = lax.broadcasted_iota(jnp.int32, (N, N), 0)
    jj = lax.broadcasted_iota(jnp.int32, (N, N), 1)
    ranks = []
    for k in (0, 1):
        a = -ret_ref[:, k:k + 1]
        r = jnp.zeros((N, 1), jnp.float32)
        for l in (0, 1):
            b = -retT_ref[l:l + 1, :]
            lt = b < a
            eq = b == a
            flat_lt = (2 * jj + l) < (2 * ii + k)
            cnt = jnp.where(lt | (eq & flat_lt), 1.0, 0.0)
            r = r + jnp.sum(cnt, axis=1, keepdims=True)
        ranks.append(r)
    centered0 = ranks[0] / (2.0 * N - 1.0) - 0.5
    centered1 = ranks[1] / (2.0 * N - 1.0) - 0.5
    w = centered0 - centered1
    scales = sc_ref[:]
    c_ref[:] = w * scales * (1.0 / (2.0 * N))
    sign = 2.0 * pos_ref[0, 0] - 1.0
    s0_ref[:] = (sign * scales)[0:16, 0:1]


def _clip_body(x_ref, o_ref):
    x = x_ref[:]
    gnorm = jnp.sqrt(jnp.sum(x * x))
    o_ref[:] = x * (CLIP / jnp.maximum(gnorm, CLIP))


def _sc_body(tbl, prm, sd, cvec, s0, dlt, prt, *scr):
    sv, cv, s0v = scr[0], scr[1], scr[2]
    bufA = list(scr[3:3 + G])
    bufB = list(scr[3 + G:3 + 2 * G])
    pbuf0, acc, pb, semA, semB, semP = scr[3 + 2 * G:]
    cid = lax.axis_index("c")
    sid = lax.axis_index("s")
    wid = cid * NS + sid
    lo = jnp.minimum(wid * C, P - C)

    pltpu.sync_copy(sd, sv.at[pl.ds(0, N)])
    pltpu.sync_copy(cvec, cv.at[pl.ds(0, N)])
    pltpu.sync_copy(s0, s0v)
    pltpu.sync_copy(prm.at[pl.ds(lo, C)], pb)

    def window(i):
        off = sv[pl.ds(i, 16)][0] + lo
        start = jnp.minimum((off // 16) * 16, TABLE - BUF)
        return start, off - start

    def coeff(i):
        return cv[pl.ds(i, 16)][0]

    def fire(base_i, bufref, sem):
        for u in range(G):
            start, _ = window(base_i + u)
            pltpu.make_async_copy(
                tbl.at[pl.ds(start, BUF)], bufref[u], sem).start()

    def drain(bufref, sem):
        for u in range(G):
            pltpu.make_async_copy(
                tbl.at[pl.ds(0, BUF)], bufref[u], sem).wait()

    def compute(base_i, bufref):
        dd = []
        cc = []
        for u in range(G):
            _, d = window(base_i + u)
            dd.append(d)
            cc.append(coeff(base_i + u))

        @plsc.parallel_loop(0, CH, unroll=4)
        def body(k):
            b = k * 16
            m = [cc[u] * bufref[u][pl.ds(dd[u] + b, 16)] for u in range(G)]
            while len(m) > 1:
                m = [m[2 * v] + m[2 * v + 1] for v in range(len(m) // 2)]
            acc[pl.ds(b, 16)] = acc[pl.ds(b, 16)] + m[0]

    fire(0, bufA, semA)
    start0, d0 = window(0)
    pltpu.make_async_copy(tbl.at[pl.ds(start0, BUF)], pbuf0, semP).start()
    sg = s0v[:][0]
    pltpu.make_async_copy(tbl.at[pl.ds(0, BUF)], pbuf0, semP).wait()

    @plsc.parallel_loop(0, CH, unroll=4)
    def init_chunk(k):
        b = k * 16
        acc[pl.ds(b, 16)] = jnp.zeros((16,), jnp.float32)
        pb[pl.ds(b, 16)] = pb[pl.ds(b, 16)] + sg * pbuf0[pl.ds(d0 + b, 16)]

    def pair(g, _):
        base = 2 * G * g
        fire(base + G, bufB, semB)
        drain(bufA, semA)
        compute(base, bufA)

        @pl.when(g < NPAIR - 1)
        def _():
            fire(base + 2 * G, bufA, semA)

        drain(bufB, semB)
        compute(base + G, bufB)
        return 0

    lax.fori_loop(0, NPAIR, pair, 0)

    pltpu.sync_copy(acc, dlt.at[pl.ds(lo, C)])
    pltpu.sync_copy(pb, prt.at[pl.ds(lo, C)])

    @pl.when(wid == NW - 1)
    def _():
        @plsc.parallel_loop(0, (PD - P) // 16, unroll=2)
        def zchunk(k):
            pbuf0[pl.ds(k * 16, 16)] = jnp.zeros((16,), jnp.float32)

        pltpu.sync_copy(pbuf0.at[pl.ds(0, PD - P)], dlt.at[pl.ds(P, PD - P)])


def kernel(noise_table, params, perturbation_seeds, returns,
           perturbation_scales, positive_perturbation):
    returns = returns.astype(jnp.float32)
    scales_col = perturbation_scales.astype(jnp.float32).reshape(N, 1)
    pos = jnp.asarray(positive_perturbation, jnp.float32).reshape(1, 1)

    cvec_col, s0_col = pl.pallas_call(
        _coeff_body,
        out_shape=(
            jax.ShapeDtypeStruct((N, 1), jnp.float32),
            jax.ShapeDtypeStruct((16, 1), jnp.float32),
        ),
        in_specs=[
            pl.BlockSpec(memory_space=pltpu.VMEM),
            pl.BlockSpec(memory_space=pltpu.VMEM),
            pl.BlockSpec(memory_space=pltpu.VMEM),
            pl.BlockSpec(memory_space=pltpu.SMEM),
        ],
        out_specs=(
            pl.BlockSpec(memory_space=pltpu.VMEM),
            pl.BlockSpec(memory_space=pltpu.VMEM),
        ),
    )(returns, returns.T, scales_col, pos)

    cvec = cvec_col.reshape(N)
    s0 = s0_col.reshape(16)

    mesh = plsc.VectorSubcoreMesh(
        core_axis_name="c", subcore_axis_name="s",
        num_cores=NC, num_subcores=NS)

    sc_main = pl.kernel(
        _sc_body,
        out_type=(
            jax.ShapeDtypeStruct((PD,), jnp.float32),
            jax.ShapeDtypeStruct((P,), jnp.float32),
        ),
        mesh=mesh,
        scratch_types=[
            pltpu.VMEM((NPAD,), jnp.int32),
            pltpu.VMEM((NPAD,), jnp.float32),
            pltpu.VMEM((16,), jnp.float32),
            *[pltpu.VMEM((BUF,), jnp.float32) for _ in range(2 * G)],
            pltpu.VMEM((BUF,), jnp.float32),
            pltpu.VMEM((C,), jnp.float32),
            pltpu.VMEM((C,), jnp.float32),
            pltpu.SemaphoreType.DMA,
            pltpu.SemaphoreType.DMA,
            pltpu.SemaphoreType.DMA,
        ],
    )
    delta_raw, perturbed = sc_main(
        noise_table, params, perturbation_seeds.astype(jnp.int32), cvec, s0)

    dpad = delta_raw.reshape(PD // 128, 128)
    dclip = pl.pallas_call(
        _clip_body,
        out_shape=jax.ShapeDtypeStruct((PD // 128, 128), jnp.float32),
    )(dpad)
    delta = dclip.reshape(PD)[:P]
    return delta, perturbed

# --- scband reference (transcript-rebuilt; emitter-appended) ---
"""Pipeline reference for scband-evolution-strategy-15857019256858 (READ-ONLY COPY).

The authoritative reference and input builder live on the scoring server;
editing this copy changes nothing except your own understanding.
"""

import jax, jax.numpy as jnp
import numpy as np

NOISE_TABLE_SIZE = 25000000
PARAMS_SIZE = 102928  # 128*256+256 + 256*256+256 + 256*16+16
NOISE_SIZE = 256
CLIP_NORM = 40.0


def _centered_ranks(x):
    # tf _get_centered_ranks_tensor: rank-transform flattened values to [-0.5, 0.5]
    flat = x.reshape(-1)
    ranks = jnp.argsort(jnp.argsort(flat))
    centered = ranks.astype(jnp.float32) / (flat.shape[0] - 1) - 0.5
    return centered.reshape(x.shape)


def setup_inputs(seed: int = 0):
    key = jax.random.key(seed)
    k1, k2, k3, k4, k5 = jax.random.split(key, 5)
    # shared noise table (non-trainable variable, init N(0,1))
    noise_table = jax.random.normal(k1, (NOISE_TABLE_SIZE,), dtype=jnp.float32)
    # flattened model_vars of the encode_obs network
    params = jax.random.normal(k2, (PARAMS_SIZE,), dtype=jnp.float32) * 0.05
    perturbation_seeds = jax.random.randint(
        k3, (NOISE_SIZE,), 0, NOISE_TABLE_SIZE - PARAMS_SIZE, dtype=jnp.int32)
    returns = jax.random.normal(k4, (NOISE_SIZE, 2), dtype=jnp.float32)
    perturbation_scales = jax.random.uniform(k5, (NOISE_SIZE,), dtype=jnp.float32) * 0.05 + 0.005
    return {
        'noise_table': noise_table,
        'params': params,
        'perturbation_seeds': perturbation_seeds,
        'returns': returns,
        'perturbation_scales': perturbation_scales,
        'positive_perturbation': 1,
    }


def reference(noise_table, params, perturbation_seeds, returns,
              perturbation_scales, positive_perturbation):
    # _generate_perturbations: each seed selects a contiguous params_size slice
    # of the shared noise table (large strided gather; memory bound)
    idx = perturbation_seeds[:, None].astype(jnp.int32) + jnp.arange(PARAMS_SIZE, dtype=jnp.int32)[None, :]
    perturbations = jnp.take(noise_table, idx, axis=0)  # [NOISE_SIZE, PARAMS_SIZE]

    # _build_train: centered ranks of -R, mirrored-pair weights
    centered_R = _centered_ranks(-1.0 * returns)           # [N, 2]
    positive_R, negative_R = jnp.split(centered_R, 2, axis=1)
    weights = (positive_R - negative_R).reshape(1, -1)     # [1, N]

    scaled = perturbations * perturbation_scales[:, None]  # [N, P]
    delta = jnp.matmul(weights, scaled)                    # [1, P]
    delta = delta.reshape(-1) / jnp.float32(NOISE_SIZE) / 2.0

    # clip_by_global_norm on the single flattened gradient
    gnorm = jnp.sqrt(jnp.sum(delta * delta))
    delta = delta * (CLIP_NORM / jnp.maximum(gnorm, CLIP_NORM))

    # reset_perturbed_parameters for the first candidate seed:
    # perturbed_var = var + (2*positive - 1) * scale * noise  (scatter-overwrite of model copy)
    sign = 2.0 * jnp.float32(positive_perturbation) - 1.0
    perturbed_params = params + sign * perturbation_scales[0] * perturbations[0]

    return delta, perturbed_params

if __name__ == "__main__":
    import jax
    _d = setup_inputs()
    print(jax.jit(kernel)(*tuple(_d.values())))

</pallas_src>

<mosaic_0001>
#map = affine_map<(d0, d1) -> (0)>
module attributes {stable_mosaic.version = 14 : i64} {
  func.func @_sc_body(%arg0: i32, %arg1: i32, %arg2: memref<25000000xf32, #tpu.memory_space<hbm>>, %arg3: memref<102928xf32, #tpu.memory_space<hbm>>, %arg4: memref<256xi32, #tpu.memory_space<hbm>>, %arg5: memref<256xf32, #tpu.memory_space<hbm>>, %arg6: memref<16xf32, #tpu.memory_space<hbm>>, %arg7: memref<103424xf32, #tpu.memory_space<hbm>>, %arg8: memref<102928xf32, #tpu.memory_space<hbm>>, %arg9: memref<272xi32, #tpu.memory_space<vmem>>, %arg10: memref<272xf32, #tpu.memory_space<vmem>>, %arg11: memref<16xf32, #tpu.memory_space<vmem>>, %arg12: memref<3248xf32, #tpu.memory_space<vmem>>, %arg13: memref<3248xf32, #tpu.memory_space<vmem>>, %arg14: memref<3248xf32, #tpu.memory_space<vmem>>, %arg15: memref<3248xf32, #tpu.memory_space<vmem>>, %arg16: memref<3248xf32, #tpu.memory_space<vmem>>, %arg17: memref<3248xf32, #tpu.memory_space<vmem>>, %arg18: memref<3248xf32, #tpu.memory_space<vmem>>, %arg19: memref<3248xf32, #tpu.memory_space<vmem>>, %arg20: memref<3248xf32, #tpu.memory_space<vmem>>, %arg21: memref<3248xf32, #tpu.memory_space<vmem>>, %arg22: memref<3248xf32, #tpu.memory_space<vmem>>, %arg23: memref<3248xf32, #tpu.memory_space<vmem>>, %arg24: memref<3248xf32, #tpu.memory_space<vmem>>, %arg25: memref<3248xf32, #tpu.memory_space<vmem>>, %arg26: memref<3248xf32, #tpu.memory_space<vmem>>, %arg27: memref<3248xf32, #tpu.memory_space<vmem>>, %arg28: memref<3248xf32, #tpu.memory_space<vmem>>, %arg29: memref<3248xf32, #tpu.memory_space<vmem>>, %arg30: memref<3248xf32, #tpu.memory_space<vmem>>, %arg31: memref<3248xf32, #tpu.memory_space<vmem>>, %arg32: memref<3248xf32, #tpu.memory_space<vmem>>, %arg33: memref<3248xf32, #tpu.memory_space<vmem>>, %arg34: memref<3248xf32, #tpu.memory_space<vmem>>, %arg35: memref<3248xf32, #tpu.memory_space<vmem>>, %arg36: memref<3248xf32, #tpu.memory_space<vmem>>, %arg37: memref<3248xf32, #tpu.memory_space<vmem>>, %arg38: memref<3248xf32, #tpu.memory_space<vmem>>, %arg39: memref<3248xf32, #tpu.memory_space<vmem>>, %arg40: memref<3248xf32, #tpu.memory_space<vmem>>, %arg41: memref<3248xf32, #tpu.memory_space<vmem>>, %arg42: memref<3248xf32, #tpu.memory_space<vmem>>, %arg43: memref<3248xf32, #tpu.memory_space<vmem>>, %arg44: memref<3248xf32, #tpu.memory_space<vmem>>, %arg45: memref<3232xf32, #tpu.memory_space<vmem>>, %arg46: memref<3232xf32, #tpu.memory_space<vmem>>, %arg47: memref<!tpu.dma_semaphore, #tpu.memory_space<semaphore_mem>>, %arg48: memref<!tpu.dma_semaphore, #tpu.memory_space<semaphore_mem>>, %arg49: memref<!tpu.dma_semaphore, #tpu.memory_space<semaphore_mem>>) attributes {dimension_semantics = [#tpu.dimension_semantics<core_parallel>, #tpu.dimension_semantics<subcore_parallel>], iteration_bounds = array<i64: 2, 16>, scalar_prefetch = 0 : i64, scratch_operands = 41 : i64, tpu.core_type = #tpu.core_type<sc_vector_subcore>, window_params = [{transform_indices = #map}, {transform_indices = #map}, {transform_indices = #map}, {transform_indices = #map}, {transform_indices = #map}, {transform_indices = #map}, {transform_indices = #map}]} {
    %mul3A = arith.constant 16 : i32
    %mul3A_0 = arith.muli %arg0, %mul3A : i32
    %add3A = arith.addi %mul3A_0, %arg1 : i32
    %mul3A_1 = arith.constant 3232 : i32
    %mul3A_2 = arith.muli %add3A, %mul3A_1 : i32
    %min3A = arith.constant 99696 : i32
    %min3A_3 = arith.minsi %mul3A_2, %min3A : i32
    "tpu.region"() ({
      %run_scoped3A = tpu.sem_alloc : memref<!tpu.dma_semaphore, #tpu.memory_space<semaphore_mem>>
      %dma_start3A_639 = arith.constant 0 : i32
      %dma_start3A_640 = tpu.memref_slice %arg9[%dma_start3A_639] : memref<272xi32, #tpu.memory_space<vmem>> -> memref<256xi32, #tpu.memory_space<vmem>>
      %dma_start3A_641 = arith.constant 0 : i32
      %dma_start3A_642 = tpu.memref_slice %arg9[%dma_start3A_641] : memref<272xi32, #tpu.memory_space<vmem>> -> memref<256xi32, #tpu.memory_space<vmem>>
      tpu.enqueue_dma source(%arg4 : memref<256xi32, #tpu.memory_space<hbm>>) target(%dma_start3A_642 : memref<256xi32, #tpu.memory_space<vmem>>) target_semaphore(%run_scoped3A : memref<!tpu.dma_semaphore, #tpu.memory_space<semaphore_mem>>)
      %dma_wait3A_643 = arith.constant 0 : i32
      %dma_wait3A_644 = tpu.memref_slice %arg9[%dma_wait3A_643] : memref<272xi32, #tpu.memory_space<vmem>> -> memref<256xi32, #tpu.memory_space<vmem>>
      %dma_wait3A_645 = arith.constant 0 : i32
      %dma_wait3A_646 = tpu.memref_slice %arg9[%dma_wait3A_645] : memref<272xi32, #tpu.memory_space<vmem>> -> memref<256xi32, #tpu.memory_space<vmem>>
      tpu.wait_dma2 semaphore(%run_scoped3A : memref<!tpu.dma_semaphore, #tpu.memory_space<semaphore_mem>>) src(%arg4 : memref<256xi32, #tpu.memory_space<hbm>>) dst(%dma_wait3A_646 : memref<256xi32, #tpu.memory_space<vmem>>)
      tpu.yield
    }) : () -> ()
    "tpu.region"() ({
      %run_scoped3A = tpu.sem_alloc : memref<!tpu.dma_semaphore, #tpu.memory_space<semaphore_mem>>
      %dma_start3A_639 = arith.constant 0 : i32
      %dma_start3A_640 = tpu.memref_slice %arg10[%dma_start3A_639] : memref<272xf32, #tpu.memory_space<vmem>> -> memref<256xf32, #tpu.memory_space<vmem>>
      %dma_start3A_641 = arith.constant 0 : i32
      %dma_start3A_642 = tpu.memref_slice %arg10[%dma_start3A_641] : memref<272xf32, #tpu.memory_space<vmem>> -> memref<256xf32, #tpu.memory_space<vmem>>
      tpu.enqueue_dma source(%arg5 : memref<256xf32, #tpu.memory_space<hbm>>) target(%dma_start3A_642 : memref<256xf32, #tpu.memory_space<vmem>>) target_semaphore(%run_scoped3A : memref<!tpu.dma_semaphore, #tpu.memory_space<semaphore_mem>>)
      %dma_wait3A_643 = arith.constant 0 : i32
      %dma_wait3A_644 = tpu.memref_slice %arg10[%dma_wait3A_643] : memref<272xf32, #tpu.memory_space<vmem>> -> memref<256xf32, #tpu.memory_space<vmem>>
      %dma_wait3A_645 = arith.constant 0 : i32
      %dma_wait3A_646 = tpu.memref_slice %arg10[%dma_wait3A_645] : memref<272xf32, #tpu.memory_space<vmem>> -> memref<256xf32, #tpu.memory_space<vmem>>
      tpu.wait_dma2 semaphore(%run_scoped3A : memref<!tpu.dma_semaphore, #tpu.memory_space<semaphore_mem>>) src(%arg5 : memref<256xf32, #tpu.memory_space<hbm>>) dst(%dma_wait3A_646 : memref<256xf32, #tpu.memory_space<vmem>>)
      tpu.yield
    }) : () -> ()
    "tpu.region"() ({
      %run_scoped3A = tpu.sem_alloc : memref<!tpu.dma_semaphore, #tpu.memory_space<semaphore_mem>>
      tpu.enqueue_dma source(%arg6 : memref<16xf32, #tpu.memory_space<hbm>>) target(%arg11 : memref<16xf32, #tpu.memory_space<vmem>>) target_semaphore(%run_scoped3A : memref<!tpu.dma_semaphore, #tpu.memory_space<semaphore_mem>>)
      tpu.wait_dma2 semaphore(%run_scoped3A : memref<!tpu.dma_semaphore, #tpu.memory_space<semaphore_mem>>) src(%arg6 : memref<16xf32, #tpu.memory_space<hbm>>) dst(%arg11 : memref<16xf32, #tpu.memory_space<vmem>>)
      tpu.yield
    }) : () -> ()
    "tpu.region"() ({
      %run_scoped3A = tpu.sem_alloc : memref<!tpu.dma_semaphore, #tpu.memory_space<semaphore_mem>>
      %dma_start3A_639 = tpu.memref_slice %arg3[%min3A_3] : memref<102928xf32, #tpu.memory_space<hbm>> -> memref<3232xf32, #tpu.memory_space<hbm>>
      %dma_start3A_640 = tpu.memref_slice %arg3[%min3A_3] : memref<102928xf32, #tpu.memory_space<hbm>> -> memref<3232xf32, #tpu.memory_space<hbm>>
      tpu.enqueue_dma source(%dma_start3A_640 : memref<3232xf32, #tpu.memory_space<hbm>>) target(%arg46 : memref<3232xf32, #tpu.memory_space<vmem>>) target_semaphore(%run_scoped3A : memref<!tpu.dma_semaphore, #tpu.memory_space<semaphore_mem>>)
      %dma_wait3A_641 = tpu.memref_slice %arg3[%min3A_3] : memref<102928xf32, #tpu.memory_space<hbm>> -> memref<3232xf32, #tpu.memory_space<hbm>>
      %dma_wait3A_642 = tpu.memref_slice %arg3[%min3A_3] : memref<102928xf32, #tpu.memory_space<hbm>> -> memref<3232xf32, #tpu.memory_space<hbm>>
      tpu.wait_dma2 semaphore(%run_scoped3A : memref<!tpu.dma_semaphore, #tpu.memory_space<semaphore_mem>>) src(%dma_wait3A_642 : memref<3232xf32, #tpu.memory_space<hbm>>) dst(%arg46 : memref<3232xf32, #tpu.memory_space<vmem>>)
      tpu.yield
    }) : () -> ()
    %get3A = arith.constant 0 : index
    %get3A_4 = tpu.vector_load %arg9[%get3A] {strides = array<i32>} : memref<272xi32, #tpu.memory_space<vmem>>, vector<16xi32>,
    %get3A_5 = vector.shape_cast %get3A_4 : vector<16xi32> to vector<16xi32>
    %slice3A = vector.extract_strided_slice %get3A_5 {offsets = [0], sizes = [1], strides = [1]} : vector<16xi32> to vector<1xi32>
    %squeeze3A = vector.extract %slice3A[0] : i32 from vector<1xi32>
    %add3A_6 = arith.addi %squeeze3A, %min3A_3 : i32
    %jit3A = arith.constant 16 : i32
    %div3A = arith.divsi %add3A_6, %jit3A : i32
    %sign3A = arith.constant 0 : i32
    %sign3A_7 = arith.cmpi sgt, %add3A_6, %sign3A : i32
    %sign3A_8 = arith.extui %sign3A_7 : i1 to i32
    %sign3A_9 = arith.constant 0 : i32
    %sign3A_10 = arith.cmpi slt, %add3A_6, %sign3A_9 : i32
    %sign3A_11 = arith.extui %sign3A_10 : i1 to i32
    %sign3A_12 = arith.subi %sign3A_8, %sign3A_11 : i32
    %sign3A_13 = arith.constant 0 : i32
    %sign3A_14 = arith.cmpi sgt, %jit3A, %sign3A_13 : i32
    %sign3A_15 = arith.extui %sign3A_14 : i1 to i32
    %sign3A_16 = arith.constant 0 : i32
    %sign3A_17 = arith.cmpi slt, %jit3A, %sign3A_16 : i32
    %sign3A_18 = arith.extui %sign3A_17 : i1 to i32
    %sign3A_19 = arith.subi %sign3A_15, %sign3A_18 : i32
    %ne3A = arith.cmpi ne, %sign3A_12, %sign3A_19 : i32
    %rem3A = arith.remsi %add3A_6, %jit3A : i32
    %ne3A_20 = arith.constant 0 : i32
    %ne3A_21 = arith.cmpi ne, %rem3A, %ne3A_20 : i32
    %and3A = arith.andi %ne3A, %ne3A_21 : i1
    %sub3A = arith.constant 1 : i32
    %sub3A_22 = arith.subi %div3A, %sub3A : i32
    %select_n3A = arith.select %and3A, %sub3A_22, %div3A : i32
    %mul3A_23 = arith.constant 16 : i32
    %mul3A_24 = arith.muli %select_n3A, %mul3A_23 : i32
    %min3A_25 = arith.constant 24996752 : i32
    %min3A_26 = arith.minsi %mul3A_24, %min3A_25 : i32
    %sub3A_27 = arith.subi %add3A_6, %min3A_26 : i32
    %dma_start3A = tpu.memref_slice %arg2[%min3A_26] : memref<25000000xf32, #tpu.memory_space<hbm>> -> memref<3248xf32, #tpu.memory_space<hbm>>
    %dma_start3A_28 = tpu.memref_slice %arg2[%min3A_26] : memref<25000000xf32, #tpu.memory_space<hbm>> -> memref<3248xf32, #tpu.memory_space<hbm>>
    tpu.enqueue_dma source(%dma_start3A_28 : memref<3248xf32, #tpu.memory_space<hbm>>) target(%arg12 : memref<3248xf32, #tpu.memory_space<vmem>>) target_semaphore(%arg47 : memref<!tpu.dma_semaphore, #tpu.memory_space<semaphore_mem>>)
    %get3A_29 = arith.constant 1 : index
    %get3A_30 = tpu.vector_load %arg9[%get3A_29] {strides = array<i32>} : memref<272xi32, #tpu.memory_space<vmem>>, vector<16xi32>,
    %get3A_31 = vector.shape_cast %get3A_30 : vector<16xi32> to vector<16xi32>
    %slice3A_32 = vector.extract_strided_slice %get3A_31 {offsets = [0], sizes = [1], strides = [1]} : vector<16xi32> to vector<1xi32>
    %squeeze3A_33 = vector.extract %slice3A_32[0] : i32 from vector<1xi32>
    %add3A_34 = arith.addi %squeeze3A_33, %min3A_3 : i32
    %jit3A_35 = arith.constant 16 : i32
    %div3A_36 = arith.divsi %add3A_34, %jit3A_35 : i32
    %sign3A_37 = arith.constant 0 : i32
    %sign3A_38 = arith.cmpi sgt, %add3A_34, %sign3A_37 : i32
    %sign3A_39 = arith.extui %sign3A_38 : i1 to i32
    %sign3A_40 = arith.constant 0 : i32
    %sign3A_41 = arith.cmpi slt, %add3A_34, %sign3A_40 : i32
    %sign3A_42 = arith.extui %sign3A_41 : i1 to i32
    %sign3A_43 = arith.subi %sign3A_39, %sign3A_42 : i32
    %sign3A_44 = arith.constant 0 : i32
    %sign3A_45 = arith.cmpi sgt, %jit3A_35, %sign3A_44 : i32
    %sign3A_46 = arith.extui %sign3A_45 : i1 to i32
    %sign3A_47 = arith.constant 0 : i32
    %sign3A_48 = arith.cmpi slt, %jit3A_35, %sign3A_47 : i32
    %sign3A_49 = arith.extui %sign3A_48 : i1 to i32
    %sign3A_50 = arith.subi %sign3A_46, %sign3A_49 : i32
    %ne3A_51 = arith.cmpi ne, %sign3A_43, %sign3A_50 : i32
    %rem3A_52 = arith.remsi %add3A_34, %jit3A_35 : i32
    %ne3A_53 = arith.constant 0 : i32
    %ne3A_54 = arith.cmpi ne, %rem3A_52, %ne3A_53 : i32
    %and3A_55 = arith.andi %ne3A_51, %ne3A_54 : i1
    %sub3A_56 = arith.constant 1 : i32
    %sub3A_57 = arith.subi %div3A_36, %sub3A_56 : i32
    %select_n3A_58 = arith.select %and3A_55, %sub3A_57, %div3A_36 : i32
    %mul3A_59 = arith.constant 16 : i32
    %mul3A_60 = arith.muli %select_n3A_58, %mul3A_59 : i32
    %min3A_61 = arith.constant 24996752 : i32
    %min3A_62 = arith.minsi %mul3A_60, %min3A_61 : i32
    %sub3A_63 = arith.subi %add3A_34, %min3A_62 : i32
    %dma_start3A_64 = tpu.memref_slice %arg2[%min3A_62] : memref<25000000xf32, #tpu.memory_space<hbm>> -> memref<3248xf32, #tpu.memory_space<hbm>>
    %dma_start3A_65 = tpu.memref_slice %arg2[%min3A_62] : memref<25000000xf32, #tpu.memory_space<hbm>> -> memref<3248xf32, #tpu.memory_space<hbm>>
    tpu.enqueue_dma source(%dma_start3A_65 : memref<3248xf32, #tpu.memory_space<hbm>>) target(%arg13 : memref<3248xf32, #tpu.memory_space<vmem>>) target_semaphore(%arg47 : memref<!tpu.dma_semaphore, #tpu.memory_space<semaphore_mem>>)
    %get3A_66 = arith.constant 2 : index
    %get3A_67 = tpu.vector_load %arg9[%get3A_66] {strides = array<i32>} : memref<272xi32, #tpu.memory_space<vmem>>, vector<16xi32>,
    %get3A_68 = vector.shape_cast %get3A_67 : vector<16xi32> to vector<16xi32>
    %slice3A_69 = vector.extract_strided_slice %get3A_68 {offsets = [0], sizes = [1], strides = [1]} : vector<16xi32> to vector<1xi32>
    %squeeze3A_70 = vector.extract %slice3A_69[0] : i32 from vector<1xi32>
    %add3A_71 = arith.addi %squeeze3A_70, %min3A_3 : i32
    %jit3A_72 = arith.constant 16 : i32
    %div3A_73 = arith.divsi %add3A_71, %jit3A_72 : i32
    %sign3A_74 = arith.constant 0 : i32
    %sign3A_75 = arith.cmpi sgt, %add3A_71, %sign3A_74 : i32
    %sign3A_76 = arith.extui %sign3A_75 : i1 to i32
    %sign3A_77 = arith.constant 0 : i32
    %sign3A_78 = arith.cmpi slt, %add3A_71, %sign3A_77 : i32
    %sign3A_79 = arith.extui %sign3A_78 : i1 to i32
    %sign3A_80 = arith.subi %sign3A_76, %sign3A_79 : i32
    %sign3A_81 = arith.constant 0 : i32
    %sign3A_82 = arith.cmpi sgt, %jit3A_72, %sign3A_81 : i32
    %sign3A_83 = arith.extui %sign3A_82 : i1 to i32
    %sign3A_84 = arith.constant 0 : i32
    %sign3A_85 = arith.cmpi slt, %jit3A_72, %sign3A_84 : i32
    %sign3A_86 = arith.extui %sign3A_85 : i1 to i32
    %sign3A_87 = arith.subi %sign3A_83, %sign3A_86 : i32
    %ne3A_88 = arith.cmpi ne, %sign3A_80, %sign3A_87 : i32
    %rem3A_89 = arith.remsi %add3A_71, %jit3A_72 : i32
    %ne3A_90 = arith.constant 0 : i32
    %ne3A_91 = arith.cmpi ne, %rem3A_89, %ne3A_90 : i32
    %and3A_92 = arith.andi %ne3A_88, %ne3A_91 : i1
    %sub3A_93 = arith.constant 1 : i32
    %sub3A_94 = arith.subi %div3A_73, %sub3A_93 : i32
    %select_n3A_95 = arith.select %and3A_92, %sub3A_94, %div3A_73 : i32
    %mul3A_96 = arith.constant 16 : i32
    %mul3A_97 = arith.muli %select_n3A_95, %mul3A_96 : i32
    %min3A_98 = arith.constant 24996752 : i32
    %min3A_99 = arith.minsi %mul3A_97, %min3A_98 : i32
    %sub3A_100 = arith.subi %add3A_71, %min3A_99 : i32
    %dma_start3A_101 = tpu.memref_slice %arg2[%min3A_99] : memref<25000000xf32, #tpu.memory_space<hbm>> -> memref<3248xf32, #tpu.memory_space<hbm>>
    %dma_start3A_102 = tpu.memref_slice %arg2[%min3A_99] : memref<25000000xf32, #tpu.memory_space<hbm>> -> memref<3248xf32, #tpu.memory_space<hbm>>
    tpu.enqueue_dma source(%dma_start3A_102 : memref<3248xf32, #tpu.memory_space<hbm>>) target(%arg14 : memref<3248xf32, #tpu.memory_space<vmem>>) target_semaphore(%arg47 : memref<!tpu.dma_semaphore, #tpu.memory_space<semaphore_mem>>)
    %get3A_103 = arith.constant 3 : index
    %get3A_104 = tpu.vector_load %arg9[%get3A_103] {strides = array<i32>} : memref<272xi32, #tpu.memory_space<vmem>>, vector<16xi32>,
    %get3A_105 = vector.shape_cast %get3A_104 : vector<16xi32> to vector<16xi32>
    %slice3A_106 = vector.extract_strided_slice %get3A_105 {offsets = [0], sizes = [1], strides = [1]} : vector<16xi32> to vector<1xi32>
    %squeeze3A_107 = vector.extract %slice3A_106[0] : i32 from vector<1xi32>
    %add3A_108 = arith.addi %squeeze3A_107, %min3A_3 : i32
    %jit3A_109 = arith.constant 16 : i32
    %div3A_110 = arith.divsi %add3A_108, %jit3A_109 : i32
    %sign3A_111 = arith.constant 0 : i32
    %sign3A_112 = arith.cmpi sgt, %add3A_108, %sign3A_111 : i32
    %sign3A_113 = arith.extui %sign3A_112 : i1 to i32
    %sign3A_114 = arith.constant 0 : i32
    %sign3A_115 = arith.cmpi slt, %add3A_108, %sign3A_114 : i32
    %sign3A_116 = arith.extui %sign3A_115 : i1 to i32
    %sign3A_117 = arith.subi %sign3A_113, %sign3A_116 : i32
    %sign3A_118 = arith.constant 0 : i32
    %sign3A_119 = arith.cmpi sgt, %jit3A_109, %sign3A_118 : i32
    %sign3A_120 = arith.extui %sign3A_119 : i1 to i32
    %sign3A_121 = arith.constant 0 : i32
    %sign3A_122 = arith.cmpi slt, %jit3A_109, %sign3A_121 : i32
    %sign3A_123 = arith.extui %sign3A_122 : i1 to i32
    %sign3A_124 = arith.subi %sign3A_120, %sign3A_123 : i32
    %ne3A_125 = arith.cmpi ne, %sign3A_117, %sign3A_124 : i32
    %rem3A_126 = arith.remsi %add3A_108, %jit3A_109 : i32
    %ne3A_127 = arith.constant 0 : i32
    %ne3A_128 = arith.cmpi ne, %rem3A_126, %ne3A_127 : i32
    %and3A_129 = arith.andi %ne3A_125, %ne3A_128 : i1
    %sub3A_130 = arith.constant 1 : i32
    %sub3A_131 = arith.subi %div3A_110, %sub3A_130 : i32
    %select_n3A_132 = arith.select %and3A_129, %sub3A_131, %div3A_110 : i32
    %mul3A_133 = arith.constant 16 : i32
    %mul3A_134 = arith.muli %select_n3A_132, %mul3A_133 : i32
    %min3A_135 = arith.constant 24996752 : i32
    %min3A_136 = arith.minsi %mul3A_134, %min3A_135 : i32
    %sub3A_137 = arith.subi %add3A_108, %min3A_136 : i32
    %dma_start3A_138 = tpu.memref_slice %arg2[%min3A_136] : memref<25000000xf32, #tpu.memory_space<hbm>> -> memref<3248xf32, #tpu.memory_space<hbm>>
    %dma_start3A_139 = tpu.memref_slice %arg2[%min3A_136] : memref<25000000xf32, #tpu.memory_space<hbm>> -> memref<3248xf32, #tpu.memory_space<hbm>>
    tpu.enqueue_dma source(%dma_start3A_139 : memref<3248xf32, #tpu.memory_space<hbm>>) target(%arg15 : memref<3248xf32, #tpu.memory_space<vmem>>) target_semaphore(%arg47 : memref<!tpu.dma_semaphore, #tpu.memory_space<semaphore_mem>>)
    %get3A_140 = arith.constant 4 : index
    %get3A_141 = tpu.vector_load %arg9[%get3A_140] {strides = array<i32>} : memref<272xi32, #tpu.memory_space<vmem>>, vector<16xi32>,
    %get3A_142 = vector.shape_cast %get3A_141 : vector<16xi32> to vector<16xi32>
    %slice3A_143 = vector.extract_strided_slice %get3A_142 {offsets = [0], sizes = [1], strides = [1]} : vector<16xi32> to vector<1xi32>
    %squeeze3A_144 = vector.extract %slice3A_143[0] : i32 from vector<1xi32>
    %add3A_145 = arith.addi %squeeze3A_144, %min3A_3 : i32
    %jit3A_146 = arith.constant 16 : i32
    %div3A_147 = arith.divsi %add3A_145, %jit3A_146 : i32
    %sign3A_148 = arith.constant 0 : i32
    %sign3A_149 = arith.cmpi sgt, %add3A_145, %sign3A_148 : i32
    %sign3A_150 = arith.extui %sign3A_149 : i1 to i32
    %sign3A_151 = arith.constant 0 : i32
    %sign3A_152 = arith.cmpi slt, %add3A_145, %sign3A_151 : i32
    %sign3A_153 = arith.extui %sign3A_152 : i1 to i32
    %sign3A_154 = arith.subi %sign3A_150, %sign3A_153 : i32
    %sign3A_155 = arith.constant 0 : i32
    %sign3A_156 = arith.cmpi sgt, %jit3A_146, %sign3A_155 : i32
    %sign3A_157 = arith.extui %sign3A_156 : i1 to i32
    %sign3A_158 = arith.constant 0 : i32
    %sign3A_159 = arith.cmpi slt, %jit3A_146, %sign3A_158 : i32
    %sign3A_160 = arith.extui %sign3A_159 : i1 to i32
    %sign3A_161 = arith.subi %sign3A_157, %sign3A_160 : i32
    %ne3A_162 = arith.cmpi ne, %sign3A_154, %sign3A_161 : i32
    %rem3A_163 = arith.remsi %add3A_145, %jit3A_146 : i32
    %ne3A_164 = arith.constant 0 : i32
    %ne3A_165 = arith.cmpi ne, %rem3A_163, %ne3A_164 : i32
    %and3A_166 = arith.andi %ne3A_162, %ne3A_165 : i1
    %sub3A_167 = arith.constant 1 : i32
    %sub3A_168 = arith.subi %div3A_147, %sub3A_167 : i32
    %select_n3A_169 = arith.select %and3A_166, %sub3A_168, %div3A_147 : i32
    %mul3A_170 = arith.constant 16 : i32
    %mul3A_171 = arith.muli %select_n3A_169, %mul3A_170 : i32
    %min3A_172 = arith.constant 24996752 : i32
    %min3A_173 = arith.minsi %mul3A_171, %min3A_172 : i32
    %sub3A_174 = arith.subi %add3A_145, %min3A_173 : i32
    %dma_start3A_175 = tpu.memref_slice %arg2[%min3A_173] : memref<25000000xf32, #tpu.memory_space<hbm>> -> memref<3248xf32, #tpu.memory_space<hbm>>
    %dma_start3A_176 = tpu.memref_slice %arg2[%min3A_173] : memref<25000000xf32, #tpu.memory_space<hbm>> -> memref<3248xf32, #tpu.memory_space<hbm>>
    tpu.enqueue_dma source(%dma_start3A_176 : memref<3248xf32, #tpu.memory_space<hbm>>) target(%arg16 : memref<3248xf32, #tpu.memory_space<vmem>>) target_semaphore(%arg47 : memref<!tpu.dma_semaphore, #tpu.memory_space<semaphore_mem>>)
    %get3A_177 = arith.constant 5 : index
    %get3A_178 = tpu.vector_load %arg9[%get3A_177] {strides = array<i32>} : memref<272xi32, #tpu.memory_space<vmem>>, vector<16xi32>,
    %get3A_179 = vector.shape_cast %get3A_178 : vector<16xi32> to vector<16xi32>
    %slice3A_180 = vector.extract_strided_slice %get3A_179 {offsets = [0], sizes = [1], strides = [1]} : vector<16xi32> to vector<1xi32>
    %squeeze3A_181 = vector.extract %slice3A_180[0] : i32 from vector<1xi32>
    %add3A_182 = arith.addi %squeeze3A_181, %min3A_3 : i32
    %jit3A_183 = arith.constant 16 : i32
    %div3A_184 = arith.divsi %add3A_182, %jit3A_183 : i32
    %sign3A_185 = arith.constant 0 : i32
    %sign3A_186 = arith.cmpi sgt, %add3A_182, %sign3A_185 : i32
    %sign3A_187 = arith.extui %sign3A_186 : i1 to i32
    %sign3A_188 = arith.constant 0 : i32
    %sign3A_189 = arith.cmpi slt, %add3A_182, %sign3A_188 : i32
    %sign3A_190 = arith.extui %sign3A_189 : i1 to i32
    %sign3A_191 = arith.subi %sign3A_187, %sign3A_190 : i32
    %sign3A_192 = arith.constant 0 : i32
    %sign3A_193 = arith.cmpi sgt, %jit3A_183, %sign3A_192 : i32
    %sign3A_194 = arith.extui %sign3A_193 : i1 to i32
    %sign3A_195 = arith.constant 0 : i32
    %sign3A_196 = arith.cmpi slt, %jit3A_183, %sign3A_195 : i32
    %sign3A_197 = arith.extui %sign3A_196 : i1 to i32
    %sign3A_198 = arith.subi %sign3A_194, %sign3A_197 : i32
    %ne3A_199 = arith.cmpi ne, %sign3A_191, %sign3A_198 : i32
    %rem3A_200 = arith.remsi %add3A_182, %jit3A_183 : i32
    %ne3A_201 = arith.constant 0 : i32
    %ne3A_202 = arith.cmpi ne, %rem3A_200, %ne3A_201 : i32
    %and3A_203 = arith.andi %ne3A_199, %ne3A_202 : i1
    %sub3A_204 = arith.constant 1 : i32
    %sub3A_205 = arith.subi %div3A_184, %sub3A_204 : i32
    %select_n3A_206 = arith.select %and3A_203, %sub3A_205, %div3A_184 : i32
    %mul3A_207 = arith.constant 16 : i32
    %mul3A_208 = arith.muli %select_n3A_206, %mul3A_207 : i32
    %min3A_209 = arith.constant 24996752 : i32
    %min3A_210 = arith.minsi %mul3A_208, %min3A_209 : i32
    %sub3A_211 = arith.subi %add3A_182, %min3A_210 : i32
    %dma_start3A_212 = tpu.memref_slice %arg2[%min3A_210] : memref<25000000xf32, #tpu.memory_space<hbm>> -> memref<3248xf32, #tpu.memory_space<hbm>>
    %dma_start3A_213 = tpu.memref_slice %arg2[%min3A_210] : memref<25000000xf32, #tpu.memory_space<hbm>> -> memref<3248xf32, #tpu.memory_space<hbm>>
    tpu.enqueue_dma source(%dma_start3A_213 : memref<3248xf32, #tpu.memory_space<hbm>>) target(%arg17 : memref<3248xf32, #tpu.memory_space<vmem>>) target_semaphore(%arg47 : memref<!tpu.dma_semaphore, #tpu.memory_space<semaphore_mem>>)
    %get3A_214 = arith.constant 6 : index
    %get3A_215 = tpu.vector_load %arg9[%get3A_214] {strides = array<i32>} : memref<272xi32, #tpu.memory_space<vmem>>, vector<16xi32>,
    %get3A_216 = vector.shape_cast %get3A_215 : vector<16xi32> to vector<16xi32>
    %slice3A_217 = vector.extract_strided_slice %get3A_216 {offsets = [0], sizes = [1], strides = [1]} : vector<16xi32> to vector<1xi32>
    %squeeze3A_218 = vector.extract %slice3A_217[0] : i32 from vector<1xi32>
    %add3A_219 = arith.addi %squeeze3A_218, %min3A_3 : i32
    %jit3A_220 = arith.constant 16 : i32
    %div3A_221 = arith.divsi %add3A_219, %jit3A_220 : i32
    %sign3A_222 = arith.constant 0 : i32
    %sign3A_223 = arith.cmpi sgt, %add3A_219, %sign3A_222 : i32
    %sign3A_224 = arith.extui %sign3A_223 : i1 to i32
    %sign3A_225 = arith.constant 0 : i32
    %sign3A_226 = arith.cmpi slt, %add3A_219, %sign3A_225 : i32
    %sign3A_227 = arith.extui %sign3A_226 : i1 to i32
    %sign3A_228 = arith.subi %sign3A_224, %sign3A_227 : i32
    %sign3A_229 = arith.constant 0 : i32
    %sign3A_230 = arith.cmpi sgt, %jit3A_220, %sign3A_229 : i32
    %sign3A_231 = arith.extui %sign3A_230 : i1 to i32
    %sign3A_232 = arith.constant 0 : i32
    %sign3A_233 = arith.cmpi slt, %jit3A_220, %sign3A_232 : i32
    %sign3A_234 = arith.extui %sign3A_233 : i1 to i32
    %sign3A_235 = arith.subi %sign3A_231, %sign3A_234 : i32
    %ne3A_236 = arith.cmpi ne, %sign3A_228, %sign3A_235 : i32
    %rem3A_237 = arith.remsi %add3A_219, %jit3A_220 : i32
    %ne3A_238 = arith.constant 0 : i32
    %ne3A_239 = arith.cmpi ne, %rem3A_237, %ne3A_238 : i32
    %and3A_240 = arith.andi %ne3A_236, %ne3A_239 : i1
    %sub3A_241 = arith.constant 1 : i32
    %sub3A_242 = arith.subi %div3A_221, %sub3A_241 : i32
    %select_n3A_243 = arith.select %and3A_240, %sub3A_242, %div3A_221 : i32
    %mul3A_244 = arith.constant 16 : i32
    %mul3A_245 = arith.muli %select_n3A_243, %mul3A_244 : i32
    %min3A_246 = arith.constant 24996752 : i32
    %min3A_247 = arith.minsi %mul3A_245, %min3A_246 : i32
    %sub3A_248 = arith.subi %add3A_219, %min3A_247 : i32
    %dma_start3A_249 = tpu.memref_slice %arg2[%min3A_247] : memref<25000000xf32, #tpu.memory_space<hbm>> -> memref<3248xf32, #tpu.memory_space<hbm>>
    %dma_start3A_250 = tpu.memref_slice %arg2[%min3A_247] : memref<25000000xf32, #tpu.memory_space<hbm>> -> memref<3248xf32, #tpu.memory_space<hbm>>
    tpu.enqueue_dma source(%dma_start3A_250 : memref<3248xf32, #tpu.memory_space<hbm>>) target(%arg18 : memref<3248xf32, #tpu.memory_space<vmem>>) target_semaphore(%arg47 : memref<!tpu.dma_semaphore, #tpu.memory_space<semaphore_mem>>)
    %get3A_251 = arith.constant 7 : index
    %get3A_252 = tpu.vector_load %arg9[%get3A_251] {strides = array<i32>} : memref<272xi32, #tpu.memory_space<vmem>>, vector<16xi32>,
    %get3A_253 = vector.shape_cast %get3A_252 : vector<16xi32> to vector<16xi32>
    %slice3A_254 = vector.extract_strided_slice %get3A_253 {offsets = [0], sizes = [1], strides = [1]} : vector<16xi32> to vector<1xi32>
    %squeeze3A_255 = vector.extract %slice3A_254[0] : i32 from vector<1xi32>
    %add3A_256 = arith.addi %squeeze3A_255, %min3A_3 : i32
    %jit3A_257 = arith.constant 16 : i32
    %div3A_258 = arith.divsi %add3A_256, %jit3A_257 : i32
    %sign3A_259 = arith.constant 0 : i32
    %sign3A_260 = arith.cmpi sgt, %add3A_256, %sign3A_259 : i32
    %sign3A_261 = arith.extui %sign3A_260 : i1 to i32
    %sign3A_262 = arith.constant 0 : i32
    %sign3A_263 = arith.cmpi slt, %add3A_256, %sign3A_262 : i32
    %sign3A_264 = arith.extui %sign3A_263 : i1 to i32
    %sign3A_265 = arith.subi %sign3A_261, %sign3A_264 : i32
    %sign3A_266 = arith.constant 0 : i32
    %sign3A_267 = arith.cmpi sgt, %jit3A_257, %sign3A_266 : i32
    %sign3A_268 = arith.extui %sign3A_267 : i1 to i32
    %sign3A_269 = arith.constant 0 : i32
    %sign3A_270 = arith.cmpi slt, %jit3A_257, %sign3A_269 : i32
    %sign3A_271 = arith.extui %sign3A_270 : i1 to i32
    %sign3A_272 = arith.subi %sign3A_268, %sign3A_271 : i32
    %ne3A_273 = arith.cmpi ne, %sign3A_265, %sign3A_272 : i32
    %rem3A_274 = arith.remsi %add3A_256, %jit3A_257 : i32
    %ne3A_275 = arith.constant 0 : i32
    %ne3A_276 = arith.cmpi ne, %rem3A_274, %ne3A_275 : i32
    %and3A_277 = arith.andi %ne3A_273, %ne3A_276 : i1
    %sub3A_278 = arith.constant 1 : i32
    %sub3A_279 = arith.subi %div3A_258, %sub3A_278 : i32
    %select_n3A_280 = arith.select %and3A_277, %sub3A_279, %div3A_258 : i32
    %mul3A_281 = arith.constant 16 : i32
    %mul3A_282 = arith.muli %select_n3A_280, %mul3A_281 : i32
    %min3A_283 = arith.constant 24996752 : i32
    %min3A_284 = arith.minsi %mul3A_282, %min3A_283 : i32
    %sub3A_285 = arith.subi %add3A_256, %min3A_284 : i32
    %dma_start3A_286 = tpu.memref_slice %arg2[%min3A_284] : memref<25000000xf32, #tpu.memory_space<hbm>> -> memref<3248xf32, #tpu.memory_space<hbm>>
    %dma_start3A_287 = tpu.memref_slice %arg2[%min3A_284] : memref<25000000xf32, #tpu.memory_space<hbm>> -> memref<3248xf32, #tpu.memory_space<hbm>>
    tpu.enqueue_dma source(%dma_start3A_287 : memref<3248xf32, #tpu.memory_space<hbm>>) target(%arg19 : memref<3248xf32, #tpu.memory_space<vmem>>) target_semaphore(%arg47 : memref<!tpu.dma_semaphore, #tpu.memory_space<semaphore_mem>>)
    %get3A_288 = arith.constant 8 : index
    %get3A_289 = tpu.vector_load %arg9[%get3A_288] {strides = array<i32>} : memref<272xi32, #tpu.memory_space<vmem>>, vector<16xi32>,
    %get3A_290 = vector.shape_cast %get3A_289 : vector<16xi32> to vector<16xi32>
    %slice3A_291 = vector.extract_strided_slice %get3A_290 {offsets = [0], sizes = [1], strides = [1]} : vector<16xi32> to vector<1xi32>
    %squeeze3A_292 = vector.extract %slice3A_291[0] : i32 from vector<1xi32>
    %add3A_293 = arith.addi %squeeze3A_292, %min3A_3 : i32
    %jit3A_294 = arith.constant 16 : i32
    %div3A_295 = arith.divsi %add3A_293, %jit3A_294 : i32
    %sign3A_296 = arith.constant 0 : i32
    %sign3A_297 = arith.cmpi sgt, %add3A_293, %sign3A_296 : i32
    %sign3A_298 = arith.extui %sign3A_297 : i1 to i32
    %sign3A_299 = arith.constant 0 : i32
    %sign3A_300 = arith.cmpi slt, %add3A_293, %sign3A_299 : i32
    %sign3A_301 = arith.extui %sign3A_300 : i1 to i32
    %sign3A_302 = arith.subi %sign3A_298, %sign3A_301 : i32
    %sign3A_303 = arith.constant 0 : i32
    %sign3A_304 = arith.cmpi sgt, %jit3A_294, %sign3A_303 : i32
    %sign3A_305 = arith.extui %sign3A_304 : i1 to i32
    %sign3A_306 = arith.constant 0 : i32
    %sign3A_307 = arith.cmpi slt, %jit3A_294, %sign3A_306 : i32
    %sign3A_308 = arith.extui %sign3A_307 : i1 to i32
    %sign3A_309 = arith.subi %sign3A_305, %sign3A_308 : i32
    %ne3A_310 = arith.cmpi ne, %sign3A_302, %sign3A_309 : i32
    %rem3A_311 = arith.remsi %add3A_293, %jit3A_294 : i32
    %ne3A_312 = arith.constant 0 : i32
    %ne3A_313 = arith.cmpi ne, %rem3A_311, %ne3A_312 : i32
    %and3A_314 = arith.andi %ne3A_310, %ne3A_313 : i1
    %sub3A_315 = arith.constant 1 : i32
    %sub3A_316 = arith.subi %div3A_295, %sub3A_315 : i32
    %select_n3A_317 = arith.select %and3A_314, %sub3A_316, %div3A_295 : i32
    %mul3A_318 = arith.constant 16 : i32
    %mul3A_319 = arith.muli %select_n3A_317, %mul3A_318 : i32
    %min3A_320 = arith.constant 24996752 : i32
    %min3A_321 = arith.minsi %mul3A_319, %min3A_320 : i32
    %sub3A_322 = arith.subi %add3A_293, %min3A_321 : i32
    %dma_start3A_323 = tpu.memref_slice %arg2[%min3A_321] : memref<25000000xf32, #tpu.memory_space<hbm>> -> memref<3248xf32, #tpu.memory_space<hbm>>
    %dma_start3A_324 = tpu.memref_slice %arg2[%min3A_321] : memref<25000000xf32, #tpu.memory_space<hbm>> -> memref<3248xf32, #tpu.memory_space<hbm>>
    tpu.enqueue_dma source(%dma_start3A_324 : memref<3248xf32, #tpu.memory_space<hbm>>) target(%arg20 : memref<3248xf32, #tpu.memory_space<vmem>>) target_semaphore(%arg47 : memref<!tpu.dma_semaphore, #tpu.memory_space<semaphore_mem>>)
    %get3A_325 = arith.constant 9 : index
    %get3A_326 = tpu.vector_load %arg9[%get3A_325] {strides = array<i32>} : memref<272xi32, #tpu.memory_space<vmem>>, vector<16xi32>,
    %get3A_327 = vector.shape_cast %get3A_326 : vector<16xi32> to vector<16xi32>
    %slice3A_328 = vector.extract_strided_slice %get3A_327 {offsets = [0], sizes = [1], strides = [1]} : vector<16xi32> to vector<1xi32>
    %squeeze3A_329 = vector.extract %slice3A_328[0] : i32 from vector<1xi32>
    %add3A_330 = arith.addi %squeeze3A_329, %min3A_3 : i32
    %jit3A_331 = arith.constant 16 : i32
    %div3A_332 = arith.divsi %add3A_330, %jit3A_331 : i32
    %sign3A_333 = arith.constant 0 : i32
    %sign3A_334 = arith.cmpi sgt, %add3A_330, %sign3A_333 : i32
    %sign3A_335 = arith.extui %sign3A_334 : i1 to i32
    %sign3A_336 = arith.constant 0 : i32
    %sign3A_337 = arith.cmpi slt, %add3A_330, %sign3A_336 : i32
    %sign3A_338 = arith.extui %sign3A_337 : i1 to i32
    %sign3A_339 = arith.subi %sign3A_335, %sign3A_338 : i32
    %sign3A_340 = arith.constant 0 : i32
    %sign3A_341 = arith.cmpi sgt, %jit3A_331, %sign3A_340 : i32
    %sign3A_342 = arith.extui %sign3A_341 : i1 to i32
    %sign3A_343 = arith.constant 0 : i32
    %sign3A_344 = arith.cmpi slt, %jit3A_331, %sign3A_343 : i32
    %sign3A_345 = arith.extui %sign3A_344 : i1 to i32
    %sign3A_346 = arith.subi %sign3A_342, %sign3A_345 : i32
    %ne3A_347 = arith.cmpi ne, %sign3A_339, %sign3A_346 : i32
    %rem3A_348 = arith.remsi %add3A_330, %jit3A_331 : i32
    %ne3A_349 = arith.constant 0 : i32
    %ne3A_350 = arith.cmpi ne, %rem3A_348, %ne3A_349 : i32
    %and3A_351 = arith.andi %ne3A_347, %ne3A_350 : i1
    %sub3A_352 = arith.constant 1 : i32
    %sub3A_353 = arith.subi %div3A_332, %sub3A_352 : i32
    %select_n3A_354 = arith.select %and3A_351, %sub3A_353, %div3A_332 : i32
    %mul3A_355 = arith.constant 16 : i32
    %mul3A_356 = arith.muli %select_n3A_354, %mul3A_355 : i32
    %min3A_357 = arith.constant 24996752 : i32
    %min3A_358 = arith.minsi %mul3A_356, %min3A_357 : i32
    %sub3A_359 = arith.subi %add3A_330, %min3A_358 : i32
    %dma_start3A_360 = tpu.memref_slice %arg2[%min3A_358] : memref<25000000xf32, #tpu.memory_space<hbm>> -> memref<3248xf32, #tpu.memory_space<hbm>>
    %dma_start3A_361 = tpu.memref_slice %arg2[%min3A_358] : memref<25000000xf32, #tpu.memory_space<hbm>> -> memref<3248xf32, #tpu.memory_space<hbm>>
    tpu.enqueue_dma source(%dma_start3A_361 : memref<3248xf32, #tpu.memory_space<hbm>>) target(%arg21 : memref<3248xf32, #tpu.memory_space<vmem>>) target_semaphore(%arg47 : memref<!tpu.dma_semaphore, #tpu.memory_space<semaphore_mem>>)
    %get3A_362 = arith.constant 10 : index
    %get3A_363 = tpu.vector_load %arg9[%get3A_362] {strides = array<i32>} : memref<272xi32, #tpu.memory_space<vmem>>, vector<16xi32>,
    %get3A_364 = vector.shape_cast %get3A_363 : vector<16xi32> to vector<16xi32>
    %slice3A_365 = vector.extract_strided_slice %get3A_364 {offsets = [0], sizes = [1], strides = [1]} : vector<16xi32> to vector<1xi32>
    %squeeze3A_366 = vector.extract %slice3A_365[0] : i32 from vector<1xi32>
    %add3A_367 = arith.addi %squeeze3A_366, %min3A_3 : i32
    %jit3A_368 = arith.constant 16 : i32
    %div3A_369 = arith.divsi %add3A_367, %jit3A_368 : i32
    %sign3A_370 = arith.constant 0 : i32
    %sign3A_371 = arith.cmpi sgt, %add3A_367, %sign3A_370 : i32
    %sign3A_372 = arith.extui %sign3A_371 : i1 to i32
    %sign3A_373 = arith.constant 0 : i32
    %sign3A_374 = arith.cmpi slt, %add3A_367, %sign3A_373 : i32
    %sign3A_375 = arith.extui %sign3A_374 : i1 to i32
    %sign3A_376 = arith.subi %sign3A_372, %sign3A_375 : i32
    %sign3A_377 = arith.constant 0 : i32
    %sign3A_378 = arith.cmpi sgt, %jit3A_368, %sign3A_377 : i32
    %sign3A_379 = arith.extui %sign3A_378 : i1 to i32
    %sign3A_380 = arith.constant 0 : i32
    %sign3A_381 = arith.cmpi slt, %jit3A_368, %sign3A_380 : i32
    %sign3A_382 = arith.extui %sign3A_381 : i1 to i32
    %sign3A_383 = arith.subi %sign3A_379, %sign3A_382 : i32
    %ne3A_384 = arith.cmpi ne, %sign3A_376, %sign3A_383 : i32
    %rem3A_385 = arith.remsi %add3A_367, %jit3A_368 : i32
    %ne3A_386 = arith.constant 0 : i32
    %ne3A_387 = arith.cmpi ne, %rem3A_385, %ne3A_386 : i32
    %and3A_388 = arith.andi %ne3A_384, %ne3A_387 : i1
    %sub3A_389 = arith.constant 1 : i32
    %sub3A_390 = arith.subi %div3A_369, %sub3A_389 : i32
    %select_n3A_391 = arith.select %and3A_388, %sub3A_390, %div3A_369 : i32
    %mul3A_392 = arith.constant 16 : i32
    %mul3A_393 = arith.muli %select_n3A_391, %mul3A_392 : i32
    %min3A_394 = arith.constant 24996752 : i32
    %min3A_395 = arith.minsi %mul3A_393, %min3A_394 : i32
    %sub3A_396 = arith.subi %add3A_367, %min3A_395 : i32
    %dma_start3A_397 = tpu.memref_slice %arg2[%min3A_395] : memref<25000000xf32, #tpu.memory_space<hbm>> -> memref<3248xf32, #tpu.memory_space<hbm>>
    %dma_start3A_398 = tpu.memref_slice %arg2[%min3A_395] : memref<25000000xf32, #tpu.memory_space<hbm>> -> memref<3248xf32, #tpu.memory_space<hbm>>
    tpu.enqueue_dma source(%dma_start3A_398 : memref<3248xf32, #tpu.memory_space<hbm>>) target(%arg22 : memref<3248xf32, #tpu.memory_space<vmem>>) target_semaphore(%arg47 : memref<!tpu.dma_semaphore, #tpu.memory_space<semaphore_mem>>)
    %get3A_399 = arith.constant 11 : index
    %get3A_400 = tpu.vector_load %arg9[%get3A_399] {strides = array<i32>} : memref<272xi32, #tpu.memory_space<vmem>>, vector<16xi32>,
    %get3A_401 = vector.shape_cast %get3A_400 : vector<16xi32> to vector<16xi32>
    %slice3A_402 = vector.extract_strided_slice %get3A_401 {offsets = [0], sizes = [1], strides = [1]} : vector<16xi32> to vector<1xi32>
    %squeeze3A_403 = vector.extract %slice3A_402[0] : i32 from vector<1xi32>
    %add3A_404 = arith.addi %squeeze3A_403, %min3A_3 : i32
    %jit3A_405 = arith.constant 16 : i32
    %div3A_406 = arith.divsi %add3A_404, %jit3A_405 : i32
    %sign3A_407 = arith.constant 0 : i32
    %sign3A_408 = arith.cmpi sgt, %add3A_404, %sign3A_407 : i32
    %sign3A_409 = arith.extui %sign3A_408 : i1 to i32
    %sign3A_410 = arith.constant 0 : i32
    %sign3A_411 = arith.cmpi slt, %add3A_404, %sign3A_410 : i32
    %sign3A_412 = arith.extui %sign3A_411 : i1 to i32
    %sign3A_413 = arith.subi %sign3A_409, %sign3A_412 : i32
    %sign3A_414 = arith.constant 0 : i32
    %sign3A_415 = arith.cmpi sgt, %jit3A_405, %sign3A_414 : i32
    %sign3A_416 = arith.extui %sign3A_415 : i1 to i32
    %sign3A_417 = arith.constant 0 : i32
    %sign3A_418 = arith.cmpi slt, %jit3A_405, %sign3A_417 : i32
    %sign3A_419 = arith.extui %sign3A_418 : i1 to i32
    %sign3A_420 = arith.subi %sign3A_416, %sign3A_419 : i32
    %ne3A_421 = arith.cmpi ne, %sign3A_413, %sign3A_420 : i32
    %rem3A_422 = arith.remsi %add3A_404, %jit3A_405 : i32
    %ne3A_423 = arith.constant 0 : i32
    %ne3A_424 = arith.cmpi ne, %rem3A_422, %ne3A_423 : i32
    %and3A_425 = arith.andi %ne3A_421, %ne3A_424 : i1
    %sub3A_426 = arith.constant 1 : i32
    %sub3A_427 = arith.subi %div3A_406, %sub3A_426 : i32
    %select_n3A_428 = arith.select %and3A_425, %sub3A_427, %div3A_406 : i32
    %mul3A_429 = arith.constant 16 : i32
    %mul3A_430 = arith.muli %select_n3A_428, %mul3A_429 : i32
    %min3A_431 = arith.constant 24996752 : i32
    %min3A_432 = arith.minsi %mul3A_430, %min3A_431 : i32
    %sub3A_433 = arith.subi %add3A_404, %min3A_432 : i32
    %dma_start3A_434 = tpu.memref_slice %arg2[%min3A_432] : memref<25000000xf32, #tpu.memory_space<hbm>> -> memref<3248xf32, #tpu.memory_space<hbm>>
    %dma_start3A_435 = tpu.memref_slice %arg2[%min3A_432] : memref<25000000xf32, #tpu.memory_space<hbm>> -> memref<3248xf32, #tpu.memory_space<hbm>>
    tpu.enqueue_dma source(%dma_start3A_435 : memref<3248xf32, #tpu.memory_space<hbm>>) target(%arg23 : memref<3248xf32, #tpu.memory_space<vmem>>) target_semaphore(%arg47 : memref<!tpu.dma_semaphore, #tpu.memory_space<semaphore_mem>>)
    %get3A_436 = arith.constant 12 : index
    %get3A_437 = tpu.vector_load %arg9[%get3A_436] {strides = array<i32>} : memref<272xi32, #tpu.memory_space<vmem>>, vector<16xi32>,
    %get3A_438 = vector.shape_cast %get3A_437 : vector<16xi32> to vector<16xi32>
    %slice3A_439 = vector.extract_strided_slice %get3A_438 {offsets = [0], sizes = [1], strides = [1]} : vector<16xi32> to vector<1xi32>
    %squeeze3A_440 = vector.extract %slice3A_439[0] : i32 from vector<1xi32>
    %add3A_441 = arith.addi %squeeze3A_440, %min3A_3 : i32
    %jit3A_442 = arith.constant 16 : i32
    %div3A_443 = arith.divsi %add3A_441, %jit3A_442 : i32
    %sign3A_444 = arith.constant 0 : i32
    %sign3A_445 = arith.cmpi sgt, %add3A_441, %sign3A_444 : i32
    %sign3A_446 = arith.extui %sign3A_445 : i1 to i32
    %sign3A_447 = arith.constant 0 : i32
    %sign3A_448 = arith.cmpi slt, %add3A_441, %sign3A_447 : i32
    %sign3A_449 = arith.extui %sign3A_448 : i1 to i32
    %sign3A_450 = arith.subi %sign3A_446, %sign3A_449 : i32
    %sign3A_451 = arith.constant 0 : i32
    %sign3A_452 = arith.cmpi sgt, %jit3A_442, %sign3A_451 : i32
    %sign3A_453 = arith.extui %sign3A_452 : i1 to i32
    %sign3A_454 = arith.constant 0 : i32
    %sign3A_455 = arith.cmpi slt, %jit3A_442, %sign3A_454 : i32
    %sign3A_456 = arith.extui %sign3A_455 : i1 to i32
    %sign3A_457 = arith.subi %sign3A_453, %sign3A_456 : i32
    %ne3A_458 = arith.cmpi ne, %sign3A_450, %sign3A_457 : i32
    %rem3A_459 = arith.remsi %add3A_441, %jit3A_442 : i32
    %ne3A_460 = arith.constant 0 : i32
    %ne3A_461 = arith.cmpi ne, %rem3A_459, %ne3A_460 : i32
    %and3A_462 = arith.andi %ne3A_458, %ne3A_461 : i1
    %sub3A_463 = arith.constant 1 : i32
    %sub3A_464 = arith.subi %div3A_443, %sub3A_463 : i32
    %select_n3A_465 = arith.select %and3A_462, %sub3A_464, %div3A_443 : i32
    %mul3A_466 = arith.constant 16 : i32
    %mul3A_467 = arith.muli %select_n3A_465, %mul3A_466 : i32
    %min3A_468 = arith.constant 24996752 : i32
    %min3A_469 = arith.minsi %mul3A_467, %min3A_468 : i32
    %sub3A_470 = arith.subi %add3A_441, %min3A_469 : i32
    %dma_start3A_471 = tpu.memref_slice %arg2[%min3A_469] : memref<25000000xf32, #tpu.memory_space<hbm>> -> memref<3248xf32, #tpu.memory_space<hbm>>
    %dma_start3A_472 = tpu.memref_slice %arg2[%min3A_469] : memref<25000000xf32, #tpu.memory_space<hbm>> -> memref<3248xf32, #tpu.memory_space<hbm>>
    tpu.enqueue_dma source(%dma_start3A_472 : memref<3248xf32, #tpu.memory_space<hbm>>) target(%arg24 : memref<3248xf32, #tpu.memory_space<vmem>>) target_semaphore(%arg47 : memref<!tpu.dma_semaphore, #tpu.memory_space<semaphore_mem>>)
    %get3A_473 = arith.constant 13 : index
    %get3A_474 = tpu.vector_load %arg9[%get3A_473] {strides = array<i32>} : memref<272xi32, #tpu.memory_space<vmem>>, vector<16xi32>,
    %get3A_475 = vector.shape_cast %get3A_474 : vector<16xi32> to vector<16xi32>
    %slice3A_476 = vector.extract_strided_slice %get3A_475 {offsets = [0], sizes = [1], strides = [1]} : vector<16xi32> to vector<1xi32>
    %squeeze3A_477 = vector.extract %slice3A_476[0] : i32 from vector<1xi32>
    %add3A_478 = arith.addi %squeeze3A_477, %min3A_3 : i32
    %jit3A_479 = arith.constant 16 : i32
    %div3A_480 = arith.divsi %add3A_478, %jit3A_479 : i32
    %sign3A_481 = arith.constant 0 : i32
    %sign3A_482 = arith.cmpi sgt, %add3A_478, %sign3A_481 : i32
    %sign3A_483 = arith.extui %sign3A_482 : i1 to i32
    %sign3A_484 = arith.constant 0 : i32
    %sign3A_485 = arith.cmpi slt, %add3A_478, %sign3A_484 : i32
    %sign3A_486 = arith.extui %sign3A_485 : i1 to i32
    %sign3A_487 = arith.subi %sign3A_483, %sign3A_486 : i32
    %sign3A_488 = arith.constant 0 : i32
    %sign3A_489 = arith.cmpi sgt, %jit3A_479, %sign3A_488 : i32
    %sign3A_490 = arith.extui %sign3A_489 : i1 to i32
    %sign3A_491 = arith.constant 0 : i32
    %sign3A_492 = arith.cmpi slt, %jit3A_479, %sign3A_491 : i32
    %sign3A_493 = arith.extui %sign3A_492 : i1 to i32
    %sign3A_494 = arith.subi %sign3A_490, %sign3A_493 : i32
    %ne3A_495 = arith.cmpi ne, %sign3A_487, %sign3A_494 : i32
    %rem3A_496 = arith.remsi %add3A_478, %jit3A_479 : i32
    %ne3A_497 = arith.constant 0 : i32
    %ne3A_498 = arith.cmpi ne, %rem3A_496, %ne3A_497 : i32
    %and3A_499 = arith.andi %ne3A_495, %ne3A_498 : i1
    %sub3A_500 = arith.constant 1 : i32
    %sub3A_501 = arith.subi %div3A_480, %sub3A_500 : i32
    %select_n3A_502 = arith.select %and3A_499, %sub3A_501, %div3A_480 : i32
    %mul3A_503 = arith.constant 16 : i32
    %mul3A_504 = arith.muli %select_n3A_502, %mul3A_503 : i32
    %min3A_505 = arith.constant 24996752 : i32
    %min3A_506 = arith.minsi %mul3A_504, %min3A_505 : i32
    %sub3A_507 = arith.subi %add3A_478, %min3A_506 : i32
    %dma_start3A_508 = tpu.memref_slice %arg2[%min3A_506] : memref<25000000xf32, #tpu.memory_space<hbm>> -> memref<3248xf32, #tpu.memory_space<hbm>>
    %dma_start3A_509 = tpu.memref_slice %arg2[%min3A_506] : memref<25000000xf32, #tpu.memory_space<hbm>> -> memref<3248xf32, #tpu.memory_space<hbm>>
    tpu.enqueue_dma source(%dma_start3A_509 : memref<3248xf32, #tpu.memory_space<hbm>>) target(%arg25 : memref<3248xf32, #tpu.memory_space<vmem>>) target_semaphore(%arg47 : memref<!tpu.dma_semaphore, #tpu.memory_space<semaphore_mem>>)
    %get3A_510 = arith.constant 14 : index
    %get3A_511 = tpu.vector_load %arg9[%get3A_510] {strides = array<i32>} : memref<272xi32, #tpu.memory_space<vmem>>, vector<16xi32>,
    %get3A_512 = vector.shape_cast %get3A_511 : vector<16xi32> to vector<16xi32>
    %slice3A_513 = vector.extract_strided_slice %get3A_512 {offsets = [0], sizes = [1], strides = [1]} : vector<16xi32> to vector<1xi32>
    %squeeze3A_514 = vector.extract %slice3A_513[0] : i32 from vector<1xi32>
    %add3A_515 = arith.addi %squeeze3A_514, %min3A_3 : i32
    %jit3A_516 = arith.constant 16 : i32
    %div3A_517 = arith.divsi %add3A_515, %jit3A_516 : i32
    %sign3A_518 = arith.constant 0 : i32
    %sign3A_519 = arith.cmpi sgt, %add3A_515, %sign3A_518 : i32
    %sign3A_520 = arith.extui %sign3A_519 : i1 to i32
    %sign3A_521 = arith.constant 0 : i32
    %sign3A_522 = arith.cmpi slt, %add3A_515, %sign3A_521 : i32
    %sign3A_523 = arith.extui %sign3A_522 : i1 to i32
    %sign3A_524 = arith.subi %sign3A_520, %sign3A_523 : i32
    %sign3A_525 = arith.constant 0 : i32
    %sign3A_526 = arith.cmpi sgt, %jit3A_516, %sign3A_525 : i32
    %sign3A_527 = arith.extui %sign3A_526 : i1 to i32
    %sign3A_528 = arith.constant 0 : i32
    %sign3A_529 = arith.cmpi slt, %jit3A_516, %sign3A_528 : i32
    %sign3A_530 = arith.extui %sign3A_529 : i1 to i32
    %sign3A_531 = arith.subi %sign3A_527, %sign3A_530 : i32
    %ne3A_532 = arith.cmpi ne, %sign3A_524, %sign3A_531 : i32
    %rem3A_533 = arith.remsi %add3A_515, %jit3A_516 : i32
    %ne3A_534 = arith.constant 0 : i32
    %ne3A_535 = arith.cmpi ne, %rem3A_533, %ne3A_534 : i32
    %and3A_536 = arith.andi %ne3A_532, %ne3A_535 : i1
    %sub3A_537 = arith.constant 1 : i32
    %sub3A_538 = arith.subi %div3A_517, %sub3A_537 : i32
    %select_n3A_539 = arith.select %and3A_536, %sub3A_538, %div3A_517 : i32
    %mul3A_540 = arith.constant 16 : i32
    %mul3A_541 = arith.muli %select_n3A_539, %mul3A_540 : i32
    %min3A_542 = arith.constant 24996752 : i32
    %min3A_543 = arith.minsi %mul3A_541, %min3A_542 : i32
    %sub3A_544 = arith.subi %add3A_515, %min3A_543 : i32
    %dma_start3A_545 = tpu.memref_slice %arg2[%min3A_543] : memref<25000000xf32, #tpu.memory_space<hbm>> -> memref<3248xf32, #tpu.memory_space<hbm>>
    %dma_start3A_546 = tpu.memref_slice %arg2[%min3A_543] : memref<25000000xf32, #tpu.memory_space<hbm>> -> memref<3248xf32, #tpu.memory_space<hbm>>
    tpu.enqueue_dma source(%dma_start3A_546 : memref<3248xf32, #tpu.memory_space<hbm>>) target(%arg26 : memref<3248xf32, #tpu.memory_space<vmem>>) target_semaphore(%arg47 : memref<!tpu.dma_semaphore, #tpu.memory_space<semaphore_mem>>)
    %get3A_547 = arith.constant 15 : index
    %get3A_548 = tpu.vector_load %arg9[%get3A_547] {strides = array<i32>} : memref<272xi32, #tpu.memory_space<vmem>>, vector<16xi32>,
    %get3A_549 = vector.shape_cast %get3A_548 : vector<16xi32> to vector<16xi32>
    %slice3A_550 = vector.extract_strided_slice %get3A_549 {offsets = [0], sizes = [1], strides = [1]} : vector<16xi32> to vector<1xi32>
    %squeeze3A_551 = vector.extract %slice3A_550[0] : i32 from vector<1xi32>
    %add3A_552 = arith.addi %squeeze3A_551, %min3A_3 : i32
    %jit3A_553 = arith.constant 16 : i32
    %div3A_554 = arith.divsi %add3A_552, %jit3A_553 : i32
    %sign3A_555 = arith.constant 0 : i32
    %sign3A_556 = arith.cmpi sgt, %add3A_552, %sign3A_555 : i32
    %sign3A_557 = arith.extui %sign3A_556 : i1 to i32
    %sign3A_558 = arith.constant 0 : i32
    %sign3A_559 = arith.cmpi slt, %add3A_552, %sign3A_558 : i32
    %sign3A_560 = arith.extui %sign3A_559 : i1 to i32
    %sign3A_561 = arith.subi %sign3A_557, %sign3A_560 : i32
    %sign3A_562 = arith.constant 0 : i32
    %sign3A_563 = arith.cmpi sgt, %jit3A_553, %sign3A_562 : i32
    %sign3A_564 = arith.extui %sign3A_563 : i1 to i32
    %sign3A_565 = arith.constant 0 : i32
    %sign3A_566 = arith.cmpi slt, %jit3A_553, %sign3A_565 : i32
    %sign3A_567 = arith.extui %sign3A_566 : i1 to i32
    %sign3A_568 = arith.subi %sign3A_564, %sign3A_567 : i32
    %ne3A_569 = arith.cmpi ne, %sign3A_561, %sign3A_568 : i32
    %rem3A_570 = arith.remsi %add3A_552, %jit3A_553 : i32
    %ne3A_571 = arith.constant 0 : i32
    %ne3A_572 = arith.cmpi ne, %rem3A_570, %ne3A_571 : i32
    %and3A_573 = arith.andi %ne3A_569, %ne3A_572 : i1
    %sub3A_574 = arith.constant 1 : i32
    %sub3A_575 = arith.subi %div3A_554, %sub3A_574 : i32
    %select_n3A_576 = arith.select %and3A_573, %sub3A_575, %div3A_554 : i32
    %mul3A_577 = arith.constant 16 : i32
    %mul3A_578 = arith.muli %select_n3A_576, %mul3A_577 : i32
    %min3A_579 = arith.constant 24996752 : i32
    %min3A_580 = arith.minsi %mul3A_578, %min3A_579 : i32
    %sub3A_581 = arith.subi %add3A_552, %min3A_580 : i32
    %dma_start3A_582 = tpu.memref_slice %arg2[%min3A_580] : memref<25000000xf32, #tpu.memory_space<hbm>> -> memref<3248xf32, #tpu.memory_space<hbm>>
    %dma_start3A_583 = tpu.memref_slice %arg2[%min3A_580] : memref<25000000xf32, #tpu.memory_space<hbm>> -> memref<3248xf32, #tpu.memory_space<hbm>>
    tpu.enqueue_dma source(%dma_start3A_583 : memref<3248xf32, #tpu.memory_space<hbm>>) target(%arg27 : memref<3248xf32, #tpu.memory_space<vmem>>) target_semaphore(%arg47 : memref<!tpu.dma_semaphore, #tpu.memory_space<semaphore_mem>>)
    %get3A_584 = arith.constant 0 : index
    %get3A_585 = tpu.vector_load %arg9[%get3A_584] {strides = array<i32>} : memref<272xi32, #tpu.memory_space<vmem>>, vector<16xi32>,
    %get3A_586 = vector.shape_cast %get3A_585 : vector<16xi32> to vector<16xi32>
    %slice3A_587 = vector.extract_strided_slice %get3A_586 {offsets = [0], sizes = [1], strides = [1]} : vector<16xi32> to vector<1xi32>
    %squeeze3A_588 = vector.extract %slice3A_587[0] : i32 from vector<1xi32>
    %add3A_589 = arith.addi %squeeze3A_588, %min3A_3 : i32
    %jit3A_590 = arith.constant 16 : i32
    %div3A_591 = arith.divsi %add3A_589, %jit3A_590 : i32
    %sign3A_592 = arith.constant 0 : i32
    %sign3A_593 = arith.cmpi sgt, %add3A_589, %sign3A_592 : i32
    %sign3A_594 = arith.extui %sign3A_593 : i1 to i32
    %sign3A_595 = arith.constant 0 : i32
    %sign3A_596 = arith.cmpi slt, %add3A_589, %sign3A_595 : i32
    %sign3A_597 = arith.extui %sign3A_596 : i1 to i32
    %sign3A_598 = arith.subi %sign3A_594, %sign3A_597 : i32
    %sign3A_599 = arith.constant 0 : i32
    %sign3A_600 = arith.cmpi sgt, %jit3A_590, %sign3A_599 : i32
    %sign3A_601 = arith.extui %sign3A_600 : i1 to i32
    %sign3A_602 = arith.constant 0 : i32
    %sign3A_603 = arith.cmpi slt, %jit3A_590, %sign3A_602 : i32
    %sign3A_604 = arith.extui %sign3A_603 : i1 to i32
    %sign3A_605 = arith.subi %sign3A_601, %sign3A_604 : i32
    %ne3A_606 = arith.cmpi ne, %sign3A_598, %sign3A_605 : i32
    %rem3A_607 = arith.remsi %add3A_589, %jit3A_590 : i32
    %ne3A_608 = arith.constant 0 : i32
    %ne3A_609 = arith.cmpi ne, %rem3A_607, %ne3A_608 : i32
    %and3A_610 = arith.andi %ne3A_606, %ne3A_609 : i1
    %sub3A_611 = arith.constant 1 : i32
    %sub3A_612 = arith.subi %div3A_591, %sub3A_611 : i32
    %select_n3A_613 = arith.select %and3A_610, %sub3A_612, %div3A_591 : i32
    %mul3A_614 = arith.constant 16 : i32
    %mul3A_615 = arith.muli %select_n3A_613, %mul3A_614 : i32
    %min3A_616 = arith.constant 24996752 : i32
    %min3A_617 = arith.minsi %mul3A_615, %min3A_616 : i32
    %sub3A_618 = arith.subi %add3A_589, %min3A_617 : i32
    %dma_start3A_619 = tpu.memref_slice %arg2[%min3A_617] : memref<25000000xf32, #tpu.memory_space<hbm>> -> memref<3248xf32, #tpu.memory_space<hbm>>
    %dma_start3A_620 = tpu.memref_slice %arg2[%min3A_617] : memref<25000000xf32, #tpu.memory_space<hbm>> -> memref<3248xf32, #tpu.memory_space<hbm>>
    tpu.enqueue_dma source(%dma_start3A_620 : memref<3248xf32, #tpu.memory_space<hbm>>) target(%arg44 : memref<3248xf32, #tpu.memory_space<vmem>>) target_semaphore(%arg49 : memref<!tpu.dma_semaphore, #tpu.memory_space<semaphore_mem>>)
    %get3A_621 = arith.constant 0 : index
    %get3A_622 = tpu.vector_load %arg11[%get3A_621] {strides = array<i32>} : memref<16xf32, #tpu.memory_space<vmem>>, vector<16xf32>,
    %get3A_623 = vector.shape_cast %get3A_622 : vector<16xf32> to vector<16xf32>
    %slice3A_624 = vector.extract_strided_slice %get3A_623 {offsets = [0], sizes = [1], strides = [1]} : vector<16xf32> to vector<1xf32>
    %squeeze3A_625 = vector.extract %slice3A_624[0] : f32 from vector<1xf32>
    %dma_wait3A = arith.constant 0 : i32
    %dma_wait3A_626 = tpu.memref_slice %arg2[%dma_wait3A] : memref<25000000xf32, #tpu.memory_space<hbm>> -> memref<3248xf32, #tpu.memory_space<hbm>>
    %dma_wait3A_627 = arith.constant 0 : i32
    %dma_wait3A_628 = tpu.memref_slice %arg2[%dma_wait3A_627] : memref<25000000xf32, #tpu.memory_space<hbm>> -> memref<3248xf32, #tpu.memory_space<hbm>>
    tpu.wait_dma2 semaphore(%arg49 : memref<!tpu.dma_semaphore, #tpu.memory_space<semaphore_mem>>) src(%dma_wait3A_628 : memref<3248xf32, #tpu.memory_space<hbm>>) dst(%arg44 : memref<3248xf32, #tpu.memory_space<vmem>>)
    %parallel_loop3A = arith.constant 0 : i32
    %parallel_loop3A_629 = arith.constant 202 : i32
    %parallel_loop3A_630 = arith.constant 1 : i32
    scf.for %parallel_loop3A_639 = %parallel_loop3A to %parallel_loop3A_629 step %parallel_loop3A_630  : i32 {
      %parallel_loop3A_640 = arith.constant 16 : i32
      %parallel_loop3A_641 = arith.muli %parallel_loop3A_639, %parallel_loop3A_640 : i32
      %parallel_loop3A_642 = arith.constant 0.000000e+00 : f32
      %parallel_loop3A_643 = vector.broadcast %parallel_loop3A_642 : f32 to vector<16xf32>
      %parallel_loop3A_644 = arith.index_cast %parallel_loop3A_641 : i32 to index
      %parallel_loop3A_645 = tpu.vector_load %arg45[%parallel_loop3A_644] {strides = array<i32>} : memref<3232xf32, #tpu.memory_space<vmem>>, vector<16xf32>,
      %parallel_loop3A_646 = vector.shape_cast %parallel_loop3A_645 : vector<16xf32> to vector<16xf32>
      %parallel_loop3A_647 = vector.shape_cast %parallel_loop3A_643 : vector<16xf32> to vector<16xf32>
      tpu.vector_store %arg45[%parallel_loop3A_644], %parallel_loop3A_647 {strides = array<i32>} : memref<3232xf32, #tpu.memory_space<vmem>>, vector<16xf32>,
      %parallel_loop3A_648 = arith.index_cast %parallel_loop3A_641 : i32 to index
      %parallel_loop3A_649 = tpu.vector_load %arg46[%parallel_loop3A_648] {strides = array<i32>} : memref<3232xf32, #tpu.memory_space<vmem>>, vector<16xf32>,
      %parallel_loop3A_650 = vector.shape_cast %parallel_loop3A_649 : vector<16xf32> to vector<16xf32>
      %parallel_loop3A_651 = arith.addi %sub3A_618, %parallel_loop3A_641 : i32
      %parallel_loop3A_652 = arith.index_cast %parallel_loop3A_651 : i32 to index
      %parallel_loop3A_653 = tpu.vector_load %arg44[%parallel_loop3A_652] {strides = array<i32>} : memref<3248xf32, #tpu.memory_space<vmem>>, vector<16xf32>,
      %parallel_loop3A_654 = vector.shape_cast %parallel_loop3A_653 : vector<16xf32> to vector<16xf32>
      %parallel_loop3A_655 = vector.broadcast %squeeze3A_625 : f32 to vector<16xf32>
      %parallel_loop3A_656 = arith.mulf %parallel_loop3A_655, %parallel_loop3A_654 : vector<16xf32>
      %parallel_loop3A_657 = arith.addf %parallel_loop3A_650, %parallel_loop3A_656 : vector<16xf32>
      %parallel_loop3A_658 = arith.index_cast %parallel_loop3A_641 : i32 to index
      %parallel_loop3A_659 = tpu.vector_load %arg46[%parallel_loop3A_658] {strides = array<i32>} : memref<3232xf32, #tpu.memory_space<vmem>>, vector<16xf32>,
      %parallel_loop3A_660 = vector.shape_cast %parallel_loop3A_659 : vector<16xf32> to vector<16xf32>
      %parallel_loop3A_661 = vector.shape_cast %parallel_loop3A_657 : vector<16xf32> to vector<16xf32>
      tpu.vector_store %arg46[%parallel_loop3A_658], %parallel_loop3A_661 {strides = array<i32>} : memref<3232xf32, #tpu.memory_space<vmem>>, vector<16xf32>,
    } {sc.loop_unroll_factor = 4 : i64, sc.parallel_access}
    %scan3A = arith.constant 0 : i32
    %scan3A_631 = arith.constant 0 : i32
    %scan3A_632 = arith.constant 8 : i32
    %scan3A_633 = arith.addi %scan3A_631, %scan3A_632 : i32
    %scan3A_634 = arith.constant 1 : i32
    %scan3A_635 = scf.for %scan3A_639 = %scan3A_631 to %scan3A_633 step %scan3A_634 iter_args(%scan3A_640 = %scan3A) -> (i32)  : i32 {
      %mul3A_641 = arith.constant 32 : i32
      %mul3A_642 = arith.muli %mul3A_641, %scan3A_639 : i32
      %add3A_643 = arith.constant 16 : i32
      %add3A_644 = arith.addi %mul3A_642, %add3A_643 : i32
      %add3A_645 = arith.constant 0 : i32
      %add3A_646 = arith.addi %add3A_644, %add3A_645 : i32
      %get3A_647 = arith.index_cast %add3A_646 : i32 to index
      %get3A_648 = tpu.vector_load %arg9[%get3A_647] {strides = array<i32>} : memref<272xi32, #tpu.memory_space<vmem>>, vector<16xi32>,
      %get3A_649 = vector.shape_cast %get3A_648 : vector<16xi32> to vector<16xi32>
      %slice3A_650 = vector.extract_strided_slice %get3A_649 {offsets = [0], sizes = [1], strides = [1]} : vector<16xi32> to vector<1xi32>
      %squeeze3A_651 = vector.extract %slice3A_650[0] : i32 from vector<1xi32>
      %add3A_652 = arith.addi %squeeze3A_651, %min3A_3 : i32
      %jit3A_653 = arith.constant 16 : i32
      %div3A_654 = arith.divsi %add3A_652, %jit3A_653 : i32
      %sign3A_655 = arith.constant 0 : i32
      %sign3A_656 = arith.cmpi sgt, %add3A_652, %sign3A_655 : i32
      %sign3A_657 = arith.extui %sign3A_656 : i1 to i32
      %sign3A_658 = arith.constant 0 : i32
      %sign3A_659 = arith.cmpi slt, %add3A_652, %sign3A_658 : i32
      %sign3A_660 = arith.extui %sign3A_659 : i1 to i32
      %sign3A_661 = arith.subi %sign3A_657, %sign3A_660 : i32
      %sign3A_662 = arith.constant 0 : i32
      %sign3A_663 = arith.cmpi sgt, %jit3A_653, %sign3A_662 : i32
      %sign3A_664 = arith.extui %sign3A_663 : i1 to i32
      %sign3A_665 = arith.constant 0 : i32
      %sign3A_666 = arith.cmpi slt, %jit3A_653, %sign3A_665 : i32
      %sign3A_667 = arith.extui %sign3A_666 : i1 to i32
      %sign3A_668 = arith.subi %sign3A_664, %sign3A_667 : i32
      %ne3A_669 = arith.cmpi ne, %sign3A_661, %sign3A_668 : i32
      %rem3A_670 = arith.remsi %add3A_652, %jit3A_653 : i32
      %ne3A_671 = arith.constant 0 : i32
      %ne3A_672 = arith.cmpi ne, %rem3A_670, %ne3A_671 : i32
      %and3A_673 = arith.andi %ne3A_669, %ne3A_672 : i1
      %sub3A_674 = arith.constant 1 : i32
      %sub3A_675 = arith.subi %div3A_654, %sub3A_674 : i32
      %select_n3A_676 = arith.select %and3A_673, %sub3A_675, %div3A_654 : i32
      %mul3A_677 = arith.constant 16 : i32
      %mul3A_678 = arith.muli %select_n3A_676, %mul3A_677 : i32
      %min3A_679 = arith.constant 24996752 : i32
      %min3A_680 = arith.minsi %mul3A_678, %min3A_679 : i32
      %sub3A_681 = arith.subi %add3A_652, %min3A_680 : i32
      %dma_start3A_682 = tpu.memref_slice %arg2[%min3A_680] : memref<25000000xf32, #tpu.memory_space<hbm>> -> memref<3248xf32, #tpu.memory_space<hbm>>
      %dma_start3A_683 = tpu.memref_slice %arg2[%min3A_680] : memref<25000000xf32, #tpu.memory_space<hbm>> -> memref<3248xf32, #tpu.memory_space<hbm>>
      tpu.enqueue_dma source(%dma_start3A_683 : memref<3248xf32, #tpu.memory_space<hbm>>) target(%arg28 : memref<3248xf32, #tpu.memory_space<vmem>>) target_semaphore(%arg48 : memref<!tpu.dma_semaphore, #tpu.memory_space<semaphore_mem>>)
      %add3A_684 = arith.constant 1 : i32
      %add3A_685 = arith.addi %add3A_644, %add3A_684 : i32
      %get3A_686 = arith.index_cast %add3A_685 : i32 to index
      %get3A_687 = tpu.vector_load %arg9[%get3A_686] {strides = array<i32>} : memref<272xi32, #tpu.memory_space<vmem>>, vector<16xi32>,
      %get3A_688 = vector.shape_cast %get3A_687 : vector<16xi32> to vector<16xi32>
      %slice3A_689 = vector.extract_strided_slice %get3A_688 {offsets = [0], sizes = [1], strides = [1]} : vector<16xi32> to vector<1xi32>
      %squeeze3A_690 = vector.extract %slice3A_689[0] : i32 from vector<1xi32>
      %add3A_691 = arith.addi %squeeze3A_690, %min3A_3 : i32
      %jit3A_692 = arith.constant 16 : i32
      %div3A_693 = arith.divsi %add3A_691, %jit3A_692 : i32
      %sign3A_694 = arith.constant 0 : i32
      %sign3A_695 = arith.cmpi sgt, %add3A_691, %sign3A_694 : i32
      %sign3A_696 = arith.extui %sign3A_695 : i1 to i32
      %sign3A_697 = arith.constant 0 : i32
      %sign3A_698 = arith.cmpi slt, %add3A_691, %sign3A_697 : i32
      %sign3A_699 = arith.extui %sign3A_698 : i1 to i32
      %sign3A_700 = arith.subi %sign3A_696, %sign3A_699 : i32
      %sign3A_701 = arith.constant 0 : i32
      %sign3A_702 = arith.cmpi sgt, %jit3A_692, %sign3A_701 : i32
      %sign3A_703 = arith.extui %sign3A_702 : i1 to i32
      %sign3A_704 = arith.constant 0 : i32
      %sign3A_705 = arith.cmpi slt, %jit3A_692, %sign3A_704 : i32
      %sign3A_706 = arith.extui %sign3A_705 : i1 to i32
      %sign3A_707 = arith.subi %sign3A_703, %sign3A_706 : i32
      %ne3A_708 = arith.cmpi ne, %sign3A_700, %sign3A_707 : i32
      %rem3A_709 = arith.remsi %add3A_691, %jit3A_692 : i32
      %ne3A_710 = arith.constant 0 : i32
      %ne3A_711 = arith.cmpi ne, %rem3A_709, %ne3A_710 : i32
      %and3A_712 = arith.andi %ne3A_708, %ne3A_711 : i1
      %sub3A_713 = arith.constant 1 : i32
      %sub3A_714 = arith.subi %div3A_693, %sub3A_713 : i32
      %select_n3A_715 = arith.select %and3A_712, %sub3A_714, %div3A_693 : i32
      %mul3A_716 = arith.constant 16 : i32
      %mul3A_717 = arith.muli %select_n3A_715, %mul3A_716 : i32
      %min3A_718 = arith.constant 24996752 : i32
      %min3A_719 = arith.minsi %mul3A_717, %min3A_718 : i32
      %sub3A_720 = arith.subi %add3A_691, %min3A_719 : i32
      %dma_start3A_721 = tpu.memref_slice %arg2[%min3A_719] : memref<25000000xf32, #tpu.memory_space<hbm>> -> memref<3248xf32, #tpu.memory_space<hbm>>
      %dma_start3A_722 = tpu.memref_slice %arg2[%min3A_719] : memref<25000000xf32, #tpu.memory_space<hbm>> -> memref<3248xf32, #tpu.memory_space<hbm>>
      tpu.enqueue_dma source(%dma_start3A_722 : memref<3248xf32, #tpu.memory_space<hbm>>) target(%arg29 : memref<3248xf32, #tpu.memory_space<vmem>>) target_semaphore(%arg48 : memref<!tpu.dma_semaphore, #tpu.memory_space<semaphore_mem>>)
      %add3A_723 = arith.constant 2 : i32
      %add3A_724 = arith.addi %add3A_644, %add3A_723 : i32
      %get3A_725 = arith.index_cast %add3A_724 : i32 to index
      %get3A_726 = tpu.vector_load %arg9[%get3A_725] {strides = array<i32>} : memref<272xi32, #tpu.memory_space<vmem>>, vector<16xi32>,
      %get3A_727 = vector.shape_cast %get3A_726 : vector<16xi32> to vector<16xi32>
      %slice3A_728 = vector.extract_strided_slice %get3A_727 {offsets = [0], sizes = [1], strides = [1]} : vector<16xi32> to vector<1xi32>
      %squeeze3A_729 = vector.extract %slice3A_728[0] : i32 from vector<1xi32>
      %add3A_730 = arith.addi %squeeze3A_729, %min3A_3 : i32
      %jit3A_731 = arith.constant 16 : i32
      %div3A_732 = arith.divsi %add3A_730, %jit3A_731 : i32
      %sign3A_733 = arith.constant 0 : i32
      %sign3A_734 = arith.cmpi sgt, %add3A_730, %sign3A_733 : i32
      %sign3A_735 = arith.extui %sign3A_734 : i1 to i32
      %sign3A_736 = arith.constant 0 : i32
      %sign3A_737 = arith.cmpi slt, %add3A_730, %sign3A_736 : i32
      %sign3A_738 = arith.extui %sign3A_737 : i1 to i32
      %sign3A_739 = arith.subi %sign3A_735, %sign3A_738 : i32
      %sign3A_740 = arith.constant 0 : i32
      %sign3A_741 = arith.cmpi sgt, %jit3A_731, %sign3A_740 : i32
      %sign3A_742 = arith.extui %sign3A_741 : i1 to i32
      %sign3A_743 = arith.constant 0 : i32
      %sign3A_744 = arith.cmpi slt, %jit3A_731, %sign3A_743 : i32
      %sign3A_745 = arith.extui %sign3A_744 : i1 to i32
      %sign3A_746 = arith.subi %sign3A_742, %sign3A_745 : i32
      %ne3A_747 = arith.cmpi ne, %sign3A_739, %sign3A_746 : i32
      %rem3A_748 = arith.remsi %add3A_730, %jit3A_731 : i32
      %ne3A_749 = arith.constant 0 : i32
      %ne3A_750 = arith.cmpi ne, %rem3A_748, %ne3A_749 : i32
      %and3A_751 = arith.andi %ne3A_747, %ne3A_750 : i1
      %sub3A_752 = arith.constant 1 : i32
      %sub3A_753 = arith.subi %div3A_732, %sub3A_752 : i32
      %select_n3A_754 = arith.select %and3A_751, %sub3A_753, %div3A_732 : i32
      %mul3A_755 = arith.constant 16 : i32
      %mul3A_756 = arith.muli %select_n3A_754, %mul3A_755 : i32
      %min3A_757 = arith.constant 24996752 : i32
      %min3A_758 = arith.minsi %mul3A_756, %min3A_757 : i32
      %sub3A_759 = arith.subi %add3A_730, %min3A_758 : i32
      %dma_start3A_760 = tpu.memref_slice %arg2[%min3A_758] : memref<25000000xf32, #tpu.memory_space<hbm>> -> memref<3248xf32, #tpu.memory_space<hbm>>
      %dma_start3A_761 = tpu.memref_slice %arg2[%min3A_758] : memref<25000000xf32, #tpu.memory_space<hbm>> -> memref<3248xf32, #tpu.memory_space<hbm>>
      tpu.enqueue_dma source(%dma_start3A_761 : memref<3248xf32, #tpu.memory_space<hbm>>) target(%arg30 : memref<3248xf32, #tpu.memory_space<vmem>>) target_semaphore(%arg48 : memref<!tpu.dma_semaphore, #tpu.memory_space<semaphore_mem>>)
      %add3A_762 = arith.constant 3 : i32
      %add3A_763 = arith.addi %add3A_644, %add3A_762 : i32
      %get3A_764 = arith.index_cast %add3A_763 : i32 to index
      %get3A_765 = tpu.vector_load %arg9[%get3A_764] {strides = array<i32>} : memref<272xi32, #tpu.memory_space<vmem>>, vector<16xi32>,
      %get3A_766 = vector.shape_cast %get3A_765 : vector<16xi32> to vector<16xi32>
      %slice3A_767 = vector.extract_strided_slice %get3A_766 {offsets = [0], sizes = [1], strides = [1]} : vector<16xi32> to vector<1xi32>
      %squeeze3A_768 = vector.extract %slice3A_767[0] : i32 from vector<1xi32>
      %add3A_769 = arith.addi %squeeze3A_768, %min3A_3 : i32
      %jit3A_770 = arith.constant 16 : i32
      %div3A_771 = arith.divsi %add3A_769, %jit3A_770 : i32
      %sign3A_772 = arith.constant 0 : i32
      %sign3A_773 = arith.cmpi sgt, %add3A_769, %sign3A_772 : i32
      %sign3A_774 = arith.extui %sign3A_773 : i1 to i32
      %sign3A_775 = arith.constant 0 : i32
      %sign3A_776 = arith.cmpi slt, %add3A_769, %sign3A_775 : i32
      %sign3A_777 = arith.extui %sign3A_776 : i1 to i32
      %sign3A_778 = arith.subi %sign3A_774, %sign3A_777 : i32
      %sign3A_779 = arith.constant 0 : i32
      %sign3A_780 = arith.cmpi sgt, %jit3A_770, %sign3A_779 : i32
      %sign3A_781 = arith.extui %sign3A_780 : i1 to i32
      %sign3A_782 = arith.constant 0 : i32
      %sign3A_783 = arith.cmpi slt, %jit3A_770, %sign3A_782 : i32
      %sign3A_784 = arith.extui %sign3A_783 : i1 to i32
      %sign3A_785 = arith.subi %sign3A_781, %sign3A_784 : i32
      %ne3A_786 = arith.cmpi ne, %sign3A_778, %sign3A_785 : i32
      %rem3A_787 = arith.remsi %add3A_769, %jit3A_770 : i32
      %ne3A_788 = arith.constant 0 : i32
      %ne3A_789 = arith.cmpi ne, %rem3A_787, %ne3A_788 : i32
      %and3A_790 = arith.andi %ne3A_786, %ne3A_789 : i1
      %sub3A_791 = arith.constant 1 : i32
      %sub3A_792 = arith.subi %div3A_771, %sub3A_791 : i32
      %select_n3A_793 = arith.select %and3A_790, %sub3A_792, %div3A_771 : i32
      %mul3A_794 = arith.constant 16 : i32
      %mul3A_795 = arith.muli %select_n3A_793, %mul3A_794 : i32
      %min3A_796 = arith.constant 24996752 : i32
      %min3A_797 = arith.minsi %mul3A_795, %min3A_796 : i32
      %sub3A_798 = arith.subi %add3A_769, %min3A_797 : i32
      %dma_start3A_799 = tpu.memref_slice %arg2[%min3A_797] : memref<25000000xf32, #tpu.memory_space<hbm>> -> memref<3248xf32, #tpu.memory_space<hbm>>
      %dma_start3A_800 = tpu.memref_slice %arg2[%min3A_797] : memref<25000000xf32, #tpu.memory_space<hbm>> -> memref<3248xf32, #tpu.memory_space<hbm>>
      tpu.enqueue_dma source(%dma_start3A_800 : memref<3248xf32, #tpu.memory_space<hbm>>) target(%arg31 : memref<3248xf32, #tpu.memory_space<vmem>>) target_semaphore(%arg48 : memref<!tpu.dma_semaphore, #tpu.memory_space<semaphore_mem>>)
      %add3A_801 = arith.constant 4 : i32
      %add3A_802 = arith.addi %add3A_644, %add3A_801 : i32
      %get3A_803 = arith.index_cast %add3A_802 : i32 to index
      %get3A_804 = tpu.vector_load %arg9[%get3A_803] {strides = array<i32>} : memref<272xi32, #tpu.memory_space<vmem>>, vector<16xi32>,
      %get3A_805 = vector.shape_cast %get3A_804 : vector<16xi32> to vector<16xi32>
      %slice3A_806 = vector.extract_strided_slice %get3A_805 {offsets = [0], sizes = [1], strides = [1]} : vector<16xi32> to vector<1xi32>
      %squeeze3A_807 = vector.extract %slice3A_806[0] : i32 from vector<1xi32>
      %add3A_808 = arith.addi %squeeze3A_807, %min3A_3 : i32
      %jit3A_809 = arith.constant 16 : i32
      %div3A_810 = arith.divsi %add3A_808, %jit3A_809 : i32
      %sign3A_811 = arith.constant 0 : i32
      %sign3A_812 = arith.cmpi sgt, %add3A_808, %sign3A_811 : i32
      %sign3A_813 = arith.extui %sign3A_812 : i1 to i32
      %sign3A_814 = arith.constant 0 : i32
      %sign3A_815 = arith.cmpi slt, %add3A_808, %sign3A_814 : i32
      %sign3A_816 = arith.extui %sign3A_815 : i1 to i32
      %sign3A_817 = arith.subi %sign3A_813, %sign3A_816 : i32
      %sign3A_818 = arith.constant 0 : i32
      %sign3A_819 = arith.cmpi sgt, %jit3A_809, %sign3A_818 : i32
      %sign3A_820 = arith.extui %sign3A_819 : i1 to i32
      %sign3A_821 = arith.constant 0 : i32
      %sign3A_822 = arith.cmpi slt, %jit3A_809, %sign3A_821 : i32
      %sign3A_823 = arith.extui %sign3A_822 : i1 to i32
      %sign3A_824 = arith.subi %sign3A_820, %sign3A_823 : i32
      %ne3A_825 = arith.cmpi ne, %sign3A_817, %sign3A_824 : i32
      %rem3A_826 = arith.remsi %add3A_808, %jit3A_809 : i32
      %ne3A_827 = arith.constant 0 : i32
      %ne3A_828 = arith.cmpi ne, %rem3A_826, %ne3A_827 : i32
      %and3A_829 = arith.andi %ne3A_825, %ne3A_828 : i1
      %sub3A_830 = arith.constant 1 : i32
      %sub3A_831 = arith.subi %div3A_810, %sub3A_830 : i32
      %select_n3A_832 = arith.select %and3A_829, %sub3A_831, %div3A_810 : i32
      %mul3A_833 = arith.constant 16 : i32
      %mul3A_834 = arith.muli %select_n3A_832, %mul3A_833 : i32
      %min3A_835 = arith.constant 24996752 : i32
      %min3A_836 = arith.minsi %mul3A_834, %min3A_835 : i32
      %sub3A_837 = arith.subi %add3A_808, %min3A_836 : i32
      %dma_start3A_838 = tpu.memref_slice %arg2[%min3A_836] : memref<25000000xf32, #tpu.memory_space<hbm>> -> memref<3248xf32, #tpu.memory_space<hbm>>
      %dma_start3A_839 = tpu.memref_slice %arg2[%min3A_836] : memref<25000000xf32, #tpu.memory_space<hbm>> -> memref<3248xf32, #tpu.memory_space<hbm>>
      tpu.enqueue_dma source(%dma_start3A_839 : memref<3248xf32, #tpu.memory_space<hbm>>) target(%arg32 : memref<3248xf32, #tpu.memory_space<vmem>>) target_semaphore(%arg48 : memref<!tpu.dma_semaphore, #tpu.memory_space<semaphore_mem>>)
      %add3A_840 = arith.constant 5 : i32
      %add3A_841 = arith.addi %add3A_644, %add3A_840 : i32
      %get3A_842 = arith.index_cast %add3A_841 : i32 to index
      %get3A_843 = tpu.vector_load %arg9[%get3A_842] {strides = array<i32>} : memref<272xi32, #tpu.memory_space<vmem>>, vector<16xi32>,
      %get3A_844 = vector.shape_cast %get3A_843 : vector<16xi32> to vector<16xi32>
      %slice3A_845 = vector.extract_strided_slice %get3A_844 {offsets = [0], sizes = [1], strides = [1]} : vector<16xi32> to vector<1xi32>
      %squeeze3A_846 = vector.extract %slice3A_845[0] : i32 from vector<1xi32>
      %add3A_847 = arith.addi %squeeze3A_846, %min3A_3 : i32
      %jit3A_848 = arith.constant 16 : i32
      %div3A_849 = arith.divsi %add3A_847, %jit3A_848 : i32
      %sign3A_850 = arith.constant 0 : i32
      %sign3A_851 = arith.cmpi sgt, %add3A_847, %sign3A_850 : i32
      %sign3A_852 = arith.extui %sign3A_851 : i1 to i32
      %sign3A_853 = arith.constant 0 : i32
      %sign3A_854 = arith.cmpi slt, %add3A_847, %sign3A_853 : i32
      %sign3A_855 = arith.extui %sign3A_854 : i1 to i32
      %sign3A_856 = arith.subi %sign3A_852, %sign3A_855 : i32
      %sign3A_857 = arith.constant 0 : i32
      %sign3A_858 = arith.cmpi sgt, %jit3A_848, %sign3A_857 : i32
      %sign3A_859 = arith.extui %sign3A_858 : i1 to i32
      %sign3A_860 = arith.constant 0 : i32
      %sign3A_861 = arith.cmpi slt, %jit3A_848, %sign3A_860 : i32
      %sign3A_862 = arith.extui %sign3A_861 : i1 to i32
      %sign3A_863 = arith.subi %sign3A_859, %sign3A_862 : i32
      %ne3A_864 = arith.cmpi ne, %sign3A_856, %sign3A_863 : i32
      %rem3A_865 = arith.remsi %add3A_847, %jit3A_848 : i32
      %ne3A_866 = arith.constant 0 : i32
      %ne3A_867 = arith.cmpi ne, %rem3A_865, %ne3A_866 : i32
      %and3A_868 = arith.andi %ne3A_864, %ne3A_867 : i1
      %sub3A_869 = arith.constant 1 : i32
      %sub3A_870 = arith.subi %div3A_849, %sub3A_869 : i32
      %select_n3A_871 = arith.select %and3A_868, %sub3A_870, %div3A_849 : i32
      %mul3A_872 = arith.constant 16 : i32
      %mul3A_873 = arith.muli %select_n3A_871, %mul3A_872 : i32
      %min3A_874 = arith.constant 24996752 : i32
      %min3A_875 = arith.minsi %mul3A_873, %min3A_874 : i32
      %sub3A_876 = arith.subi %add3A_847, %min3A_875 : i32
      %dma_start3A_877 = tpu.memref_slice %arg2[%min3A_875] : memref<25000000xf32, #tpu.memory_space<hbm>> -> memref<3248xf32, #tpu.memory_space<hbm>>
      %dma_start3A_878 = tpu.memref_slice %arg2[%min3A_875] : memref<25000000xf32, #tpu.memory_space<hbm>> -> memref<3248xf32, #tpu.memory_space<hbm>>
      tpu.enqueue_dma source(%dma_start3A_878 : memref<3248xf32, #tpu.memory_space<hbm>>) target(%arg33 : memref<3248xf32, #tpu.memory_space<vmem>>) target_semaphore(%arg48 : memref<!tpu.dma_semaphore, #tpu.memory_space<semaphore_mem>>)
      %add3A_879 = arith.constant 6 : i32
      %add3A_880 = arith.addi %add3A_644, %add3A_879 : i32
      %get3A_881 = arith.index_cast %add3A_880 : i32 to index
      %get3A_882 = tpu.vector_load %arg9[%get3A_881] {strides = array<i32>} : memref<272xi32, #tpu.memory_space<vmem>>, vector<16xi32>,
      %get3A_883 = vector.shape_cast %get3A_882 : vector<16xi32> to vector<16xi32>
      %slice3A_884 = vector.extract_strided_slice %get3A_883 {offsets = [0], sizes = [1], strides = [1]} : vector<16xi32> to vector<1xi32>
      %squeeze3A_885 = vector.extract %slice3A_884[0] : i32 from vector<1xi32>
      %add3A_886 = arith.addi %squeeze3A_885, %min3A_3 : i32
      %jit3A_887 = arith.constant 16 : i32
      %div3A_888 = arith.divsi %add3A_886, %jit3A_887 : i32
      %sign3A_889 = arith.constant 0 : i32
      %sign3A_890 = arith.cmpi sgt, %add3A_886, %sign3A_889 : i32
      %sign3A_891 = arith.extui %sign3A_890 : i1 to i32
      %sign3A_892 = arith.constant 0 : i32
      %sign3A_893 = arith.cmpi slt, %add3A_886, %sign3A_892 : i32
      %sign3A_894 = arith.extui %sign3A_893 : i1 to i32
      %sign3A_895 = arith.subi %sign3A_891, %sign3A_894 : i32
      %sign3A_896 = arith.constant 0 : i32
      %sign3A_897 = arith.cmpi sgt, %jit3A_887, %sign3A_896 : i32
      %sign3A_898 = arith.extui %sign3A_897 : i1 to i32
      %sign3A_899 = arith.constant 0 : i32
      %sign3A_900 = arith.cmpi slt, %jit3A_887, %sign3A_899 : i32
      %sign3A_901 = arith.extui %sign3A_900 : i1 to i32
      %sign3A_902 = arith.subi %sign3A_898, %sign3A_901 : i32
      %ne3A_903 = arith.cmpi ne, %sign3A_895, %sign3A_902 : i32
      %rem3A_904 = arith.remsi %add3A_886, %jit3A_887 : i32
      %ne3A_905 = arith.constant 0 : i32
      %ne3A_906 = arith.cmpi ne, %rem3A_904, %ne3A_905 : i32
      %and3A_907 = arith.andi %ne3A_903, %ne3A_906 : i1
      %sub3A_908 = arith.constant 1 : i32
      %sub3A_909 = arith.subi %div3A_888, %sub3A_908 : i32
      %select_n3A_910 = arith.select %and3A_907, %sub3A_909, %div3A_888 : i32
      %mul3A_911 = arith.constant 16 : i32
      %mul3A_912 = arith.muli %select_n3A_910, %mul3A_911 : i32
      %min3A_913 = arith.constant 24996752 : i32
      %min3A_914 = arith.minsi %mul3A_912, %min3A_913 : i32
      %sub3A_915 = arith.subi %add3A_886, %min3A_914 : i32
      %dma_start3A_916 = tpu.memref_slice %arg2[%min3A_914] : memref<25000000xf32, #tpu.memory_space<hbm>> -> memref<3248xf32, #tpu.memory_space<hbm>>
      %dma_start3A_917 = tpu.memref_slice %arg2[%min3A_914] : memref<25000000xf32, #tpu.memory_space<hbm>> -> memref<3248xf32, #tpu.memory_space<hbm>>
      tpu.enqueue_dma source(%dma_start3A_917 : memref<3248xf32, #tpu.memory_space<hbm>>) target(%arg34 : memref<3248xf32, #tpu.memory_space<vmem>>) target_semaphore(%arg48 : memref<!tpu.dma_semaphore, #tpu.memory_space<semaphore_mem>>)
      %add3A_918 = arith.constant 7 : i32
      %add3A_919 = arith.addi %add3A_644, %add3A_918 : i32
      %get3A_920 = arith.index_cast %add3A_919 : i32 to index
      %get3A_921 = tpu.vector_load %arg9[%get3A_920] {strides = array<i32>} : memref<272xi32, #tpu.memory_space<vmem>>, vector<16xi32>,
      %get3A_922 = vector.shape_cast %get3A_921 : vector<16xi32> to vector<16xi32>
      %slice3A_923 = vector.extract_strided_slice %get3A_922 {offsets = [0], sizes = [1], strides = [1]} : vector<16xi32> to vector<1xi32>
      %squeeze3A_924 = vector.extract %slice3A_923[0] : i32 from vector<1xi32>
      %add3A_925 = arith.addi %squeeze3A_924, %min3A_3 : i32
      %jit3A_926 = arith.constant 16 : i32
      %div3A_927 = arith.divsi %add3A_925, %jit3A_926 : i32
      %sign3A_928 = arith.constant 0 : i32
      %sign3A_929 = arith.cmpi sgt, %add3A_925, %sign3A_928 : i32
      %sign3A_930 = arith.extui %sign3A_929 : i1 to i32
      %sign3A_931 = arith.constant 0 : i32
      %sign3A_932 = arith.cmpi slt, %add3A_925, %sign3A_931 : i32
      %sign3A_933 = arith.extui %sign3A_932 : i1 to i32
      %sign3A_934 = arith.subi %sign3A_930, %sign3A_933 : i32
      %sign3A_935 = arith.constant 0 : i32
      %sign3A_936 = arith.cmpi sgt, %jit3A_926, %sign3A_935 : i32
      %sign3A_937 = arith.extui %sign3A_936 : i1 to i32
      %sign3A_938 = arith.constant 0 : i32
      %sign3A_939 = arith.cmpi slt, %jit3A_926, %sign3A_938 : i32
      %sign3A_940 = arith.extui %sign3A_939 : i1 to i32
      %sign3A_941 = arith.subi %sign3A_937, %sign3A_940 : i32
      %ne3A_942 = arith.cmpi ne, %sign3A_934, %sign3A_941 : i32
      %rem3A_943 = arith.remsi %add3A_925, %jit3A_926 : i32
      %ne3A_944 = arith.constant 0 : i32
      %ne3A_945 = arith.cmpi ne, %rem3A_943, %ne3A_944 : i32
      %and3A_946 = arith.andi %ne3A_942, %ne3A_945 : i1
      %sub3A_947 = arith.constant 1 : i32
      %sub3A_948 = arith.subi %div3A_927, %sub3A_947 : i32
      %select_n3A_949 = arith.select %and3A_946, %sub3A_948, %div3A_927 : i32
      %mul3A_950 = arith.constant 16 : i32
      %mul3A_951 = arith.muli %select_n3A_949, %mul3A_950 : i32
      %min3A_952 = arith.constant 24996752 : i32
      %min3A_953 = arith.minsi %mul3A_951, %min3A_952 : i32
      %sub3A_954 = arith.subi %add3A_925, %min3A_953 : i32
      %dma_start3A_955 = tpu.memref_slice %arg2[%min3A_953] : memref<25000000xf32, #tpu.memory_space<hbm>> -> memref<3248xf32, #tpu.memory_space<hbm>>
      %dma_start3A_956 = tpu.memref_slice %arg2[%min3A_953] : memref<25000000xf32, #tpu.memory_space<hbm>> -> memref<3248xf32, #tpu.memory_space<hbm>>
      tpu.enqueue_dma source(%dma_start3A_956 : memref<3248xf32, #tpu.memory_space<hbm>>) target(%arg35 : memref<3248xf32, #tpu.memory_space<vmem>>) target_semaphore(%arg48 : memref<!tpu.dma_semaphore, #tpu.memory_space<semaphore_mem>>)
      %add3A_957 = arith.constant 8 : i32
      %add3A_958 = arith.addi %add3A_644, %add3A_957 : i32
      %get3A_959 = arith.index_cast %add3A_958 : i32 to index
      %get3A_960 = tpu.vector_load %arg9[%get3A_959] {strides = array<i32>} : memref<272xi32, #tpu.memory_space<vmem>>, vector<16xi32>,
      %get3A_961 = vector.shape_cast %get3A_960 : vector<16xi32> to vector<16xi32>
      %slice3A_962 = vector.extract_strided_slice %get3A_961 {offsets = [0], sizes = [1], strides = [1]} : vector<16xi32> to vector<1xi32>
      %squeeze3A_963 = vector.extract %slice3A_962[0] : i32 from vector<1xi32>
      %add3A_964 = arith.addi %squeeze3A_963, %min3A_3 : i32
      %jit3A_965 = arith.constant 16 : i32
      %div3A_966 = arith.divsi %add3A_964, %jit3A_965 : i32
      %sign3A_967 = arith.constant 0 : i32
      %sign3A_968 = arith.cmpi sgt, %add3A_964, %sign3A_967 : i32
      %sign3A_969 = arith.extui %sign3A_968 : i1 to i32
      %sign3A_970 = arith.constant 0 : i32
      %sign3A_971 = arith.cmpi slt, %add3A_964, %sign3A_970 : i32
      %sign3A_972 = arith.extui %sign3A_971 : i1 to i32
      %sign3A_973 = arith.subi %sign3A_969, %sign3A_972 : i32
      %sign3A_974 = arith.constant 0 : i32
      %sign3A_975 = arith.cmpi sgt, %jit3A_965, %sign3A_974 : i32
      %sign3A_976 = arith.extui %sign3A_975 : i1 to i32
      %sign3A_977 = arith.constant 0 : i32
      %sign3A_978 = arith.cmpi slt, %jit3A_965, %sign3A_977 : i32
      %sign3A_979 = arith.extui %sign3A_978 : i1 to i32
      %sign3A_980 = arith.subi %sign3A_976, %sign3A_979 : i32
      %ne3A_981 = arith.cmpi ne, %sign3A_973, %sign3A_980 : i32
      %rem3A_982 = arith.remsi %add3A_964, %jit3A_965 : i32
      %ne3A_983 = arith.constant 0 : i32
      %ne3A_984 = arith.cmpi ne, %rem3A_982, %ne3A_983 : i32
      %and3A_985 = arith.andi %ne3A_981, %ne3A_984 : i1
      %sub3A_986 = arith.constant 1 : i32
      %sub3A_987 = arith.subi %div3A_966, %sub3A_986 : i32
      %select_n3A_988 = arith.select %and3A_985, %sub3A_987, %div3A_966 : i32
      %mul3A_989 = arith.constant 16 : i32
      %mul3A_990 = arith.muli %select_n3A_988, %mul3A_989 : i32
      %min3A_991 = arith.constant 24996752 : i32
      %min3A_992 = arith.minsi %mul3A_990, %min3A_991 : i32
      %sub3A_993 = arith.subi %add3A_964, %min3A_992 : i32
      %dma_start3A_994 = tpu.memref_slice %arg2[%min3A_992] : memref<25000000xf32, #tpu.memory_space<hbm>> -> memref<3248xf32, #tpu.memory_space<hbm>>
      %dma_start3A_995 = tpu.memref_slice %arg2[%min3A_992] : memref<25000000xf32, #tpu.memory_space<hbm>> -> memref<3248xf32, #tpu.memory_space<hbm>>
      tpu.enqueue_dma source(%dma_start3A_995 : memref<3248xf32, #tpu.memory_space<hbm>>) target(%arg36 : memref<3248xf32, #tpu.memory_space<vmem>>) target_semaphore(%arg48 : memref<!tpu.dma_semaphore, #tpu.memory_space<semaphore_mem>>)
      %add3A_996 = arith.constant 9 : i32
      %add3A_997 = arith.addi %add3A_644, %add3A_996 : i32
      %get3A_998 = arith.index_cast %add3A_997 : i32 to index
      %get3A_999 = tpu.vector_load %arg9[%get3A_998] {strides = array<i32>} : memref<272xi32, #tpu.memory_space<vmem>>, vector<16xi32>,
      %get3A_1000 = vector.shape_cast %get3A_999 : vector<16xi32> to vector<16xi32>
      %slice3A_1001 = vector.extract_strided_slice %get3A_1000 {offsets = [0], sizes = [1], strides = [1]} : vector<16xi32> to vector<1xi32>
      %squeeze3A_1002 = vector.extract %slice3A_1001[0] : i32 from vector<1xi32>
      %add3A_1003 = arith.addi %squeeze3A_1002, %min3A_3 : i32
      %jit3A_1004 = arith.constant 16 : i32
      %div3A_1005 = arith.divsi %add3A_1003, %jit3A_1004 : i32
      %sign3A_1006 = arith.constant 0 : i32
      %sign3A_1007 = arith.cmpi sgt, %add3A_1003, %sign3A_1006 : i32
      %sign3A_1008 = arith.extui %sign3A_1007 : i1 to i32
      %sign3A_1009 = arith.constant 0 : i32
      %sign3A_1010 = arith.cmpi slt, %add3A_1003, %sign3A_1009 : i32
      %sign3A_1011 = arith.extui %sign3A_1010 : i1 to i32
      %sign3A_1012 = arith.subi %sign3A_1008, %sign3A_1011 : i32
      %sign3A_1013 = arith.constant 0 : i32
      %sign3A_1014 = arith.cmpi sgt, %jit3A_1004, %sign3A_1013 : i32
      %sign3A_1015 = arith.extui %sign3A_1014 : i1 to i32
      %sign3A_1016 = arith.constant 0 : i32
      %sign3A_1017 = arith.cmpi slt, %jit3A_1004, %sign3A_1016 : i32
      %sign3A_1018 = arith.extui %sign3A_1017 : i1 to i32
      %sign3A_1019 = arith.subi %sign3A_1015, %sign3A_1018 : i32
      %ne3A_1020 = arith.cmpi ne, %sign3A_1012, %sign3A_1019 : i32
      %rem3A_1021 = arith.remsi %add3A_1003, %jit3A_1004 : i32
      %ne3A_1022 = arith.constant 0 : i32
      %ne3A_1023 = arith.cmpi ne, %rem3A_1021, %ne3A_1022 : i32
      %and3A_1024 = arith.andi %ne3A_1020, %ne3A_1023 : i1
      %sub3A_1025 = arith.constant 1 : i32
      %sub3A_1026 = arith.subi %div3A_1005, %sub3A_1025 : i32
      %select_n3A_1027 = arith.select %and3A_1024, %sub3A_1026, %div3A_1005 : i32
      %mul3A_1028 = arith.constant 16 : i32
      %mul3A_1029 = arith.muli %select_n3A_1027, %mul3A_1028 : i32
      %min3A_1030 = arith.constant 24996752 : i32
      %min3A_1031 = arith.minsi %mul3A_1029, %min3A_1030 : i32
      %sub3A_1032 = arith.subi %add3A_1003, %min3A_1031 : i32
      %dma_start3A_1033 = tpu.memref_slice %arg2[%min3A_1031] : memref<25000000xf32, #tpu.memory_space<hbm>> -> memref<3248xf32, #tpu.memory_space<hbm>>
      %dma_start3A_1034 = tpu.memref_slice %arg2[%min3A_1031] : memref<25000000xf32, #tpu.memory_space<hbm>> -> memref<3248xf32, #tpu.memory_space<hbm>>
      tpu.enqueue_dma source(%dma_start3A_1034 : memref<3248xf32, #tpu.memory_space<hbm>>) target(%arg37 : memref<3248xf32, #tpu.memory_space<vmem>>) target_semaphore(%arg48 : memref<!tpu.dma_semaphore, #tpu.memory_space<semaphore_mem>>)
      %add3A_1035 = arith.constant 10 : i32
      %add3A_1036 = arith.addi %add3A_644, %add3A_1035 : i32
      %get3A_1037 = arith.index_cast %add3A_1036 : i32 to index
      %get3A_1038 = tpu.vector_load %arg9[%get3A_1037] {strides = array<i32>} : memref<272xi32, #tpu.memory_space<vmem>>, vector<16xi32>,
      %get3A_1039 = vector.shape_cast %get3A_1038 : vector<16xi32> to vector<16xi32>
      %slice3A_1040 = vector.extract_strided_slice %get3A_1039 {offsets = [0], sizes = [1], strides = [1]} : vector<16xi32> to vector<1xi32>
      %squeeze3A_1041 = vector.extract %slice3A_1040[0] : i32 from vector<1xi32>
      %add3A_1042 = arith.addi %squeeze3A_1041, %min3A_3 : i32
      %jit3A_1043 = arith.constant 16 : i32
      %div3A_1044 = arith.divsi %add3A_1042, %jit3A_1043 : i32
      %sign3A_1045 = arith.constant 0 : i32
      %sign3A_1046 = arith.cmpi sgt, %add3A_1042, %sign3A_1045 : i32
      %sign3A_1047 = arith.extui %sign3A_1046 : i1 to i32
      %sign3A_1048 = arith.constant 0 : i32
      %sign3A_1049 = arith.cmpi slt, %add3A_1042, %sign3A_1048 : i32
      %sign3A_1050 = arith.extui %sign3A_1049 : i1 to i32
      %sign3A_1051 = arith.subi %sign3A_1047, %sign3A_1050 : i32
      %sign3A_1052 = arith.constant 0 : i32
      %sign3A_1053 = arith.cmpi sgt, %jit3A_1043, %sign3A_1052 : i32
      %sign3A_1054 = arith.extui %sign3A_1053 : i1 to i32
      %sign3A_1055 = arith.constant 0 : i32
      %sign3A_1056 = arith.cmpi slt, %jit3A_1043, %sign3A_1055 : i32
      %sign3A_1057 = arith.extui %sign3A_1056 : i1 to i32
      %sign3A_1058 = arith.subi %sign3A_1054, %sign3A_1057 : i32
      %ne3A_1059 = arith.cmpi ne, %sign3A_1051, %sign3A_1058 : i32
      %rem3A_1060 = arith.remsi %add3A_1042, %jit3A_1043 : i32
      %ne3A_1061 = arith.constant 0 : i32
      %ne3A_1062 = arith.cmpi ne, %rem3A_1060, %ne3A_1061 : i32
      %and3A_1063 = arith.andi %ne3A_1059, %ne3A_1062 : i1
      %sub3A_1064 = arith.constant 1 : i32
      %sub3A_1065 = arith.subi %div3A_1044, %sub3A_1064 : i32
      %select_n3A_1066 = arith.select %and3A_1063, %sub3A_1065, %div3A_1044 : i32
      %mul3A_1067 = arith.constant 16 : i32
      %mul3A_1068 = arith.muli %select_n3A_1066, %mul3A_1067 : i32
      %min3A_1069 = arith.constant 24996752 : i32
      %min3A_1070 = arith.minsi %mul3A_1068, %min3A_1069 : i32
      %sub3A_1071 = arith.subi %add3A_1042, %min3A_1070 : i32
      %dma_start3A_1072 = tpu.memref_slice %arg2[%min3A_1070] : memref<25000000xf32, #tpu.memory_space<hbm>> -> memref<3248xf32, #tpu.memory_space<hbm>>
      %dma_start3A_1073 = tpu.memref_slice %arg2[%min3A_1070] : memref<25000000xf32, #tpu.memory_space<hbm>> -> memref<3248xf32, #tpu.memory_space<hbm>>
      tpu.enqueue_dma source(%dma_start3A_1073 : memref<3248xf32, #tpu.memory_space<hbm>>) target(%arg38 : memref<3248xf32, #tpu.memory_space<vmem>>) target_semaphore(%arg48 : memref<!tpu.dma_semaphore, #tpu.memory_space<semaphore_mem>>)
      %add3A_1074 = arith.constant 11 : i32
      %add3A_1075 = arith.addi %add3A_644, %add3A_1074 : i32
      %get3A_1076 = arith.index_cast %add3A_1075 : i32 to index
      %get3A_1077 = tpu.vector_load %arg9[%get3A_1076] {strides = array<i32>} : memref<272xi32, #tpu.memory_space<vmem>>, vector<16xi32>,
      %get3A_1078 = vector.shape_cast %get3A_1077 : vector<16xi32> to vector<16xi32>
      %slice3A_1079 = vector.extract_strided_slice %get3A_1078 {offsets = [0], sizes = [1], strides = [1]} : vector<16xi32> to vector<1xi32>
      %squeeze3A_1080 = vector.extract %slice3A_1079[0] : i32 from vector<1xi32>
      %add3A_1081 = arith.addi %squeeze3A_1080, %min3A_3 : i32
      %jit3A_1082 = arith.constant 16 : i32
      %div3A_1083 = arith.divsi %add3A_1081, %jit3A_1082 : i32
      %sign3A_1084 = arith.constant 0 : i32
      %sign3A_1085 = arith.cmpi sgt, %add3A_1081, %sign3A_1084 : i32
      %sign3A_1086 = arith.extui %sign3A_1085 : i1 to i32
      %sign3A_1087 = arith.constant 0 : i32
      %sign3A_1088 = arith.cmpi slt, %add3A_1081, %sign3A_1087 : i32
      %sign3A_1089 = arith.extui %sign3A_1088 : i1 to i32
      %sign3A_1090 = arith.subi %sign3A_1086, %sign3A_1089 : i32
      %sign3A_1091 = arith.constant 0 : i32
      %sign3A_1092 = arith.cmpi sgt, %jit3A_1082, %sign3A_1091 : i32
      %sign3A_1093 = arith.extui %sign3A_1092 : i1 to i32
      %sign3A_1094 = arith.constant 0 : i32
      %sign3A_1095 = arith.cmpi slt, %jit3A_1082, %sign3A_1094 : i32
      %sign3A_1096 = arith.extui %sign3A_1095 : i1 to i32
      %sign3A_1097 = arith.subi %sign3A_1093, %sign3A_1096 : i32
      %ne3A_1098 = arith.cmpi ne, %sign3A_1090, %sign3A_1097 : i32
      %rem3A_1099 = arith.remsi %add3A_1081, %jit3A_1082 : i32
      %ne3A_1100 = arith.constant 0 : i32
      %ne3A_1101 = arith.cmpi ne, %rem3A_1099, %ne3A_1100 : i32
      %and3A_1102 = arith.andi %ne3A_1098, %ne3A_1101 : i1
      %sub3A_1103 = arith.constant 1 : i32
      %sub3A_1104 = arith.subi %div3A_1083, %sub3A_1103 : i32
      %select_n3A_1105 = arith.select %and3A_1102, %sub3A_1104, %div3A_1083 : i32
      %mul3A_1106 = arith.constant 16 : i32
      %mul3A_1107 = arith.muli %select_n3A_1105, %mul3A_1106 : i32
      %min3A_1108 = arith.constant 24996752 : i32
      %min3A_1109 = arith.minsi %mul3A_1107, %min3A_1108 : i32
      %sub3A_1110 = arith.subi %add3A_1081, %min3A_1109 : i32
      %dma_start3A_1111 = tpu.memref_slice %arg2[%min3A_1109] : memref<25000000xf32, #tpu.memory_space<hbm>> -> memref<3248xf32, #tpu.memory_space<hbm>>
      %dma_start3A_1112 = tpu.memref_slice %arg2[%min3A_1109] : memref<25000000xf32, #tpu.memory_space<hbm>> -> memref<3248xf32, #tpu.memory_space<hbm>>
      tpu.enqueue_dma source(%dma_start3A_1112 : memref<3248xf32, #tpu.memory_space<hbm>>) target(%arg39 : memref<3248xf32, #tpu.memory_space<vmem>>) target_semaphore(%arg48 : memref<!tpu.dma_semaphore, #tpu.memory_space<semaphore_mem>>)
      %add3A_1113 = arith.constant 12 : i32
      %add3A_1114 = arith.addi %add3A_644, %add3A_1113 : i32
      %get3A_1115 = arith.index_cast %add3A_1114 : i32 to index
      %get3A_1116 = tpu.vector_load %arg9[%get3A_1115] {strides = array<i32>} : memref<272xi32, #tpu.memory_space<vmem>>, vector<16xi32>,
      %get3A_1117 = vector.shape_cast %get3A_1116 : vector<16xi32> to vector<16xi32>
      %slice3A_1118 = vector.extract_strided_slice %get3A_1117 {offsets = [0], sizes = [1], strides = [1]} : vector<16xi32> to vector<1xi32>
      %squeeze3A_1119 = vector.extract %slice3A_1118[0] : i32 from vector<1xi32>
      %add3A_1120 = arith.addi %squeeze3A_1119, %min3A_3 : i32
      %jit3A_1121 = arith.constant 16 : i32
      %div3A_1122 = arith.divsi %add3A_1120, %jit3A_1121 : i32
      %sign3A_1123 = arith.constant 0 : i32
      %sign3A_1124 = arith.cmpi sgt, %add3A_1120, %sign3A_1123 : i32
      %sign3A_1125 = arith.extui %sign3A_1124 : i1 to i32
      %sign3A_1126 = arith.constant 0 : i32
      %sign3A_1127 = arith.cmpi slt, %add3A_1120, %sign3A_1126 : i32
      %sign3A_1128 = arith.extui %sign3A_1127 : i1 to i32
      %sign3A_1129 = arith.subi %sign3A_1125, %sign3A_1128 : i32
      %sign3A_1130 = arith.constant 0 : i32
      %sign3A_1131 = arith.cmpi sgt, %jit3A_1121, %sign3A_1130 : i32
      %sign3A_1132 = arith.extui %sign3A_1131 : i1 to i32
      %sign3A_1133 = arith.constant 0 : i32
      %sign3A_1134 = arith.cmpi slt, %jit3A_1121, %sign3A_1133 : i32
      %sign3A_1135 = arith.extui %sign3A_1134 : i1 to i32
      %sign3A_1136 = arith.subi %sign3A_1132, %sign3A_1135 : i32
      %ne3A_1137 = arith.cmpi ne, %sign3A_1129, %sign3A_1136 : i32
      %rem3A_1138 = arith.remsi %add3A_1120, %jit3A_1121 : i32
      %ne3A_1139 = arith.constant 0 : i32
      %ne3A_1140 = arith.cmpi ne, %rem3A_1138, %ne3A_1139 : i32
      %and3A_1141 = arith.andi %ne3A_1137, %ne3A_1140 : i1
      %sub3A_1142 = arith.constant 1 : i32
      %sub3A_1143 = arith.subi %div3A_1122, %sub3A_1142 : i32
      %select_n3A_1144 = arith.select %and3A_1141, %sub3A_1143, %div3A_1122 : i32
      %mul3A_1145 = arith.constant 16 : i32
      %mul3A_1146 = arith.muli %select_n3A_1144, %mul3A_1145 : i32
      %min3A_1147 = arith.constant 24996752 : i32
      %min3A_1148 = arith.minsi %mul3A_1146, %min3A_1147 : i32
      %sub3A_1149 = arith.subi %add3A_1120, %min3A_1148 : i32
      %dma_start3A_1150 = tpu.memref_slice %arg2[%min3A_1148] : memref<25000000xf32, #tpu.memory_space<hbm>> -> memref<3248xf32, #tpu.memory_space<hbm>>
      %dma_start3A_1151 = tpu.memref_slice %arg2[%min3A_1148] : memref<25000000xf32, #tpu.memory_space<hbm>> -> memref<3248xf32, #tpu.memory_space<hbm>>
      tpu.enqueue_dma source(%dma_start3A_1151 : memref<3248xf32, #tpu.memory_space<hbm>>) target(%arg40 : memref<3248xf32, #tpu.memory_space<vmem>>) target_semaphore(%arg48 : memref<!tpu.dma_semaphore, #tpu.memory_space<semaphore_mem>>)
      %add3A_1152 = arith.constant 13 : i32
      %add3A_1153 = arith.addi %add3A_644, %add3A_1152 : i32
      %get3A_1154 = arith.index_cast %add3A_1153 : i32 to index
      %get3A_1155 = tpu.vector_load %arg9[%get3A_1154] {strides = array<i32>} : memref<272xi32, #tpu.memory_space<vmem>>, vector<16xi32>,
      %get3A_1156 = vector.shape_cast %get3A_1155 : vector<16xi32> to vector<16xi32>
      %slice3A_1157 = vector.extract_strided_slice %get3A_1156 {offsets = [0], sizes = [1], strides = [1]} : vector<16xi32> to vector<1xi32>
      %squeeze3A_1158 = vector.extract %slice3A_1157[0] : i32 from vector<1xi32>
      %add3A_1159 = arith.addi %squeeze3A_1158, %min3A_3 : i32
      %jit3A_1160 = arith.constant 16 : i32
      %div3A_1161 = arith.divsi %add3A_1159, %jit3A_1160 : i32
      %sign3A_1162 = arith.constant 0 : i32
      %sign3A_1163 = arith.cmpi sgt, %add3A_1159, %sign3A_1162 : i32
      %sign3A_1164 = arith.extui %sign3A_1163 : i1 to i32
      %sign3A_1165 = arith.constant 0 : i32
      %sign3A_1166 = arith.cmpi slt, %add3A_1159, %sign3A_1165 : i32
      %sign3A_1167 = arith.extui %sign3A_1166 : i1 to i32
      %sign3A_1168 = arith.subi %sign3A_1164, %sign3A_1167 : i32
      %sign3A_1169 = arith.constant 0 : i32
      %sign3A_1170 = arith.cmpi sgt, %jit3A_1160, %sign3A_1169 : i32
      %sign3A_1171 = arith.extui %sign3A_1170 : i1 to i32
      %sign3A_1172 = arith.constant 0 : i32
      %sign3A_1173 = arith.cmpi slt, %jit3A_1160, %sign3A_1172 : i32
      %sign3A_1174 = arith.extui %sign3A_1173 : i1 to i32
      %sign3A_1175 = arith.subi %sign3A_1171, %sign3A_1174 : i32
      %ne3A_1176 = arith.cmpi ne, %sign3A_1168, %sign3A_1175 : i32
      %rem3A_1177 = arith.remsi %add3A_1159, %jit3A_1160 : i32
      %ne3A_1178 = arith.constant 0 : i32
      %ne3A_1179 = arith.cmpi ne, %rem3A_1177, %ne3A_1178 : i32
      %and3A_1180 = arith.andi %ne3A_1176, %ne3A_1179 : i1
      %sub3A_1181 = arith.constant 1 : i32
      %sub3A_1182 = arith.subi %div3A_1161, %sub3A_1181 : i32
      %select_n3A_1183 = arith.select %and3A_1180, %sub3A_1182, %div3A_1161 : i32
      %mul3A_1184 = arith.constant 16 : i32
      %mul3A_1185 = arith.muli %select_n3A_1183, %mul3A_1184 : i32
      %min3A_1186 = arith.constant 24996752 : i32
      %min3A_1187 = arith.minsi %mul3A_1185, %min3A_1186 : i32
      %sub3A_1188 = arith.subi %add3A_1159, %min3A_1187 : i32
      %dma_start3A_1189 = tpu.memref_slice %arg2[%min3A_1187] : memref<25000000xf32, #tpu.memory_space<hbm>> -> memref<3248xf32, #tpu.memory_space<hbm>>
      %dma_start3A_1190 = tpu.memref_slice %arg2[%min3A_1187] : memref<25000000xf32, #tpu.memory_space<hbm>> -> memref<3248xf32, #tpu.memory_space<hbm>>
      tpu.enqueue_dma source(%dma_start3A_1190 : memref<3248xf32, #tpu.memory_space<hbm>>) target(%arg41 : memref<3248xf32, #tpu.memory_space<vmem>>) target_semaphore(%arg48 : memref<!tpu.dma_semaphore, #tpu.memory_space<semaphore_mem>>)
      %add3A_1191 = arith.constant 14 : i32
      %add3A_1192 = arith.addi %add3A_644, %add3A_1191 : i32
      %get3A_1193 = arith.index_cast %add3A_1192 : i32 to index
      %get3A_1194 = tpu.vector_load %arg9[%get3A_1193] {strides = array<i32>} : memref<272xi32, #tpu.memory_space<vmem>>, vector<16xi32>,
      %get3A_1195 = vector.shape_cast %get3A_1194 : vector<16xi32> to vector<16xi32>
      %slice3A_1196 = vector.extract_strided_slice %get3A_1195 {offsets = [0], sizes = [1], strides = [1]} : vector<16xi32> to vector<1xi32>
      %squeeze3A_1197 = vector.extract %slice3A_1196[0] : i32 from vector<1xi32>
      %add3A_1198 = arith.addi %squeeze3A_1197, %min3A_3 : i32
      %jit3A_1199 = arith.constant 16 : i32
      %div3A_1200 = arith.divsi %add3A_1198, %jit3A_1199 : i32
      %sign3A_1201 = arith.constant 0 : i32
      %sign3A_1202 = arith.cmpi sgt, %add3A_1198, %sign3A_1201 : i32
      %sign3A_1203 = arith.extui %sign3A_1202 : i1 to i32
      %sign3A_1204 = arith.constant 0 : i32
      %sign3A_1205 = arith.cmpi slt, %add3A_1198, %sign3A_1204 : i32
      %sign3A_1206 = arith.extui %sign3A_1205 : i1 to i32
      %sign3A_1207 = arith.subi %sign3A_1203, %sign3A_1206 : i32
      %sign3A_1208 = arith.constant 0 : i32
      %sign3A_1209 = arith.cmpi sgt, %jit3A_1199, %sign3A_1208 : i32
      %sign3A_1210 = arith.extui %sign3A_1209 : i1 to i32
      %sign3A_1211 = arith.constant 0 : i32
      %sign3A_1212 = arith.cmpi slt, %jit3A_1199, %sign3A_1211 : i32
      %sign3A_1213 = arith.extui %sign3A_1212 : i1 to i32
      %sign3A_1214 = arith.subi %sign3A_1210, %sign3A_1213 : i32
      %ne3A_1215 = arith.cmpi ne, %sign3A_1207, %sign3A_1214 : i32
      %rem3A_1216 = arith.remsi %add3A_1198, %jit3A_1199 : i32
      %ne3A_1217 = arith.constant 0 : i32
      %ne3A_1218 = arith.cmpi ne, %rem3A_1216, %ne3A_1217 : i32
      %and3A_1219 = arith.andi %ne3A_1215, %ne3A_1218 : i1
      %sub3A_1220 = arith.constant 1 : i32
      %sub3A_1221 = arith.subi %div3A_1200, %sub3A_1220 : i32
      %select_n3A_1222 = arith.select %and3A_1219, %sub3A_1221, %div3A_1200 : i32
      %mul3A_1223 = arith.constant 16 : i32
      %mul3A_1224 = arith.muli %select_n3A_1222, %mul3A_1223 : i32
      %min3A_1225 = arith.constant 24996752 : i32
      %min3A_1226 = arith.minsi %mul3A_1224, %min3A_1225 : i32
      %sub3A_1227 = arith.subi %add3A_1198, %min3A_1226 : i32
      %dma_start3A_1228 = tpu.memref_slice %arg2[%min3A_1226] : memref<25000000xf32, #tpu.memory_space<hbm>> -> memref<3248xf32, #tpu.memory_space<hbm>>
      %dma_start3A_1229 = tpu.memref_slice %arg2[%min3A_1226] : memref<25000000xf32, #tpu.memory_space<hbm>> -> memref<3248xf32, #tpu.memory_space<hbm>>
      tpu.enqueue_dma source(%dma_start3A_1229 : memref<3248xf32, #tpu.memory_space<hbm>>) target(%arg42 : memref<3248xf32, #tpu.memory_space<vmem>>) target_semaphore(%arg48 : memref<!tpu.dma_semaphore, #tpu.memory_space<semaphore_mem>>)
      %add3A_1230 = arith.constant 15 : i32
      %add3A_1231 = arith.addi %add3A_644, %add3A_1230 : i32
      %get3A_1232 = arith.index_cast %add3A_1231 : i32 to index
      %get3A_1233 = tpu.vector_load %arg9[%get3A_1232] {strides = array<i32>} : memref<272xi32, #tpu.memory_space<vmem>>, vector<16xi32>,
      %get3A_1234 = vector.shape_cast %get3A_1233 : vector<16xi32> to vector<16xi32>
      %slice3A_1235 = vector.extract_strided_slice %get3A_1234 {offsets = [0], sizes = [1], strides = [1]} : vector<16xi32> to vector<1xi32>
      %squeeze3A_1236 = vector.extract %slice3A_1235[0] : i32 from vector<1xi32>
      %add3A_1237 = arith.addi %squeeze3A_1236, %min3A_3 : i32
      %jit3A_1238 = arith.constant 16 : i32
      %div3A_1239 = arith.divsi %add3A_1237, %jit3A_1238 : i32
      %sign3A_1240 = arith.constant 0 : i32
      %sign3A_1241 = arith.cmpi sgt, %add3A_1237, %sign3A_1240 : i32
      %sign3A_1242 = arith.extui %sign3A_1241 : i1 to i32
      %sign3A_1243 = arith.constant 0 : i32
      %sign3A_1244 = arith.cmpi slt, %add3A_1237, %sign3A_1243 : i32
      %sign3A_1245 = arith.extui %sign3A_1244 : i1 to i32
      %sign3A_1246 = arith.subi %sign3A_1242, %sign3A_1245 : i32
      %sign3A_1247 = arith.constant 0 : i32
      %sign3A_1248 = arith.cmpi sgt, %jit3A_1238, %sign3A_1247 : i32
      %sign3A_1249 = arith.extui %sign3A_1248 : i1 to i32
      %sign3A_1250 = arith.constant 0 : i32
      %sign3A_1251 = arith.cmpi slt, %jit3A_1238, %sign3A_1250 : i32
      %sign3A_1252 = arith.extui %sign3A_1251 : i1 to i32
      %sign3A_1253 = arith.subi %sign3A_1249, %sign3A_1252 : i32
      %ne3A_1254 = arith.cmpi ne, %sign3A_1246, %sign3A_1253 : i32
      %rem3A_1255 = arith.remsi %add3A_1237, %jit3A_1238 : i32
      %ne3A_1256 = arith.constant 0 : i32
      %ne3A_1257 = arith.cmpi ne, %rem3A_1255, %ne3A_1256 : i32
      %and3A_1258 = arith.andi %ne3A_1254, %ne3A_1257 : i1
      %sub3A_1259 = arith.constant 1 : i32
      %sub3A_1260 = arith.subi %div3A_1239, %sub3A_1259 : i32
      %select_n3A_1261 = arith.select %and3A_1258, %sub3A_1260, %div3A_1239 : i32
      %mul3A_1262 = arith.constant 16 : i32
      %mul3A_1263 = arith.muli %select_n3A_1261, %mul3A_1262 : i32
      %min3A_1264 = arith.constant 24996752 : i32
      %min3A_1265 = arith.minsi %mul3A_1263, %min3A_1264 : i32
      %sub3A_1266 = arith.subi %add3A_1237, %min3A_1265 : i32
      %dma_start3A_1267 = tpu.memref_slice %arg2[%min3A_1265] : memref<25000000xf32, #tpu.memory_space<hbm>> -> memref<3248xf32, #tpu.memory_space<hbm>>
      %dma_start3A_1268 = tpu.memref_slice %arg2[%min3A_1265] : memref<25000000xf32, #tpu.memory_space<hbm>> -> memref<3248xf32, #tpu.memory_space<hbm>>
      tpu.enqueue_dma source(%dma_start3A_1268 : memref<3248xf32, #tpu.memory_space<hbm>>) target(%arg43 : memref<3248xf32, #tpu.memory_space<vmem>>) target_semaphore(%arg48 : memref<!tpu.dma_semaphore, #tpu.memory_space<semaphore_mem>>)
      %dma_wait3A_1269 = arith.constant 0 : i32
      %dma_wait3A_1270 = tpu.memref_slice %arg2[%dma_wait3A_1269] : memref<25000000xf32, #tpu.memory_space<hbm>> -> memref<3248xf32, #tpu.memory_space<hbm>>
      %dma_wait3A_1271 = arith.constant 0 : i32
      %dma_wait3A_1272 = tpu.memref_slice %arg2[%dma_wait3A_1271] : memref<25000000xf32, #tpu.memory_space<hbm>> -> memref<3248xf32, #tpu.memory_space<hbm>>
      tpu.wait_dma2 semaphore(%arg47 : memref<!tpu.dma_semaphore, #tpu.memory_space<semaphore_mem>>) src(%dma_wait3A_1272 : memref<3248xf32, #tpu.memory_space<hbm>>) dst(%arg12 : memref<3248xf32, #tpu.memory_space<vmem>>)
      %dma_wait3A_1273 = arith.constant 0 : i32
      %dma_wait3A_1274 = tpu.memref_slice %arg2[%dma_wait3A_1273] : memref<25000000xf32, #tpu.memory_space<hbm>> -> memref<3248xf32, #tpu.memory_space<hbm>>
      %dma_wait3A_1275 = arith.constant 0 : i32
      %dma_wait3A_1276 = tpu.memref_slice %arg2[%dma_wait3A_1275] : memref<25000000xf32, #tpu.memory_space<hbm>> -> memref<3248xf32, #tpu.memory_space<hbm>>
      tpu.wait_dma2 semaphore(%arg47 : memref<!tpu.dma_semaphore, #tpu.memory_space<semaphore_mem>>) src(%dma_wait3A_1276 : memref<3248xf32, #tpu.memory_space<hbm>>) dst(%arg13 : memref<3248xf32, #tpu.memory_space<vmem>>)
      %dma_wait3A_1277 = arith.constant 0 : i32
      %dma_wait3A_1278 = tpu.memref_slice %arg2[%dma_wait3A_1277] : memref<25000000xf32, #tpu.memory_space<hbm>> -> memref<3248xf32, #tpu.memory_space<hbm>>
      %dma_wait3A_1279 = arith.constant 0 : i32
      %dma_wait3A_1280 = tpu.memref_slice %arg2[%dma_wait3A_1279] : memref<25000000xf32, #tpu.memory_space<hbm>> -> memref<3248xf32, #tpu.memory_space<hbm>>
      tpu.wait_dma2 semaphore(%arg47 : memref<!tpu.dma_semaphore, #tpu.memory_space<semaphore_mem>>) src(%dma_wait3A_1280 : memref<3248xf32, #tpu.memory_space<hbm>>) dst(%arg14 : memref<3248xf32, #tpu.memory_space<vmem>>)
      %dma_wait3A_1281 = arith.constant 0 : i32
      %dma_wait3A_1282 = tpu.memref_slice %arg2[%dma_wait3A_1281] : memref<25000000xf32, #tpu.memory_space<hbm>> -> memref<3248xf32, #tpu.memory_space<hbm>>
      %dma_wait3A_1283 = arith.constant 0 : i32
      %dma_wait3A_1284 = tpu.memref_slice %arg2[%dma_wait3A_1283] : memref<25000000xf32, #tpu.memory_space<hbm>> -> memref<3248xf32, #tpu.memory_space<hbm>>
      tpu.wait_dma2 semaphore(%arg47 : memref<!tpu.dma_semaphore, #tpu.memory_space<semaphore_mem>>) src(%dma_wait3A_1284 : memref<3248xf32, #tpu.memory_space<hbm>>) dst(%arg15 : memref<3248xf32, #tpu.memory_space<vmem>>)
      %dma_wait3A_1285 = arith.constant 0 : i32
      %dma_wait3A_1286 = tpu.memref_slice %arg2[%dma_wait3A_1285] : memref<25000000xf32, #tpu.memory_space<hbm>> -> memref<3248xf32, #tpu.memory_space<hbm>>
      %dma_wait3A_1287 = arith.constant 0 : i32
      %dma_wait3A_1288 = tpu.memref_slice %arg2[%dma_wait3A_1287] : memref<25000000xf32, #tpu.memory_space<hbm>> -> memref<3248xf32, #tpu.memory_space<hbm>>
      tpu.wait_dma2 semaphore(%arg47 : memref<!tpu.dma_semaphore, #tpu.memory_space<semaphore_mem>>) src(%dma_wait3A_1288 : memref<3248xf32, #tpu.memory_space<hbm>>) dst(%arg16 : memref<3248xf32, #tpu.memory_space<vmem>>)
      %dma_wait3A_1289 = arith.constant 0 : i32
      %dma_wait3A_1290 = tpu.memref_slice %arg2[%dma_wait3A_1289] : memref<25000000xf32, #tpu.memory_space<hbm>> -> memref<3248xf32, #tpu.memory_space<hbm>>
      %dma_wait3A_1291 = arith.constant 0 : i32
      %dma_wait3A_1292 = tpu.memref_slice %arg2[%dma_wait3A_1291] : memref<25000000xf32, #tpu.memory_space<hbm>> -> memref<3248xf32, #tpu.memory_space<hbm>>
      tpu.wait_dma2 semaphore(%arg47 : memref<!tpu.dma_semaphore, #tpu.memory_space<semaphore_mem>>) src(%dma_wait3A_1292 : memref<3248xf32, #tpu.memory_space<hbm>>) dst(%arg17 : memref<3248xf32, #tpu.memory_space<vmem>>)
      %dma_wait3A_1293 = arith.constant 0 : i32
      %dma_wait3A_1294 = tpu.memref_slice %arg2[%dma_wait3A_1293] : memref<25000000xf32, #tpu.memory_space<hbm>> -> memref<3248xf32, #tpu.memory_space<hbm>>
      %dma_wait3A_1295 = arith.constant 0 : i32
      %dma_wait3A_1296 = tpu.memref_slice %arg2[%dma_wait3A_1295] : memref<25000000xf32, #tpu.memory_space<hbm>> -> memref<3248xf32, #tpu.memory_space<hbm>>
      tpu.wait_dma2 semaphore(%arg47 : memref<!tpu.dma_semaphore, #tpu.memory_space<semaphore_mem>>) src(%dma_wait3A_1296 : memref<3248xf32, #tpu.memory_space<hbm>>) dst(%arg18 : memref<3248xf32, #tpu.memory_space<vmem>>)
      %dma_wait3A_1297 = arith.constant 0 : i32
      %dma_wait3A_1298 = tpu.memref_slice %arg2[%dma_wait3A_1297] : memref<25000000xf32, #tpu.memory_space<hbm>> -> memref<3248xf32, #tpu.memory_space<hbm>>
      %dma_wait3A_1299 = arith.constant 0 : i32
      %dma_wait3A_1300 = tpu.memref_slice %arg2[%dma_wait3A_1299] : memref<25000000xf32, #tpu.memory_space<hbm>> -> memref<3248xf32, #tpu.memory_space<hbm>>
      tpu.wait_dma2 semaphore(%arg47 : memref<!tpu.dma_semaphore, #tpu.memory_space<semaphore_mem>>) src(%dma_wait3A_1300 : memref<3248xf32, #tpu.memory_space<hbm>>) dst(%arg19 : memref<3248xf32, #tpu.memory_space<vmem>>)
      %dma_wait3A_1301 = arith.constant 0 : i32
      %dma_wait3A_1302 = tpu.memref_slice %arg2[%dma_wait3A_1301] : memref<25000000xf32, #tpu.memory_space<hbm>> -> memref<3248xf32, #tpu.memory_space<hbm>>
      %dma_wait3A_1303 = arith.constant 0 : i32
      %dma_wait3A_1304 = tpu.memref_slice %arg2[%dma_wait3A_1303] : memref<25000000xf32, #tpu.memory_space<hbm>> -> memref<3248xf32, #tpu.memory_space<hbm>>
      tpu.wait_dma2 semaphore(%arg47 : memref<!tpu.dma_semaphore, #tpu.memory_space<semaphore_mem>>) src(%dma_wait3A_1304 : memref<3248xf32, #tpu.memory_space<hbm>>) dst(%arg20 : memref<3248xf32, #tpu.memory_space<vmem>>)
      %dma_wait3A_1305 = arith.constant 0 : i32
      %dma_wait3A_1306 = tpu.memref_slice %arg2[%dma_wait3A_1305] : memref<25000000xf32, #tpu.memory_space<hbm>> -> memref<3248xf32, #tpu.memory_space<hbm>>
      %dma_wait3A_1307 = arith.constant 0 : i32
      %dma_wait3A_1308 = tpu.memref_slice %arg2[%dma_wait3A_1307] : memref<25000000xf32, #tpu.memory_space<hbm>> -> memref<3248xf32, #tpu.memory_space<hbm>>
      tpu.wait_dma2 semaphore(%arg47 : memref<!tpu.dma_semaphore, #tpu.memory_space<semaphore_mem>>) src(%dma_wait3A_1308 : memref<3248xf32, #tpu.memory_space<hbm>>) dst(%arg21 : memref<3248xf32, #tpu.memory_space<vmem>>)
      %dma_wait3A_1309 = arith.constant 0 : i32
      %dma_wait3A_1310 = tpu.memref_slice %arg2[%dma_wait3A_1309] : memref<25000000xf32, #tpu.memory_space<hbm>> -> memref<3248xf32, #tpu.memory_space<hbm>>
      %dma_wait3A_1311 = arith.constant 0 : i32
      %dma_wait3A_1312 = tpu.memref_slice %arg2[%dma_wait3A_1311] : memref<25000000xf32, #tpu.memory_space<hbm>> -> memref<3248xf32, #tpu.memory_space<hbm>>
      tpu.wait_dma2 semaphore(%arg47 : memref<!tpu.dma_semaphore, #tpu.memory_space<semaphore_mem>>) src(%dma_wait3A_1312 : memref<3248xf32, #tpu.memory_space<hbm>>) dst(%arg22 : memref<3248xf32, #tpu.memory_space<vmem>>)
      %dma_wait3A_1313 = arith.constant 0 : i32
      %dma_wait3A_1314 = tpu.memref_slice %arg2[%dma_wait3A_1313] : memref<25000000xf32, #tpu.memory_space<hbm>> -> memref<3248xf32, #tpu.memory_space<hbm>>
      %dma_wait3A_1315 = arith.constant 0 : i32
      %dma_wait3A_1316 = tpu.memref_slice %arg2[%dma_wait3A_1315] : memref<25000000xf32, #tpu.memory_space<hbm>> -> memref<3248xf32, #tpu.memory_space<hbm>>
      tpu.wait_dma2 semaphore(%arg47 : memref<!tpu.dma_semaphore, #tpu.memory_space<semaphore_mem>>) src(%dma_wait3A_1316 : memref<3248xf32, #tpu.memory_space<hbm>>) dst(%arg23 : memref<3248xf32, #tpu.memory_space<vmem>>)
      %dma_wait3A_1317 = arith.constant 0 : i32
      %dma_wait3A_1318 = tpu.memref_slice %arg2[%dma_wait3A_1317] : memref<25000000xf32, #tpu.memory_space<hbm>> -> memref<3248xf32, #tpu.memory_space<hbm>>
      %dma_wait3A_1319 = arith.constant 0 : i32
      %dma_wait3A_1320 = tpu.memref_slice %arg2[%dma_wait3A_1319] : memref<25000000xf32, #tpu.memory_space<hbm>> -> memref<3248xf32, #tpu.memory_space<hbm>>
      tpu.wait_dma2 semaphore(%arg47 : memref<!tpu.dma_semaphore, #tpu.memory_space<semaphore_mem>>) src(%dma_wait3A_1320 : memref<3248xf32, #tpu.memory_space<hbm>>) dst(%arg24 : memref<3248xf32, #tpu.memory_space<vmem>>)
      %dma_wait3A_1321 = arith.constant 0 : i32
      %dma_wait3A_1322 = tpu.memref_slice %arg2[%dma_wait3A_1321] : memref<25000000xf32, #tpu.memory_space<hbm>> -> memref<3248xf32, #tpu.memory_space<hbm>>
      %dma_wait3A_1323 = arith.constant 0 : i32
      %dma_wait3A_1324 = tpu.memref_slice %arg2[%dma_wait3A_1323] : memref<25000000xf32, #tpu.memory_space<hbm>> -> memref<3248xf32, #tpu.memory_space<hbm>>
      tpu.wait_dma2 semaphore(%arg47 : memref<!tpu.dma_semaphore, #tpu.memory_space<semaphore_mem>>) src(%dma_wait3A_1324 : memref<3248xf32, #tpu.memory_space<hbm>>) dst(%arg25 : memref<3248xf32, #tpu.memory_space<vmem>>)
      %dma_wait3A_1325 = arith.constant 0 : i32
      %dma_wait3A_1326 = tpu.memref_slice %arg2[%dma_wait3A_1325] : memref<25000000xf32, #tpu.memory_space<hbm>> -> memref<3248xf32, #tpu.memory_space<hbm>>
      %dma_wait3A_1327 = arith.constant 0 : i32
      %dma_wait3A_1328 = tpu.memref_slice %arg2[%dma_wait3A_1327] : memref<25000000xf32, #tpu.memory_space<hbm>> -> memref<3248xf32, #tpu.memory_space<hbm>>
      tpu.wait_dma2 semaphore(%arg47 : memref<!tpu.dma_semaphore, #tpu.memory_space<semaphore_mem>>) src(%dma_wait3A_1328 : memref<3248xf32, #tpu.memory_space<hbm>>) dst(%arg26 : memref<3248xf32, #tpu.memory_space<vmem>>)
      %dma_wait3A_1329 = arith.constant 0 : i32
      %dma_wait3A_1330 = tpu.memref_slice %arg2[%dma_wait3A_1329] : memref<25000000xf32, #tpu.memory_space<hbm>> -> memref<3248xf32, #tpu.memory_space<hbm>>
      %dma_wait3A_1331 = arith.constant 0 : i32
      %dma_wait3A_1332 = tpu.memref_slice %arg2[%dma_wait3A_1331] : memref<25000000xf32, #tpu.memory_space<hbm>> -> memref<3248xf32, #tpu.memory_space<hbm>>
      tpu.wait_dma2 semaphore(%arg47 : memref<!tpu.dma_semaphore, #tpu.memory_space<semaphore_mem>>) src(%dma_wait3A_1332 : memref<3248xf32, #tpu.memory_space<hbm>>) dst(%arg27 : memref<3248xf32, #tpu.memory_space<vmem>>)
      %add3A_1333 = arith.constant 0 : i32
      %add3A_1334 = arith.addi %mul3A_642, %add3A_1333 : i32
      %get3A_1335 = arith.index_cast %add3A_1334 : i32 to index
      %get3A_1336 = tpu.vector_load %arg9[%get3A_1335] {strides = array<i32>} : memref<272xi32, #tpu.memory_space<vmem>>, vector<16xi32>,
      %get3A_1337 = vector.shape_cast %get3A_1336 : vector<16xi32> to vector<16xi32>
      %slice3A_1338 = vector.extract_strided_slice %get3A_1337 {offsets = [0], sizes = [1], strides = [1]} : vector<16xi32> to vector<1xi32>
      %squeeze3A_1339 = vector.extract %slice3A_1338[0] : i32 from vector<1xi32>
      %add3A_1340 = arith.addi %squeeze3A_1339, %min3A_3 : i32
      %jit3A_1341 = arith.constant 16 : i32
      %div3A_1342 = arith.divsi %add3A_1340, %jit3A_1341 : i32
      %sign3A_1343 = arith.constant 0 : i32
      %sign3A_1344 = arith.cmpi sgt, %add3A_1340, %sign3A_1343 : i32
      %sign3A_1345 = arith.extui %sign3A_1344 : i1 to i32
      %sign3A_1346 = arith.constant 0 : i32
      %sign3A_1347 = arith.cmpi slt, %add3A_1340, %sign3A_1346 : i32
      %sign3A_1348 = arith.extui %sign3A_1347 : i1 to i32
      %sign3A_1349 = arith.subi %sign3A_1345, %sign3A_1348 : i32
      %sign3A_1350 = arith.constant 0 : i32
      %sign3A_1351 = arith.cmpi sgt, %jit3A_1341, %sign3A_1350 : i32
      %sign3A_1352 = arith.extui %sign3A_1351 : i1 to i32
      %sign3A_1353 = arith.constant 0 : i32
      %sign3A_1354 = arith.cmpi slt, %jit3A_1341, %sign3A_1353 : i32
      %sign3A_1355 = arith.extui %sign3A_1354 : i1 to i32
      %sign3A_1356 = arith.subi %sign3A_1352, %sign3A_1355 : i32
      %ne3A_1357 = arith.cmpi ne, %sign3A_1349, %sign3A_1356 : i32
      %rem3A_1358 = arith.remsi %add3A_1340, %jit3A_1341 : i32
      %ne3A_1359 = arith.constant 0 : i32
      %ne3A_1360 = arith.cmpi ne, %rem3A_1358, %ne3A_1359 : i32
      %and3A_1361 = arith.andi %ne3A_1357, %ne3A_1360 : i1
      %sub3A_1362 = arith.constant 1 : i32
      %sub3A_1363 = arith.subi %div3A_1342, %sub3A_1362 : i32
      %select_n3A_1364 = arith.select %and3A_1361, %sub3A_1363, %div3A_1342 : i32
      %mul3A_1365 = arith.constant 16 : i32
      %mul3A_1366 = arith.muli %select_n3A_1364, %mul3A_1365 : i32
      %min3A_1367 = arith.constant 24996752 : i32
      %min3A_1368 = arith.minsi %mul3A_1366, %min3A_1367 : i32
      %sub3A_1369 = arith.subi %add3A_1340, %min3A_1368 : i32
      %add3A_1370 = arith.constant 0 : i32
      %add3A_1371 = arith.addi %mul3A_642, %add3A_1370 : i32
      %get3A_1372 = arith.index_cast %add3A_1371 : i32 to index
      %get3A_1373 = tpu.vector_load %arg10[%get3A_1372] {strides = array<i32>} : memref<272xf32, #tpu.memory_space<vmem>>, vector<16xf32>,
      %get3A_1374 = vector.shape_cast %get3A_1373 : vector<16xf32> to vector<16xf32>
      %slice3A_1375 = vector.extract_strided_slice %get3A_1374 {offsets = [0], sizes = [1], strides = [1]} : vector<16xf32> to vector<1xf32>
      %squeeze3A_1376 = vector.extract %slice3A_1375[0] : f32 from vector<1xf32>
      %add3A_1377 = arith.constant 1 : i32
      %add3A_1378 = arith.addi %mul3A_642, %add3A_1377 : i32
      %get3A_1379 = arith.index_cast %add3A_1378 : i32 to index
      %get3A_1380 = tpu.vector_load %arg9[%get3A_1379] {strides = array<i32>} : memref<272xi32, #tpu.memory_space<vmem>>, vector<16xi32>,
      %get3A_1381 = vector.shape_cast %get3A_1380 : vector<16xi32> to vector<16xi32>
      %slice3A_1382 = vector.extract_strided_slice %get3A_1381 {offsets = [0], sizes = [1], strides = [1]} : vector<16xi32> to vector<1xi32>
      %squeeze3A_1383 = vector.extract %slice3A_1382[0] : i32 from vector<1xi32>
      %add3A_1384 = arith.addi %squeeze3A_1383, %min3A_3 : i32
      %jit3A_1385 = arith.constant 16 : i32
      %div3A_1386 = arith.divsi %add3A_1384, %jit3A_1385 : i32
      %sign3A_1387 = arith.constant 0 : i32
      %sign3A_1388 = arith.cmpi sgt, %add3A_1384, %sign3A_1387 : i32
      %sign3A_1389 = arith.extui %sign3A_1388 : i1 to i32
      %sign3A_1390 = arith.constant 0 : i32
      %sign3A_1391 = arith.cmpi slt, %add3A_1384, %sign3A_1390 : i32
      %sign3A_1392 = arith.extui %sign3A_1391 : i1 to i32
      %sign3A_1393 = arith.subi %sign3A_1389, %sign3A_1392 : i32
      %sign3A_1394 = arith.constant 0 : i32
      %sign3A_1395 = arith.cmpi sgt, %jit3A_1385, %sign3A_1394 : i32
      %sign3A_1396 = arith.extui %sign3A_1395 : i1 to i32
      %sign3A_1397 = arith.constant 0 : i32
      %sign3A_1398 = arith.cmpi slt, %jit3A_1385, %sign3A_1397 : i32
      %sign3A_1399 = arith.extui %sign3A_1398 : i1 to i32
      %sign3A_1400 = arith.subi %sign3A_1396, %sign3A_1399 : i32
      %ne3A_1401 = arith.cmpi ne, %sign3A_1393, %sign3A_1400 : i32
      %rem3A_1402 = arith.remsi %add3A_1384, %jit3A_1385 : i32
      %ne3A_1403 = arith.constant 0 : i32
      %ne3A_1404 = arith.cmpi ne, %rem3A_1402, %ne3A_1403 : i32
      %and3A_1405 = arith.andi %ne3A_1401, %ne3A_1404 : i1
      %sub3A_1406 = arith.constant 1 : i32
      %sub3A_1407 = arith.subi %div3A_1386, %sub3A_1406 : i32
      %select_n3A_1408 = arith.select %and3A_1405, %sub3A_1407, %div3A_1386 : i32
      %mul3A_1409 = arith.constant 16 : i32
      %mul3A_1410 = arith.muli %select_n3A_1408, %mul3A_1409 : i32
      %min3A_1411 = arith.constant 24996752 : i32
      %min3A_1412 = arith.minsi %mul3A_1410, %min3A_1411 : i32
      %sub3A_1413 = arith.subi %add3A_1384, %min3A_1412 : i32
      %add3A_1414 = arith.constant 1 : i32
      %add3A_1415 = arith.addi %mul3A_642, %add3A_1414 : i32
      %get3A_1416 = arith.index_cast %add3A_1415 : i32 to index
      %get3A_1417 = tpu.vector_load %arg10[%get3A_1416] {strides = array<i32>} : memref<272xf32, #tpu.memory_space<vmem>>, vector<16xf32>,
      %get3A_1418 = vector.shape_cast %get3A_1417 : vector<16xf32> to vector<16xf32>
      %slice3A_1419 = vector.extract_strided_slice %get3A_1418 {offsets = [0], sizes = [1], strides = [1]} : vector<16xf32> to vector<1xf32>
      %squeeze3A_1420 = vector.extract %slice3A_1419[0] : f32 from vector<1xf32>
      %add3A_1421 = arith.constant 2 : i32
      %add3A_1422 = arith.addi %mul3A_642, %add3A_1421 : i32
      %get3A_1423 = arith.index_cast %add3A_1422 : i32 to index
      %get3A_1424 = tpu.vector_load %arg9[%get3A_1423] {strides = array<i32>} : memref<272xi32, #tpu.memory_space<vmem>>, vector<16xi32>,
      %get3A_1425 = vector.shape_cast %get3A_1424 : vector<16xi32> to vector<16xi32>
      %slice3A_1426 = vector.extract_strided_slice %get3A_1425 {offsets = [0], sizes = [1], strides = [1]} : vector<16xi32> to vector<1xi32>
      %squeeze3A_1427 = vector.extract %slice3A_1426[0] : i32 from vector<1xi32>
      %add3A_1428 = arith.addi %squeeze3A_1427, %min3A_3 : i32
      %jit3A_1429 = arith.constant 16 : i32
      %div3A_1430 = arith.divsi %add3A_1428, %jit3A_1429 : i32
      %sign3A_1431 = arith.constant 0 : i32
      %sign3A_1432 = arith.cmpi sgt, %add3A_1428, %sign3A_1431 : i32
      %sign3A_1433 = arith.extui %sign3A_1432 : i1 to i32
      %sign3A_1434 = arith.constant 0 : i32
      %sign3A_1435 = arith.cmpi slt, %add3A_1428, %sign3A_1434 : i32
      %sign3A_1436 = arith.extui %sign3A_1435 : i1 to i32
      %sign3A_1437 = arith.subi %sign3A_1433, %sign3A_1436 : i32
      %sign3A_1438 = arith.constant 0 : i32
      %sign3A_1439 = arith.cmpi sgt, %jit3A_1429, %sign3A_1438 : i32
      %sign3A_1440 = arith.extui %sign3A_1439 : i1 to i32
      %sign3A_1441 = arith.constant 0 : i32
      %sign3A_1442 = arith.cmpi slt, %jit3A_1429, %sign3A_1441 : i32
      %sign3A_1443 = arith.extui %sign3A_1442 : i1 to i32
      %sign3A_1444 = arith.subi %sign3A_1440, %sign3A_1443 : i32
      %ne3A_1445 = arith.cmpi ne, %sign3A_1437, %sign3A_1444 : i32
      %rem3A_1446 = arith.remsi %add3A_1428, %jit3A_1429 : i32
      %ne3A_1447 = arith.constant 0 : i32
      %ne3A_1448 = arith.cmpi ne, %rem3A_1446, %ne3A_1447 : i32
      %and3A_1449 = arith.andi %ne3A_1445, %ne3A_1448 : i1
      %sub3A_1450 = arith.constant 1 : i32
      %sub3A_1451 = arith.subi %div3A_1430, %sub3A_1450 : i32
      %select_n3A_1452 = arith.select %and3A_1449, %sub3A_1451, %div3A_1430 : i32
      %mul3A_1453 = arith.constant 16 : i32
      %mul3A_1454 = arith.muli %select_n3A_1452, %mul3A_1453 : i32
      %min3A_1455 = arith.constant 24996752 : i32
      %min3A_1456 = arith.minsi %mul3A_1454, %min3A_1455 : i32
      %sub3A_1457 = arith.subi %add3A_1428, %min3A_1456 : i32
      %add3A_1458 = arith.constant 2 : i32
      %add3A_1459 = arith.addi %mul3A_642, %add3A_1458 : i32
      %get3A_1460 = arith.index_cast %add3A_1459 : i32 to index
      %get3A_1461 = tpu.vector_load %arg10[%get3A_1460] {strides = array<i32>} : memref<272xf32, #tpu.memory_space<vmem>>, vector<16xf32>,
      %get3A_1462 = vector.shape_cast %get3A_1461 : vector<16xf32> to vector<16xf32>
      %slice3A_1463 = vector.extract_strided_slice %get3A_1462 {offsets = [0], sizes = [1], strides = [1]} : vector<16xf32> to vector<1xf32>
      %squeeze3A_1464 = vector.extract %slice3A_1463[0] : f32 from vector<1xf32>
      %add3A_1465 = arith.constant 3 : i32
      %add3A_1466 = arith.addi %mul3A_642, %add3A_1465 : i32
      %get3A_1467 = arith.index_cast %add3A_1466 : i32 to index
      %get3A_1468 = tpu.vector_load %arg9[%get3A_1467] {strides = array<i32>} : memref<272xi32, #tpu.memory_space<vmem>>, vector<16xi32>,
      %get3A_1469 = vector.shape_cast %get3A_1468 : vector<16xi32> to vector<16xi32>
      %slice3A_1470 = vector.extract_strided_slice %get3A_1469 {offsets = [0], sizes = [1], strides = [1]} : vector<16xi32> to vector<1xi32>
      %squeeze3A_1471 = vector.extract %slice3A_1470[0] : i32 from vector<1xi32>
      %add3A_1472 = arith.addi %squeeze3A_1471, %min3A_3 : i32
      %jit3A_1473 = arith.constant 16 : i32
      %div3A_1474 = arith.divsi %add3A_1472, %jit3A_1473 : i32
      %sign3A_1475 = arith.constant 0 : i32
      %sign3A_1476 = arith.cmpi sgt, %add3A_1472, %sign3A_1475 : i32
      %sign3A_1477 = arith.extui %sign3A_1476 : i1 to i32
      %sign3A_1478 = arith.constant 0 : i32
      %sign3A_1479 = arith.cmpi slt, %add3A_1472, %sign3A_1478 : i32
      %sign3A_1480 = arith.extui %sign3A_1479 : i1 to i32
      %sign3A_1481 = arith.subi %sign3A_1477, %sign3A_1480 : i32
      %sign3A_1482 = arith.constant 0 : i32
      %sign3A_1483 = arith.cmpi sgt, %jit3A_1473, %sign3A_1482 : i32
      %sign3A_1484 = arith.extui %sign3A_1483 : i1 to i32
      %sign3A_1485 = arith.constant 0 : i32
      %sign3A_1486 = arith.cmpi slt, %jit3A_1473, %sign3A_1485 : i32
      %sign3A_1487 = arith.extui %sign3A_1486 : i1 to i32
      %sign3A_1488 = arith.subi %sign3A_1484, %sign3A_1487 : i32
      %ne3A_1489 = arith.cmpi ne, %sign3A_1481, %sign3A_1488 : i32
      %rem3A_1490 = arith.remsi %add3A_1472, %jit3A_1473 : i32
      %ne3A_1491 = arith.constant 0 : i32
      %ne3A_1492 = arith.cmpi ne, %rem3A_1490, %ne3A_1491 : i32
      %and3A_1493 = arith.andi %ne3A_1489, %ne3A_1492 : i1
      %sub3A_1494 = arith.constant 1 : i32
      %sub3A_1495 = arith.subi %div3A_1474, %sub3A_1494 : i32
      %select_n3A_1496 = arith.select %and3A_1493, %sub3A_1495, %div3A_1474 : i32
      %mul3A_1497 = arith.constant 16 : i32
      %mul3A_1498 = arith.muli %select_n3A_1496, %mul3A_1497 : i32
      %min3A_1499 = arith.constant 24996752 : i32
      %min3A_1500 = arith.minsi %mul3A_1498, %min3A_1499 : i32
      %sub3A_1501 = arith.subi %add3A_1472, %min3A_1500 : i32
      %add3A_1502 = arith.constant 3 : i32
      %add3A_1503 = arith.addi %mul3A_642, %add3A_1502 : i32
      %get3A_1504 = arith.index_cast %add3A_1503 : i32 to index
      %get3A_1505 = tpu.vector_load %arg10[%get3A_1504] {strides = array<i32>} : memref<272xf32, #tpu.memory_space<vmem>>, vector<16xf32>,
      %get3A_1506 = vector.shape_cast %get3A_1505 : vector<16xf32> to vector<16xf32>
      %slice3A_1507 = vector.extract_strided_slice %get3A_1506 {offsets = [0], sizes = [1], strides = [1]} : vector<16xf32> to vector<1xf32>
      %squeeze3A_1508 = vector.extract %slice3A_1507[0] : f32 from vector<1xf32>
      %add3A_1509 = arith.constant 4 : i32
      %add3A_1510 = arith.addi %mul3A_642, %add3A_1509 : i32
      %get3A_1511 = arith.index_cast %add3A_1510 : i32 to index
      %get3A_1512 = tpu.vector_load %arg9[%get3A_1511] {strides = array<i32>} : memref<272xi32, #tpu.memory_space<vmem>>, vector<16xi32>,
      %get3A_1513 = vector.shape_cast %get3A_1512 : vector<16xi32> to vector<16xi32>
      %slice3A_1514 = vector.extract_strided_slice %get3A_1513 {offsets = [0], sizes = [1], strides = [1]} : vector<16xi32> to vector<1xi32>
      %squeeze3A_1515 = vector.extract %slice3A_1514[0] : i32 from vector<1xi32>
      %add3A_1516 = arith.addi %squeeze3A_1515, %min3A_3 : i32
      %jit3A_1517 = arith.constant 16 : i32
      %div3A_1518 = arith.divsi %add3A_1516, %jit3A_1517 : i32
      %sign3A_1519 = arith.constant 0 : i32
      %sign3A_1520 = arith.cmpi sgt, %add3A_1516, %sign3A_1519 : i32
      %sign3A_1521 = arith.extui %sign3A_1520 : i1 to i32
      %sign3A_1522 = arith.constant 0 : i32
      %sign3A_1523 = arith.cmpi slt, %add3A_1516, %sign3A_1522 : i32
      %sign3A_1524 = arith.extui %sign3A_1523 : i1 to i32
      %sign3A_1525 = arith.subi %sign3A_1521, %sign3A_1524 : i32
      %sign3A_1526 = arith.constant 0 : i32
      %sign3A_1527 = arith.cmpi sgt, %jit3A_1517, %sign3A_1526 : i32
      %sign3A_1528 = arith.extui %sign3A_1527 : i1 to i32
      %sign3A_1529 = arith.constant 0 : i32
      %sign3A_1530 = arith.cmpi slt, %jit3A_1517, %sign3A_1529 : i32
      %sign3A_1531 = arith.extui %sign3A_1530 : i1 to i32
      %sign3A_1532 = arith.subi %sign3A_1528, %sign3A_1531 : i32
      %ne3A_1533 = arith.cmpi ne, %sign3A_1525, %sign3A_1532 : i32
      %rem3A_1534 = arith.remsi %add3A_1516, %jit3A_1517 : i32
      %ne3A_1535 = arith.constant 0 : i32
      %ne3A_1536 = arith.cmpi ne, %rem3A_1534, %ne3A_1535 : i32
      %and3A_1537 = arith.andi %ne3A_1533, %ne3A_1536 : i1
      %sub3A_1538 = arith.constant 1 : i32
      %sub3A_1539 = arith.subi %div3A_1518, %sub3A_1538 : i32
      %select_n3A_1540 = arith.select %and3A_1537, %sub3A_1539, %div3A_1518 : i32
      %mul3A_1541 = arith.constant 16 : i32
      %mul3A_1542 = arith.muli %select_n3A_1540, %mul3A_1541 : i32
      %min3A_1543 = arith.constant 24996752 : i32
      %min3A_1544 = arith.minsi %mul3A_1542, %min3A_1543 : i32
      %sub3A_1545 = arith.subi %add3A_1516, %min3A_1544 : i32
      %add3A_1546 = arith.constant 4 : i32
      %add3A_1547 = arith.addi %mul3A_642, %add3A_1546 : i32
      %get3A_1548 = arith.index_cast %add3A_1547 : i32 to index
      %get3A_1549 = tpu.vector_load %arg10[%get3A_1548] {strides = array<i32>} : memref<272xf32, #tpu.memory_space<vmem>>, vector<16xf32>,
      %get3A_1550 = vector.shape_cast %get3A_1549 : vector<16xf32> to vector<16xf32>
      %slice3A_1551 = vector.extract_strided_slice %get3A_1550 {offsets = [0], sizes = [1], strides = [1]} : vector<16xf32> to vector<1xf32>
      %squeeze3A_1552 = vector.extract %slice3A_1551[0] : f32 from vector<1xf32>
      %add3A_1553 = arith.constant 5 : i32
      %add3A_1554 = arith.addi %mul3A_642, %add3A_1553 : i32
      %get3A_1555 = arith.index_cast %add3A_1554 : i32 to index
      %get3A_1556 = tpu.vector_load %arg9[%get3A_1555] {strides = array<i32>} : memref<272xi32, #tpu.memory_space<vmem>>, vector<16xi32>,
      %get3A_1557 = vector.shape_cast %get3A_1556 : vector<16xi32> to vector<16xi32>
      %slice3A_1558 = vector.extract_strided_slice %get3A_1557 {offsets = [0], sizes = [1], strides = [1]} : vector<16xi32> to vector<1xi32>
      %squeeze3A_1559 = vector.extract %slice3A_1558[0] : i32 from vector<1xi32>
      %add3A_1560 = arith.addi %squeeze3A_1559, %min3A_3 : i32
      %jit3A_1561 = arith.constant 16 : i32
      %div3A_1562 = arith.divsi %add3A_1560, %jit3A_1561 : i32
      %sign3A_1563 = arith.constant 0 : i32
      %sign3A_1564 = arith.cmpi sgt, %add3A_1560, %sign3A_1563 : i32
      %sign3A_1565 = arith.extui %sign3A_1564 : i1 to i32
      %sign3A_1566 = arith.constant 0 : i32
      %sign3A_1567 = arith.cmpi slt, %add3A_1560, %sign3A_1566 : i32
      %sign3A_1568 = arith.extui %sign3A_1567 : i1 to i32
      %sign3A_1569 = arith.subi %sign3A_1565, %sign3A_1568 : i32
      %sign3A_1570 = arith.constant 0 : i32
      %sign3A_1571 = arith.cmpi sgt, %jit3A_1561, %sign3A_1570 : i32
      %sign3A_1572 = arith.extui %sign3A_1571 : i1 to i32
      %sign3A_1573 = arith.constant 0 : i32
      %sign3A_1574 = arith.cmpi slt, %jit3A_1561, %sign3A_1573 : i32
      %sign3A_1575 = arith.extui %sign3A_1574 : i1 to i32
      %sign3A_1576 = arith.subi %sign3A_1572, %sign3A_1575 : i32
      %ne3A_1577 = arith.cmpi ne, %sign3A_1569, %sign3A_1576 : i32
      %rem3A_1578 = arith.remsi %add3A_1560, %jit3A_1561 : i32
      %ne3A_1579 = arith.constant 0 : i32
      %ne3A_1580 = arith.cmpi ne, %rem3A_1578, %ne3A_1579 : i32
      %and3A_1581 = arith.andi %ne3A_1577, %ne3A_1580 : i1
      %sub3A_1582 = arith.constant 1 : i32
      %sub3A_1583 = arith.subi %div3A_1562, %sub3A_1582 : i32
      %select_n3A_1584 = arith.select %and3A_1581, %sub3A_1583, %div3A_1562 : i32
      %mul3A_1585 = arith.constant 16 : i32
      %mul3A_1586 = arith.muli %select_n3A_1584, %mul3A_1585 : i32
      %min3A_1587 = arith.constant 24996752 : i32
      %min3A_1588 = arith.minsi %mul3A_1586, %min3A_1587 : i32
      %sub3A_1589 = arith.subi %add3A_1560, %min3A_1588 : i32
      %add3A_1590 = arith.constant 5 : i32
      %add3A_1591 = arith.addi %mul3A_642, %add3A_1590 : i32
      %get3A_1592 = arith.index_cast %add3A_1591 : i32 to index
      %get3A_1593 = tpu.vector_load %arg10[%get3A_1592] {strides = array<i32>} : memref<272xf32, #tpu.memory_space<vmem>>, vector<16xf32>,
      %get3A_1594 = vector.shape_cast %get3A_1593 : vector<16xf32> to vector<16xf32>
      %slice3A_1595 = vector.extract_strided_slice %get3A_1594 {offsets = [0], sizes = [1], strides = [1]} : vector<16xf32> to vector<1xf32>
      %squeeze3A_1596 = vector.extract %slice3A_1595[0] : f32 from vector<1xf32>
      %add3A_1597 = arith.constant 6 : i32
      %add3A_1598 = arith.addi %mul3A_642, %add3A_1597 : i32
      %get3A_1599 = arith.index_cast %add3A_1598 : i32 to index
      %get3A_1600 = tpu.vector_load %arg9[%get3A_1599] {strides = array<i32>} : memref<272xi32, #tpu.memory_space<vmem>>, vector<16xi32>,
      %get3A_1601 = vector.shape_cast %get3A_1600 : vector<16xi32> to vector<16xi32>
      %slice3A_1602 = vector.extract_strided_slice %get3A_1601 {offsets = [0], sizes = [1], strides = [1]} : vector<16xi32> to vector<1xi32>
      %squeeze3A_1603 = vector.extract %slice3A_1602[0] : i32 from vector<1xi32>
      %add3A_1604 = arith.addi %squeeze3A_1603, %min3A_3 : i32
      %jit3A_1605 = arith.constant 16 : i32
      %div3A_1606 = arith.divsi %add3A_1604, %jit3A_1605 : i32
      %sign3A_1607 = arith.constant 0 : i32
      %sign3A_1608 = arith.cmpi sgt, %add3A_1604, %sign3A_1607 : i32
      %sign3A_1609 = arith.extui %sign3A_1608 : i1 to i32
      %sign3A_1610 = arith.constant 0 : i32
      %sign3A_1611 = arith.cmpi slt, %add3A_1604, %sign3A_1610 : i32
      %sign3A_1612 = arith.extui %sign3A_1611 : i1 to i32
      %sign3A_1613 = arith.subi %sign3A_1609, %sign3A_1612 : i32
      %sign3A_1614 = arith.constant 0 : i32
      %sign3A_1615 = arith.cmpi sgt, %jit3A_1605, %sign3A_1614 : i32
      %sign3A_1616 = arith.extui %sign3A_1615 : i1 to i32
      %sign3A_1617 = arith.constant 0 : i32
      %sign3A_1618 = arith.cmpi slt, %jit3A_1605, %sign3A_1617 : i32
      %sign3A_1619 = arith.extui %sign3A_1618 : i1 to i32
      %sign3A_1620 = arith.subi %sign3A_1616, %sign3A_1619 : i32
      %ne3A_1621 = arith.cmpi ne, %sign3A_1613, %sign3A_1620 : i32
      %rem3A_1622 = arith.remsi %add3A_1604, %jit3A_1605 : i32
      %ne3A_1623 = arith.constant 0 : i32
      %ne3A_1624 = arith.cmpi ne, %rem3A_1622, %ne3A_1623 : i32
      %and3A_1625 = arith.andi %ne3A_1621, %ne3A_1624 : i1
      %sub3A_1626 = arith.constant 1 : i32
      %sub3A_1627 = arith.subi %div3A_1606, %sub3A_1626 : i32
      %select_n3A_1628 = arith.select %and3A_1625, %sub3A_1627, %div3A_1606 : i32
      %mul3A_1629 = arith.constant 16 : i32
      %mul3A_1630 = arith.muli %select_n3A_1628, %mul3A_1629 : i32
      %min3A_1631 = arith.constant 24996752 : i32
      %min3A_1632 = arith.minsi %mul3A_1630, %min3A_1631 : i32
      %sub3A_1633 = arith.subi %add3A_1604, %min3A_1632 : i32
      %add3A_1634 = arith.constant 6 : i32
      %add3A_1635 = arith.addi %mul3A_642, %add3A_1634 : i32
      %get3A_1636 = arith.index_cast %add3A_1635 : i32 to index
      %get3A_1637 = tpu.vector_load %arg10[%get3A_1636] {strides = array<i32>} : memref<272xf32, #tpu.memory_space<vmem>>, vector<16xf32>,
      %get3A_1638 = vector.shape_cast %get3A_1637 : vector<16xf32> to vector<16xf32>
      %slice3A_1639 = vector.extract_strided_slice %get3A_1638 {offsets = [0], sizes = [1], strides = [1]} : vector<16xf32> to vector<1xf32>
      %squeeze3A_1640 = vector.extract %slice3A_1639[0] : f32 from vector<1xf32>
      %add3A_1641 = arith.constant 7 : i32
      %add3A_1642 = arith.addi %mul3A_642, %add3A_1641 : i32
      %get3A_1643 = arith.index_cast %add3A_1642 : i32 to index
      %get3A_1644 = tpu.vector_load %arg9[%get3A_1643] {strides = array<i32>} : memref<272xi32, #tpu.memory_space<vmem>>, vector<16xi32>,
      %get3A_1645 = vector.shape_cast %get3A_1644 : vector<16xi32> to vector<16xi32>
      %slice3A_1646 = vector.extract_strided_slice %get3A_1645 {offsets = [0], sizes = [1], strides = [1]} : vector<16xi32> to vector<1xi32>
      %squeeze3A_1647 = vector.extract %slice3A_1646[0] : i32 from vector<1xi32>
      %add3A_1648 = arith.addi %squeeze3A_1647, %min3A_3 : i32
      %jit3A_1649 = arith.constant 16 : i32
      %div3A_1650 = arith.divsi %add3A_1648, %jit3A_1649 : i32
      %sign3A_1651 = arith.constant 0 : i32
      %sign3A_1652 = arith.cmpi sgt, %add3A_1648, %sign3A_1651 : i32
      %sign3A_1653 = arith.extui %sign3A_1652 : i1 to i32
      %sign3A_1654 = arith.constant 0 : i32
      %sign3A_1655 = arith.cmpi slt, %add3A_1648, %sign3A_1654 : i32
      %sign3A_1656 = arith.extui %sign3A_1655 : i1 to i32
      %sign3A_1657 = arith.subi %sign3A_1653, %sign3A_1656 : i32
      %sign3A_1658 = arith.constant 0 : i32
      %sign3A_1659 = arith.cmpi sgt, %jit3A_1649, %sign3A_1658 : i32
      %sign3A_1660 = arith.extui %sign3A_1659 : i1 to i32
      %sign3A_1661 = arith.constant 0 : i32
      %sign3A_1662 = arith.cmpi slt, %jit3A_1649, %sign3A_1661 : i32
      %sign3A_1663 = arith.extui %sign3A_1662 : i1 to i32
      %sign3A_1664 = arith.subi %sign3A_1660, %sign3A_1663 : i32
      %ne3A_1665 = arith.cmpi ne, %sign3A_1657, %sign3A_1664 : i32
      %rem3A_1666 = arith.remsi %add3A_1648, %jit3A_1649 : i32
      %ne3A_1667 = arith.constant 0 : i32
      %ne3A_1668 = arith.cmpi ne, %rem3A_1666, %ne3A_1667 : i32
      %and3A_1669 = arith.andi %ne3A_1665, %ne3A_1668 : i1
      %sub3A_1670 = arith.constant 1 : i32
      %sub3A_1671 = arith.subi %div3A_1650, %sub3A_1670 : i32
      %select_n3A_1672 = arith.select %and3A_1669, %sub3A_1671, %div3A_1650 : i32
      %mul3A_1673 = arith.constant 16 : i32
      %mul3A_1674 = arith.muli %select_n3A_1672, %mul3A_1673 : i32
      %min3A_1675 = arith.constant 24996752 : i32
      %min3A_1676 = arith.minsi %mul3A_1674, %min3A_1675 : i32
      %sub3A_1677 = arith.subi %add3A_1648, %min3A_1676 : i32
      %add3A_1678 = arith.constant 7 : i32
      %add3A_1679 = arith.addi %mul3A_642, %add3A_1678 : i32
      %get3A_1680 = arith.index_cast %add3A_1679 : i32 to index
      %get3A_1681 = tpu.vector_load %arg10[%get3A_1680] {strides = array<i32>} : memref<272xf32, #tpu.memory_space<vmem>>, vector<16xf32>,
      %get3A_1682 = vector.shape_cast %get3A_1681 : vector<16xf32> to vector<16xf32>
      %slice3A_1683 = vector.extract_strided_slice %get3A_1682 {offsets = [0], sizes = [1], strides = [1]} : vector<16xf32> to vector<1xf32>
      %squeeze3A_1684 = vector.extract %slice3A_1683[0] : f32 from vector<1xf32>
      %add3A_1685 = arith.constant 8 : i32
      %add3A_1686 = arith.addi %mul3A_642, %add3A_1685 : i32
      %get3A_1687 = arith.index_cast %add3A_1686 : i32 to index
      %get3A_1688 = tpu.vector_load %arg9[%get3A_1687] {strides = array<i32>} : memref<272xi32, #tpu.memory_space<vmem>>, vector<16xi32>,
      %get3A_1689 = vector.shape_cast %get3A_1688 : vector<16xi32> to vector<16xi32>
      %slice3A_1690 = vector.extract_strided_slice %get3A_1689 {offsets = [0], sizes = [1], strides = [1]} : vector<16xi32> to vector<1xi32>
      %squeeze3A_1691 = vector.extract %slice3A_1690[0] : i32 from vector<1xi32>
      %add3A_1692 = arith.addi %squeeze3A_1691, %min3A_3 : i32
      %jit3A_1693 = arith.constant 16 : i32
      %div3A_1694 = arith.divsi %add3A_1692, %jit3A_1693 : i32
      %sign3A_1695 = arith.constant 0 : i32
      %sign3A_1696 = arith.cmpi sgt, %add3A_1692, %sign3A_1695 : i32
      %sign3A_1697 = arith.extui %sign3A_1696 : i1 to i32
      %sign3A_1698 = arith.constant 0 : i32
      %sign3A_1699 = arith.cmpi slt, %add3A_1692, %sign3A_1698 : i32
      %sign3A_1700 = arith.extui %sign3A_1699 : i1 to i32
      %sign3A_1701 = arith.subi %sign3A_1697, %sign3A_1700 : i32
      %sign3A_1702 = arith.constant 0 : i32
      %sign3A_1703 = arith.cmpi sgt, %jit3A_1693, %sign3A_1702 : i32
      %sign3A_1704 = arith.extui %sign3A_1703 : i1 to i32
      %sign3A_1705 = arith.constant 0 : i32
      %sign3A_1706 = arith.cmpi slt, %jit3A_1693, %sign3A_1705 : i32
      %sign3A_1707 = arith.extui %sign3A_1706 : i1 to i32
      %sign3A_1708 = arith.subi %sign3A_1704, %sign3A_1707 : i32
      %ne3A_1709 = arith.cmpi ne, %sign3A_1701, %sign3A_1708 : i32
      %rem3A_1710 = arith.remsi %add3A_1692, %jit3A_1693 : i32
      %ne3A_1711 = arith.constant 0 : i32
      %ne3A_1712 = arith.cmpi ne, %rem3A_1710, %ne3A_1711 : i32
      %and3A_1713 = arith.andi %ne3A_1709, %ne3A_1712 : i1
      %sub3A_1714 = arith.constant 1 : i32
      %sub3A_1715 = arith.subi %div3A_1694, %sub3A_1714 : i32
      %select_n3A_1716 = arith.select %and3A_1713, %sub3A_1715, %div3A_1694 : i32
      %mul3A_1717 = arith.constant 16 : i32
      %mul3A_1718 = arith.muli %select_n3A_1716, %mul3A_1717 : i32
      %min3A_1719 = arith.constant 24996752 : i32
      %min3A_1720 = arith.minsi %mul3A_1718, %min3A_1719 : i32
      %sub3A_1721 = arith.subi %add3A_1692, %min3A_1720 : i32
      %add3A_1722 = arith.constant 8 : i32
      %add3A_1723 = arith.addi %mul3A_642, %add3A_1722 : i32
      %get3A_1724 = arith.index_cast %add3A_1723 : i32 to index
      %get3A_1725 = tpu.vector_load %arg10[%get3A_1724] {strides = array<i32>} : memref<272xf32, #tpu.memory_space<vmem>>, vector<16xf32>,
      %get3A_1726 = vector.shape_cast %get3A_1725 : vector<16xf32> to vector<16xf32>
      %slice3A_1727 = vector.extract_strided_slice %get3A_1726 {offsets = [0], sizes = [1], strides = [1]} : vector<16xf32> to vector<1xf32>
      %squeeze3A_1728 = vector.extract %slice3A_1727[0] : f32 from vector<1xf32>
      %add3A_1729 = arith.constant 9 : i32
      %add3A_1730 = arith.addi %mul3A_642, %add3A_1729 : i32
      %get3A_1731 = arith.index_cast %add3A_1730 : i32 to index
      %get3A_1732 = tpu.vector_load %arg9[%get3A_1731] {strides = array<i32>} : memref<272xi32, #tpu.memory_space<vmem>>, vector<16xi32>,
      %get3A_1733 = vector.shape_cast %get3A_1732 : vector<16xi32> to vector<16xi32>
      %slice3A_1734 = vector.extract_strided_slice %get3A_1733 {offsets = [0], sizes = [1], strides = [1]} : vector<16xi32> to vector<1xi32>
      %squeeze3A_1735 = vector.extract %slice3A_1734[0] : i32 from vector<1xi32>
      %add3A_1736 = arith.addi %squeeze3A_1735, %min3A_3 : i32
      %jit3A_1737 = arith.constant 16 : i32
      %div3A_1738 = arith.divsi %add3A_1736, %jit3A_1737 : i32
      %sign3A_1739 = arith.constant 0 : i32
      %sign3A_1740 = arith.cmpi sgt, %add3A_1736, %sign3A_1739 : i32
      %sign3A_1741 = arith.extui %sign3A_1740 : i1 to i32
      %sign3A_1742 = arith.constant 0 : i32
      %sign3A_1743 = arith.cmpi slt, %add3A_1736, %sign3A_1742 : i32
      %sign3A_1744 = arith.extui %sign3A_1743 : i1 to i32
      %sign3A_1745 = arith.subi %sign3A_1741, %sign3A_1744 : i32
      %sign3A_1746 = arith.constant 0 : i32
      %sign3A_1747 = arith.cmpi sgt, %jit3A_1737, %sign3A_1746 : i32
      %sign3A_1748 = arith.extui %sign3A_1747 : i1 to i32
      %sign3A_1749 = arith.constant 0 : i32
      %sign3A_1750 = arith.cmpi slt, %jit3A_1737, %sign3A_1749 : i32
      %sign3A_1751 = arith.extui %sign3A_1750 : i1 to i32
      %sign3A_1752 = arith.subi %sign3A_1748, %sign3A_1751 : i32
      %ne3A_1753 = arith.cmpi ne, %sign3A_1745, %sign3A_1752 : i32
      %rem3A_1754 = arith.remsi %add3A_1736, %jit3A_1737 : i32
      %ne3A_1755 = arith.constant 0 : i32
      %ne3A_1756 = arith.cmpi ne, %rem3A_1754, %ne3A_1755 : i32
      %and3A_1757 = arith.andi %ne3A_1753, %ne3A_1756 : i1
      %sub3A_1758 = arith.constant 1 : i32
      %sub3A_1759 = arith.subi %div3A_1738, %sub3A_1758 : i32
      %select_n3A_1760 = arith.select %and3A_1757, %sub3A_1759, %div3A_1738 : i32
      %mul3A_1761 = arith.constant 16 : i32
      %mul3A_1762 = arith.muli %select_n3A_1760, %mul3A_1761 : i32
      %min3A_1763 = arith.constant 24996752 : i32
      %min3A_1764 = arith.minsi %mul3A_1762, %min3A_1763 : i32
      %sub3A_1765 = arith.subi %add3A_1736, %min3A_1764 : i32
      %add3A_1766 = arith.constant 9 : i32
      %add3A_1767 = arith.addi %mul3A_642, %add3A_1766 : i32
      %get3A_1768 = arith.index_cast %add3A_1767 : i32 to index
      %get3A_1769 = tpu.vector_load %arg10[%get3A_1768] {strides = array<i32>} : memref<272xf32, #tpu.memory_space<vmem>>, vector<16xf32>,
      %get3A_1770 = vector.shape_cast %get3A_1769 : vector<16xf32> to vector<16xf32>
      %slice3A_1771 = vector.extract_strided_slice %get3A_1770 {offsets = [0], sizes = [1], strides = [1]} : vector<16xf32> to vector<1xf32>
      %squeeze3A_1772 = vector.extract %slice3A_1771[0] : f32 from vector<1xf32>
      %add3A_1773 = arith.constant 10 : i32
      %add3A_1774 = arith.addi %mul3A_642, %add3A_1773 : i32
      %get3A_1775 = arith.index_cast %add3A_1774 : i32 to index
      %get3A_1776 = tpu.vector_load %arg9[%get3A_1775] {strides = array<i32>} : memref<272xi32, #tpu.memory_space<vmem>>, vector<16xi32>,
      %get3A_1777 = vector.shape_cast %get3A_1776 : vector<16xi32> to vector<16xi32>
      %slice3A_1778 = vector.extract_strided_slice %get3A_1777 {offsets = [0], sizes = [1], strides = [1]} : vector<16xi32> to vector<1xi32>
      %squeeze3A_1779 = vector.extract %slice3A_1778[0] : i32 from vector<1xi32>
      %add3A_1780 = arith.addi %squeeze3A_1779, %min3A_3 : i32
      %jit3A_1781 = arith.constant 16 : i32
      %div3A_1782 = arith.divsi %add3A_1780, %jit3A_1781 : i32
      %sign3A_1783 = arith.constant 0 : i32
      %sign3A_1784 = arith.cmpi sgt, %add3A_1780, %sign3A_1783 : i32
      %sign3A_1785 = arith.extui %sign3A_1784 : i1 to i32
      %sign3A_1786 = arith.constant 0 : i32
      %sign3A_1787 = arith.cmpi slt, %add3A_1780, %sign3A_1786 : i32
      %sign3A_1788 = arith.extui %sign3A_1787 : i1 to i32
      %sign3A_1789 = arith.subi %sign3A_1785, %sign3A_1788 : i32
      %sign3A_1790 = arith.constant 0 : i32
      %sign3A_1791 = arith.cmpi sgt, %jit3A_1781, %sign3A_1790 : i32
      %sign3A_1792 = arith.extui %sign3A_1791 : i1 to i32
      %sign3A_1793 = arith.constant 0 : i32
      %sign3A_1794 = arith.cmpi slt, %jit3A_1781, %sign3A_1793 : i32
      %sign3A_1795 = arith.extui %sign3A_1794 : i1 to i32
      %sign3A_1796 = arith.subi %sign3A_1792, %sign3A_1795 : i32
      %ne3A_1797 = arith.cmpi ne, %sign3A_1789, %sign3A_1796 : i32
      %rem3A_1798 = arith.remsi %add3A_1780, %jit3A_1781 : i32
      %ne3A_1799 = arith.constant 0 : i32
      %ne3A_1800 = arith.cmpi ne, %rem3A_1798, %ne3A_1799 : i32
      %and3A_1801 = arith.andi %ne3A_1797, %ne3A_1800 : i1
      %sub3A_1802 = arith.constant 1 : i32
      %sub3A_1803 = arith.subi %div3A_1782, %sub3A_1802 : i32
      %select_n3A_1804 = arith.select %and3A_1801, %sub3A_1803, %div3A_1782 : i32
      %mul3A_1805 = arith.constant 16 : i32
      %mul3A_1806 = arith.muli %select_n3A_1804, %mul3A_1805 : i32
      %min3A_1807 = arith.constant 24996752 : i32
      %min3A_1808 = arith.minsi %mul3A_1806, %min3A_1807 : i32
      %sub3A_1809 = arith.subi %add3A_1780, %min3A_1808 : i32
      %add3A_1810 = arith.constant 10 : i32
      %add3A_1811 = arith.addi %mul3A_642, %add3A_1810 : i32
      %get3A_1812 = arith.index_cast %add3A_1811 : i32 to index
      %get3A_1813 = tpu.vector_load %arg10[%get3A_1812] {strides = array<i32>} : memref<272xf32, #tpu.memory_space<vmem>>, vector<16xf32>,
      %get3A_1814 = vector.shape_cast %get3A_1813 : vector<16xf32> to vector<16xf32>
      %slice3A_1815 = vector.extract_strided_slice %get3A_1814 {offsets = [0], sizes = [1], strides = [1]} : vector<16xf32> to vector<1xf32>
      %squeeze3A_1816 = vector.extract %slice3A_1815[0] : f32 from vector<1xf32>
      %add3A_1817 = arith.constant 11 : i32
      %add3A_1818 = arith.addi %mul3A_642, %add3A_1817 : i32
      %get3A_1819 = arith.index_cast %add3A_1818 : i32 to index
      %get3A_1820 = tpu.vector_load %arg9[%get3A_1819] {strides = array<i32>} : memref<272xi32, #tpu.memory_space<vmem>>, vector<16xi32>,
      %get3A_1821 = vector.shape_cast %get3A_1820 : vector<16xi32> to vector<16xi32>
      %slice3A_1822 = vector.extract_strided_slice %get3A_1821 {offsets = [0], sizes = [1], strides = [1]} : vector<16xi32> to vector<1xi32>
      %squeeze3A_1823 = vector.extract %slice3A_1822[0] : i32 from vector<1xi32>
      %add3A_1824 = arith.addi %squeeze3A_1823, %min3A_3 : i32
      %jit3A_1825 = arith.constant 16 : i32
      %div3A_1826 = arith.divsi %add3A_1824, %jit3A_1825 : i32
      %sign3A_1827 = arith.constant 0 : i32
      %sign3A_1828 = arith.cmpi sgt, %add3A_1824, %sign3A_1827 : i32
      %sign3A_1829 = arith.extui %sign3A_1828 : i1 to i32
      %sign3A_1830 = arith.constant 0 : i32
      %sign3A_1831 = arith.cmpi slt, %add3A_1824, %sign3A_1830 : i32
      %sign3A_1832 = arith.extui %sign3A_1831 : i1 to i32
      %sign3A_1833 = arith.subi %sign3A_1829, %sign3A_1832 : i32
      %sign3A_1834 = arith.constant 0 : i32
      %sign3A_1835 = arith.cmpi sgt, %jit3A_1825, %sign3A_1834 : i32
      %sign3A_1836 = arith.extui %sign3A_1835 : i1 to i32
      %sign3A_1837 = arith.constant 0 : i32
      %sign3A_1838 = arith.cmpi slt, %jit3A_1825, %sign3A_1837 : i32
      %sign3A_1839 = arith.extui %sign3A_1838 : i1 to i32
      %sign3A_1840 = arith.subi %sign3A_1836, %sign3A_1839 : i32
      %ne3A_1841 = arith.cmpi ne, %sign3A_1833, %sign3A_1840 : i32
      %rem3A_1842 = arith.remsi %add3A_1824, %jit3A_1825 : i32
      %ne3A_1843 = arith.constant 0 : i32
      %ne3A_1844 = arith.cmpi ne, %rem3A_1842, %ne3A_1843 : i32
      %and3A_1845 = arith.andi %ne3A_1841, %ne3A_1844 : i1
      %sub3A_1846 = arith.constant 1 : i32
      %sub3A_1847 = arith.subi %div3A_1826, %sub3A_1846 : i32
      %select_n3A_1848 = arith.select %and3A_1845, %sub3A_1847, %div3A_1826 : i32
      %mul3A_1849 = arith.constant 16 : i32
      %mul3A_1850 = arith.muli %select_n3A_1848, %mul3A_1849 : i32
      %min3A_1851 = arith.constant 24996752 : i32
      %min3A_1852 = arith.minsi %mul3A_1850, %min3A_1851 : i32
      %sub3A_1853 = arith.subi %add3A_1824, %min3A_1852 : i32
      %add3A_1854 = arith.constant 11 : i32
      %add3A_1855 = arith.addi %mul3A_642, %add3A_1854 : i32
      %get3A_1856 = arith.index_cast %add3A_1855 : i32 to index
      %get3A_1857 = tpu.vector_load %arg10[%get3A_1856] {strides = array<i32>} : memref<272xf32, #tpu.memory_space<vmem>>, vector<16xf32>,
      %get3A_1858 = vector.shape_cast %get3A_1857 : vector<16xf32> to vector<16xf32>
      %slice3A_1859 = vector.extract_strided_slice %get3A_1858 {offsets = [0], sizes = [1], strides = [1]} : vector<16xf32> to vector<1xf32>
      %squeeze3A_1860 = vector.extract %slice3A_1859[0] : f32 from vector<1xf32>
      %add3A_1861 = arith.constant 12 : i32
      %add3A_1862 = arith.addi %mul3A_642, %add3A_1861 : i32
      %get3A_1863 = arith.index_cast %add3A_1862 : i32 to index
      %get3A_1864 = tpu.vector_load %arg9[%get3A_1863] {strides = array<i32>} : memref<272xi32, #tpu.memory_space<vmem>>, vector<16xi32>,
      %get3A_1865 = vector.shape_cast %get3A_1864 : vector<16xi32> to vector<16xi32>
      %slice3A_1866 = vector.extract_strided_slice %get3A_1865 {offsets = [0], sizes = [1], strides = [1]} : vector<16xi32> to vector<1xi32>
      %squeeze3A_1867 = vector.extract %slice3A_1866[0] : i32 from vector<1xi32>
      %add3A_1868 = arith.addi %squeeze3A_1867, %min3A_3 : i32
      %jit3A_1869 = arith.constant 16 : i32
      %div3A_1870 = arith.divsi %add3A_1868, %jit3A_1869 : i32
      %sign3A_1871 = arith.constant 0 : i32
      %sign3A_1872 = arith.cmpi sgt, %add3A_1868, %sign3A_1871 : i32
      %sign3A_1873 = arith.extui %sign3A_1872 : i1 to i32
      %sign3A_1874 = arith.constant 0 : i32
      %sign3A_1875 = arith.cmpi slt, %add3A_1868, %sign3A_1874 : i32
      %sign3A_1876 = arith.extui %sign3A_1875 : i1 to i32
      %sign3A_1877 = arith.subi %sign3A_1873, %sign3A_1876 : i32
      %sign3A_1878 = arith.constant 0 : i32
      %sign3A_1879 = arith.cmpi sgt, %jit3A_1869, %sign3A_1878 : i32
      %sign3A_1880 = arith.extui %sign3A_1879 : i1 to i32
      %sign3A_1881 = arith.constant 0 : i32
      %sign3A_1882 = arith.cmpi slt, %jit3A_1869, %sign3A_1881 : i32
      %sign3A_1883 = arith.extui %sign3A_1882 : i1 to i32
      %sign3A_1884 = arith.subi %sign3A_1880, %sign3A_1883 : i32
      %ne3A_1885 = arith.cmpi ne, %sign3A_1877, %sign3A_1884 : i32
      %rem3A_1886 = arith.remsi %add3A_1868, %jit3A_1869 : i32
      %ne3A_1887 = arith.constant 0 : i32
      %ne3A_1888 = arith.cmpi ne, %rem3A_1886, %ne3A_1887 : i32
      %and3A_1889 = arith.andi %ne3A_1885, %ne3A_1888 : i1
      %sub3A_1890 = arith.constant 1 : i32
      %sub3A_1891 = arith.subi %div3A_1870, %sub3A_1890 : i32
      %select_n3A_1892 = arith.select %and3A_1889, %sub3A_1891, %div3A_1870 : i32
      %mul3A_1893 = arith.constant 16 : i32
      %mul3A_1894 = arith.muli %select_n3A_1892, %mul3A_1893 : i32
      %min3A_1895 = arith.constant 24996752 : i32
      %min3A_1896 = arith.minsi %mul3A_1894, %min3A_1895 : i32
      %sub3A_1897 = arith.subi %add3A_1868, %min3A_1896 : i32
      %add3A_1898 = arith.constant 12 : i32
      %add3A_1899 = arith.addi %mul3A_642, %add3A_1898 : i32
      %get3A_1900 = arith.index_cast %add3A_1899 : i32 to index
      %get3A_1901 = tpu.vector_load %arg10[%get3A_1900] {strides = array<i32>} : memref<272xf32, #tpu.memory_space<vmem>>, vector<16xf32>,
      %get3A_1902 = vector.shape_cast %get3A_1901 : vector<16xf32> to vector<16xf32>
      %slice3A_1903 = vector.extract_strided_slice %get3A_1902 {offsets = [0], sizes = [1], strides = [1]} : vector<16xf32> to vector<1xf32>
      %squeeze3A_1904 = vector.extract %slice3A_1903[0] : f32 from vector<1xf32>
      %add3A_1905 = arith.constant 13 : i32
      %add3A_1906 = arith.addi %mul3A_642, %add3A_1905 : i32
      %get3A_1907 = arith.index_cast %add3A_1906 : i32 to index
      %get3A_1908 = tpu.vector_load %arg9[%get3A_1907] {strides = array<i32>} : memref<272xi32, #tpu.memory_space<vmem>>, vector<16xi32>,
      %get3A_1909 = vector.shape_cast %get3A_1908 : vector<16xi32> to vector<16xi32>
      %slice3A_1910 = vector.extract_strided_slice %get3A_1909 {offsets = [0], sizes = [1], strides = [1]} : vector<16xi32> to vector<1xi32>
      %squeeze3A_1911 = vector.extract %slice3A_1910[0] : i32 from vector<1xi32>
      %add3A_1912 = arith.addi %squeeze3A_1911, %min3A_3 : i32
      %jit3A_1913 = arith.constant 16 : i32
      %div3A_1914 = arith.divsi %add3A_1912, %jit3A_1913 : i32
      %sign3A_1915 = arith.constant 0 : i32
      %sign3A_1916 = arith.cmpi sgt, %add3A_1912, %sign3A_1915 : i32
      %sign3A_1917 = arith.extui %sign3A_1916 : i1 to i32
      %sign3A_1918 = arith.constant 0 : i32
      %sign3A_1919 = arith.cmpi slt, %add3A_1912, %sign3A_1918 : i32
      %sign3A_1920 = arith.extui %sign3A_1919 : i1 to i32
      %sign3A_1921 = arith.subi %sign3A_1917, %sign3A_1920 : i32
      %sign3A_1922 = arith.constant 0 : i32
      %sign3A_1923 = arith.cmpi sgt, %jit3A_1913, %sign3A_1922 : i32
      %sign3A_1924 = arith.extui %sign3A_1923 : i1 to i32
      %sign3A_1925 = arith.constant 0 : i32
      %sign3A_1926 = arith.cmpi slt, %jit3A_1913, %sign3A_1925 : i32
      %sign3A_1927 = arith.extui %sign3A_1926 : i1 to i32
      %sign3A_1928 = arith.subi %sign3A_1924, %sign3A_1927 : i32
      %ne3A_1929 = arith.cmpi ne, %sign3A_1921, %sign3A_1928 : i32
      %rem3A_1930 = arith.remsi %add3A_1912, %jit3A_1913 : i32
      %ne3A_1931 = arith.constant 0 : i32
      %ne3A_1932 = arith.cmpi ne, %rem3A_1930, %ne3A_1931 : i32
      %and3A_1933 = arith.andi %ne3A_1929, %ne3A_1932 : i1
      %sub3A_1934 = arith.constant 1 : i32
      %sub3A_1935 = arith.subi %div3A_1914, %sub3A_1934 : i32
      %select_n3A_1936 = arith.select %and3A_1933, %sub3A_1935, %div3A_1914 : i32
      %mul3A_1937 = arith.constant 16 : i32
      %mul3A_1938 = arith.muli %select_n3A_1936, %mul3A_1937 : i32
      %min3A_1939 = arith.constant 24996752 : i32
      %min3A_1940 = arith.minsi %mul3A_1938, %min3A_1939 : i32
      %sub3A_1941 = arith.subi %add3A_1912, %min3A_1940 : i32
      %add3A_1942 = arith.constant 13 : i32
      %add3A_1943 = arith.addi %mul3A_642, %add3A_1942 : i32
      %get3A_1944 = arith.index_cast %add3A_1943 : i32 to index
      %get3A_1945 = tpu.vector_load %arg10[%get3A_1944] {strides = array<i32>} : memref<272xf32, #tpu.memory_space<vmem>>, vector<16xf32>,
      %get3A_1946 = vector.shape_cast %get3A_1945 : vector<16xf32> to vector<16xf32>
      %slice3A_1947 = vector.extract_strided_slice %get3A_1946 {offsets = [0], sizes = [1], strides = [1]} : vector<16xf32> to vector<1xf32>
      %squeeze3A_1948 = vector.extract %slice3A_1947[0] : f32 from vector<1xf32>
      %add3A_1949 = arith.constant 14 : i32
      %add3A_1950 = arith.addi %mul3A_642, %add3A_1949 : i32
      %get3A_1951 = arith.index_cast %add3A_1950 : i32 to index
      %get3A_1952 = tpu.vector_load %arg9[%get3A_1951] {strides = array<i32>} : memref<272xi32, #tpu.memory_space<vmem>>, vector<16xi32>,
      %get3A_1953 = vector.shape_cast %get3A_1952 : vector<16xi32> to vector<16xi32>
      %slice3A_1954 = vector.extract_strided_slice %get3A_1953 {offsets = [0], sizes = [1], strides = [1]} : vector<16xi32> to vector<1xi32>
      %squeeze3A_1955 = vector.extract %slice3A_1954[0] : i32 from vector<1xi32>
      %add3A_1956 = arith.addi %squeeze3A_1955, %min3A_3 : i32
      %jit3A_1957 = arith.constant 16 : i32
      %div3A_1958 = arith.divsi %add3A_1956, %jit3A_1957 : i32
      %sign3A_1959 = arith.constant 0 : i32
      %sign3A_1960 = arith.cmpi sgt, %add3A_1956, %sign3A_1959 : i32
      %sign3A_1961 = arith.extui %sign3A_1960 : i1 to i32
      %sign3A_1962 = arith.constant 0 : i32
      %sign3A_1963 = arith.cmpi slt, %add3A_1956, %sign3A_1962 : i32
      %sign3A_1964 = arith.extui %sign3A_1963 : i1 to i32
      %sign3A_1965 = arith.subi %sign3A_1961, %sign3A_1964 : i32
      %sign3A_1966 = arith.constant 0 : i32
      %sign3A_1967 = arith.cmpi sgt, %jit3A_1957, %sign3A_1966 : i32
      %sign3A_1968 = arith.extui %sign3A_1967 : i1 to i32
      %sign3A_1969 = arith.constant 0 : i32
      %sign3A_1970 = arith.cmpi slt, %jit3A_1957, %sign3A_1969 : i32
      %sign3A_1971 = arith.extui %sign3A_1970 : i1 to i32
      %sign3A_1972 = arith.subi %sign3A_1968, %sign3A_1971 : i32
      %ne3A_1973 = arith.cmpi ne, %sign3A_1965, %sign3A_1972 : i32
      %rem3A_1974 = arith.remsi %add3A_1956, %jit3A_1957 : i32
      %ne3A_1975 = arith.constant 0 : i32
      %ne3A_1976 = arith.cmpi ne, %rem3A_1974, %ne3A_1975 : i32
      %and3A_1977 = arith.andi %ne3A_1973, %ne3A_1976 : i1
      %sub3A_1978 = arith.constant 1 : i32
      %sub3A_1979 = arith.subi %div3A_1958, %sub3A_1978 : i32
      %select_n3A_1980 = arith.select %and3A_1977, %sub3A_1979, %div3A_1958 : i32
      %mul3A_1981 = arith.constant 16 : i32
      %mul3A_1982 = arith.muli %select_n3A_1980, %mul3A_1981 : i32
      %min3A_1983 = arith.constant 24996752 : i32
      %min3A_1984 = arith.minsi %mul3A_1982, %min3A_1983 : i32
      %sub3A_1985 = arith.subi %add3A_1956, %min3A_1984 : i32
      %add3A_1986 = arith.constant 14 : i32
      %add3A_1987 = arith.addi %mul3A_642, %add3A_1986 : i32
      %get3A_1988 = arith.index_cast %add3A_1987 : i32 to index
      %get3A_1989 = tpu.vector_load %arg10[%get3A_1988] {strides = array<i32>} : memref<272xf32, #tpu.memory_space<vmem>>, vector<16xf32>,
      %get3A_1990 = vector.shape_cast %get3A_1989 : vector<16xf32> to vector<16xf32>
      %slice3A_1991 = vector.extract_strided_slice %get3A_1990 {offsets = [0], sizes = [1], strides = [1]} : vector<16xf32> to vector<1xf32>
      %squeeze3A_1992 = vector.extract %slice3A_1991[0] : f32 from vector<1xf32>
      %add3A_1993 = arith.constant 15 : i32
      %add3A_1994 = arith.addi %mul3A_642, %add3A_1993 : i32
      %get3A_1995 = arith.index_cast %add3A_1994 : i32 to index
      %get3A_1996 = tpu.vector_load %arg9[%get3A_1995] {strides = array<i32>} : memref<272xi32, #tpu.memory_space<vmem>>, vector<16xi32>,
      %get3A_1997 = vector.shape_cast %get3A_1996 : vector<16xi32> to vector<16xi32>
      %slice3A_1998 = vector.extract_strided_slice %get3A_1997 {offsets = [0], sizes = [1], strides = [1]} : vector<16xi32> to vector<1xi32>
      %squeeze3A_1999 = vector.extract %slice3A_1998[0] : i32 from vector<1xi32>
      %add3A_2000 = arith.addi %squeeze3A_1999, %min3A_3 : i32
      %jit3A_2001 = arith.constant 16 : i32
      %div3A_2002 = arith.divsi %add3A_2000, %jit3A_2001 : i32
      %sign3A_2003 = arith.constant 0 : i32
      %sign3A_2004 = arith.cmpi sgt, %add3A_2000, %sign3A_2003 : i32
      %sign3A_2005 = arith.extui %sign3A_2004 : i1 to i32
      %sign3A_2006 = arith.constant 0 : i32
      %sign3A_2007 = arith.cmpi slt, %add3A_2000, %sign3A_2006 : i32
      %sign3A_2008 = arith.extui %sign3A_2007 : i1 to i32
      %sign3A_2009 = arith.subi %sign3A_2005, %sign3A_2008 : i32
      %sign3A_2010 = arith.constant 0 : i32
      %sign3A_2011 = arith.cmpi sgt, %jit3A_2001, %sign3A_2010 : i32
      %sign3A_2012 = arith.extui %sign3A_2011 : i1 to i32
      %sign3A_2013 = arith.constant 0 : i32
      %sign3A_2014 = arith.cmpi slt, %jit3A_2001, %sign3A_2013 : i32
      %sign3A_2015 = arith.extui %sign3A_2014 : i1 to i32
      %sign3A_2016 = arith.subi %sign3A_2012, %sign3A_2015 : i32
      %ne3A_2017 = arith.cmpi ne, %sign3A_2009, %sign3A_2016 : i32
      %rem3A_2018 = arith.remsi %add3A_2000, %jit3A_2001 : i32
      %ne3A_2019 = arith.constant 0 : i32
      %ne3A_2020 = arith.cmpi ne, %rem3A_2018, %ne3A_2019 : i32
      %and3A_2021 = arith.andi %ne3A_2017, %ne3A_2020 : i1
      %sub3A_2022 = arith.constant 1 : i32
      %sub3A_2023 = arith.subi %div3A_2002, %sub3A_2022 : i32
      %select_n3A_2024 = arith.select %and3A_2021, %sub3A_2023, %div3A_2002 : i32
      %mul3A_2025 = arith.constant 16 : i32
      %mul3A_2026 = arith.muli %select_n3A_2024, %mul3A_2025 : i32
      %min3A_2027 = arith.constant 24996752 : i32
      %min3A_2028 = arith.minsi %mul3A_2026, %min3A_2027 : i32
      %sub3A_2029 = arith.subi %add3A_2000, %min3A_2028 : i32
      %add3A_2030 = arith.constant 15 : i32
      %add3A_2031 = arith.addi %mul3A_642, %add3A_2030 : i32
      %get3A_2032 = arith.index_cast %add3A_2031 : i32 to index
      %get3A_2033 = tpu.vector_load %arg10[%get3A_2032] {strides = array<i32>} : memref<272xf32, #tpu.memory_space<vmem>>, vector<16xf32>,
      %get3A_2034 = vector.shape_cast %get3A_2033 : vector<16xf32> to vector<16xf32>
      %slice3A_2035 = vector.extract_strided_slice %get3A_2034 {offsets = [0], sizes = [1], strides = [1]} : vector<16xf32> to vector<1xf32>
      %squeeze3A_2036 = vector.extract %slice3A_2035[0] : f32 from vector<1xf32>
      %parallel_loop3A_2037 = arith.constant 0 : i32
      %parallel_loop3A_2038 = arith.constant 202 : i32
      %parallel_loop3A_2039 = arith.constant 1 : i32
      scf.for %parallel_loop3A_2818 = %parallel_loop3A_2037 to %parallel_loop3A_2038 step %parallel_loop3A_2039  : i32 {
        %parallel_loop3A_2819 = arith.constant 16 : i32
        %parallel_loop3A_2820 = arith.muli %parallel_loop3A_2818, %parallel_loop3A_2819 : i32
        %parallel_loop3A_2821 = arith.addi %sub3A_1369, %parallel_loop3A_2820 : i32
        %parallel_loop3A_2822 = arith.index_cast %parallel_loop3A_2821 : i32 to index
        %parallel_loop3A_2823 = tpu.vector_load %arg12[%parallel_loop3A_2822] {strides = array<i32>} : memref<3248xf32, #tpu.memory_space<vmem>>, vector<16xf32>,
        %parallel_loop3A_2824 = vector.shape_cast %parallel_loop3A_2823 : vector<16xf32> to vector<16xf32>
        %parallel_loop3A_2825 = vector.broadcast %squeeze3A_1376 : f32 to vector<16xf32>
        %parallel_loop3A_2826 = arith.mulf %parallel_loop3A_2825, %parallel_loop3A_2824 : vector<16xf32>
        %parallel_loop3A_2827 = arith.addi %sub3A_1413, %parallel_loop3A_2820 : i32
        %parallel_loop3A_2828 = arith.index_cast %parallel_loop3A_2827 : i32 to index
        %parallel_loop3A_2829 = tpu.vector_load %arg13[%parallel_loop3A_2828] {strides = array<i32>} : memref<3248xf32, #tpu.memory_space<vmem>>, vector<16xf32>,
        %parallel_loop3A_2830 = vector.shape_cast %parallel_loop3A_2829 : vector<16xf32> to vector<16xf32>
        %parallel_loop3A_2831 = vector.broadcast %squeeze3A_1420 : f32 to vector<16xf32>
        %parallel_loop3A_2832 = arith.mulf %parallel_loop3A_2831, %parallel_loop3A_2830 : vector<16xf32>
        %parallel_loop3A_2833 = arith.addi %sub3A_1457, %parallel_loop3A_2820 : i32
        %parallel_loop3A_2834 = arith.index_cast %parallel_loop3A_2833 : i32 to index
        %parallel_loop3A_2835 = tpu.vector_load %arg14[%parallel_loop3A_2834] {strides = array<i32>} : memref<3248xf32, #tpu.memory_space<vmem>>, vector<16xf32>,
        %parallel_loop3A_2836 = vector.shape_cast %parallel_loop3A_2835 : vector<16xf32> to vector<16xf32>
        %parallel_loop3A_2837 = vector.broadcast %squeeze3A_1464 : f32 to vector<16xf32>
        %parallel_loop3A_2838 = arith.mulf %parallel_loop3A_2837, %parallel_loop3A_2836 : vector<16xf32>
        %parallel_loop3A_2839 = arith.addi %sub3A_1501, %parallel_loop3A_2820 : i32
        %parallel_loop3A_2840 = arith.index_cast %parallel_loop3A_2839 : i32 to index
        %parallel_loop3A_2841 = tpu.vector_load %arg15[%parallel_loop3A_2840] {strides = array<i32>} : memref<3248xf32, #tpu.memory_space<vmem>>, vector<16xf32>,
        %parallel_loop3A_2842 = vector.shape_cast %parallel_loop3A_2841 : vector<16xf32> to vector<16xf32>
        %parallel_loop3A_2843 = vector.broadcast %squeeze3A_1508 : f32 to vector<16xf32>
        %parallel_loop3A_2844 = arith.mulf %parallel_loop3A_2843, %parallel_loop3A_2842 : vector<16xf32>
        %parallel_loop3A_2845 = arith.addi %sub3A_1545, %parallel_loop3A_2820 : i32
        %parallel_loop3A_2846 = arith.index_cast %parallel_loop3A_2845 : i32 to index
        %parallel_loop3A_2847 = tpu.vector_load %arg16[%parallel_loop3A_2846] {strides = array<i32>} : memref<3248xf32, #tpu.memory_space<vmem>>, vector<16xf32>,
        %parallel_loop3A_2848 = vector.shape_cast %parallel_loop3A_2847 : vector<16xf32> to vector<16xf32>
        %parallel_loop3A_2849 = vector.broadcast %squeeze3A_1552 : f32 to vector<16xf32>
        %parallel_loop3A_2850 = arith.mulf %parallel_loop3A_2849, %parallel_loop3A_2848 : vector<16xf32>
        %parallel_loop3A_2851 = arith.addi %sub3A_1589, %parallel_loop3A_2820 : i32
        %parallel_loop3A_2852 = arith.index_cast %parallel_loop3A_2851 : i32 to index
        %parallel_loop3A_2853 = tpu.vector_load %arg17[%parallel_loop3A_2852] {strides = array<i32>} : memref<3248xf32, #tpu.memory_space<vmem>>, vector<16xf32>,
        %parallel_loop3A_2854 = vector.shape_cast %parallel_loop3A_2853 : vector<16xf32> to vector<16xf32>
        %parallel_loop3A_2855 = vector.broadcast %squeeze3A_1596 : f32 to vector<16xf32>
        %parallel_loop3A_2856 = arith.mulf %parallel_loop3A_2855, %parallel_loop3A_2854 : vector<16xf32>
        %parallel_loop3A_2857 = arith.addi %sub3A_1633, %parallel_loop3A_2820 : i32
        %parallel_loop3A_2858 = arith.index_cast %parallel_loop3A_2857 : i32 to index
        %parallel_loop3A_2859 = tpu.vector_load %arg18[%parallel_loop3A_2858] {strides = array<i32>} : memref<3248xf32, #tpu.memory_space<vmem>>, vector<16xf32>,
        %parallel_loop3A_2860 = vector.shape_cast %parallel_loop3A_2859 : vector<16xf32> to vector<16xf32>
        %parallel_loop3A_2861 = vector.broadcast %squeeze3A_1640 : f32 to vector<16xf32>
        %parallel_loop3A_2862 = arith.mulf %parallel_loop3A_2861, %parallel_loop3A_2860 : vector<16xf32>
        %parallel_loop3A_2863 = arith.addi %sub3A_1677, %parallel_loop3A_2820 : i32
        %parallel_loop3A_2864 = arith.index_cast %parallel_loop3A_2863 : i32 to index
        %parallel_loop3A_2865 = tpu.vector_load %arg19[%parallel_loop3A_2864] {strides = array<i32>} : memref<3248xf32, #tpu.memory_space<vmem>>, vector<16xf32>,
        %parallel_loop3A_2866 = vector.shape_cast %parallel_loop3A_2865 : vector<16xf32> to vector<16xf32>
        %parallel_loop3A_2867 = vector.broadcast %squeeze3A_1684 : f32 to vector<16xf32>
        %parallel_loop3A_2868 = arith.mulf %parallel_loop3A_2867, %parallel_loop3A_2866 : vector<16xf32>
        %parallel_loop3A_2869 = arith.addi %sub3A_1721, %parallel_loop3A_2820 : i32
        %parallel_loop3A_2870 = arith.index_cast %parallel_loop3A_2869 : i32 to index
        %parallel_loop3A_2871 = tpu.vector_load %arg20[%parallel_loop3A_2870] {strides = array<i32>} : memref<3248xf32, #tpu.memory_space<vmem>>, vector<16xf32>,
        %parallel_loop3A_2872 = vector.shape_cast %parallel_loop3A_2871 : vector<16xf32> to vector<16xf32>
        %parallel_loop3A_2873 = vector.broadcast %squeeze3A_1728 : f32 to vector<16xf32>
        %parallel_loop3A_2874 = arith.mulf %parallel_loop3A_2873, %parallel_loop3A_2872 : vector<16xf32>
        %parallel_loop3A_2875 = arith.addi %sub3A_1765, %parallel_loop3A_2820 : i32
        %parallel_loop3A_2876 = arith.index_cast %parallel_loop3A_2875 : i32 to index
        %parallel_loop3A_2877 = tpu.vector_load %arg21[%parallel_loop3A_2876] {strides = array<i32>} : memref<3248xf32, #tpu.memory_space<vmem>>, vector<16xf32>,
        %parallel_loop3A_2878 = vector.shape_cast %parallel_loop3A_2877 : vector<16xf32> to vector<16xf32>
        %parallel_loop3A_2879 = vector.broadcast %squeeze3A_1772 : f32 to vector<16xf32>
        %parallel_loop3A_2880 = arith.mulf %parallel_loop3A_2879, %parallel_loop3A_2878 : vector<16xf32>
        %parallel_loop3A_2881 = arith.addi %sub3A_1809, %parallel_loop3A_2820 : i32
        %parallel_loop3A_2882 = arith.index_cast %parallel_loop3A_2881 : i32 to index
        %parallel_loop3A_2883 = tpu.vector_load %arg22[%parallel_loop3A_2882] {strides = array<i32>} : memref<3248xf32, #tpu.memory_space<vmem>>, vector<16xf32>,
        %parallel_loop3A_2884 = vector.shape_cast %parallel_loop3A_2883 : vector<16xf32> to vector<16xf32>
        %parallel_loop3A_2885 = vector.broadcast %squeeze3A_1816 : f32 to vector<16xf32>
        %parallel_loop3A_2886 = arith.mulf %parallel_loop3A_2885, %parallel_loop3A_2884 : vector<16xf32>
        %parallel_loop3A_2887 = arith.addi %sub3A_1853, %parallel_loop3A_2820 : i32
        %parallel_loop3A_2888 = arith.index_cast %parallel_loop3A_2887 : i32 to index
        %parallel_loop3A_2889 = tpu.vector_load %arg23[%parallel_loop3A_2888] {strides = array<i32>} : memref<3248xf32, #tpu.memory_space<vmem>>, vector<16xf32>,
        %parallel_loop3A_2890 = vector.shape_cast %parallel_loop3A_2889 : vector<16xf32> to vector<16xf32>
        %parallel_loop3A_2891 = vector.broadcast %squeeze3A_1860 : f32 to vector<16xf32>
        %parallel_loop3A_2892 = arith.mulf %parallel_loop3A_2891, %parallel_loop3A_2890 : vector<16xf32>
        %parallel_loop3A_2893 = arith.addi %sub3A_1897, %parallel_loop3A_2820 : i32
        %parallel_loop3A_2894 = arith.index_cast %parallel_loop3A_2893 : i32 to index
        %parallel_loop3A_2895 = tpu.vector_load %arg24[%parallel_loop3A_2894] {strides = array<i32>} : memref<3248xf32, #tpu.memory_space<vmem>>, vector<16xf32>,
        %parallel_loop3A_2896 = vector.shape_cast %parallel_loop3A_2895 : vector<16xf32> to vector<16xf32>
        %parallel_loop3A_2897 = vector.broadcast %squeeze3A_1904 : f32 to vector<16xf32>
        %parallel_loop3A_2898 = arith.mulf %parallel_loop3A_2897, %parallel_loop3A_2896 : vector<16xf32>
        %parallel_loop3A_2899 = arith.addi %sub3A_1941, %parallel_loop3A_2820 : i32
        %parallel_loop3A_2900 = arith.index_cast %parallel_loop3A_2899 : i32 to index
        %parallel_loop3A_2901 = tpu.vector_load %arg25[%parallel_loop3A_2900] {strides = array<i32>} : memref<3248xf32, #tpu.memory_space<vmem>>, vector<16xf32>,
        %parallel_loop3A_2902 = vector.shape_cast %parallel_loop3A_2901 : vector<16xf32> to vector<16xf32>
        %parallel_loop3A_2903 = vector.broadcast %squeeze3A_1948 : f32 to vector<16xf32>
        %parallel_loop3A_2904 = arith.mulf %parallel_loop3A_2903, %parallel_loop3A_2902 : vector<16xf32>
        %parallel_loop3A_2905 = arith.addi %sub3A_1985, %parallel_loop3A_2820 : i32
        %parallel_loop3A_2906 = arith.index_cast %parallel_loop3A_2905 : i32 to index
        %parallel_loop3A_2907 = tpu.vector_load %arg26[%parallel_loop3A_2906] {strides = array<i32>} : memref<3248xf32, #tpu.memory_space<vmem>>, vector<16xf32>,
        %parallel_loop3A_2908 = vector.shape_cast %parallel_loop3A_2907 : vector<16xf32> to vector<16xf32>
        %parallel_loop3A_2909 = vector.broadcast %squeeze3A_1992 : f32 to vector<16xf32>
        %parallel_loop3A_2910 = arith.mulf %parallel_loop3A_2909, %parallel_loop3A_2908 : vector<16xf32>
        %parallel_loop3A_2911 = arith.addi %sub3A_2029, %parallel_loop3A_2820 : i32
        %parallel_loop3A_2912 = arith.index_cast %parallel_loop3A_2911 : i32 to index
        %parallel_loop3A_2913 = tpu.vector_load %arg27[%parallel_loop3A_2912] {strides = array<i32>} : memref<3248xf32, #tpu.memory_space<vmem>>, vector<16xf32>,
        %parallel_loop3A_2914 = vector.shape_cast %parallel_loop3A_2913 : vector<16xf32> to vector<16xf32>
        %parallel_loop3A_2915 = vector.broadcast %squeeze3A_2036 : f32 to vector<16xf32>
        %parallel_loop3A_2916 = arith.mulf %parallel_loop3A_2915, %parallel_loop3A_2914 : vector<16xf32>
        %parallel_loop3A_2917 = arith.addf %parallel_loop3A_2826, %parallel_loop3A_2832 : vector<16xf32>
        %parallel_loop3A_2918 = arith.addf %parallel_loop3A_2838, %parallel_loop3A_2844 : vector<16xf32>
        %parallel_loop3A_2919 = arith.addf %parallel_loop3A_2850, %parallel_loop3A_2856 : vector<16xf32>
        %parallel_loop3A_2920 = arith.addf %parallel_loop3A_2862, %parallel_loop3A_2868 : vector<16xf32>
        %parallel_loop3A_2921 = arith.addf %parallel_loop3A_2874, %parallel_loop3A_2880 : vector<16xf32>
        %parallel_loop3A_2922 = arith.addf %parallel_loop3A_2886, %parallel_loop3A_2892 : vector<16xf32>
        %parallel_loop3A_2923 = arith.addf %parallel_loop3A_2898, %parallel_loop3A_2904 : vector<16xf32>
        %parallel_loop3A_2924 = arith.addf %parallel_loop3A_2910, %parallel_loop3A_2916 : vector<16xf32>
        %parallel_loop3A_2925 = arith.addf %parallel_loop3A_2917, %parallel_loop3A_2918 : vector<16xf32>
        %parallel_loop3A_2926 = arith.addf %parallel_loop3A_2919, %parallel_loop3A_2920 : vector<16xf32>
        %parallel_loop3A_2927 = arith.addf %parallel_loop3A_2921, %parallel_loop3A_2922 : vector<16xf32>
        %parallel_loop3A_2928 = arith.addf %parallel_loop3A_2923, %parallel_loop3A_2924 : vector<16xf32>
        %parallel_loop3A_2929 = arith.addf %parallel_loop3A_2925, %parallel_loop3A_2926 : vector<16xf32>
        %parallel_loop3A_2930 = arith.addf %parallel_loop3A_2927, %parallel_loop3A_2928 : vector<16xf32>
        %parallel_loop3A_2931 = arith.addf %parallel_loop3A_2929, %parallel_loop3A_2930 : vector<16xf32>
        %parallel_loop3A_2932 = arith.index_cast %parallel_loop3A_2820 : i32 to index
        %parallel_loop3A_2933 = tpu.vector_load %arg45[%parallel_loop3A_2932] {strides = array<i32>} : memref<3232xf32, #tpu.memory_space<vmem>>, vector<16xf32>,
        %parallel_loop3A_2934 = vector.shape_cast %parallel_loop3A_2933 : vector<16xf32> to vector<16xf32>
        %parallel_loop3A_2935 = arith.addf %parallel_loop3A_2934, %parallel_loop3A_2931 : vector<16xf32>
        %parallel_loop3A_2936 = arith.index_cast %parallel_loop3A_2820 : i32 to index
        %parallel_loop3A_2937 = tpu.vector_load %arg45[%parallel_loop3A_2936] {strides = array<i32>} : memref<3232xf32, #tpu.memory_space<vmem>>, vector<16xf32>,
        %parallel_loop3A_2938 = vector.shape_cast %parallel_loop3A_2937 : vector<16xf32> to vector<16xf32>
        %parallel_loop3A_2939 = vector.shape_cast %parallel_loop3A_2935 : vector<16xf32> to vector<16xf32>
        tpu.vector_store %arg45[%parallel_loop3A_2936], %parallel_loop3A_2939 {strides = array<i32>} : memref<3232xf32, #tpu.memory_space<vmem>>, vector<16xf32>,
      } {sc.loop_unroll_factor = 4 : i64, sc.parallel_access}
      %lt3A = arith.constant 7 : i32
      %lt3A_2040 = arith.cmpi slt, %scan3A_639, %lt3A : i32
      %convert_element_type3A_2041 = arith.extui %lt3A_2040 : i1 to i32
      %cond3A_2042 = arith.constant 0 : i32
      %cond3A_2043 = arith.cmpi ne, %convert_element_type3A_2041, %cond3A_2042 : i32
      scf.if %cond3A_2043 {
        %add3A_2818 = arith.constant 32 : i32
        %add3A_2819 = arith.addi %mul3A_642, %add3A_2818 : i32
        %add3A_2820 = arith.constant 0 : i32
        %add3A_2821 = arith.addi %add3A_2819, %add3A_2820 : i32
        %get3A_2822 = arith.index_cast %add3A_2821 : i32 to index
        %get3A_2823 = tpu.vector_load %arg9[%get3A_2822] {strides = array<i32>} : memref<272xi32, #tpu.memory_space<vmem>>, vector<16xi32>,
        %get3A_2824 = vector.shape_cast %get3A_2823 : vector<16xi32> to vector<16xi32>
        %slice3A_2825 = vector.extract_strided_slice %get3A_2824 {offsets = [0], sizes = [1], strides = [1]} : vector<16xi32> to vector<1xi32>
        %squeeze3A_2826 = vector.extract %slice3A_2825[0] : i32 from vector<1xi32>
        %add3A_2827 = arith.addi %squeeze3A_2826, %min3A_3 : i32
        %jit3A_2828 = arith.constant 16 : i32
        %div3A_2829 = arith.divsi %add3A_2827, %jit3A_2828 : i32
        %sign3A_2830 = arith.constant 0 : i32
        %sign3A_2831 = arith.cmpi sgt, %add3A_2827, %sign3A_2830 : i32
        %sign3A_2832 = arith.extui %sign3A_2831 : i1 to i32
        %sign3A_2833 = arith.constant 0 : i32
        %sign3A_2834 = arith.cmpi slt, %add3A_2827, %sign3A_2833 : i32
        %sign3A_2835 = arith.extui %sign3A_2834 : i1 to i32
        %sign3A_2836 = arith.subi %sign3A_2832, %sign3A_2835 : i32
        %sign3A_2837 = arith.constant 0 : i32
        %sign3A_2838 = arith.cmpi sgt, %jit3A_2828, %sign3A_2837 : i32
        %sign3A_2839 = arith.extui %sign3A_2838 : i1 to i32
        %sign3A_2840 = arith.constant 0 : i32
        %sign3A_2841 = arith.cmpi slt, %jit3A_2828, %sign3A_2840 : i32
        %sign3A_2842 = arith.extui %sign3A_2841 : i1 to i32
        %sign3A_2843 = arith.subi %sign3A_2839, %sign3A_2842 : i32
        %ne3A_2844 = arith.cmpi ne, %sign3A_2836, %sign3A_2843 : i32
        %rem3A_2845 = arith.remsi %add3A_2827, %jit3A_2828 : i32
        %ne3A_2846 = arith.constant 0 : i32
        %ne3A_2847 = arith.cmpi ne, %rem3A_2845, %ne3A_2846 : i32
        %and3A_2848 = arith.andi %ne3A_2844, %ne3A_2847 : i1
        %sub3A_2849 = arith.constant 1 : i32
        %sub3A_2850 = arith.subi %div3A_2829, %sub3A_2849 : i32
        %select_n3A_2851 = arith.select %and3A_2848, %sub3A_2850, %div3A_2829 : i32
        %mul3A_2852 = arith.constant 16 : i32
        %mul3A_2853 = arith.muli %select_n3A_2851, %mul3A_2852 : i32
        %min3A_2854 = arith.constant 24996752 : i32
        %min3A_2855 = arith.minsi %mul3A_2853, %min3A_2854 : i32
        %sub3A_2856 = arith.subi %add3A_2827, %min3A_2855 : i32
        %dma_start3A_2857 = tpu.memref_slice %arg2[%min3A_2855] : memref<25000000xf32, #tpu.memory_space<hbm>> -> memref<3248xf32, #tpu.memory_space<hbm>>
        %dma_start3A_2858 = tpu.memref_slice %arg2[%min3A_2855] : memref<25000000xf32, #tpu.memory_space<hbm>> -> memref<3248xf32, #tpu.memory_space<hbm>>
        tpu.enqueue_dma source(%dma_start3A_2858 : memref<3248xf32, #tpu.memory_space<hbm>>) target(%arg12 : memref<3248xf32, #tpu.memory_space<vmem>>) target_semaphore(%arg47 : memref<!tpu.dma_semaphore, #tpu.memory_space<semaphore_mem>>)
        %add3A_2859 = arith.constant 1 : i32
        %add3A_2860 = arith.addi %add3A_2819, %add3A_2859 : i32
        %get3A_2861 = arith.index_cast %add3A_2860 : i32 to index
        %get3A_2862 = tpu.vector_load %arg9[%get3A_2861] {strides = array<i32>} : memref<272xi32, #tpu.memory_space<vmem>>, vector<16xi32>,
        %get3A_2863 = vector.shape_cast %get3A_2862 : vector<16xi32> to vector<16xi32>
        %slice3A_2864 = vector.extract_strided_slice %get3A_2863 {offsets = [0], sizes = [1], strides = [1]} : vector<16xi32> to vector<1xi32>
        %squeeze3A_2865 = vector.extract %slice3A_2864[0] : i32 from vector<1xi32>
        %add3A_2866 = arith.addi %squeeze3A_2865, %min3A_3 : i32
        %jit3A_2867 = arith.constant 16 : i32
        %div3A_2868 = arith.divsi %add3A_2866, %jit3A_2867 : i32
        %sign3A_2869 = arith.constant 0 : i32
        %sign3A_2870 = arith.cmpi sgt, %add3A_2866, %sign3A_2869 : i32
        %sign3A_2871 = arith.extui %sign3A_2870 : i1 to i32
        %sign3A_2872 = arith.constant 0 : i32
        %sign3A_2873 = arith.cmpi slt, %add3A_2866, %sign3A_2872 : i32
        %sign3A_2874 = arith.extui %sign3A_2873 : i1 to i32
        %sign3A_2875 = arith.subi %sign3A_2871, %sign3A_2874 : i32
        %sign3A_2876 = arith.constant 0 : i32
        %sign3A_2877 = arith.cmpi sgt, %jit3A_2867, %sign3A_2876 : i32
        %sign3A_2878 = arith.extui %sign3A_2877 : i1 to i32
        %sign3A_2879 = arith.constant 0 : i32
        %sign3A_2880 = arith.cmpi slt, %jit3A_2867, %sign3A_2879 : i32
        %sign3A_2881 = arith.extui %sign3A_2880 : i1 to i32
        %sign3A_2882 = arith.subi %sign3A_2878, %sign3A_2881 : i32
        %ne3A_2883 = arith.cmpi ne, %sign3A_2875, %sign3A_2882 : i32
        %rem3A_2884 = arith.remsi %add3A_2866, %jit3A_2867 : i32
        %ne3A_2885 = arith.constant 0 : i32
        %ne3A_2886 = arith.cmpi ne, %rem3A_2884, %ne3A_2885 : i32
        %and3A_2887 = arith.andi %ne3A_2883, %ne3A_2886 : i1
        %sub3A_2888 = arith.constant 1 : i32
        %sub3A_2889 = arith.subi %div3A_2868, %sub3A_2888 : i32
        %select_n3A_2890 = arith.select %and3A_2887, %sub3A_2889, %div3A_2868 : i32
        %mul3A_2891 = arith.constant 16 : i32
        %mul3A_2892 = arith.muli %select_n3A_2890, %mul3A_2891 : i32
        %min3A_2893 = arith.constant 24996752 : i32
        %min3A_2894 = arith.minsi %mul3A_2892, %min3A_2893 : i32
        %sub3A_2895 = arith.subi %add3A_2866, %min3A_2894 : i32
        %dma_start3A_2896 = tpu.memref_slice %arg2[%min3A_2894] : memref<25000000xf32, #tpu.memory_space<hbm>> -> memref<3248xf32, #tpu.memory_space<hbm>>
        %dma_start3A_2897 = tpu.memref_slice %arg2[%min3A_2894] : memref<25000000xf32, #tpu.memory_space<hbm>> -> memref<3248xf32, #tpu.memory_space<hbm>>
        tpu.enqueue_dma source(%dma_start3A_2897 : memref<3248xf32, #tpu.memory_space<hbm>>) target(%arg13 : memref<3248xf32, #tpu.memory_space<vmem>>) target_semaphore(%arg47 : memref<!tpu.dma_semaphore, #tpu.memory_space<semaphore_mem>>)
        %add3A_2898 = arith.constant 2 : i32
        %add3A_2899 = arith.addi %add3A_2819, %add3A_2898 : i32
        %get3A_2900 = arith.index_cast %add3A_2899 : i32 to index
        %get3A_2901 = tpu.vector_load %arg9[%get3A_2900] {strides = array<i32>} : memref<272xi32, #tpu.memory_space<vmem>>, vector<16xi32>,
        %get3A_2902 = vector.shape_cast %get3A_2901 : vector<16xi32> to vector<16xi32>
        %slice3A_2903 = vector.extract_strided_slice %get3A_2902 {offsets = [0], sizes = [1], strides = [1]} : vector<16xi32> to vector<1xi32>
        %squeeze3A_2904 = vector.extract %slice3A_2903[0] : i32 from vector<1xi32>
        %add3A_2905 = arith.addi %squeeze3A_2904, %min3A_3 : i32
        %jit3A_2906 = arith.constant 16 : i32
        %div3A_2907 = arith.divsi %add3A_2905, %jit3A_2906 : i32
        %sign3A_2908 = arith.constant 0 : i32
        %sign3A_2909 = arith.cmpi sgt, %add3A_2905, %sign3A_2908 : i32
        %sign3A_2910 = arith.extui %sign3A_2909 : i1 to i32
        %sign3A_2911 = arith.constant 0 : i32
        %sign3A_2912 = arith.cmpi slt, %add3A_2905, %sign3A_2911 : i32
        %sign3A_2913 = arith.extui %sign3A_2912 : i1 to i32
        %sign3A_2914 = arith.subi %sign3A_2910, %sign3A_2913 : i32
        %sign3A_2915 = arith.constant 0 : i32
        %sign3A_2916 = arith.cmpi sgt, %jit3A_2906, %sign3A_2915 : i32
        %sign3A_2917 = arith.extui %sign3A_2916 : i1 to i32
        %sign3A_2918 = arith.constant 0 : i32
        %sign3A_2919 = arith.cmpi slt, %jit3A_2906, %sign3A_2918 : i32
        %sign3A_2920 = arith.extui %sign3A_2919 : i1 to i32
        %sign3A_2921 = arith.subi %sign3A_2917, %sign3A_2920 : i32
        %ne3A_2922 = arith.cmpi ne, %sign3A_2914, %sign3A_2921 : i32
        %rem3A_2923 = arith.remsi %add3A_2905, %jit3A_2906 : i32
        %ne3A_2924 = arith.constant 0 : i32
        %ne3A_2925 = arith.cmpi ne, %rem3A_2923, %ne3A_2924 : i32
        %and3A_2926 = arith.andi %ne3A_2922, %ne3A_2925 : i1
        %sub3A_2927 = arith.constant 1 : i32
        %sub3A_2928 = arith.subi %div3A_2907, %sub3A_2927 : i32
        %select_n3A_2929 = arith.select %and3A_2926, %sub3A_2928, %div3A_2907 : i32
        %mul3A_2930 = arith.constant 16 : i32
        %mul3A_2931 = arith.muli %select_n3A_2929, %mul3A_2930 : i32
        %min3A_2932 = arith.constant 24996752 : i32
        %min3A_2933 = arith.minsi %mul3A_2931, %min3A_2932 : i32
        %sub3A_2934 = arith.subi %add3A_2905, %min3A_2933 : i32
        %dma_start3A_2935 = tpu.memref_slice %arg2[%min3A_2933] : memref<25000000xf32, #tpu.memory_space<hbm>> -> memref<3248xf32, #tpu.memory_space<hbm>>
        %dma_start3A_2936 = tpu.memref_slice %arg2[%min3A_2933] : memref<25000000xf32, #tpu.memory_space<hbm>> -> memref<3248xf32, #tpu.memory_space<hbm>>
        tpu.enqueue_dma source(%dma_start3A_2936 : memref<3248xf32, #tpu.memory_space<hbm>>) target(%arg14 : memref<3248xf32, #tpu.memory_space<vmem>>) target_semaphore(%arg47 : memref<!tpu.dma_semaphore, #tpu.memory_space<semaphore_mem>>)
        %add3A_2937 = arith.constant 3 : i32
        %add3A_2938 = arith.addi %add3A_2819, %add3A_2937 : i32
        %get3A_2939 = arith.index_cast %add3A_2938 : i32 to index
        %get3A_2940 = tpu.vector_load %arg9[%get3A_2939] {strides = array<i32>} : memref<272xi32, #tpu.memory_space<vmem>>, vector<16xi32>,
        %get3A_2941 = vector.shape_cast %get3A_2940 : vector<16xi32> to vector<16xi32>
        %slice3A_2942 = vector.extract_strided_slice %get3A_2941 {offsets = [0], sizes = [1], strides = [1]} : vector<16xi32> to vector<1xi32>
        %squeeze3A_2943 = vector.extract %slice3A_2942[0] : i32 from vector<1xi32>
        %add3A_2944 = arith.addi %squeeze3A_2943, %min3A_3 : i32
        %jit3A_2945 = arith.constant 16 : i32
        %div3A_2946 = arith.divsi %add3A_2944, %jit3A_2945 : i32
        %sign3A_2947 = arith.constant 0 : i32
        %sign3A_2948 = arith.cmpi sgt, %add3A_2944, %sign3A_2947 : i32
        %sign3A_2949 = arith.extui %sign3A_2948 : i1 to i32
        %sign3A_2950 = arith.constant 0 : i32
        %sign3A_2951 = arith.cmpi slt, %add3A_2944, %sign3A_2950 : i32
        %sign3A_2952 = arith.extui %sign3A_2951 : i1 to i32
        %sign3A_2953 = arith.subi %sign3A_2949, %sign3A_2952 : i32
        %sign3A_2954 = arith.constant 0 : i32
        %sign3A_2955 = arith.cmpi sgt, %jit3A_2945, %sign3A_2954 : i32
        %sign3A_2956 = arith.extui %sign3A_2955 : i1 to i32
        %sign3A_2957 = arith.constant 0 : i32
        %sign3A_2958 = arith.cmpi slt, %jit3A_2945, %sign3A_2957 : i32
        %sign3A_2959 = arith.extui %sign3A_2958 : i1 to i32
        %sign3A_2960 = arith.subi %sign3A_2956, %sign3A_2959 : i32
        %ne3A_2961 = arith.cmpi ne, %sign3A_2953, %sign3A_2960 : i32
        %rem3A_2962 = arith.remsi %add3A_2944, %jit3A_2945 : i32
        %ne3A_2963 = arith.constant 0 : i32
        %ne3A_2964 = arith.cmpi ne, %rem3A_2962, %ne3A_2963 : i32
        %and3A_2965 = arith.andi %ne3A_2961, %ne3A_2964 : i1
        %sub3A_2966 = arith.constant 1 : i32
        %sub3A_2967 = arith.subi %div3A_2946, %sub3A_2966 : i32
        %select_n3A_2968 = arith.select %and3A_2965, %sub3A_2967, %div3A_2946 : i32
        %mul3A_2969 = arith.constant 16 : i32
        %mul3A_2970 = arith.muli %select_n3A_2968, %mul3A_2969 : i32
        %min3A_2971 = arith.constant 24996752 : i32
        %min3A_2972 = arith.minsi %mul3A_2970, %min3A_2971 : i32
        %sub3A_2973 = arith.subi %add3A_2944, %min3A_2972 : i32
        %dma_start3A_2974 = tpu.memref_slice %arg2[%min3A_2972] : memref<25000000xf32, #tpu.memory_space<hbm>> -> memref<3248xf32, #tpu.memory_space<hbm>>
        %dma_start3A_2975 = tpu.memref_slice %arg2[%min3A_2972] : memref<25000000xf32, #tpu.memory_space<hbm>> -> memref<3248xf32, #tpu.memory_space<hbm>>
        tpu.enqueue_dma source(%dma_start3A_2975 : memref<3248xf32, #tpu.memory_space<hbm>>) target(%arg15 : memref<3248xf32, #tpu.memory_space<vmem>>) target_semaphore(%arg47 : memref<!tpu.dma_semaphore, #tpu.memory_space<semaphore_mem>>)
        %add3A_2976 = arith.constant 4 : i32
        %add3A_2977 = arith.addi %add3A_2819, %add3A_2976 : i32
        %get3A_2978 = arith.index_cast %add3A_2977 : i32 to index
        %get3A_2979 = tpu.vector_load %arg9[%get3A_2978] {strides = array<i32>} : memref<272xi32, #tpu.memory_space<vmem>>, vector<16xi32>,
        %get3A_2980 = vector.shape_cast %get3A_2979 : vector<16xi32> to vector<16xi32>
        %slice3A_2981 = vector.extract_strided_slice %get3A_2980 {offsets = [0], sizes = [1], strides = [1]} : vector<16xi32> to vector<1xi32>
        %squeeze3A_2982 = vector.extract %slice3A_2981[0] : i32 from vector<1xi32>
        %add3A_2983 = arith.addi %squeeze3A_2982, %min3A_3 : i32
        %jit3A_2984 = arith.constant 16 : i32
        %div3A_2985 = arith.divsi %add3A_2983, %jit3A_2984 : i32
        %sign3A_2986 = arith.constant 0 : i32
        %sign3A_2987 = arith.cmpi sgt, %add3A_2983, %sign3A_2986 : i32
        %sign3A_2988 = arith.extui %sign3A_2987 : i1 to i32
        %sign3A_2989 = arith.constant 0 : i32
        %sign3A_2990 = arith.cmpi slt, %add3A_2983, %sign3A_2989 : i32
        %sign3A_2991 = arith.extui %sign3A_2990 : i1 to i32
        %sign3A_2992 = arith.subi %sign3A_2988, %sign3A_2991 : i32
        %sign3A_2993 = arith.constant 0 : i32
        %sign3A_2994 = arith.cmpi sgt, %jit3A_2984, %sign3A_2993 : i32
        %sign3A_2995 = arith.extui %sign3A_2994 : i1 to i32
        %sign3A_2996 = arith.constant 0 : i32
        %sign3A_2997 = arith.cmpi slt, %jit3A_2984, %sign3A_2996 : i32
        %sign3A_2998 = arith.extui %sign3A_2997 : i1 to i32
        %sign3A_2999 = arith.subi %sign3A_2995, %sign3A_2998 : i32
        %ne3A_3000 = arith.cmpi ne, %sign3A_2992, %sign3A_2999 : i32
        %rem3A_3001 = arith.remsi %add3A_2983, %jit3A_2984 : i32
        %ne3A_3002 = arith.constant 0 : i32
        %ne3A_3003 = arith.cmpi ne, %rem3A_3001, %ne3A_3002 : i32
        %and3A_3004 = arith.andi %ne3A_3000, %ne3A_3003 : i1
        %sub3A_3005 = arith.constant 1 : i32
        %sub3A_3006 = arith.subi %div3A_2985, %sub3A_3005 : i32
        %select_n3A_3007 = arith.select %and3A_3004, %sub3A_3006, %div3A_2985 : i32
        %mul3A_3008 = arith.constant 16 : i32
        %mul3A_3009 = arith.muli %select_n3A_3007, %mul3A_3008 : i32
        %min3A_3010 = arith.constant 24996752 : i32
        %min3A_3011 = arith.minsi %mul3A_3009, %min3A_3010 : i32
        %sub3A_3012 = arith.subi %add3A_2983, %min3A_3011 : i32
        %dma_start3A_3013 = tpu.memref_slice %arg2[%min3A_3011] : memref<25000000xf32, #tpu.memory_space<hbm>> -> memref<3248xf32, #tpu.memory_space<hbm>>
        %dma_start3A_3014 = tpu.memref_slice %arg2[%min3A_3011] : memref<25000000xf32, #tpu.memory_space<hbm>> -> memref<3248xf32, #tpu.memory_space<hbm>>
        tpu.enqueue_dma source(%dma_start3A_3014 : memref<3248xf32, #tpu.memory_space<hbm>>) target(%arg16 : memref<3248xf32, #tpu.memory_space<vmem>>) target_semaphore(%arg47 : memref<!tpu.dma_semaphore, #tpu.memory_space<semaphore_mem>>)
        %add3A_3015 = arith.constant 5 : i32
        %add3A_3016 = arith.addi %add3A_2819, %add3A_3015 : i32
        %get3A_3017 = arith.index_cast %add3A_3016 : i32 to index
        %get3A_3018 = tpu.vector_load %arg9[%get3A_3017] {strides = array<i32>} : memref<272xi32, #tpu.memory_space<vmem>>, vector<16xi32>,
        %get3A_3019 = vector.shape_cast %get3A_3018 : vector<16xi32> to vector<16xi32>
        %slice3A_3020 = vector.extract_strided_slice %get3A_3019 {offsets = [0], sizes = [1], strides = [1]} : vector<16xi32> to vector<1xi32>
        %squeeze3A_3021 = vector.extract %slice3A_3020[0] : i32 from vector<1xi32>
        %add3A_3022 = arith.addi %squeeze3A_3021, %min3A_3 : i32
        %jit3A_3023 = arith.constant 16 : i32
        %div3A_3024 = arith.divsi %add3A_3022, %jit3A_3023 : i32
        %sign3A_3025 = arith.constant 0 : i32
        %sign3A_3026 = arith.cmpi sgt, %add3A_3022, %sign3A_3025 : i32
        %sign3A_3027 = arith.extui %sign3A_3026 : i1 to i32
        %sign3A_3028 = arith.constant 0 : i32
        %sign3A_3029 = arith.cmpi slt, %add3A_3022, %sign3A_3028 : i32
        %sign3A_3030 = arith.extui %sign3A_3029 : i1 to i32
        %sign3A_3031 = arith.subi %sign3A_3027, %sign3A_3030 : i32
        %sign3A_3032 = arith.constant 0 : i32
        %sign3A_3033 = arith.cmpi sgt, %jit3A_3023, %sign3A_3032 : i32
        %sign3A_3034 = arith.extui %sign3A_3033 : i1 to i32
        %sign3A_3035 = arith.constant 0 : i32
        %sign3A_3036 = arith.cmpi slt, %jit3A_3023, %sign3A_3035 : i32
        %sign3A_3037 = arith.extui %sign3A_3036 : i1 to i32
        %sign3A_3038 = arith.subi %sign3A_3034, %sign3A_3037 : i32
        %ne3A_3039 = arith.cmpi ne, %sign3A_3031, %sign3A_3038 : i32
        %rem3A_3040 = arith.remsi %add3A_3022, %jit3A_3023 : i32
        %ne3A_3041 = arith.constant 0 : i32
        %ne3A_3042 = arith.cmpi ne, %rem3A_3040, %ne3A_3041 : i32
        %and3A_3043 = arith.andi %ne3A_3039, %ne3A_3042 : i1
        %sub3A_3044 = arith.constant 1 : i32
        %sub3A_3045 = arith.subi %div3A_3024, %sub3A_3044 : i32
        %select_n3A_3046 = arith.select %and3A_3043, %sub3A_3045, %div3A_3024 : i32
        %mul3A_3047 = arith.constant 16 : i32
        %mul3A_3048 = arith.muli %select_n3A_3046, %mul3A_3047 : i32
        %min3A_3049 = arith.constant 24996752 : i32
        %min3A_3050 = arith.minsi %mul3A_3048, %min3A_3049 : i32
        %sub3A_3051 = arith.subi %add3A_3022, %min3A_3050 : i32
        %dma_start3A_3052 = tpu.memref_slice %arg2[%min3A_3050] : memref<25000000xf32, #tpu.memory_space<hbm>> -> memref<3248xf32, #tpu.memory_space<hbm>>
        %dma_start3A_3053 = tpu.memref_slice %arg2[%min3A_3050] : memref<25000000xf32, #tpu.memory_space<hbm>> -> memref<3248xf32, #tpu.memory_space<hbm>>
        tpu.enqueue_dma source(%dma_start3A_3053 : memref<3248xf32, #tpu.memory_space<hbm>>) target(%arg17 : memref<3248xf32, #tpu.memory_space<vmem>>) target_semaphore(%arg47 : memref<!tpu.dma_semaphore, #tpu.memory_space<semaphore_mem>>)
        %add3A_3054 = arith.constant 6 : i32
        %add3A_3055 = arith.addi %add3A_2819, %add3A_3054 : i32
        %get3A_3056 = arith.index_cast %add3A_3055 : i32 to index
        %get3A_3057 = tpu.vector_load %arg9[%get3A_3056] {strides = array<i32>} : memref<272xi32, #tpu.memory_space<vmem>>, vector<16xi32>,
        %get3A_3058 = vector.shape_cast %get3A_3057 : vector<16xi32> to vector<16xi32>
        %slice3A_3059 = vector.extract_strided_slice %get3A_3058 {offsets = [0], sizes = [1], strides = [1]} : vector<16xi32> to vector<1xi32>
        %squeeze3A_3060 = vector.extract %slice3A_3059[0] : i32 from vector<1xi32>
        %add3A_3061 = arith.addi %squeeze3A_3060, %min3A_3 : i32
        %jit3A_3062 = arith.constant 16 : i32
        %div3A_3063 = arith.divsi %add3A_3061, %jit3A_3062 : i32
        %sign3A_3064 = arith.constant 0 : i32
        %sign3A_3065 = arith.cmpi sgt, %add3A_3061, %sign3A_3064 : i32
        %sign3A_3066 = arith.extui %sign3A_3065 : i1 to i32
        %sign3A_3067 = arith.constant 0 : i32
        %sign3A_3068 = arith.cmpi slt, %add3A_3061, %sign3A_3067 : i32
        %sign3A_3069 = arith.extui %sign3A_3068 : i1 to i32
        %sign3A_3070 = arith.subi %sign3A_3066, %sign3A_3069 : i32
        %sign3A_3071 = arith.constant 0 : i32
        %sign3A_3072 = arith.cmpi sgt, %jit3A_3062, %sign3A_3071 : i32
        %sign3A_3073 = arith.extui %sign3A_3072 : i1 to i32
        %sign3A_3074 = arith.constant 0 : i32
        %sign3A_3075 = arith.cmpi slt, %jit3A_3062, %sign3A_3074 : i32
        %sign3A_3076 = arith.extui %sign3A_3075 : i1 to i32
        %sign3A_3077 = arith.subi %sign3A_3073, %sign3A_3076 : i32
        %ne3A_3078 = arith.cmpi ne, %sign3A_3070, %sign3A_3077 : i32
        %rem3A_3079 = arith.remsi %add3A_3061, %jit3A_3062 : i32
        %ne3A_3080 = arith.constant 0 : i32
        %ne3A_3081 = arith.cmpi ne, %rem3A_3079, %ne3A_3080 : i32
        %and3A_3082 = arith.andi %ne3A_3078, %ne3A_3081 : i1
        %sub3A_3083 = arith.constant 1 : i32
        %sub3A_3084 = arith.subi %div3A_3063, %sub3A_3083 : i32
        %select_n3A_3085 = arith.select %and3A_3082, %sub3A_3084, %div3A_3063 : i32
        %mul3A_3086 = arith.constant 16 : i32
        %mul3A_3087 = arith.muli %select_n3A_3085, %mul3A_3086 : i32
        %min3A_3088 = arith.constant 24996752 : i32
        %min3A_3089 = arith.minsi %mul3A_3087, %min3A_3088 : i32
        %sub3A_3090 = arith.subi %add3A_3061, %min3A_3089 : i32
        %dma_start3A_3091 = tpu.memref_slice %arg2[%min3A_3089] : memref<25000000xf32, #tpu.memory_space<hbm>> -> memref<3248xf32, #tpu.memory_space<hbm>>
        %dma_start3A_3092 = tpu.memref_slice %arg2[%min3A_3089] : memref<25000000xf32, #tpu.memory_space<hbm>> -> memref<3248xf32, #tpu.memory_space<hbm>>
        tpu.enqueue_dma source(%dma_start3A_3092 : memref<3248xf32, #tpu.memory_space<hbm>>) target(%arg18 : memref<3248xf32, #tpu.memory_space<vmem>>) target_semaphore(%arg47 : memref<!tpu.dma_semaphore, #tpu.memory_space<semaphore_mem>>)
        %add3A_3093 = arith.constant 7 : i32
        %add3A_3094 = arith.addi %add3A_2819, %add3A_3093 : i32
        %get3A_3095 = arith.index_cast %add3A_3094 : i32 to index
        %get3A_3096 = tpu.vector_load %arg9[%get3A_3095] {strides = array<i32>} : memref<272xi32, #tpu.memory_space<vmem>>, vector<16xi32>,
        %get3A_3097 = vector.shape_cast %get3A_3096 : vector<16xi32> to vector<16xi32>
        %slice3A_3098 = vector.extract_strided_slice %get3A_3097 {offsets = [0], sizes = [1], strides = [1]} : vector<16xi32> to vector<1xi32>
        %squeeze3A_3099 = vector.extract %slice3A_3098[0] : i32 from vector<1xi32>
        %add3A_3100 = arith.addi %squeeze3A_3099, %min3A_3 : i32
        %jit3A_3101 = arith.constant 16 : i32
        %div3A_3102 = arith.divsi %add3A_3100, %jit3A_3101 : i32
        %sign3A_3103 = arith.constant 0 : i32
        %sign3A_3104 = arith.cmpi sgt, %add3A_3100, %sign3A_3103 : i32
        %sign3A_3105 = arith.extui %sign3A_3104 : i1 to i32
        %sign3A_3106 = arith.constant 0 : i32
        %sign3A_3107 = arith.cmpi slt, %add3A_3100, %sign3A_3106 : i32
        %sign3A_3108 = arith.extui %sign3A_3107 : i1 to i32
        %sign3A_3109 = arith.subi %sign3A_3105, %sign3A_3108 : i32
        %sign3A_3110 = arith.constant 0 : i32
        %sign3A_3111 = arith.cmpi sgt, %jit3A_3101, %sign3A_3110 : i32
        %sign3A_3112 = arith.extui %sign3A_3111 : i1 to i32
        %sign3A_3113 = arith.constant 0 : i32
        %sign3A_3114 = arith.cmpi slt, %jit3A_3101, %sign3A_3113 : i32
        %sign3A_3115 = arith.extui %sign3A_3114 : i1 to i32
        %sign3A_3116 = arith.subi %sign3A_3112, %sign3A_3115 : i32
        %ne3A_3117 = arith.cmpi ne, %sign3A_3109, %sign3A_3116 : i32
        %rem3A_3118 = arith.remsi %add3A_3100, %jit3A_3101 : i32
        %ne3A_3119 = arith.constant 0 : i32
        %ne3A_3120 = arith.cmpi ne, %rem3A_3118, %ne3A_3119 : i32
        %and3A_3121 = arith.andi %ne3A_3117, %ne3A_3120 : i1
        %sub3A_3122 = arith.constant 1 : i32
        %sub3A_3123 = arith.subi %div3A_3102, %sub3A_3122 : i32
        %select_n3A_3124 = arith.select %and3A_3121, %sub3A_3123, %div3A_3102 : i32
        %mul3A_3125 = arith.constant 16 : i32
        %mul3A_3126 = arith.muli %select_n3A_3124, %mul3A_3125 : i32
        %min3A_3127 = arith.constant 24996752 : i32
        %min3A_3128 = arith.minsi %mul3A_3126, %min3A_3127 : i32
        %sub3A_3129 = arith.subi %add3A_3100, %min3A_3128 : i32
        %dma_start3A_3130 = tpu.memref_slice %arg2[%min3A_3128] : memref<25000000xf32, #tpu.memory_space<hbm>> -> memref<3248xf32, #tpu.memory_space<hbm>>
        %dma_start3A_3131 = tpu.memref_slice %arg2[%min3A_3128] : memref<25000000xf32, #tpu.memory_space<hbm>> -> memref<3248xf32, #tpu.memory_space<hbm>>
        tpu.enqueue_dma source(%dma_start3A_3131 : memref<3248xf32, #tpu.memory_space<hbm>>) target(%arg19 : memref<3248xf32, #tpu.memory_space<vmem>>) target_semaphore(%arg47 : memref<!tpu.dma_semaphore, #tpu.memory_space<semaphore_mem>>)
        %add3A_3132 = arith.constant 8 : i32
        %add3A_3133 = arith.addi %add3A_2819, %add3A_3132 : i32
        %get3A_3134 = arith.index_cast %add3A_3133 : i32 to index
        %get3A_3135 = tpu.vector_load %arg9[%get3A_3134] {strides = array<i32>} : memref<272xi32, #tpu.memory_space<vmem>>, vector<16xi32>,
        %get3A_3136 = vector.shape_cast %get3A_3135 : vector<16xi32> to vector<16xi32>
        %slice3A_3137 = vector.extract_strided_slice %get3A_3136 {offsets = [0], sizes = [1], strides = [1]} : vector<16xi32> to vector<1xi32>
        %squeeze3A_3138 = vector.extract %slice3A_3137[0] : i32 from vector<1xi32>
        %add3A_3139 = arith.addi %squeeze3A_3138, %min3A_3 : i32
        %jit3A_3140 = arith.constant 16 : i32
        %div3A_3141 = arith.divsi %add3A_3139, %jit3A_3140 : i32
        %sign3A_3142 = arith.constant 0 : i32
        %sign3A_3143 = arith.cmpi sgt, %add3A_3139, %sign3A_3142 : i32
        %sign3A_3144 = arith.extui %sign3A_3143 : i1 to i32
        %sign3A_3145 = arith.constant 0 : i32
        %sign3A_3146 = arith.cmpi slt, %add3A_3139, %sign3A_3145 : i32
        %sign3A_3147 = arith.extui %sign3A_3146 : i1 to i32
        %sign3A_3148 = arith.subi %sign3A_3144, %sign3A_3147 : i32
        %sign3A_3149 = arith.constant 0 : i32
        %sign3A_3150 = arith.cmpi sgt, %jit3A_3140, %sign3A_3149 : i32
        %sign3A_3151 = arith.extui %sign3A_3150 : i1 to i32
        %sign3A_3152 = arith.constant 0 : i32
        %sign3A_3153 = arith.cmpi slt, %jit3A_3140, %sign3A_3152 : i32
        %sign3A_3154 = arith.extui %sign3A_3153 : i1 to i32
        %sign3A_3155 = arith.subi %sign3A_3151, %sign3A_3154 : i32
        %ne3A_3156 = arith.cmpi ne, %sign3A_3148, %sign3A_3155 : i32
        %rem3A_3157 = arith.remsi %add3A_3139, %jit3A_3140 : i32
        %ne3A_3158 = arith.constant 0 : i32
        %ne3A_3159 = arith.cmpi ne, %rem3A_3157, %ne3A_3158 : i32
        %and3A_3160 = arith.andi %ne3A_3156, %ne3A_3159 : i1
        %sub3A_3161 = arith.constant 1 : i32
        %sub3A_3162 = arith.subi %div3A_3141, %sub3A_3161 : i32
        %select_n3A_3163 = arith.select %and3A_3160, %sub3A_3162, %div3A_3141 : i32
        %mul3A_3164 = arith.constant 16 : i32
        %mul3A_3165 = arith.muli %select_n3A_3163, %mul3A_3164 : i32
        %min3A_3166 = arith.constant 24996752 : i32
        %min3A_3167 = arith.minsi %mul3A_3165, %min3A_3166 : i32
        %sub3A_3168 = arith.subi %add3A_3139, %min3A_3167 : i32
        %dma_start3A_3169 = tpu.memref_slice %arg2[%min3A_3167] : memref<25000000xf32, #tpu.memory_space<hbm>> -> memref<3248xf32, #tpu.memory_space<hbm>>
        %dma_start3A_3170 = tpu.memref_slice %arg2[%min3A_3167] : memref<25000000xf32, #tpu.memory_space<hbm>> -> memref<3248xf32, #tpu.memory_space<hbm>>
        tpu.enqueue_dma source(%dma_start3A_3170 : memref<3248xf32, #tpu.memory_space<hbm>>) target(%arg20 : memref<3248xf32, #tpu.memory_space<vmem>>) target_semaphore(%arg47 : memref<!tpu.dma_semaphore, #tpu.memory_space<semaphore_mem>>)
        %add3A_3171 = arith.constant 9 : i32
        %add3A_3172 = arith.addi %add3A_2819, %add3A_3171 : i32
        %get3A_3173 = arith.index_cast %add3A_3172 : i32 to index
        %get3A_3174 = tpu.vector_load %arg9[%get3A_3173] {strides = array<i32>} : memref<272xi32, #tpu.memory_space<vmem>>, vector<16xi32>,
        %get3A_3175 = vector.shape_cast %get3A_3174 : vector<16xi32> to vector<16xi32>
        %slice3A_3176 = vector.extract_strided_slice %get3A_3175 {offsets = [0], sizes = [1], strides = [1]} : vector<16xi32> to vector<1xi32>
        %squeeze3A_3177 = vector.extract %slice3A_3176[0] : i32 from vector<1xi32>
        %add3A_3178 = arith.addi %squeeze3A_3177, %min3A_3 : i32
        %jit3A_3179 = arith.constant 16 : i32
        %div3A_3180 = arith.divsi %add3A_3178, %jit3A_3179 : i32
        %sign3A_3181 = arith.constant 0 : i32
        %sign3A_3182 = arith.cmpi sgt, %add3A_3178, %sign3A_3181 : i32
        %sign3A_3183 = arith.extui %sign3A_3182 : i1 to i32
        %sign3A_3184 = arith.constant 0 : i32
        %sign3A_3185 = arith.cmpi slt, %add3A_3178, %sign3A_3184 : i32
        %sign3A_3186 = arith.extui %sign3A_3185 : i1 to i32
        %sign3A_3187 = arith.subi %sign3A_3183, %sign3A_3186 : i32
        %sign3A_3188 = arith.constant 0 : i32
        %sign3A_3189 = arith.cmpi sgt, %jit3A_3179, %sign3A_3188 : i32
        %sign3A_3190 = arith.extui %sign3A_3189 : i1 to i32
        %sign3A_3191 = arith.constant 0 : i32
        %sign3A_3192 = arith.cmpi slt, %jit3A_3179, %sign3A_3191 : i32
        %sign3A_3193 = arith.extui %sign3A_3192 : i1 to i32
        %sign3A_3194 = arith.subi %sign3A_3190, %sign3A_3193 : i32
        %ne3A_3195 = arith.cmpi ne, %sign3A_3187, %sign3A_3194 : i32
        %rem3A_3196 = arith.remsi %add3A_3178, %jit3A_3179 : i32
        %ne3A_3197 = arith.constant 0 : i32
        %ne3A_3198 = arith.cmpi ne, %rem3A_3196, %ne3A_3197 : i32
        %and3A_3199 = arith.andi %ne3A_3195, %ne3A_3198 : i1
        %sub3A_3200 = arith.constant 1 : i32
        %sub3A_3201 = arith.subi %div3A_3180, %sub3A_3200 : i32
        %select_n3A_3202 = arith.select %and3A_3199, %sub3A_3201, %div3A_3180 : i32
        %mul3A_3203 = arith.constant 16 : i32
        %mul3A_3204 = arith.muli %select_n3A_3202, %mul3A_3203 : i32
        %min3A_3205 = arith.constant 24996752 : i32
        %min3A_3206 = arith.minsi %mul3A_3204, %min3A_3205 : i32
        %sub3A_3207 = arith.subi %add3A_3178, %min3A_3206 : i32
        %dma_start3A_3208 = tpu.memref_slice %arg2[%min3A_3206] : memref<25000000xf32, #tpu.memory_space<hbm>> -> memref<3248xf32, #tpu.memory_space<hbm>>
        %dma_start3A_3209 = tpu.memref_slice %arg2[%min3A_3206] : memref<25000000xf32, #tpu.memory_space<hbm>> -> memref<3248xf32, #tpu.memory_space<hbm>>
        tpu.enqueue_dma source(%dma_start3A_3209 : memref<3248xf32, #tpu.memory_space<hbm>>) target(%arg21 : memref<3248xf32, #tpu.memory_space<vmem>>) target_semaphore(%arg47 : memref<!tpu.dma_semaphore, #tpu.memory_space<semaphore_mem>>)
        %add3A_3210 = arith.constant 10 : i32
        %add3A_3211 = arith.addi %add3A_2819, %add3A_3210 : i32
        %get3A_3212 = arith.index_cast %add3A_3211 : i32 to index
        %get3A_3213 = tpu.vector_load %arg9[%get3A_3212] {strides = array<i32>} : memref<272xi32, #tpu.memory_space<vmem>>, vector<16xi32>,
        %get3A_3214 = vector.shape_cast %get3A_3213 : vector<16xi32> to vector<16xi32>
        %slice3A_3215 = vector.extract_strided_slice %get3A_3214 {offsets = [0], sizes = [1], strides = [1]} : vector<16xi32> to vector<1xi32>
        %squeeze3A_3216 = vector.extract %slice3A_3215[0] : i32 from vector<1xi32>
        %add3A_3217 = arith.addi %squeeze3A_3216, %min3A_3 : i32
        %jit3A_3218 = arith.constant 16 : i32
        %div3A_3219 = arith.divsi %add3A_3217, %jit3A_3218 : i32
        %sign3A_3220 = arith.constant 0 : i32
        %sign3A_3221 = arith.cmpi sgt, %add3A_3217, %sign3A_3220 : i32
        %sign3A_3222 = arith.extui %sign3A_3221 : i1 to i32
        %sign3A_3223 = arith.constant 0 : i32
        %sign3A_3224 = arith.cmpi slt, %add3A_3217, %sign3A_3223 : i32
        %sign3A_3225 = arith.extui %sign3A_3224 : i1 to i32
        %sign3A_3226 = arith.subi %sign3A_3222, %sign3A_3225 : i32
        %sign3A_3227 = arith.constant 0 : i32
        %sign3A_3228 = arith.cmpi sgt, %jit3A_3218, %sign3A_3227 : i32
        %sign3A_3229 = arith.extui %sign3A_3228 : i1 to i32
        %sign3A_3230 = arith.constant 0 : i32
        %sign3A_3231 = arith.cmpi slt, %jit3A_3218, %sign3A_3230 : i32
        %sign3A_3232 = arith.extui %sign3A_3231 : i1 to i32
        %sign3A_3233 = arith.subi %sign3A_3229, %sign3A_3232 : i32
        %ne3A_3234 = arith.cmpi ne, %sign3A_3226, %sign3A_3233 : i32
        %rem3A_3235 = arith.remsi %add3A_3217, %jit3A_3218 : i32
        %ne3A_3236 = arith.constant 0 : i32
        %ne3A_3237 = arith.cmpi ne, %rem3A_3235, %ne3A_3236 : i32
        %and3A_3238 = arith.andi %ne3A_3234, %ne3A_3237 : i1
        %sub3A_3239 = arith.constant 1 : i32
        %sub3A_3240 = arith.subi %div3A_3219, %sub3A_3239 : i32
        %select_n3A_3241 = arith.select %and3A_3238, %sub3A_3240, %div3A_3219 : i32
        %mul3A_3242 = arith.constant 16 : i32
        %mul3A_3243 = arith.muli %select_n3A_3241, %mul3A_3242 : i32
        %min3A_3244 = arith.constant 24996752 : i32
        %min3A_3245 = arith.minsi %mul3A_3243, %min3A_3244 : i32
        %sub3A_3246 = arith.subi %add3A_3217, %min3A_3245 : i32
        %dma_start3A_3247 = tpu.memref_slice %arg2[%min3A_3245] : memref<25000000xf32, #tpu.memory_space<hbm>> -> memref<3248xf32, #tpu.memory_space<hbm>>
        %dma_start3A_3248 = tpu.memref_slice %arg2[%min3A_3245] : memref<25000000xf32, #tpu.memory_space<hbm>> -> memref<3248xf32, #tpu.memory_space<hbm>>
        tpu.enqueue_dma source(%dma_start3A_3248 : memref<3248xf32, #tpu.memory_space<hbm>>) target(%arg22 : memref<3248xf32, #tpu.memory_space<vmem>>) target_semaphore(%arg47 : memref<!tpu.dma_semaphore, #tpu.memory_space<semaphore_mem>>)
        %add3A_3249 = arith.constant 11 : i32
        %add3A_3250 = arith.addi %add3A_2819, %add3A_3249 : i32
        %get3A_3251 = arith.index_cast %add3A_3250 : i32 to index
        %get3A_3252 = tpu.vector_load %arg9[%get3A_3251] {strides = array<i32>} : memref<272xi32, #tpu.memory_space<vmem>>, vector<16xi32>,
        %get3A_3253 = vector.shape_cast %get3A_3252 : vector<16xi32> to vector<16xi32>
        %slice3A_3254 = vector.extract_strided_slice %get3A_3253 {offsets = [0], sizes = [1], strides = [1]} : vector<16xi32> to vector<1xi32>
        %squeeze3A_3255 = vector.extract %slice3A_3254[0] : i32 from vector<1xi32>
        %add3A_3256 = arith.addi %squeeze3A_3255, %min3A_3 : i32
        %jit3A_3257 = arith.constant 16 : i32
        %div3A_3258 = arith.divsi %add3A_3256, %jit3A_3257 : i32
        %sign3A_3259 = arith.constant 0 : i32
        %sign3A_3260 = arith.cmpi sgt, %add3A_3256, %sign3A_3259 : i32
        %sign3A_3261 = arith.extui %sign3A_3260 : i1 to i32
        %sign3A_3262 = arith.constant 0 : i32
        %sign3A_3263 = arith.cmpi slt, %add3A_3256, %sign3A_3262 : i32
        %sign3A_3264 = arith.extui %sign3A_3263 : i1 to i32
        %sign3A_3265 = arith.subi %sign3A_3261, %sign3A_3264 : i32
        %sign3A_3266 = arith.constant 0 : i32
        %sign3A_3267 = arith.cmpi sgt, %jit3A_3257, %sign3A_3266 : i32
        %sign3A_3268 = arith.extui %sign3A_3267 : i1 to i32
        %sign3A_3269 = arith.constant 0 : i32
        %sign3A_3270 = arith.cmpi slt, %jit3A_3257, %sign3A_3269 : i32
        %sign3A_3271 = arith.extui %sign3A_3270 : i1 to i32
        %sign3A_3272 = arith.subi %sign3A_3268, %sign3A_3271 : i32
        %ne3A_3273 = arith.cmpi ne, %sign3A_3265, %sign3A_3272 : i32
        %rem3A_3274 = arith.remsi %add3A_3256, %jit3A_3257 : i32
        %ne3A_3275 = arith.constant 0 : i32
        %ne3A_3276 = arith.cmpi ne, %rem3A_3274, %ne3A_3275 : i32
        %and3A_3277 = arith.andi %ne3A_3273, %ne3A_3276 : i1
        %sub3A_3278 = arith.constant 1 : i32
        %sub3A_3279 = arith.subi %div3A_3258, %sub3A_3278 : i32
        %select_n3A_3280 = arith.select %and3A_3277, %sub3A_3279, %div3A_3258 : i32
        %mul3A_3281 = arith.constant 16 : i32
        %mul3A_3282 = arith.muli %select_n3A_3280, %mul3A_3281 : i32
        %min3A_3283 = arith.constant 24996752 : i32
        %min3A_3284 = arith.minsi %mul3A_3282, %min3A_3283 : i32
        %sub3A_3285 = arith.subi %add3A_3256, %min3A_3284 : i32
        %dma_start3A_3286 = tpu.memref_slice %arg2[%min3A_3284] : memref<25000000xf32, #tpu.memory_space<hbm>> -> memref<3248xf32, #tpu.memory_space<hbm>>
        %dma_start3A_3287 = tpu.memref_slice %arg2[%min3A_3284] : memref<25000000xf32, #tpu.memory_space<hbm>> -> memref<3248xf32, #tpu.memory_space<hbm>>
        tpu.enqueue_dma source(%dma_start3A_3287 : memref<3248xf32, #tpu.memory_space<hbm>>) target(%arg23 : memref<3248xf32, #tpu.memory_space<vmem>>) target_semaphore(%arg47 : memref<!tpu.dma_semaphore, #tpu.memory_space<semaphore_mem>>)
        %add3A_3288 = arith.constant 12 : i32
        %add3A_3289 = arith.addi %add3A_2819, %add3A_3288 : i32
        %get3A_3290 = arith.index_cast %add3A_3289 : i32 to index
        %get3A_3291 = tpu.vector_load %arg9[%get3A_3290] {strides = array<i32>} : memref<272xi32, #tpu.memory_space<vmem>>, vector<16xi32>,
        %get3A_3292 = vector.shape_cast %get3A_3291 : vector<16xi32> to vector<16xi32>
        %slice3A_3293 = vector.extract_strided_slice %get3A_3292 {offsets = [0], sizes = [1], strides = [1]} : vector<16xi32> to vector<1xi32>
        %squeeze3A_3294 = vector.extract %slice3A_3293[0] : i32 from vector<1xi32>
        %add3A_3295 = arith.addi %squeeze3A_3294, %min3A_3 : i32
        %jit3A_3296 = arith.constant 16 : i32
        %div3A_3297 = arith.divsi %add3A_3295, %jit3A_3296 : i32
        %sign3A_3298 = arith.constant 0 : i32
        %sign3A_3299 = arith.cmpi sgt, %add3A_3295, %sign3A_3298 : i32
        %sign3A_3300 = arith.extui %sign3A_3299 : i1 to i32
        %sign3A_3301 = arith.constant 0 : i32
        %sign3A_3302 = arith.cmpi slt, %add3A_3295, %sign3A_3301 : i32
        %sign3A_3303 = arith.extui %sign3A_3302 : i1 to i32
        %sign3A_3304 = arith.subi %sign3A_3300, %sign3A_3303 : i32
        %sign3A_3305 = arith.constant 0 : i32
        %sign3A_3306 = arith.cmpi sgt, %jit3A_3296, %sign3A_3305 : i32
        %sign3A_3307 = arith.extui %sign3A_3306 : i1 to i32
        %sign3A_3308 = arith.constant 0 : i32
        %sign3A_3309 = arith.cmpi slt, %jit3A_3296, %sign3A_3308 : i32
        %sign3A_3310 = arith.extui %sign3A_3309 : i1 to i32
        %sign3A_3311 = arith.subi %sign3A_3307, %sign3A_3310 : i32
        %ne3A_3312 = arith.cmpi ne, %sign3A_3304, %sign3A_3311 : i32
        %rem3A_3313 = arith.remsi %add3A_3295, %jit3A_3296 : i32
        %ne3A_3314 = arith.constant 0 : i32
        %ne3A_3315 = arith.cmpi ne, %rem3A_3313, %ne3A_3314 : i32
        %and3A_3316 = arith.andi %ne3A_3312, %ne3A_3315 : i1
        %sub3A_3317 = arith.constant 1 : i32
        %sub3A_3318 = arith.subi %div3A_3297, %sub3A_3317 : i32
        %select_n3A_3319 = arith.select %and3A_3316, %sub3A_3318, %div3A_3297 : i32
        %mul3A_3320 = arith.constant 16 : i32
        %mul3A_3321 = arith.muli %select_n3A_3319, %mul3A_3320 : i32
        %min3A_3322 = arith.constant 24996752 : i32
        %min3A_3323 = arith.minsi %mul3A_3321, %min3A_3322 : i32
        %sub3A_3324 = arith.subi %add3A_3295, %min3A_3323 : i32
        %dma_start3A_3325 = tpu.memref_slice %arg2[%min3A_3323] : memref<25000000xf32, #tpu.memory_space<hbm>> -> memref<3248xf32, #tpu.memory_space<hbm>>
        %dma_start3A_3326 = tpu.memref_slice %arg2[%min3A_3323] : memref<25000000xf32, #tpu.memory_space<hbm>> -> memref<3248xf32, #tpu.memory_space<hbm>>
        tpu.enqueue_dma source(%dma_start3A_3326 : memref<3248xf32, #tpu.memory_space<hbm>>) target(%arg24 : memref<3248xf32, #tpu.memory_space<vmem>>) target_semaphore(%arg47 : memref<!tpu.dma_semaphore, #tpu.memory_space<semaphore_mem>>)
        %add3A_3327 = arith.constant 13 : i32
        %add3A_3328 = arith.addi %add3A_2819, %add3A_3327 : i32
        %get3A_3329 = arith.index_cast %add3A_3328 : i32 to index
        %get3A_3330 = tpu.vector_load %arg9[%get3A_3329] {strides = array<i32>} : memref<272xi32, #tpu.memory_space<vmem>>, vector<16xi32>,
        %get3A_3331 = vector.shape_cast %get3A_3330 : vector<16xi32> to vector<16xi32>
        %slice3A_3332 = vector.extract_strided_slice %get3A_3331 {offsets = [0], sizes = [1], strides = [1]} : vector<16xi32> to vector<1xi32>
        %squeeze3A_3333 = vector.extract %slice3A_3332[0] : i32 from vector<1xi32>
        %add3A_3334 = arith.addi %squeeze3A_3333, %min3A_3 : i32
        %jit3A_3335 = arith.constant 16 : i32
        %div3A_3336 = arith.divsi %add3A_3334, %jit3A_3335 : i32
        %sign3A_3337 = arith.constant 0 : i32
        %sign3A_3338 = arith.cmpi sgt, %add3A_3334, %sign3A_3337 : i32
        %sign3A_3339 = arith.extui %sign3A_3338 : i1 to i32
        %sign3A_3340 = arith.constant 0 : i32
        %sign3A_3341 = arith.cmpi slt, %add3A_3334, %sign3A_3340 : i32
        %sign3A_3342 = arith.extui %sign3A_3341 : i1 to i32
        %sign3A_3343 = arith.subi %sign3A_3339, %sign3A_3342 : i32
        %sign3A_3344 = arith.constant 0 : i32
        %sign3A_3345 = arith.cmpi sgt, %jit3A_3335, %sign3A_3344 : i32
        %sign3A_3346 = arith.extui %sign3A_3345 : i1 to i32
        %sign3A_3347 = arith.constant 0 : i32
        %sign3A_3348 = arith.cmpi slt, %jit3A_3335, %sign3A_3347 : i32
        %sign3A_3349 = arith.extui %sign3A_3348 : i1 to i32
        %sign3A_3350 = arith.subi %sign3A_3346, %sign3A_3349 : i32
        %ne3A_3351 = arith.cmpi ne, %sign3A_3343, %sign3A_3350 : i32
        %rem3A_3352 = arith.remsi %add3A_3334, %jit3A_3335 : i32
        %ne3A_3353 = arith.constant 0 : i32
        %ne3A_3354 = arith.cmpi ne, %rem3A_3352, %ne3A_3353 : i32
        %and3A_3355 = arith.andi %ne3A_3351, %ne3A_3354 : i1
        %sub3A_3356 = arith.constant 1 : i32
        %sub3A_3357 = arith.subi %div3A_3336, %sub3A_3356 : i32
        %select_n3A_3358 = arith.select %and3A_3355, %sub3A_3357, %div3A_3336 : i32
        %mul3A_3359 = arith.constant 16 : i32
        %mul3A_3360 = arith.muli %select_n3A_3358, %mul3A_3359 : i32
        %min3A_3361 = arith.constant 24996752 : i32
        %min3A_3362 = arith.minsi %mul3A_3360, %min3A_3361 : i32
        %sub3A_3363 = arith.subi %add3A_3334, %min3A_3362 : i32
        %dma_start3A_3364 = tpu.memref_slice %arg2[%min3A_3362] : memref<25000000xf32, #tpu.memory_space<hbm>> -> memref<3248xf32, #tpu.memory_space<hbm>>
        %dma_start3A_3365 = tpu.memref_slice %arg2[%min3A_3362] : memref<25000000xf32, #tpu.memory_space<hbm>> -> memref<3248xf32, #tpu.memory_space<hbm>>
        tpu.enqueue_dma source(%dma_start3A_3365 : memref<3248xf32, #tpu.memory_space<hbm>>) target(%arg25 : memref<3248xf32, #tpu.memory_space<vmem>>) target_semaphore(%arg47 : memref<!tpu.dma_semaphore, #tpu.memory_space<semaphore_mem>>)
        %add3A_3366 = arith.constant 14 : i32
        %add3A_3367 = arith.addi %add3A_2819, %add3A_3366 : i32
        %get3A_3368 = arith.index_cast %add3A_3367 : i32 to index
        %get3A_3369 = tpu.vector_load %arg9[%get3A_3368] {strides = array<i32>} : memref<272xi32, #tpu.memory_space<vmem>>, vector<16xi32>,
        %get3A_3370 = vector.shape_cast %get3A_3369 : vector<16xi32> to vector<16xi32>
        %slice3A_3371 = vector.extract_strided_slice %get3A_3370 {offsets = [0], sizes = [1], strides = [1]} : vector<16xi32> to vector<1xi32>
        %squeeze3A_3372 = vector.extract %slice3A_3371[0] : i32 from vector<1xi32>
        %add3A_3373 = arith.addi %squeeze3A_3372, %min3A_3 : i32
        %jit3A_3374 = arith.constant 16 : i32
        %div3A_3375 = arith.divsi %add3A_3373, %jit3A_3374 : i32
        %sign3A_3376 = arith.constant 0 : i32
        %sign3A_3377 = arith.cmpi sgt, %add3A_3373, %sign3A_3376 : i32
        %sign3A_3378 = arith.extui %sign3A_3377 : i1 to i32
        %sign3A_3379 = arith.constant 0 : i32
        %sign3A_3380 = arith.cmpi slt, %add3A_3373, %sign3A_3379 : i32
        %sign3A_3381 = arith.extui %sign3A_3380 : i1 to i32
        %sign3A_3382 = arith.subi %sign3A_3378, %sign3A_3381 : i32
        %sign3A_3383 = arith.constant 0 : i32
        %sign3A_3384 = arith.cmpi sgt, %jit3A_3374, %sign3A_3383 : i32
        %sign3A_3385 = arith.extui %sign3A_3384 : i1 to i32
        %sign3A_3386 = arith.constant 0 : i32
        %sign3A_3387 = arith.cmpi slt, %jit3A_3374, %sign3A_3386 : i32
        %sign3A_3388 = arith.extui %sign3A_3387 : i1 to i32
        %sign3A_3389 = arith.subi %sign3A_3385, %sign3A_3388 : i32
        %ne3A_3390 = arith.cmpi ne, %sign3A_3382, %sign3A_3389 : i32
        %rem3A_3391 = arith.remsi %add3A_3373, %jit3A_3374 : i32
        %ne3A_3392 = arith.constant 0 : i32
        %ne3A_3393 = arith.cmpi ne, %rem3A_3391, %ne3A_3392 : i32
        %and3A_3394 = arith.andi %ne3A_3390, %ne3A_3393 : i1
        %sub3A_3395 = arith.constant 1 : i32
        %sub3A_3396 = arith.subi %div3A_3375, %sub3A_3395 : i32
        %select_n3A_3397 = arith.select %and3A_3394, %sub3A_3396, %div3A_3375 : i32
        %mul3A_3398 = arith.constant 16 : i32
        %mul3A_3399 = arith.muli %select_n3A_3397, %mul3A_3398 : i32
        %min3A_3400 = arith.constant 24996752 : i32
        %min3A_3401 = arith.minsi %mul3A_3399, %min3A_3400 : i32
        %sub3A_3402 = arith.subi %add3A_3373, %min3A_3401 : i32
        %dma_start3A_3403 = tpu.memref_slice %arg2[%min3A_3401] : memref<25000000xf32, #tpu.memory_space<hbm>> -> memref<3248xf32, #tpu.memory_space<hbm>>
        %dma_start3A_3404 = tpu.memref_slice %arg2[%min3A_3401] : memref<25000000xf32, #tpu.memory_space<hbm>> -> memref<3248xf32, #tpu.memory_space<hbm>>
        tpu.enqueue_dma source(%dma_start3A_3404 : memref<3248xf32, #tpu.memory_space<hbm>>) target(%arg26 : memref<3248xf32, #tpu.memory_space<vmem>>) target_semaphore(%arg47 : memref<!tpu.dma_semaphore, #tpu.memory_space<semaphore_mem>>)
        %add3A_3405 = arith.constant 15 : i32
        %add3A_3406 = arith.addi %add3A_2819, %add3A_3405 : i32
        %get3A_3407 = arith.index_cast %add3A_3406 : i32 to index
        %get3A_3408 = tpu.vector_load %arg9[%get3A_3407] {strides = array<i32>} : memref<272xi32, #tpu.memory_space<vmem>>, vector<16xi32>,
        %get3A_3409 = vector.shape_cast %get3A_3408 : vector<16xi32> to vector<16xi32>
        %slice3A_3410 = vector.extract_strided_slice %get3A_3409 {offsets = [0], sizes = [1], strides = [1]} : vector<16xi32> to vector<1xi32>
        %squeeze3A_3411 = vector.extract %slice3A_3410[0] : i32 from vector<1xi32>
        %add3A_3412 = arith.addi %squeeze3A_3411, %min3A_3 : i32
        %jit3A_3413 = arith.constant 16 : i32
        %div3A_3414 = arith.divsi %add3A_3412, %jit3A_3413 : i32
        %sign3A_3415 = arith.constant 0 : i32
        %sign3A_3416 = arith.cmpi sgt, %add3A_3412, %sign3A_3415 : i32
        %sign3A_3417 = arith.extui %sign3A_3416 : i1 to i32
        %sign3A_3418 = arith.constant 0 : i32
        %sign3A_3419 = arith.cmpi slt, %add3A_3412, %sign3A_3418 : i32
        %sign3A_3420 = arith.extui %sign3A_3419 : i1 to i32
        %sign3A_3421 = arith.subi %sign3A_3417, %sign3A_3420 : i32
        %sign3A_3422 = arith.constant 0 : i32
        %sign3A_3423 = arith.cmpi sgt, %jit3A_3413, %sign3A_3422 : i32
        %sign3A_3424 = arith.extui %sign3A_3423 : i1 to i32
        %sign3A_3425 = arith.constant 0 : i32
        %sign3A_3426 = arith.cmpi slt, %jit3A_3413, %sign3A_3425 : i32
        %sign3A_3427 = arith.extui %sign3A_3426 : i1 to i32
        %sign3A_3428 = arith.subi %sign3A_3424, %sign3A_3427 : i32
        %ne3A_3429 = arith.cmpi ne, %sign3A_3421, %sign3A_3428 : i32
        %rem3A_3430 = arith.remsi %add3A_3412, %jit3A_3413 : i32
        %ne3A_3431 = arith.constant 0 : i32
        %ne3A_3432 = arith.cmpi ne, %rem3A_3430, %ne3A_3431 : i32
        %and3A_3433 = arith.andi %ne3A_3429, %ne3A_3432 : i1
        %sub3A_3434 = arith.constant 1 : i32
        %sub3A_3435 = arith.subi %div3A_3414, %sub3A_3434 : i32
        %select_n3A_3436 = arith.select %and3A_3433, %sub3A_3435, %div3A_3414 : i32
        %mul3A_3437 = arith.constant 16 : i32
        %mul3A_3438 = arith.muli %select_n3A_3436, %mul3A_3437 : i32
        %min3A_3439 = arith.constant 24996752 : i32
        %min3A_3440 = arith.minsi %mul3A_3438, %min3A_3439 : i32
        %sub3A_3441 = arith.subi %add3A_3412, %min3A_3440 : i32
        %dma_start3A_3442 = tpu.memref_slice %arg2[%min3A_3440] : memref<25000000xf32, #tpu.memory_space<hbm>> -> memref<3248xf32, #tpu.memory_space<hbm>>
        %dma_start3A_3443 = tpu.memref_slice %arg2[%min3A_3440] : memref<25000000xf32, #tpu.memory_space<hbm>> -> memref<3248xf32, #tpu.memory_space<hbm>>
        tpu.enqueue_dma source(%dma_start3A_3443 : memref<3248xf32, #tpu.memory_space<hbm>>) target(%arg27 : memref<3248xf32, #tpu.memory_space<vmem>>) target_semaphore(%arg47 : memref<!tpu.dma_semaphore, #tpu.memory_space<semaphore_mem>>)
      } else {
      }
      %dma_wait3A_2044 = arith.constant 0 : i32
      %dma_wait3A_2045 = tpu.memref_slice %arg2[%dma_wait3A_2044] : memref<25000000xf32, #tpu.memory_space<hbm>> -> memref<3248xf32, #tpu.memory_space<hbm>>
      %dma_wait3A_2046 = arith.constant 0 : i32
      %dma_wait3A_2047 = tpu.memref_slice %arg2[%dma_wait3A_2046] : memref<25000000xf32, #tpu.memory_space<hbm>> -> memref<3248xf32, #tpu.memory_space<hbm>>
      tpu.wait_dma2 semaphore(%arg48 : memref<!tpu.dma_semaphore, #tpu.memory_space<semaphore_mem>>) src(%dma_wait3A_2047 : memref<3248xf32, #tpu.memory_space<hbm>>) dst(%arg28 : memref<3248xf32, #tpu.memory_space<vmem>>)
      %dma_wait3A_2048 = arith.constant 0 : i32
      %dma_wait3A_2049 = tpu.memref_slice %arg2[%dma_wait3A_2048] : memref<25000000xf32, #tpu.memory_space<hbm>> -> memref<3248xf32, #tpu.memory_space<hbm>>
      %dma_wait3A_2050 = arith.constant 0 : i32
      %dma_wait3A_2051 = tpu.memref_slice %arg2[%dma_wait3A_2050] : memref<25000000xf32, #tpu.memory_space<hbm>> -> memref<3248xf32, #tpu.memory_space<hbm>>
      tpu.wait_dma2 semaphore(%arg48 : memref<!tpu.dma_semaphore, #tpu.memory_space<semaphore_mem>>) src(%dma_wait3A_2051 : memref<3248xf32, #tpu.memory_space<hbm>>) dst(%arg29 : memref<3248xf32, #tpu.memory_space<vmem>>)
      %dma_wait3A_2052 = arith.constant 0 : i32
      %dma_wait3A_2053 = tpu.memref_slice %arg2[%dma_wait3A_2052] : memref<25000000xf32, #tpu.memory_space<hbm>> -> memref<3248xf32, #tpu.memory_space<hbm>>
      %dma_wait3A_2054 = arith.constant 0 : i32
      %dma_wait3A_2055 = tpu.memref_slice %arg2[%dma_wait3A_2054] : memref<25000000xf32, #tpu.memory_space<hbm>> -> memref<3248xf32, #tpu.memory_space<hbm>>
      tpu.wait_dma2 semaphore(%arg48 : memref<!tpu.dma_semaphore, #tpu.memory_space<semaphore_mem>>) src(%dma_wait3A_2055 : memref<3248xf32, #tpu.memory_space<hbm>>) dst(%arg30 : memref<3248xf32, #tpu.memory_space<vmem>>)
      %dma_wait3A_2056 = arith.constant 0 : i32
      %dma_wait3A_2057 = tpu.memref_slice %arg2[%dma_wait3A_2056] : memref<25000000xf32, #tpu.memory_space<hbm>> -> memref<3248xf32, #tpu.memory_space<hbm>>
      %dma_wait3A_2058 = arith.constant 0 : i32
      %dma_wait3A_2059 = tpu.memref_slice %arg2[%dma_wait3A_2058] : memref<25000000xf32, #tpu.memory_space<hbm>> -> memref<3248xf32, #tpu.memory_space<hbm>>
      tpu.wait_dma2 semaphore(%arg48 : memref<!tpu.dma_semaphore, #tpu.memory_space<semaphore_mem>>) src(%dma_wait3A_2059 : memref<3248xf32, #tpu.memory_space<hbm>>) dst(%arg31 : memref<3248xf32, #tpu.memory_space<vmem>>)
      %dma_wait3A_2060 = arith.constant 0 : i32
      %dma_wait3A_2061 = tpu.memref_slice %arg2[%dma_wait3A_2060] : memref<25000000xf32, #tpu.memory_space<hbm>> -> memref<3248xf32, #tpu.memory_space<hbm>>
      %dma_wait3A_2062 = arith.constant 0 : i32
      %dma_wait3A_2063 = tpu.memref_slice %arg2[%dma_wait3A_2062] : memref<25000000xf32, #tpu.memory_space<hbm>> -> memref<3248xf32, #tpu.memory_space<hbm>>
      tpu.wait_dma2 semaphore(%arg48 : memref<!tpu.dma_semaphore, #tpu.memory_space<semaphore_mem>>) src(%dma_wait3A_2063 : memref<3248xf32, #tpu.memory_space<hbm>>) dst(%arg32 : memref<3248xf32, #tpu.memory_space<vmem>>)
      %dma_wait3A_2064 = arith.constant 0 : i32
      %dma_wait3A_2065 = tpu.memref_slice %arg2[%dma_wait3A_2064] : memref<25000000xf32, #tpu.memory_space<hbm>> -> memref<3248xf32, #tpu.memory_space<hbm>>
      %dma_wait3A_2066 = arith.constant 0 : i32
      %dma_wait3A_2067 = tpu.memref_slice %arg2[%dma_wait3A_2066] : memref<25000000xf32, #tpu.memory_space<hbm>> -> memref<3248xf32, #tpu.memory_space<hbm>>
      tpu.wait_dma2 semaphore(%arg48 : memref<!tpu.dma_semaphore, #tpu.memory_space<semaphore_mem>>) src(%dma_wait3A_2067 : memref<3248xf32, #tpu.memory_space<hbm>>) dst(%arg33 : memref<3248xf32, #tpu.memory_space<vmem>>)
      %dma_wait3A_2068 = arith.constant 0 : i32
      %dma_wait3A_2069 = tpu.memref_slice %arg2[%dma_wait3A_2068] : memref<25000000xf32, #tpu.memory_space<hbm>> -> memref<3248xf32, #tpu.memory_space<hbm>>
      %dma_wait3A_2070 = arith.constant 0 : i32
      %dma_wait3A_2071 = tpu.memref_slice %arg2[%dma_wait3A_2070] : memref<25000000xf32, #tpu.memory_space<hbm>> -> memref<3248xf32, #tpu.memory_space<hbm>>
      tpu.wait_dma2 semaphore(%arg48 : memref<!tpu.dma_semaphore, #tpu.memory_space<semaphore_mem>>) src(%dma_wait3A_2071 : memref<3248xf32, #tpu.memory_space<hbm>>) dst(%arg34 : memref<3248xf32, #tpu.memory_space<vmem>>)
      %dma_wait3A_2072 = arith.constant 0 : i32
      %dma_wait3A_2073 = tpu.memref_slice %arg2[%dma_wait3A_2072] : memref<25000000xf32, #tpu.memory_space<hbm>> -> memref<3248xf32, #tpu.memory_space<hbm>>
      %dma_wait3A_2074 = arith.constant 0 : i32
      %dma_wait3A_2075 = tpu.memref_slice %arg2[%dma_wait3A_2074] : memref<25000000xf32, #tpu.memory_space<hbm>> -> memref<3248xf32, #tpu.memory_space<hbm>>
      tpu.wait_dma2 semaphore(%arg48 : memref<!tpu.dma_semaphore, #tpu.memory_space<semaphore_mem>>) src(%dma_wait3A_2075 : memref<3248xf32, #tpu.memory_space<hbm>>) dst(%arg35 : memref<3248xf32, #tpu.memory_space<vmem>>)
      %dma_wait3A_2076 = arith.constant 0 : i32
      %dma_wait3A_2077 = tpu.memref_slice %arg2[%dma_wait3A_2076] : memref<25000000xf32, #tpu.memory_space<hbm>> -> memref<3248xf32, #tpu.memory_space<hbm>>
      %dma_wait3A_2078 = arith.constant 0 : i32
      %dma_wait3A_2079 = tpu.memref_slice %arg2[%dma_wait3A_2078] : memref<25000000xf32, #tpu.memory_space<hbm>> -> memref<3248xf32, #tpu.memory_space<hbm>>
      tpu.wait_dma2 semaphore(%arg48 : memref<!tpu.dma_semaphore, #tpu.memory_space<semaphore_mem>>) src(%dma_wait3A_2079 : memref<3248xf32, #tpu.memory_space<hbm>>) dst(%arg36 : memref<3248xf32, #tpu.memory_space<vmem>>)
      %dma_wait3A_2080 = arith.constant 0 : i32
      %dma_wait3A_2081 = tpu.memref_slice %arg2[%dma_wait3A_2080] : memref<25000000xf32, #tpu.memory_space<hbm>> -> memref<3248xf32, #tpu.memory_space<hbm>>
      %dma_wait3A_2082 = arith.constant 0 : i32
      %dma_wait3A_2083 = tpu.memref_slice %arg2[%dma_wait3A_2082] : memref<25000000xf32, #tpu.memory_space<hbm>> -> memref<3248xf32, #tpu.memory_space<hbm>>
      tpu.wait_dma2 semaphore(%arg48 : memref<!tpu.dma_semaphore, #tpu.memory_space<semaphore_mem>>) src(%dma_wait3A_2083 : memref<3248xf32, #tpu.memory_space<hbm>>) dst(%arg37 : memref<3248xf32, #tpu.memory_space<vmem>>)
      %dma_wait3A_2084 = arith.constant 0 : i32
      %dma_wait3A_2085 = tpu.memref_slice %arg2[%dma_wait3A_2084] : memref<25000000xf32, #tpu.memory_space<hbm>> -> memref<3248xf32, #tpu.memory_space<hbm>>
      %dma_wait3A_2086 = arith.constant 0 : i32
      %dma_wait3A_2087 = tpu.memref_slice %arg2[%dma_wait3A_2086] : memref<25000000xf32, #tpu.memory_space<hbm>> -> memref<3248xf32, #tpu.memory_space<hbm>>
      tpu.wait_dma2 semaphore(%arg48 : memref<!tpu.dma_semaphore, #tpu.memory_space<semaphore_mem>>) src(%dma_wait3A_2087 : memref<3248xf32, #tpu.memory_space<hbm>>) dst(%arg38 : memref<3248xf32, #tpu.memory_space<vmem>>)
      %dma_wait3A_2088 = arith.constant 0 : i32
      %dma_wait3A_2089 = tpu.memref_slice %arg2[%dma_wait3A_2088] : memref<25000000xf32, #tpu.memory_space<hbm>> -> memref<3248xf32, #tpu.memory_space<hbm>>
      %dma_wait3A_2090 = arith.constant 0 : i32
      %dma_wait3A_2091 = tpu.memref_slice %arg2[%dma_wait3A_2090] : memref<25000000xf32, #tpu.memory_space<hbm>> -> memref<3248xf32, #tpu.memory_space<hbm>>
      tpu.wait_dma2 semaphore(%arg48 : memref<!tpu.dma_semaphore, #tpu.memory_space<semaphore_mem>>) src(%dma_wait3A_2091 : memref<3248xf32, #tpu.memory_space<hbm>>) dst(%arg39 : memref<3248xf32, #tpu.memory_space<vmem>>)
      %dma_wait3A_2092 = arith.constant 0 : i32
      %dma_wait3A_2093 = tpu.memref_slice %arg2[%dma_wait3A_2092] : memref<25000000xf32, #tpu.memory_space<hbm>> -> memref<3248xf32, #tpu.memory_space<hbm>>
      %dma_wait3A_2094 = arith.constant 0 : i32
      %dma_wait3A_2095 = tpu.memref_slice %arg2[%dma_wait3A_2094] : memref<25000000xf32, #tpu.memory_space<hbm>> -> memref<3248xf32, #tpu.memory_space<hbm>>
      tpu.wait_dma2 semaphore(%arg48 : memref<!tpu.dma_semaphore, #tpu.memory_space<semaphore_mem>>) src(%dma_wait3A_2095 : memref<3248xf32, #tpu.memory_space<hbm>>) dst(%arg40 : memref<3248xf32, #tpu.memory_space<vmem>>)
      %dma_wait3A_2096 = arith.constant 0 : i32
      %dma_wait3A_2097 = tpu.memref_slice %arg2[%dma_wait3A_2096] : memref<25000000xf32, #tpu.memory_space<hbm>> -> memref<3248xf32, #tpu.memory_space<hbm>>
      %dma_wait3A_2098 = arith.constant 0 : i32
      %dma_wait3A_2099 = tpu.memref_slice %arg2[%dma_wait3A_2098] : memref<25000000xf32, #tpu.memory_space<hbm>> -> memref<3248xf32, #tpu.memory_space<hbm>>
      tpu.wait_dma2 semaphore(%arg48 : memref<!tpu.dma_semaphore, #tpu.memory_space<semaphore_mem>>) src(%dma_wait3A_2099 : memref<3248xf32, #tpu.memory_space<hbm>>) dst(%arg41 : memref<3248xf32, #tpu.memory_space<vmem>>)
      %dma_wait3A_2100 = arith.constant 0 : i32
      %dma_wait3A_2101 = tpu.memref_slice %arg2[%dma_wait3A_2100] : memref<25000000xf32, #tpu.memory_space<hbm>> -> memref<3248xf32, #tpu.memory_space<hbm>>
      %dma_wait3A_2102 = arith.constant 0 : i32
      %dma_wait3A_2103 = tpu.memref_slice %arg2[%dma_wait3A_2102] : memref<25000000xf32, #tpu.memory_space<hbm>> -> memref<3248xf32, #tpu.memory_space<hbm>>
      tpu.wait_dma2 semaphore(%arg48 : memref<!tpu.dma_semaphore, #tpu.memory_space<semaphore_mem>>) src(%dma_wait3A_2103 : memref<3248xf32, #tpu.memory_space<hbm>>) dst(%arg42 : memref<3248xf32, #tpu.memory_space<vmem>>)
      %dma_wait3A_2104 = arith.constant 0 : i32
      %dma_wait3A_2105 = tpu.memref_slice %arg2[%dma_wait3A_2104] : memref<25000000xf32, #tpu.memory_space<hbm>> -> memref<3248xf32, #tpu.memory_space<hbm>>
      %dma_wait3A_2106 = arith.constant 0 : i32
      %dma_wait3A_2107 = tpu.memref_slice %arg2[%dma_wait3A_2106] : memref<25000000xf32, #tpu.memory_space<hbm>> -> memref<3248xf32, #tpu.memory_space<hbm>>
      tpu.wait_dma2 semaphore(%arg48 : memref<!tpu.dma_semaphore, #tpu.memory_space<semaphore_mem>>) src(%dma_wait3A_2107 : memref<3248xf32, #tpu.memory_space<hbm>>) dst(%arg43 : memref<3248xf32, #tpu.memory_space<vmem>>)
      %add3A_2108 = arith.constant 16 : i32
      %add3A_2109 = arith.addi %mul3A_642, %add3A_2108 : i32
      %add3A_2110 = arith.constant 0 : i32
      %add3A_2111 = arith.addi %add3A_2109, %add3A_2110 : i32
      %get3A_2112 = arith.index_cast %add3A_2111 : i32 to index
      %get3A_2113 = tpu.vector_load %arg9[%get3A_2112] {strides = array<i32>} : memref<272xi32, #tpu.memory_space<vmem>>, vector<16xi32>,
      %get3A_2114 = vector.shape_cast %get3A_2113 : vector<16xi32> to vector<16xi32>
      %slice3A_2115 = vector.extract_strided_slice %get3A_2114 {offsets = [0], sizes = [1], strides = [1]} : vector<16xi32> to vector<1xi32>
      %squeeze3A_2116 = vector.extract %slice3A_2115[0] : i32 from vector<1xi32>
      %add3A_2117 = arith.addi %squeeze3A_2116, %min3A_3 : i32
      %jit3A_2118 = arith.constant 16 : i32
      %div3A_2119 = arith.divsi %add3A_2117, %jit3A_2118 : i32
      %sign3A_2120 = arith.constant 0 : i32
      %sign3A_2121 = arith.cmpi sgt, %add3A_2117, %sign3A_2120 : i32
      %sign3A_2122 = arith.extui %sign3A_2121 : i1 to i32
      %sign3A_2123 = arith.constant 0 : i32
      %sign3A_2124 = arith.cmpi slt, %add3A_2117, %sign3A_2123 : i32
      %sign3A_2125 = arith.extui %sign3A_2124 : i1 to i32
      %sign3A_2126 = arith.subi %sign3A_2122, %sign3A_2125 : i32
      %sign3A_2127 = arith.constant 0 : i32
      %sign3A_2128 = arith.cmpi sgt, %jit3A_2118, %sign3A_2127 : i32
      %sign3A_2129 = arith.extui %sign3A_2128 : i1 to i32
      %sign3A_2130 = arith.constant 0 : i32
      %sign3A_2131 = arith.cmpi slt, %jit3A_2118, %sign3A_2130 : i32
      %sign3A_2132 = arith.extui %sign3A_2131 : i1 to i32
      %sign3A_2133 = arith.subi %sign3A_2129, %sign3A_2132 : i32
      %ne3A_2134 = arith.cmpi ne, %sign3A_2126, %sign3A_2133 : i32
      %rem3A_2135 = arith.remsi %add3A_2117, %jit3A_2118 : i32
      %ne3A_2136 = arith.constant 0 : i32
      %ne3A_2137 = arith.cmpi ne, %rem3A_2135, %ne3A_2136 : i32
      %and3A_2138 = arith.andi %ne3A_2134, %ne3A_2137 : i1
      %sub3A_2139 = arith.constant 1 : i32
      %sub3A_2140 = arith.subi %div3A_2119, %sub3A_2139 : i32
      %select_n3A_2141 = arith.select %and3A_2138, %sub3A_2140, %div3A_2119 : i32
      %mul3A_2142 = arith.constant 16 : i32
      %mul3A_2143 = arith.muli %select_n3A_2141, %mul3A_2142 : i32
      %min3A_2144 = arith.constant 24996752 : i32
      %min3A_2145 = arith.minsi %mul3A_2143, %min3A_2144 : i32
      %sub3A_2146 = arith.subi %add3A_2117, %min3A_2145 : i32
      %add3A_2147 = arith.constant 0 : i32
      %add3A_2148 = arith.addi %add3A_2109, %add3A_2147 : i32
      %get3A_2149 = arith.index_cast %add3A_2148 : i32 to index
      %get3A_2150 = tpu.vector_load %arg10[%get3A_2149] {strides = array<i32>} : memref<272xf32, #tpu.memory_space<vmem>>, vector<16xf32>,
      %get3A_2151 = vector.shape_cast %get3A_2150 : vector<16xf32> to vector<16xf32>
      %slice3A_2152 = vector.extract_strided_slice %get3A_2151 {offsets = [0], sizes = [1], strides = [1]} : vector<16xf32> to vector<1xf32>
      %squeeze3A_2153 = vector.extract %slice3A_2152[0] : f32 from vector<1xf32>
      %add3A_2154 = arith.constant 1 : i32
      %add3A_2155 = arith.addi %add3A_2109, %add3A_2154 : i32
      %get3A_2156 = arith.index_cast %add3A_2155 : i32 to index
      %get3A_2157 = tpu.vector_load %arg9[%get3A_2156] {strides = array<i32>} : memref<272xi32, #tpu.memory_space<vmem>>, vector<16xi32>,
      %get3A_2158 = vector.shape_cast %get3A_2157 : vector<16xi32> to vector<16xi32>
      %slice3A_2159 = vector.extract_strided_slice %get3A_2158 {offsets = [0], sizes = [1], strides = [1]} : vector<16xi32> to vector<1xi32>
      %squeeze3A_2160 = vector.extract %slice3A_2159[0] : i32 from vector<1xi32>
      %add3A_2161 = arith.addi %squeeze3A_2160, %min3A_3 : i32
      %jit3A_2162 = arith.constant 16 : i32
      %div3A_2163 = arith.divsi %add3A_2161, %jit3A_2162 : i32
      %sign3A_2164 = arith.constant 0 : i32
      %sign3A_2165 = arith.cmpi sgt, %add3A_2161, %sign3A_2164 : i32
      %sign3A_2166 = arith.extui %sign3A_2165 : i1 to i32
      %sign3A_2167 = arith.constant 0 : i32
      %sign3A_2168 = arith.cmpi slt, %add3A_2161, %sign3A_2167 : i32
      %sign3A_2169 = arith.extui %sign3A_2168 : i1 to i32
      %sign3A_2170 = arith.subi %sign3A_2166, %sign3A_2169 : i32
      %sign3A_2171 = arith.constant 0 : i32
      %sign3A_2172 = arith.cmpi sgt, %jit3A_2162, %sign3A_2171 : i32
      %sign3A_2173 = arith.extui %sign3A_2172 : i1 to i32
      %sign3A_2174 = arith.constant 0 : i32
      %sign3A_2175 = arith.cmpi slt, %jit3A_2162, %sign3A_2174 : i32
      %sign3A_2176 = arith.extui %sign3A_2175 : i1 to i32
      %sign3A_2177 = arith.subi %sign3A_2173, %sign3A_2176 : i32
      %ne3A_2178 = arith.cmpi ne, %sign3A_2170, %sign3A_2177 : i32
      %rem3A_2179 = arith.remsi %add3A_2161, %jit3A_2162 : i32
      %ne3A_2180 = arith.constant 0 : i32
      %ne3A_2181 = arith.cmpi ne, %rem3A_2179, %ne3A_2180 : i32
      %and3A_2182 = arith.andi %ne3A_2178, %ne3A_2181 : i1
      %sub3A_2183 = arith.constant 1 : i32
      %sub3A_2184 = arith.subi %div3A_2163, %sub3A_2183 : i32
      %select_n3A_2185 = arith.select %and3A_2182, %sub3A_2184, %div3A_2163 : i32
      %mul3A_2186 = arith.constant 16 : i32
      %mul3A_2187 = arith.muli %select_n3A_2185, %mul3A_2186 : i32
      %min3A_2188 = arith.constant 24996752 : i32
      %min3A_2189 = arith.minsi %mul3A_2187, %min3A_2188 : i32
      %sub3A_2190 = arith.subi %add3A_2161, %min3A_2189 : i32
      %add3A_2191 = arith.constant 1 : i32
      %add3A_2192 = arith.addi %add3A_2109, %add3A_2191 : i32
      %get3A_2193 = arith.index_cast %add3A_2192 : i32 to index
      %get3A_2194 = tpu.vector_load %arg10[%get3A_2193] {strides = array<i32>} : memref<272xf32, #tpu.memory_space<vmem>>, vector<16xf32>,
      %get3A_2195 = vector.shape_cast %get3A_2194 : vector<16xf32> to vector<16xf32>
      %slice3A_2196 = vector.extract_strided_slice %get3A_2195 {offsets = [0], sizes = [1], strides = [1]} : vector<16xf32> to vector<1xf32>
      %squeeze3A_2197 = vector.extract %slice3A_2196[0] : f32 from vector<1xf32>
      %add3A_2198 = arith.constant 2 : i32
      %add3A_2199 = arith.addi %add3A_2109, %add3A_2198 : i32
      %get3A_2200 = arith.index_cast %add3A_2199 : i32 to index
      %get3A_2201 = tpu.vector_load %arg9[%get3A_2200] {strides = array<i32>} : memref<272xi32, #tpu.memory_space<vmem>>, vector<16xi32>,
      %get3A_2202 = vector.shape_cast %get3A_2201 : vector<16xi32> to vector<16xi32>
      %slice3A_2203 = vector.extract_strided_slice %get3A_2202 {offsets = [0], sizes = [1], strides = [1]} : vector<16xi32> to vector<1xi32>
      %squeeze3A_2204 = vector.extract %slice3A_2203[0] : i32 from vector<1xi32>
      %add3A_2205 = arith.addi %squeeze3A_2204, %min3A_3 : i32
      %jit3A_2206 = arith.constant 16 : i32
      %div3A_2207 = arith.divsi %add3A_2205, %jit3A_2206 : i32
      %sign3A_2208 = arith.constant 0 : i32
      %sign3A_2209 = arith.cmpi sgt, %add3A_2205, %sign3A_2208 : i32
      %sign3A_2210 = arith.extui %sign3A_2209 : i1 to i32
      %sign3A_2211 = arith.constant 0 : i32
      %sign3A_2212 = arith.cmpi slt, %add3A_2205, %sign3A_2211 : i32
      %sign3A_2213 = arith.extui %sign3A_2212 : i1 to i32
      %sign3A_2214 = arith.subi %sign3A_2210, %sign3A_2213 : i32
      %sign3A_2215 = arith.constant 0 : i32
      %sign3A_2216 = arith.cmpi sgt, %jit3A_2206, %sign3A_2215 : i32
      %sign3A_2217 = arith.extui %sign3A_2216 : i1 to i32
      %sign3A_2218 = arith.constant 0 : i32
      %sign3A_2219 = arith.cmpi slt, %jit3A_2206, %sign3A_2218 : i32
      %sign3A_2220 = arith.extui %sign3A_2219 : i1 to i32
      %sign3A_2221 = arith.subi %sign3A_2217, %sign3A_2220 : i32
      %ne3A_2222 = arith.cmpi ne, %sign3A_2214, %sign3A_2221 : i32
      %rem3A_2223 = arith.remsi %add3A_2205, %jit3A_2206 : i32
      %ne3A_2224 = arith.constant 0 : i32
      %ne3A_2225 = arith.cmpi ne, %rem3A_2223, %ne3A_2224 : i32
      %and3A_2226 = arith.andi %ne3A_2222, %ne3A_2225 : i1
      %sub3A_2227 = arith.constant 1 : i32
      %sub3A_2228 = arith.subi %div3A_2207, %sub3A_2227 : i32
      %select_n3A_2229 = arith.select %and3A_2226, %sub3A_2228, %div3A_2207 : i32
      %mul3A_2230 = arith.constant 16 : i32
      %mul3A_2231 = arith.muli %select_n3A_2229, %mul3A_2230 : i32
      %min3A_2232 = arith.constant 24996752 : i32
      %min3A_2233 = arith.minsi %mul3A_2231, %min3A_2232 : i32
      %sub3A_2234 = arith.subi %add3A_2205, %min3A_2233 : i32
      %add3A_2235 = arith.constant 2 : i32
      %add3A_2236 = arith.addi %add3A_2109, %add3A_2235 : i32
      %get3A_2237 = arith.index_cast %add3A_2236 : i32 to index
      %get3A_2238 = tpu.vector_load %arg10[%get3A_2237] {strides = array<i32>} : memref<272xf32, #tpu.memory_space<vmem>>, vector<16xf32>,
      %get3A_2239 = vector.shape_cast %get3A_2238 : vector<16xf32> to vector<16xf32>
      %slice3A_2240 = vector.extract_strided_slice %get3A_2239 {offsets = [0], sizes = [1], strides = [1]} : vector<16xf32> to vector<1xf32>
      %squeeze3A_2241 = vector.extract %slice3A_2240[0] : f32 from vector<1xf32>
      %add3A_2242 = arith.constant 3 : i32
      %add3A_2243 = arith.addi %add3A_2109, %add3A_2242 : i32
      %get3A_2244 = arith.index_cast %add3A_2243 : i32 to index
      %get3A_2245 = tpu.vector_load %arg9[%get3A_2244] {strides = array<i32>} : memref<272xi32, #tpu.memory_space<vmem>>, vector<16xi32>,
      %get3A_2246 = vector.shape_cast %get3A_2245 : vector<16xi32> to vector<16xi32>
      %slice3A_2247 = vector.extract_strided_slice %get3A_2246 {offsets = [0], sizes = [1], strides = [1]} : vector<16xi32> to vector<1xi32>
      %squeeze3A_2248 = vector.extract %slice3A_2247[0] : i32 from vector<1xi32>
      %add3A_2249 = arith.addi %squeeze3A_2248, %min3A_3 : i32
      %jit3A_2250 = arith.constant 16 : i32
      %div3A_2251 = arith.divsi %add3A_2249, %jit3A_2250 : i32
      %sign3A_2252 = arith.constant 0 : i32
      %sign3A_2253 = arith.cmpi sgt, %add3A_2249, %sign3A_2252 : i32
      %sign3A_2254 = arith.extui %sign3A_2253 : i1 to i32
      %sign3A_2255 = arith.constant 0 : i32
      %sign3A_2256 = arith.cmpi slt, %add3A_2249, %sign3A_2255 : i32
      %sign3A_2257 = arith.extui %sign3A_2256 : i1 to i32
      %sign3A_2258 = arith.subi %sign3A_2254, %sign3A_2257 : i32
      %sign3A_2259 = arith.constant 0 : i32
      %sign3A_2260 = arith.cmpi sgt, %jit3A_2250, %sign3A_2259 : i32
      %sign3A_2261 = arith.extui %sign3A_2260 : i1 to i32
      %sign3A_2262 = arith.constant 0 : i32
      %sign3A_2263 = arith.cmpi slt, %jit3A_2250, %sign3A_2262 : i32
      %sign3A_2264 = arith.extui %sign3A_2263 : i1 to i32
      %sign3A_2265 = arith.subi %sign3A_2261, %sign3A_2264 : i32
      %ne3A_2266 = arith.cmpi ne, %sign3A_2258, %sign3A_2265 : i32
      %rem3A_2267 = arith.remsi %add3A_2249, %jit3A_2250 : i32
      %ne3A_2268 = arith.constant 0 : i32
      %ne3A_2269 = arith.cmpi ne, %rem3A_2267, %ne3A_2268 : i32
      %and3A_2270 = arith.andi %ne3A_2266, %ne3A_2269 : i1
      %sub3A_2271 = arith.constant 1 : i32
      %sub3A_2272 = arith.subi %div3A_2251, %sub3A_2271 : i32
      %select_n3A_2273 = arith.select %and3A_2270, %sub3A_2272, %div3A_2251 : i32
      %mul3A_2274 = arith.constant 16 : i32
      %mul3A_2275 = arith.muli %select_n3A_2273, %mul3A_2274 : i32
      %min3A_2276 = arith.constant 24996752 : i32
      %min3A_2277 = arith.minsi %mul3A_2275, %min3A_2276 : i32
      %sub3A_2278 = arith.subi %add3A_2249, %min3A_2277 : i32
      %add3A_2279 = arith.constant 3 : i32
      %add3A_2280 = arith.addi %add3A_2109, %add3A_2279 : i32
      %get3A_2281 = arith.index_cast %add3A_2280 : i32 to index
      %get3A_2282 = tpu.vector_load %arg10[%get3A_2281] {strides = array<i32>} : memref<272xf32, #tpu.memory_space<vmem>>, vector<16xf32>,
      %get3A_2283 = vector.shape_cast %get3A_2282 : vector<16xf32> to vector<16xf32>
      %slice3A_2284 = vector.extract_strided_slice %get3A_2283 {offsets = [0], sizes = [1], strides = [1]} : vector<16xf32> to vector<1xf32>
      %squeeze3A_2285 = vector.extract %slice3A_2284[0] : f32 from vector<1xf32>
      %add3A_2286 = arith.constant 4 : i32
      %add3A_2287 = arith.addi %add3A_2109, %add3A_2286 : i32
      %get3A_2288 = arith.index_cast %add3A_2287 : i32 to index
      %get3A_2289 = tpu.vector_load %arg9[%get3A_2288] {strides = array<i32>} : memref<272xi32, #tpu.memory_space<vmem>>, vector<16xi32>,
      %get3A_2290 = vector.shape_cast %get3A_2289 : vector<16xi32> to vector<16xi32>
      %slice3A_2291 = vector.extract_strided_slice %get3A_2290 {offsets = [0], sizes = [1], strides = [1]} : vector<16xi32> to vector<1xi32>
      %squeeze3A_2292 = vector.extract %slice3A_2291[0] : i32 from vector<1xi32>
      %add3A_2293 = arith.addi %squeeze3A_2292, %min3A_3 : i32
      %jit3A_2294 = arith.constant 16 : i32
      %div3A_2295 = arith.divsi %add3A_2293, %jit3A_2294 : i32
      %sign3A_2296 = arith.constant 0 : i32
      %sign3A_2297 = arith.cmpi sgt, %add3A_2293, %sign3A_2296 : i32
      %sign3A_2298 = arith.extui %sign3A_2297 : i1 to i32
      %sign3A_2299 = arith.constant 0 : i32
      %sign3A_2300 = arith.cmpi slt, %add3A_2293, %sign3A_2299 : i32
      %sign3A_2301 = arith.extui %sign3A_2300 : i1 to i32
      %sign3A_2302 = arith.subi %sign3A_2298, %sign3A_2301 : i32
      %sign3A_2303 = arith.constant 0 : i32
      %sign3A_2304 = arith.cmpi sgt, %jit3A_2294, %sign3A_2303 : i32
      %sign3A_2305 = arith.extui %sign3A_2304 : i1 to i32
      %sign3A_2306 = arith.constant 0 : i32
      %sign3A_2307 = arith.cmpi slt, %jit3A_2294, %sign3A_2306 : i32
      %sign3A_2308 = arith.extui %sign3A_2307 : i1 to i32
      %sign3A_2309 = arith.subi %sign3A_2305, %sign3A_2308 : i32
      %ne3A_2310 = arith.cmpi ne, %sign3A_2302, %sign3A_2309 : i32
      %rem3A_2311 = arith.remsi %add3A_2293, %jit3A_2294 : i32
      %ne3A_2312 = arith.constant 0 : i32
      %ne3A_2313 = arith.cmpi ne, %rem3A_2311, %ne3A_2312 : i32
      %and3A_2314 = arith.andi %ne3A_2310, %ne3A_2313 : i1
      %sub3A_2315 = arith.constant 1 : i32
      %sub3A_2316 = arith.subi %div3A_2295, %sub3A_2315 : i32
      %select_n3A_2317 = arith.select %and3A_2314, %sub3A_2316, %div3A_2295 : i32
      %mul3A_2318 = arith.constant 16 : i32
      %mul3A_2319 = arith.muli %select_n3A_2317, %mul3A_2318 : i32
      %min3A_2320 = arith.constant 24996752 : i32
      %min3A_2321 = arith.minsi %mul3A_2319, %min3A_2320 : i32
      %sub3A_2322 = arith.subi %add3A_2293, %min3A_2321 : i32
      %add3A_2323 = arith.constant 4 : i32
      %add3A_2324 = arith.addi %add3A_2109, %add3A_2323 : i32
      %get3A_2325 = arith.index_cast %add3A_2324 : i32 to index
      %get3A_2326 = tpu.vector_load %arg10[%get3A_2325] {strides = array<i32>} : memref<272xf32, #tpu.memory_space<vmem>>, vector<16xf32>,
      %get3A_2327 = vector.shape_cast %get3A_2326 : vector<16xf32> to vector<16xf32>
      %slice3A_2328 = vector.extract_strided_slice %get3A_2327 {offsets = [0], sizes = [1], strides = [1]} : vector<16xf32> to vector<1xf32>
      %squeeze3A_2329 = vector.extract %slice3A_2328[0] : f32 from vector<1xf32>
      %add3A_2330 = arith.constant 5 : i32
      %add3A_2331 = arith.addi %add3A_2109, %add3A_2330 : i32
      %get3A_2332 = arith.index_cast %add3A_2331 : i32 to index
      %get3A_2333 = tpu.vector_load %arg9[%get3A_2332] {strides = array<i32>} : memref<272xi32, #tpu.memory_space<vmem>>, vector<16xi32>,
      %get3A_2334 = vector.shape_cast %get3A_2333 : vector<16xi32> to vector<16xi32>
      %slice3A_2335 = vector.extract_strided_slice %get3A_2334 {offsets = [0], sizes = [1], strides = [1]} : vector<16xi32> to vector<1xi32>
      %squeeze3A_2336 = vector.extract %slice3A_2335[0] : i32 from vector<1xi32>
      %add3A_2337 = arith.addi %squeeze3A_2336, %min3A_3 : i32
      %jit3A_2338 = arith.constant 16 : i32
      %div3A_2339 = arith.divsi %add3A_2337, %jit3A_2338 : i32
      %sign3A_2340 = arith.constant 0 : i32
      %sign3A_2341 = arith.cmpi sgt, %add3A_2337, %sign3A_2340 : i32
      %sign3A_2342 = arith.extui %sign3A_2341 : i1 to i32
      %sign3A_2343 = arith.constant 0 : i32
      %sign3A_2344 = arith.cmpi slt, %add3A_2337, %sign3A_2343 : i32
      %sign3A_2345 = arith.extui %sign3A_2344 : i1 to i32
      %sign3A_2346 = arith.subi %sign3A_2342, %sign3A_2345 : i32
      %sign3A_2347 = arith.constant 0 : i32
      %sign3A_2348 = arith.cmpi sgt, %jit3A_2338, %sign3A_2347 : i32
      %sign3A_2349 = arith.extui %sign3A_2348 : i1 to i32
      %sign3A_2350 = arith.constant 0 : i32
      %sign3A_2351 = arith.cmpi slt, %jit3A_2338, %sign3A_2350 : i32
      %sign3A_2352 = arith.extui %sign3A_2351 : i1 to i32
      %sign3A_2353 = arith.subi %sign3A_2349, %sign3A_2352 : i32
      %ne3A_2354 = arith.cmpi ne, %sign3A_2346, %sign3A_2353 : i32
      %rem3A_2355 = arith.remsi %add3A_2337, %jit3A_2338 : i32
      %ne3A_2356 = arith.constant 0 : i32
      %ne3A_2357 = arith.cmpi ne, %rem3A_2355, %ne3A_2356 : i32
      %and3A_2358 = arith.andi %ne3A_2354, %ne3A_2357 : i1
      %sub3A_2359 = arith.constant 1 : i32
      %sub3A_2360 = arith.subi %div3A_2339, %sub3A_2359 : i32
      %select_n3A_2361 = arith.select %and3A_2358, %sub3A_2360, %div3A_2339 : i32
      %mul3A_2362 = arith.constant 16 : i32
      %mul3A_2363 = arith.muli %select_n3A_2361, %mul3A_2362 : i32
      %min3A_2364 = arith.constant 24996752 : i32
      %min3A_2365 = arith.minsi %mul3A_2363, %min3A_2364 : i32
      %sub3A_2366 = arith.subi %add3A_2337, %min3A_2365 : i32
      %add3A_2367 = arith.constant 5 : i32
      %add3A_2368 = arith.addi %add3A_2109, %add3A_2367 : i32
      %get3A_2369 = arith.index_cast %add3A_2368 : i32 to index
      %get3A_2370 = tpu.vector_load %arg10[%get3A_2369] {strides = array<i32>} : memref<272xf32, #tpu.memory_space<vmem>>, vector<16xf32>,
      %get3A_2371 = vector.shape_cast %get3A_2370 : vector<16xf32> to vector<16xf32>
      %slice3A_2372 = vector.extract_strided_slice %get3A_2371 {offsets = [0], sizes = [1], strides = [1]} : vector<16xf32> to vector<1xf32>
      %squeeze3A_2373 = vector.extract %slice3A_2372[0] : f32 from vector<1xf32>
      %add3A_2374 = arith.constant 6 : i32
      %add3A_2375 = arith.addi %add3A_2109, %add3A_2374 : i32
      %get3A_2376 = arith.index_cast %add3A_2375 : i32 to index
      %get3A_2377 = tpu.vector_load %arg9[%get3A_2376] {strides = array<i32>} : memref<272xi32, #tpu.memory_space<vmem>>, vector<16xi32>,
      %get3A_2378 = vector.shape_cast %get3A_2377 : vector<16xi32> to vector<16xi32>
      %slice3A_2379 = vector.extract_strided_slice %get3A_2378 {offsets = [0], sizes = [1], strides = [1]} : vector<16xi32> to vector<1xi32>
      %squeeze3A_2380 = vector.extract %slice3A_2379[0] : i32 from vector<1xi32>
      %add3A_2381 = arith.addi %squeeze3A_2380, %min3A_3 : i32
      %jit3A_2382 = arith.constant 16 : i32
      %div3A_2383 = arith.divsi %add3A_2381, %jit3A_2382 : i32
      %sign3A_2384 = arith.constant 0 : i32
      %sign3A_2385 = arith.cmpi sgt, %add3A_2381, %sign3A_2384 : i32
      %sign3A_2386 = arith.extui %sign3A_2385 : i1 to i32
      %sign3A_2387 = arith.constant 0 : i32
      %sign3A_2388 = arith.cmpi slt, %add3A_2381, %sign3A_2387 : i32
      %sign3A_2389 = arith.extui %sign3A_2388 : i1 to i32
      %sign3A_2390 = arith.subi %sign3A_2386, %sign3A_2389 : i32
      %sign3A_2391 = arith.constant 0 : i32
      %sign3A_2392 = arith.cmpi sgt, %jit3A_2382, %sign3A_2391 : i32
      %sign3A_2393 = arith.extui %sign3A_2392 : i1 to i32
      %sign3A_2394 = arith.constant 0 : i32
      %sign3A_2395 = arith.cmpi slt, %jit3A_2382, %sign3A_2394 : i32
      %sign3A_2396 = arith.extui %sign3A_2395 : i1 to i32
      %sign3A_2397 = arith.subi %sign3A_2393, %sign3A_2396 : i32
      %ne3A_2398 = arith.cmpi ne, %sign3A_2390, %sign3A_2397 : i32
      %rem3A_2399 = arith.remsi %add3A_2381, %jit3A_2382 : i32
      %ne3A_2400 = arith.constant 0 : i32
      %ne3A_2401 = arith.cmpi ne, %rem3A_2399, %ne3A_2400 : i32
      %and3A_2402 = arith.andi %ne3A_2398, %ne3A_2401 : i1
      %sub3A_2403 = arith.constant 1 : i32
      %sub3A_2404 = arith.subi %div3A_2383, %sub3A_2403 : i32
      %select_n3A_2405 = arith.select %and3A_2402, %sub3A_2404, %div3A_2383 : i32
      %mul3A_2406 = arith.constant 16 : i32
      %mul3A_2407 = arith.muli %select_n3A_2405, %mul3A_2406 : i32
      %min3A_2408 = arith.constant 24996752 : i32
      %min3A_2409 = arith.minsi %mul3A_2407, %min3A_2408 : i32
      %sub3A_2410 = arith.subi %add3A_2381, %min3A_2409 : i32
      %add3A_2411 = arith.constant 6 : i32
      %add3A_2412 = arith.addi %add3A_2109, %add3A_2411 : i32
      %get3A_2413 = arith.index_cast %add3A_2412 : i32 to index
      %get3A_2414 = tpu.vector_load %arg10[%get3A_2413] {strides = array<i32>} : memref<272xf32, #tpu.memory_space<vmem>>, vector<16xf32>,
      %get3A_2415 = vector.shape_cast %get3A_2414 : vector<16xf32> to vector<16xf32>
      %slice3A_2416 = vector.extract_strided_slice %get3A_2415 {offsets = [0], sizes = [1], strides = [1]} : vector<16xf32> to vector<1xf32>
      %squeeze3A_2417 = vector.extract %slice3A_2416[0] : f32 from vector<1xf32>
      %add3A_2418 = arith.constant 7 : i32
      %add3A_2419 = arith.addi %add3A_2109, %add3A_2418 : i32
      %get3A_2420 = arith.index_cast %add3A_2419 : i32 to index
      %get3A_2421 = tpu.vector_load %arg9[%get3A_2420] {strides = array<i32>} : memref<272xi32, #tpu.memory_space<vmem>>, vector<16xi32>,
      %get3A_2422 = vector.shape_cast %get3A_2421 : vector<16xi32> to vector<16xi32>
      %slice3A_2423 = vector.extract_strided_slice %get3A_2422 {offsets = [0], sizes = [1], strides = [1]} : vector<16xi32> to vector<1xi32>
      %squeeze3A_2424 = vector.extract %slice3A_2423[0] : i32 from vector<1xi32>
      %add3A_2425 = arith.addi %squeeze3A_2424, %min3A_3 : i32
      %jit3A_2426 = arith.constant 16 : i32
      %div3A_2427 = arith.divsi %add3A_2425, %jit3A_2426 : i32
      %sign3A_2428 = arith.constant 0 : i32
      %sign3A_2429 = arith.cmpi sgt, %add3A_2425, %sign3A_2428 : i32
      %sign3A_2430 = arith.extui %sign3A_2429 : i1 to i32
      %sign3A_2431 = arith.constant 0 : i32
      %sign3A_2432 = arith.cmpi slt, %add3A_2425, %sign3A_2431 : i32
      %sign3A_2433 = arith.extui %sign3A_2432 : i1 to i32
      %sign3A_2434 = arith.subi %sign3A_2430, %sign3A_2433 : i32
      %sign3A_2435 = arith.constant 0 : i32
      %sign3A_2436 = arith.cmpi sgt, %jit3A_2426, %sign3A_2435 : i32
      %sign3A_2437 = arith.extui %sign3A_2436 : i1 to i32
      %sign3A_2438 = arith.constant 0 : i32
      %sign3A_2439 = arith.cmpi slt, %jit3A_2426, %sign3A_2438 : i32
      %sign3A_2440 = arith.extui %sign3A_2439 : i1 to i32
      %sign3A_2441 = arith.subi %sign3A_2437, %sign3A_2440 : i32
      %ne3A_2442 = arith.cmpi ne, %sign3A_2434, %sign3A_2441 : i32
      %rem3A_2443 = arith.remsi %add3A_2425, %jit3A_2426 : i32
      %ne3A_2444 = arith.constant 0 : i32
      %ne3A_2445 = arith.cmpi ne, %rem3A_2443, %ne3A_2444 : i32
      %and3A_2446 = arith.andi %ne3A_2442, %ne3A_2445 : i1
      %sub3A_2447 = arith.constant 1 : i32
      %sub3A_2448 = arith.subi %div3A_2427, %sub3A_2447 : i32
      %select_n3A_2449 = arith.select %and3A_2446, %sub3A_2448, %div3A_2427 : i32
      %mul3A_2450 = arith.constant 16 : i32
      %mul3A_2451 = arith.muli %select_n3A_2449, %mul3A_2450 : i32
      %min3A_2452 = arith.constant 24996752 : i32
      %min3A_2453 = arith.minsi %mul3A_2451, %min3A_2452 : i32
      %sub3A_2454 = arith.subi %add3A_2425, %min3A_2453 : i32
      %add3A_2455 = arith.constant 7 : i32
      %add3A_2456 = arith.addi %add3A_2109, %add3A_2455 : i32
      %get3A_2457 = arith.index_cast %add3A_2456 : i32 to index
      %get3A_2458 = tpu.vector_load %arg10[%get3A_2457] {strides = array<i32>} : memref<272xf32, #tpu.memory_space<vmem>>, vector<16xf32>,
      %get3A_2459 = vector.shape_cast %get3A_2458 : vector<16xf32> to vector<16xf32>
      %slice3A_2460 = vector.extract_strided_slice %get3A_2459 {offsets = [0], sizes = [1], strides = [1]} : vector<16xf32> to vector<1xf32>
      %squeeze3A_2461 = vector.extract %slice3A_2460[0] : f32 from vector<1xf32>
      %add3A_2462 = arith.constant 8 : i32
      %add3A_2463 = arith.addi %add3A_2109, %add3A_2462 : i32
      %get3A_2464 = arith.index_cast %add3A_2463 : i32 to index
      %get3A_2465 = tpu.vector_load %arg9[%get3A_2464] {strides = array<i32>} : memref<272xi32, #tpu.memory_space<vmem>>, vector<16xi32>,
      %get3A_2466 = vector.shape_cast %get3A_2465 : vector<16xi32> to vector<16xi32>
      %slice3A_2467 = vector.extract_strided_slice %get3A_2466 {offsets = [0], sizes = [1], strides = [1]} : vector<16xi32> to vector<1xi32>
      %squeeze3A_2468 = vector.extract %slice3A_2467[0] : i32 from vector<1xi32>
      %add3A_2469 = arith.addi %squeeze3A_2468, %min3A_3 : i32
      %jit3A_2470 = arith.constant 16 : i32
      %div3A_2471 = arith.divsi %add3A_2469, %jit3A_2470 : i32
      %sign3A_2472 = arith.constant 0 : i32
      %sign3A_2473 = arith.cmpi sgt, %add3A_2469, %sign3A_2472 : i32
      %sign3A_2474 = arith.extui %sign3A_2473 : i1 to i32
      %sign3A_2475 = arith.constant 0 : i32
      %sign3A_2476 = arith.cmpi slt, %add3A_2469, %sign3A_2475 : i32
      %sign3A_2477 = arith.extui %sign3A_2476 : i1 to i32
      %sign3A_2478 = arith.subi %sign3A_2474, %sign3A_2477 : i32
      %sign3A_2479 = arith.constant 0 : i32
      %sign3A_2480 = arith.cmpi sgt, %jit3A_2470, %sign3A_2479 : i32
      %sign3A_2481 = arith.extui %sign3A_2480 : i1 to i32
      %sign3A_2482 = arith.constant 0 : i32
      %sign3A_2483 = arith.cmpi slt, %jit3A_2470, %sign3A_2482 : i32
      %sign3A_2484 = arith.extui %sign3A_2483 : i1 to i32
      %sign3A_2485 = arith.subi %sign3A_2481, %sign3A_2484 : i32
      %ne3A_2486 = arith.cmpi ne, %sign3A_2478, %sign3A_2485 : i32
      %rem3A_2487 = arith.remsi %add3A_2469, %jit3A_2470 : i32
      %ne3A_2488 = arith.constant 0 : i32
      %ne3A_2489 = arith.cmpi ne, %rem3A_2487, %ne3A_2488 : i32
      %and3A_2490 = arith.andi %ne3A_2486, %ne3A_2489 : i1
      %sub3A_2491 = arith.constant 1 : i32
      %sub3A_2492 = arith.subi %div3A_2471, %sub3A_2491 : i32
      %select_n3A_2493 = arith.select %and3A_2490, %sub3A_2492, %div3A_2471 : i32
      %mul3A_2494 = arith.constant 16 : i32
      %mul3A_2495 = arith.muli %select_n3A_2493, %mul3A_2494 : i32
      %min3A_2496 = arith.constant 24996752 : i32
      %min3A_2497 = arith.minsi %mul3A_2495, %min3A_2496 : i32
      %sub3A_2498 = arith.subi %add3A_2469, %min3A_2497 : i32
      %add3A_2499 = arith.constant 8 : i32
      %add3A_2500 = arith.addi %add3A_2109, %add3A_2499 : i32
      %get3A_2501 = arith.index_cast %add3A_2500 : i32 to index
      %get3A_2502 = tpu.vector_load %arg10[%get3A_2501] {strides = array<i32>} : memref<272xf32, #tpu.memory_space<vmem>>, vector<16xf32>,
      %get3A_2503 = vector.shape_cast %get3A_2502 : vector<16xf32> to vector<16xf32>
      %slice3A_2504 = vector.extract_strided_slice %get3A_2503 {offsets = [0], sizes = [1], strides = [1]} : vector<16xf32> to vector<1xf32>
      %squeeze3A_2505 = vector.extract %slice3A_2504[0] : f32 from vector<1xf32>
      %add3A_2506 = arith.constant 9 : i32
      %add3A_2507 = arith.addi %add3A_2109, %add3A_2506 : i32
      %get3A_2508 = arith.index_cast %add3A_2507 : i32 to index
      %get3A_2509 = tpu.vector_load %arg9[%get3A_2508] {strides = array<i32>} : memref<272xi32, #tpu.memory_space<vmem>>, vector<16xi32>,
      %get3A_2510 = vector.shape_cast %get3A_2509 : vector<16xi32> to vector<16xi32>
      %slice3A_2511 = vector.extract_strided_slice %get3A_2510 {offsets = [0], sizes = [1], strides = [1]} : vector<16xi32> to vector<1xi32>
      %squeeze3A_2512 = vector.extract %slice3A_2511[0] : i32 from vector<1xi32>
      %add3A_2513 = arith.addi %squeeze3A_2512, %min3A_3 : i32
      %jit3A_2514 = arith.constant 16 : i32
      %div3A_2515 = arith.divsi %add3A_2513, %jit3A_2514 : i32
      %sign3A_2516 = arith.constant 0 : i32
      %sign3A_2517 = arith.cmpi sgt, %add3A_2513, %sign3A_2516 : i32
      %sign3A_2518 = arith.extui %sign3A_2517 : i1 to i32
      %sign3A_2519 = arith.constant 0 : i32
      %sign3A_2520 = arith.cmpi slt, %add3A_2513, %sign3A_2519 : i32
      %sign3A_2521 = arith.extui %sign3A_2520 : i1 to i32
      %sign3A_2522 = arith.subi %sign3A_2518, %sign3A_2521 : i32
      %sign3A_2523 = arith.constant 0 : i32
      %sign3A_2524 = arith.cmpi sgt, %jit3A_2514, %sign3A_2523 : i32
      %sign3A_2525 = arith.extui %sign3A_2524 : i1 to i32
      %sign3A_2526 = arith.constant 0 : i32
      %sign3A_2527 = arith.cmpi slt, %jit3A_2514, %sign3A_2526 : i32
      %sign3A_2528 = arith.extui %sign3A_2527 : i1 to i32
      %sign3A_2529 = arith.subi %sign3A_2525, %sign3A_2528 : i32
      %ne3A_2530 = arith.cmpi ne, %sign3A_2522, %sign3A_2529 : i32
      %rem3A_2531 = arith.remsi %add3A_2513, %jit3A_2514 : i32
      %ne3A_2532 = arith.constant 0 : i32
      %ne3A_2533 = arith.cmpi ne, %rem3A_2531, %ne3A_2532 : i32
      %and3A_2534 = arith.andi %ne3A_2530, %ne3A_2533 : i1
      %sub3A_2535 = arith.constant 1 : i32
      %sub3A_2536 = arith.subi %div3A_2515, %sub3A_2535 : i32
      %select_n3A_2537 = arith.select %and3A_2534, %sub3A_2536, %div3A_2515 : i32
      %mul3A_2538 = arith.constant 16 : i32
      %mul3A_2539 = arith.muli %select_n3A_2537, %mul3A_2538 : i32
      %min3A_2540 = arith.constant 24996752 : i32
      %min3A_2541 = arith.minsi %mul3A_2539, %min3A_2540 : i32
      %sub3A_2542 = arith.subi %add3A_2513, %min3A_2541 : i32
      %add3A_2543 = arith.constant 9 : i32
      %add3A_2544 = arith.addi %add3A_2109, %add3A_2543 : i32
      %get3A_2545 = arith.index_cast %add3A_2544 : i32 to index
      %get3A_2546 = tpu.vector_load %arg10[%get3A_2545] {strides = array<i32>} : memref<272xf32, #tpu.memory_space<vmem>>, vector<16xf32>,
      %get3A_2547 = vector.shape_cast %get3A_2546 : vector<16xf32> to vector<16xf32>
      %slice3A_2548 = vector.extract_strided_slice %get3A_2547 {offsets = [0], sizes = [1], strides = [1]} : vector<16xf32> to vector<1xf32>
      %squeeze3A_2549 = vector.extract %slice3A_2548[0] : f32 from vector<1xf32>
      %add3A_2550 = arith.constant 10 : i32
      %add3A_2551 = arith.addi %add3A_2109, %add3A_2550 : i32
      %get3A_2552 = arith.index_cast %add3A_2551 : i32 to index
      %get3A_2553 = tpu.vector_load %arg9[%get3A_2552] {strides = array<i32>} : memref<272xi32, #tpu.memory_space<vmem>>, vector<16xi32>,
      %get3A_2554 = vector.shape_cast %get3A_2553 : vector<16xi32> to vector<16xi32>
      %slice3A_2555 = vector.extract_strided_slice %get3A_2554 {offsets = [0], sizes = [1], strides = [1]} : vector<16xi32> to vector<1xi32>
      %squeeze3A_2556 = vector.extract %slice3A_2555[0] : i32 from vector<1xi32>
      %add3A_2557 = arith.addi %squeeze3A_2556, %min3A_3 : i32
      %jit3A_2558 = arith.constant 16 : i32
      %div3A_2559 = arith.divsi %add3A_2557, %jit3A_2558 : i32
      %sign3A_2560 = arith.constant 0 : i32
      %sign3A_2561 = arith.cmpi sgt, %add3A_2557, %sign3A_2560 : i32
      %sign3A_2562 = arith.extui %sign3A_2561 : i1 to i32
      %sign3A_2563 = arith.constant 0 : i32
      %sign3A_2564 = arith.cmpi slt, %add3A_2557, %sign3A_2563 : i32
      %sign3A_2565 = arith.extui %sign3A_2564 : i1 to i32
      %sign3A_2566 = arith.subi %sign3A_2562, %sign3A_2565 : i32
      %sign3A_2567 = arith.constant 0 : i32
      %sign3A_2568 = arith.cmpi sgt, %jit3A_2558, %sign3A_2567 : i32
      %sign3A_2569 = arith.extui %sign3A_2568 : i1 to i32
      %sign3A_2570 = arith.constant 0 : i32
      %sign3A_2571 = arith.cmpi slt, %jit3A_2558, %sign3A_2570 : i32
      %sign3A_2572 = arith.extui %sign3A_2571 : i1 to i32
      %sign3A_2573 = arith.subi %sign3A_2569, %sign3A_2572 : i32
      %ne3A_2574 = arith.cmpi ne, %sign3A_2566, %sign3A_2573 : i32
      %rem3A_2575 = arith.remsi %add3A_2557, %jit3A_2558 : i32
      %ne3A_2576 = arith.constant 0 : i32
      %ne3A_2577 = arith.cmpi ne, %rem3A_2575, %ne3A_2576 : i32
      %and3A_2578 = arith.andi %ne3A_2574, %ne3A_2577 : i1
      %sub3A_2579 = arith.constant 1 : i32
      %sub3A_2580 = arith.subi %div3A_2559, %sub3A_2579 : i32
      %select_n3A_2581 = arith.select %and3A_2578, %sub3A_2580, %div3A_2559 : i32
      %mul3A_2582 = arith.constant 16 : i32
      %mul3A_2583 = arith.muli %select_n3A_2581, %mul3A_2582 : i32
      %min3A_2584 = arith.constant 24996752 : i32
      %min3A_2585 = arith.minsi %mul3A_2583, %min3A_2584 : i32
      %sub3A_2586 = arith.subi %add3A_2557, %min3A_2585 : i32
      %add3A_2587 = arith.constant 10 : i32
      %add3A_2588 = arith.addi %add3A_2109, %add3A_2587 : i32
      %get3A_2589 = arith.index_cast %add3A_2588 : i32 to index
      %get3A_2590 = tpu.vector_load %arg10[%get3A_2589] {strides = array<i32>} : memref<272xf32, #tpu.memory_space<vmem>>, vector<16xf32>,
      %get3A_2591 = vector.shape_cast %get3A_2590 : vector<16xf32> to vector<16xf32>
      %slice3A_2592 = vector.extract_strided_slice %get3A_2591 {offsets = [0], sizes = [1], strides = [1]} : vector<16xf32> to vector<1xf32>
      %squeeze3A_2593 = vector.extract %slice3A_2592[0] : f32 from vector<1xf32>
      %add3A_2594 = arith.constant 11 : i32
      %add3A_2595 = arith.addi %add3A_2109, %add3A_2594 : i32
      %get3A_2596 = arith.index_cast %add3A_2595 : i32 to index
      %get3A_2597 = tpu.vector_load %arg9[%get3A_2596] {strides = array<i32>} : memref<272xi32, #tpu.memory_space<vmem>>, vector<16xi32>,
      %get3A_2598 = vector.shape_cast %get3A_2597 : vector<16xi32> to vector<16xi32>
      %slice3A_2599 = vector.extract_strided_slice %get3A_2598 {offsets = [0], sizes = [1], strides = [1]} : vector<16xi32> to vector<1xi32>
      %squeeze3A_2600 = vector.extract %slice3A_2599[0] : i32 from vector<1xi32>
      %add3A_2601 = arith.addi %squeeze3A_2600, %min3A_3 : i32
      %jit3A_2602 = arith.constant 16 : i32
      %div3A_2603 = arith.divsi %add3A_2601, %jit3A_2602 : i32
      %sign3A_2604 = arith.constant 0 : i32
      %sign3A_2605 = arith.cmpi sgt, %add3A_2601, %sign3A_2604 : i32
      %sign3A_2606 = arith.extui %sign3A_2605 : i1 to i32
      %sign3A_2607 = arith.constant 0 : i32
      %sign3A_2608 = arith.cmpi slt, %add3A_2601, %sign3A_2607 : i32
      %sign3A_2609 = arith.extui %sign3A_2608 : i1 to i32
      %sign3A_2610 = arith.subi %sign3A_2606, %sign3A_2609 : i32
      %sign3A_2611 = arith.constant 0 : i32
      %sign3A_2612 = arith.cmpi sgt, %jit3A_2602, %sign3A_2611 : i32
      %sign3A_2613 = arith.extui %sign3A_2612 : i1 to i32
      %sign3A_2614 = arith.constant 0 : i32
      %sign3A_2615 = arith.cmpi slt, %jit3A_2602, %sign3A_2614 : i32
      %sign3A_2616 = arith.extui %sign3A_2615 : i1 to i32
      %sign3A_2617 = arith.subi %sign3A_2613, %sign3A_2616 : i32
      %ne3A_2618 = arith.cmpi ne, %sign3A_2610, %sign3A_2617 : i32
      %rem3A_2619 = arith.remsi %add3A_2601, %jit3A_2602 : i32
      %ne3A_2620 = arith.constant 0 : i32
      %ne3A_2621 = arith.cmpi ne, %rem3A_2619, %ne3A_2620 : i32
      %and3A_2622 = arith.andi %ne3A_2618, %ne3A_2621 : i1
      %sub3A_2623 = arith.constant 1 : i32
      %sub3A_2624 = arith.subi %div3A_2603, %sub3A_2623 : i32
      %select_n3A_2625 = arith.select %and3A_2622, %sub3A_2624, %div3A_2603 : i32
      %mul3A_2626 = arith.constant 16 : i32
      %mul3A_2627 = arith.muli %select_n3A_2625, %mul3A_2626 : i32
      %min3A_2628 = arith.constant 24996752 : i32
      %min3A_2629 = arith.minsi %mul3A_2627, %min3A_2628 : i32
      %sub3A_2630 = arith.subi %add3A_2601, %min3A_2629 : i32
      %add3A_2631 = arith.constant 11 : i32
      %add3A_2632 = arith.addi %add3A_2109, %add3A_2631 : i32
      %get3A_2633 = arith.index_cast %add3A_2632 : i32 to index
      %get3A_2634 = tpu.vector_load %arg10[%get3A_2633] {strides = array<i32>} : memref<272xf32, #tpu.memory_space<vmem>>, vector<16xf32>,
      %get3A_2635 = vector.shape_cast %get3A_2634 : vector<16xf32> to vector<16xf32>
      %slice3A_2636 = vector.extract_strided_slice %get3A_2635 {offsets = [0], sizes = [1], strides = [1]} : vector<16xf32> to vector<1xf32>
      %squeeze3A_2637 = vector.extract %slice3A_2636[0] : f32 from vector<1xf32>
      %add3A_2638 = arith.constant 12 : i32
      %add3A_2639 = arith.addi %add3A_2109, %add3A_2638 : i32
      %get3A_2640 = arith.index_cast %add3A_2639 : i32 to index
      %get3A_2641 = tpu.vector_load %arg9[%get3A_2640] {strides = array<i32>} : memref<272xi32, #tpu.memory_space<vmem>>, vector<16xi32>,
      %get3A_2642 = vector.shape_cast %get3A_2641 : vector<16xi32> to vector<16xi32>
      %slice3A_2643 = vector.extract_strided_slice %get3A_2642 {offsets = [0], sizes = [1], strides = [1]} : vector<16xi32> to vector<1xi32>
      %squeeze3A_2644 = vector.extract %slice3A_2643[0] : i32 from vector<1xi32>
      %add3A_2645 = arith.addi %squeeze3A_2644, %min3A_3 : i32
      %jit3A_2646 = arith.constant 16 : i32
      %div3A_2647 = arith.divsi %add3A_2645, %jit3A_2646 : i32
      %sign3A_2648 = arith.constant 0 : i32
      %sign3A_2649 = arith.cmpi sgt, %add3A_2645, %sign3A_2648 : i32
      %sign3A_2650 = arith.extui %sign3A_2649 : i1 to i32
      %sign3A_2651 = arith.constant 0 : i32
      %sign3A_2652 = arith.cmpi slt, %add3A_2645, %sign3A_2651 : i32
      %sign3A_2653 = arith.extui %sign3A_2652 : i1 to i32
      %sign3A_2654 = arith.subi %sign3A_2650, %sign3A_2653 : i32
      %sign3A_2655 = arith.constant 0 : i32
      %sign3A_2656 = arith.cmpi sgt, %jit3A_2646, %sign3A_2655 : i32
      %sign3A_2657 = arith.extui %sign3A_2656 : i1 to i32
      %sign3A_2658 = arith.constant 0 : i32
      %sign3A_2659 = arith.cmpi slt, %jit3A_2646, %sign3A_2658 : i32
      %sign3A_2660 = arith.extui %sign3A_2659 : i1 to i32
      %sign3A_2661 = arith.subi %sign3A_2657, %sign3A_2660 : i32
      %ne3A_2662 = arith.cmpi ne, %sign3A_2654, %sign3A_2661 : i32
      %rem3A_2663 = arith.remsi %add3A_2645, %jit3A_2646 : i32
      %ne3A_2664 = arith.constant 0 : i32
      %ne3A_2665 = arith.cmpi ne, %rem3A_2663, %ne3A_2664 : i32
      %and3A_2666 = arith.andi %ne3A_2662, %ne3A_2665 : i1
      %sub3A_2667 = arith.constant 1 : i32
      %sub3A_2668 = arith.subi %div3A_2647, %sub3A_2667 : i32
      %select_n3A_2669 = arith.select %and3A_2666, %sub3A_2668, %div3A_2647 : i32
      %mul3A_2670 = arith.constant 16 : i32
      %mul3A_2671 = arith.muli %select_n3A_2669, %mul3A_2670 : i32
      %min3A_2672 = arith.constant 24996752 : i32
      %min3A_2673 = arith.minsi %mul3A_2671, %min3A_2672 : i32
      %sub3A_2674 = arith.subi %add3A_2645, %min3A_2673 : i32
      %add3A_2675 = arith.constant 12 : i32
      %add3A_2676 = arith.addi %add3A_2109, %add3A_2675 : i32
      %get3A_2677 = arith.index_cast %add3A_2676 : i32 to index
      %get3A_2678 = tpu.vector_load %arg10[%get3A_2677] {strides = array<i32>} : memref<272xf32, #tpu.memory_space<vmem>>, vector<16xf32>,
      %get3A_2679 = vector.shape_cast %get3A_2678 : vector<16xf32> to vector<16xf32>
      %slice3A_2680 = vector.extract_strided_slice %get3A_2679 {offsets = [0], sizes = [1], strides = [1]} : vector<16xf32> to vector<1xf32>
      %squeeze3A_2681 = vector.extract %slice3A_2680[0] : f32 from vector<1xf32>
      %add3A_2682 = arith.constant 13 : i32
      %add3A_2683 = arith.addi %add3A_2109, %add3A_2682 : i32
      %get3A_2684 = arith.index_cast %add3A_2683 : i32 to index
      %get3A_2685 = tpu.vector_load %arg9[%get3A_2684] {strides = array<i32>} : memref<272xi32, #tpu.memory_space<vmem>>, vector<16xi32>,
      %get3A_2686 = vector.shape_cast %get3A_2685 : vector<16xi32> to vector<16xi32>
      %slice3A_2687 = vector.extract_strided_slice %get3A_2686 {offsets = [0], sizes = [1], strides = [1]} : vector<16xi32> to vector<1xi32>
      %squeeze3A_2688 = vector.extract %slice3A_2687[0] : i32 from vector<1xi32>
      %add3A_2689 = arith.addi %squeeze3A_2688, %min3A_3 : i32
      %jit3A_2690 = arith.constant 16 : i32
      %div3A_2691 = arith.divsi %add3A_2689, %jit3A_2690 : i32
      %sign3A_2692 = arith.constant 0 : i32
      %sign3A_2693 = arith.cmpi sgt, %add3A_2689, %sign3A_2692 : i32
      %sign3A_2694 = arith.extui %sign3A_2693 : i1 to i32
      %sign3A_2695 = arith.constant 0 : i32
      %sign3A_2696 = arith.cmpi slt, %add3A_2689, %sign3A_2695 : i32
      %sign3A_2697 = arith.extui %sign3A_2696 : i1 to i32
      %sign3A_2698 = arith.subi %sign3A_2694, %sign3A_2697 : i32
      %sign3A_2699 = arith.constant 0 : i32
      %sign3A_2700 = arith.cmpi sgt, %jit3A_2690, %sign3A_2699 : i32
      %sign3A_2701 = arith.extui %sign3A_2700 : i1 to i32
      %sign3A_2702 = arith.constant 0 : i32
      %sign3A_2703 = arith.cmpi slt, %jit3A_2690, %sign3A_2702 : i32
      %sign3A_2704 = arith.extui %sign3A_2703 : i1 to i32
      %sign3A_2705 = arith.subi %sign3A_2701, %sign3A_2704 : i32
      %ne3A_2706 = arith.cmpi ne, %sign3A_2698, %sign3A_2705 : i32
      %rem3A_2707 = arith.remsi %add3A_2689, %jit3A_2690 : i32
      %ne3A_2708 = arith.constant 0 : i32
      %ne3A_2709 = arith.cmpi ne, %rem3A_2707, %ne3A_2708 : i32
      %and3A_2710 = arith.andi %ne3A_2706, %ne3A_2709 : i1
      %sub3A_2711 = arith.constant 1 : i32
      %sub3A_2712 = arith.subi %div3A_2691, %sub3A_2711 : i32
      %select_n3A_2713 = arith.select %and3A_2710, %sub3A_2712, %div3A_2691 : i32
      %mul3A_2714 = arith.constant 16 : i32
      %mul3A_2715 = arith.muli %select_n3A_2713, %mul3A_2714 : i32
      %min3A_2716 = arith.constant 24996752 : i32
      %min3A_2717 = arith.minsi %mul3A_2715, %min3A_2716 : i32
      %sub3A_2718 = arith.subi %add3A_2689, %min3A_2717 : i32
      %add3A_2719 = arith.constant 13 : i32
      %add3A_2720 = arith.addi %add3A_2109, %add3A_2719 : i32
      %get3A_2721 = arith.index_cast %add3A_2720 : i32 to index
      %get3A_2722 = tpu.vector_load %arg10[%get3A_2721] {strides = array<i32>} : memref<272xf32, #tpu.memory_space<vmem>>, vector<16xf32>,
      %get3A_2723 = vector.shape_cast %get3A_2722 : vector<16xf32> to vector<16xf32>
      %slice3A_2724 = vector.extract_strided_slice %get3A_2723 {offsets = [0], sizes = [1], strides = [1]} : vector<16xf32> to vector<1xf32>
      %squeeze3A_2725 = vector.extract %slice3A_2724[0] : f32 from vector<1xf32>
      %add3A_2726 = arith.constant 14 : i32
      %add3A_2727 = arith.addi %add3A_2109, %add3A_2726 : i32
      %get3A_2728 = arith.index_cast %add3A_2727 : i32 to index
      %get3A_2729 = tpu.vector_load %arg9[%get3A_2728] {strides = array<i32>} : memref<272xi32, #tpu.memory_space<vmem>>, vector<16xi32>,
      %get3A_2730 = vector.shape_cast %get3A_2729 : vector<16xi32> to vector<16xi32>
      %slice3A_2731 = vector.extract_strided_slice %get3A_2730 {offsets = [0], sizes = [1], strides = [1]} : vector<16xi32> to vector<1xi32>
      %squeeze3A_2732 = vector.extract %slice3A_2731[0] : i32 from vector<1xi32>
      %add3A_2733 = arith.addi %squeeze3A_2732, %min3A_3 : i32
      %jit3A_2734 = arith.constant 16 : i32
      %div3A_2735 = arith.divsi %add3A_2733, %jit3A_2734 : i32
      %sign3A_2736 = arith.constant 0 : i32
      %sign3A_2737 = arith.cmpi sgt, %add3A_2733, %sign3A_2736 : i32
      %sign3A_2738 = arith.extui %sign3A_2737 : i1 to i32
      %sign3A_2739 = arith.constant 0 : i32
      %sign3A_2740 = arith.cmpi slt, %add3A_2733, %sign3A_2739 : i32
      %sign3A_2741 = arith.extui %sign3A_2740 : i1 to i32
      %sign3A_2742 = arith.subi %sign3A_2738, %sign3A_2741 : i32
      %sign3A_2743 = arith.constant 0 : i32
      %sign3A_2744 = arith.cmpi sgt, %jit3A_2734, %sign3A_2743 : i32
      %sign3A_2745 = arith.extui %sign3A_2744 : i1 to i32
      %sign3A_2746 = arith.constant 0 : i32
      %sign3A_2747 = arith.cmpi slt, %jit3A_2734, %sign3A_2746 : i32
      %sign3A_2748 = arith.extui %sign3A_2747 : i1 to i32
      %sign3A_2749 = arith.subi %sign3A_2745, %sign3A_2748 : i32
      %ne3A_2750 = arith.cmpi ne, %sign3A_2742, %sign3A_2749 : i32
      %rem3A_2751 = arith.remsi %add3A_2733, %jit3A_2734 : i32
      %ne3A_2752 = arith.constant 0 : i32
      %ne3A_2753 = arith.cmpi ne, %rem3A_2751, %ne3A_2752 : i32
      %and3A_2754 = arith.andi %ne3A_2750, %ne3A_2753 : i1
      %sub3A_2755 = arith.constant 1 : i32
      %sub3A_2756 = arith.subi %div3A_2735, %sub3A_2755 : i32
      %select_n3A_2757 = arith.select %and3A_2754, %sub3A_2756, %div3A_2735 : i32
      %mul3A_2758 = arith.constant 16 : i32
      %mul3A_2759 = arith.muli %select_n3A_2757, %mul3A_2758 : i32
      %min3A_2760 = arith.constant 24996752 : i32
      %min3A_2761 = arith.minsi %mul3A_2759, %min3A_2760 : i32
      %sub3A_2762 = arith.subi %add3A_2733, %min3A_2761 : i32
      %add3A_2763 = arith.constant 14 : i32
      %add3A_2764 = arith.addi %add3A_2109, %add3A_2763 : i32
      %get3A_2765 = arith.index_cast %add3A_2764 : i32 to index
      %get3A_2766 = tpu.vector_load %arg10[%get3A_2765] {strides = array<i32>} : memref<272xf32, #tpu.memory_space<vmem>>, vector<16xf32>,
      %get3A_2767 = vector.shape_cast %get3A_2766 : vector<16xf32> to vector<16xf32>
      %slice3A_2768 = vector.extract_strided_slice %get3A_2767 {offsets = [0], sizes = [1], strides = [1]} : vector<16xf32> to vector<1xf32>
      %squeeze3A_2769 = vector.extract %slice3A_2768[0] : f32 from vector<1xf32>
      %add3A_2770 = arith.constant 15 : i32
      %add3A_2771 = arith.addi %add3A_2109, %add3A_2770 : i32
      %get3A_2772 = arith.index_cast %add3A_2771 : i32 to index
      %get3A_2773 = tpu.vector_load %arg9[%get3A_2772] {strides = array<i32>} : memref<272xi32, #tpu.memory_space<vmem>>, vector<16xi32>,
      %get3A_2774 = vector.shape_cast %get3A_2773 : vector<16xi32> to vector<16xi32>
      %slice3A_2775 = vector.extract_strided_slice %get3A_2774 {offsets = [0], sizes = [1], strides = [1]} : vector<16xi32> to vector<1xi32>
      %squeeze3A_2776 = vector.extract %slice3A_2775[0] : i32 from vector<1xi32>
      %add3A_2777 = arith.addi %squeeze3A_2776, %min3A_3 : i32
      %jit3A_2778 = arith.constant 16 : i32
      %div3A_2779 = arith.divsi %add3A_2777, %jit3A_2778 : i32
      %sign3A_2780 = arith.constant 0 : i32
      %sign3A_2781 = arith.cmpi sgt, %add3A_2777, %sign3A_2780 : i32
      %sign3A_2782 = arith.extui %sign3A_2781 : i1 to i32
      %sign3A_2783 = arith.constant 0 : i32
      %sign3A_2784 = arith.cmpi slt, %add3A_2777, %sign3A_2783 : i32
      %sign3A_2785 = arith.extui %sign3A_2784 : i1 to i32
      %sign3A_2786 = arith.subi %sign3A_2782, %sign3A_2785 : i32
      %sign3A_2787 = arith.constant 0 : i32
      %sign3A_2788 = arith.cmpi sgt, %jit3A_2778, %sign3A_2787 : i32
      %sign3A_2789 = arith.extui %sign3A_2788 : i1 to i32
      %sign3A_2790 = arith.constant 0 : i32
      %sign3A_2791 = arith.cmpi slt, %jit3A_2778, %sign3A_2790 : i32
      %sign3A_2792 = arith.extui %sign3A_2791 : i1 to i32
      %sign3A_2793 = arith.subi %sign3A_2789, %sign3A_2792 : i32
      %ne3A_2794 = arith.cmpi ne, %sign3A_2786, %sign3A_2793 : i32
      %rem3A_2795 = arith.remsi %add3A_2777, %jit3A_2778 : i32
      %ne3A_2796 = arith.constant 0 : i32
      %ne3A_2797 = arith.cmpi ne, %rem3A_2795, %ne3A_2796 : i32
      %and3A_2798 = arith.andi %ne3A_2794, %ne3A_2797 : i1
      %sub3A_2799 = arith.constant 1 : i32
      %sub3A_2800 = arith.subi %div3A_2779, %sub3A_2799 : i32
      %select_n3A_2801 = arith.select %and3A_2798, %sub3A_2800, %div3A_2779 : i32
      %mul3A_2802 = arith.constant 16 : i32
      %mul3A_2803 = arith.muli %select_n3A_2801, %mul3A_2802 : i32
      %min3A_2804 = arith.constant 24996752 : i32
      %min3A_2805 = arith.minsi %mul3A_2803, %min3A_2804 : i32
      %sub3A_2806 = arith.subi %add3A_2777, %min3A_2805 : i32
      %add3A_2807 = arith.constant 15 : i32
      %add3A_2808 = arith.addi %add3A_2109, %add3A_2807 : i32
      %get3A_2809 = arith.index_cast %add3A_2808 : i32 to index
      %get3A_2810 = tpu.vector_load %arg10[%get3A_2809] {strides = array<i32>} : memref<272xf32, #tpu.memory_space<vmem>>, vector<16xf32>,
      %get3A_2811 = vector.shape_cast %get3A_2810 : vector<16xf32> to vector<16xf32>
      %slice3A_2812 = vector.extract_strided_slice %get3A_2811 {offsets = [0], sizes = [1], strides = [1]} : vector<16xf32> to vector<1xf32>
      %squeeze3A_2813 = vector.extract %slice3A_2812[0] : f32 from vector<1xf32>
      %parallel_loop3A_2814 = arith.constant 0 : i32
      %parallel_loop3A_2815 = arith.constant 202 : i32
      %parallel_loop3A_2816 = arith.constant 1 : i32
      scf.for %parallel_loop3A_2818 = %parallel_loop3A_2814 to %parallel_loop3A_2815 step %parallel_loop3A_2816  : i32 {
        %parallel_loop3A_2819 = arith.constant 16 : i32
        %parallel_loop3A_2820 = arith.muli %parallel_loop3A_2818, %parallel_loop3A_2819 : i32
        %parallel_loop3A_2821 = arith.addi %sub3A_2146, %parallel_loop3A_2820 : i32
        %parallel_loop3A_2822 = arith.index_cast %parallel_loop3A_2821 : i32 to index
        %parallel_loop3A_2823 = tpu.vector_load %arg28[%parallel_loop3A_2822] {strides = array<i32>} : memref<3248xf32, #tpu.memory_space<vmem>>, vector<16xf32>,
        %parallel_loop3A_2824 = vector.shape_cast %parallel_loop3A_2823 : vector<16xf32> to vector<16xf32>
        %parallel_loop3A_2825 = vector.broadcast %squeeze3A_2153 : f32 to vector<16xf32>
        %parallel_loop3A_2826 = arith.mulf %parallel_loop3A_2825, %parallel_loop3A_2824 : vector<16xf32>
        %parallel_loop3A_2827 = arith.addi %sub3A_2190, %parallel_loop3A_2820 : i32
        %parallel_loop3A_2828 = arith.index_cast %parallel_loop3A_2827 : i32 to index
        %parallel_loop3A_2829 = tpu.vector_load %arg29[%parallel_loop3A_2828] {strides = array<i32>} : memref<3248xf32, #tpu.memory_space<vmem>>, vector<16xf32>,
        %parallel_loop3A_2830 = vector.shape_cast %parallel_loop3A_2829 : vector<16xf32> to vector<16xf32>
        %parallel_loop3A_2831 = vector.broadcast %squeeze3A_2197 : f32 to vector<16xf32>
        %parallel_loop3A_2832 = arith.mulf %parallel_loop3A_2831, %parallel_loop3A_2830 : vector<16xf32>
        %parallel_loop3A_2833 = arith.addi %sub3A_2234, %parallel_loop3A_2820 : i32
        %parallel_loop3A_2834 = arith.index_cast %parallel_loop3A_2833 : i32 to index
        %parallel_loop3A_2835 = tpu.vector_load %arg30[%parallel_loop3A_2834] {strides = array<i32>} : memref<3248xf32, #tpu.memory_space<vmem>>, vector<16xf32>,
        %parallel_loop3A_2836 = vector.shape_cast %parallel_loop3A_2835 : vector<16xf32> to vector<16xf32>
        %parallel_loop3A_2837 = vector.broadcast %squeeze3A_2241 : f32 to vector<16xf32>
        %parallel_loop3A_2838 = arith.mulf %parallel_loop3A_2837, %parallel_loop3A_2836 : vector<16xf32>
        %parallel_loop3A_2839 = arith.addi %sub3A_2278, %parallel_loop3A_2820 : i32
        %parallel_loop3A_2840 = arith.index_cast %parallel_loop3A_2839 : i32 to index
        %parallel_loop3A_2841 = tpu.vector_load %arg31[%parallel_loop3A_2840] {strides = array<i32>} : memref<3248xf32, #tpu.memory_space<vmem>>, vector<16xf32>,
        %parallel_loop3A_2842 = vector.shape_cast %parallel_loop3A_2841 : vector<16xf32> to vector<16xf32>
        %parallel_loop3A_2843 = vector.broadcast %squeeze3A_2285 : f32 to vector<16xf32>
        %parallel_loop3A_2844 = arith.mulf %parallel_loop3A_2843, %parallel_loop3A_2842 : vector<16xf32>
        %parallel_loop3A_2845 = arith.addi %sub3A_2322, %parallel_loop3A_2820 : i32
        %parallel_loop3A_2846 = arith.index_cast %parallel_loop3A_2845 : i32 to index
        %parallel_loop3A_2847 = tpu.vector_load %arg32[%parallel_loop3A_2846] {strides = array<i32>} : memref<3248xf32, #tpu.memory_space<vmem>>, vector<16xf32>,
        %parallel_loop3A_2848 = vector.shape_cast %parallel_loop3A_2847 : vector<16xf32> to vector<16xf32>
        %parallel_loop3A_2849 = vector.broadcast %squeeze3A_2329 : f32 to vector<16xf32>
        %parallel_loop3A_2850 = arith.mulf %parallel_loop3A_2849, %parallel_loop3A_2848 : vector<16xf32>
        %parallel_loop3A_2851 = arith.addi %sub3A_2366, %parallel_loop3A_2820 : i32
        %parallel_loop3A_2852 = arith.index_cast %parallel_loop3A_2851 : i32 to index
        %parallel_loop3A_2853 = tpu.vector_load %arg33[%parallel_loop3A_2852] {strides = array<i32>} : memref<3248xf32, #tpu.memory_space<vmem>>, vector<16xf32>,
        %parallel_loop3A_2854 = vector.shape_cast %parallel_loop3A_2853 : vector<16xf32> to vector<16xf32>
        %parallel_loop3A_2855 = vector.broadcast %squeeze3A_2373 : f32 to vector<16xf32>
        %parallel_loop3A_2856 = arith.mulf %parallel_loop3A_2855, %parallel_loop3A_2854 : vector<16xf32>
        %parallel_loop3A_2857 = arith.addi %sub3A_2410, %parallel_loop3A_2820 : i32
        %parallel_loop3A_2858 = arith.index_cast %parallel_loop3A_2857 : i32 to index
        %parallel_loop3A_2859 = tpu.vector_load %arg34[%parallel_loop3A_2858] {strides = array<i32>} : memref<3248xf32, #tpu.memory_space<vmem>>, vector<16xf32>,
        %parallel_loop3A_2860 = vector.shape_cast %parallel_loop3A_2859 : vector<16xf32> to vector<16xf32>
        %parallel_loop3A_2861 = vector.broadcast %squeeze3A_2417 : f32 to vector<16xf32>
        %parallel_loop3A_2862 = arith.mulf %parallel_loop3A_2861, %parallel_loop3A_2860 : vector<16xf32>
        %parallel_loop3A_2863 = arith.addi %sub3A_2454, %parallel_loop3A_2820 : i32
        %parallel_loop3A_2864 = arith.index_cast %parallel_loop3A_2863 : i32 to index
        %parallel_loop3A_2865 = tpu.vector_load %arg35[%parallel_loop3A_2864] {strides = array<i32>} : memref<3248xf32, #tpu.memory_space<vmem>>, vector<16xf32>,
        %parallel_loop3A_2866 = vector.shape_cast %parallel_loop3A_2865 : vector<16xf32> to vector<16xf32>
        %parallel_loop3A_2867 = vector.broadcast %squeeze3A_2461 : f32 to vector<16xf32>
        %parallel_loop3A_2868 = arith.mulf %parallel_loop3A_2867, %parallel_loop3A_2866 : vector<16xf32>
        %parallel_loop3A_2869 = arith.addi %sub3A_2498, %parallel_loop3A_2820 : i32
        %parallel_loop3A_2870 = arith.index_cast %parallel_loop3A_2869 : i32 to index
        %parallel_loop3A_2871 = tpu.vector_load %arg36[%parallel_loop3A_2870] {strides = array<i32>} : memref<3248xf32, #tpu.memory_space<vmem>>, vector<16xf32>,
        %parallel_loop3A_2872 = vector.shape_cast %parallel_loop3A_2871 : vector<16xf32> to vector<16xf32>
        %parallel_loop3A_2873 = vector.broadcast %squeeze3A_2505 : f32 to vector<16xf32>
        %parallel_loop3A_2874 = arith.mulf %parallel_loop3A_2873, %parallel_loop3A_2872 : vector<16xf32>
        %parallel_loop3A_2875 = arith.addi %sub3A_2542, %parallel_loop3A_2820 : i32
        %parallel_loop3A_2876 = arith.index_cast %parallel_loop3A_2875 : i32 to index
        %parallel_loop3A_2877 = tpu.vector_load %arg37[%parallel_loop3A_2876] {strides = array<i32>} : memref<3248xf32, #tpu.memory_space<vmem>>, vector<16xf32>,
        %parallel_loop3A_2878 = vector.shape_cast %parallel_loop3A_2877 : vector<16xf32> to vector<16xf32>
        %parallel_loop3A_2879 = vector.broadcast %squeeze3A_2549 : f32 to vector<16xf32>
        %parallel_loop3A_2880 = arith.mulf %parallel_loop3A_2879, %parallel_loop3A_2878 : vector<16xf32>
        %parallel_loop3A_2881 = arith.addi %sub3A_2586, %parallel_loop3A_2820 : i32
        %parallel_loop3A_2882 = arith.index_cast %parallel_loop3A_2881 : i32 to index
        %parallel_loop3A_2883 = tpu.vector_load %arg38[%parallel_loop3A_2882] {strides = array<i32>} : memref<3248xf32, #tpu.memory_space<vmem>>, vector<16xf32>,
        %parallel_loop3A_2884 = vector.shape_cast %parallel_loop3A_2883 : vector<16xf32> to vector<16xf32>
        %parallel_loop3A_2885 = vector.broadcast %squeeze3A_2593 : f32 to vector<16xf32>
        %parallel_loop3A_2886 = arith.mulf %parallel_loop3A_2885, %parallel_loop3A_2884 : vector<16xf32>
        %parallel_loop3A_2887 = arith.addi %sub3A_2630, %parallel_loop3A_2820 : i32
        %parallel_loop3A_2888 = arith.index_cast %parallel_loop3A_2887 : i32 to index
        %parallel_loop3A_2889 = tpu.vector_load %arg39[%parallel_loop3A_2888] {strides = array<i32>} : memref<3248xf32, #tpu.memory_space<vmem>>, vector<16xf32>,
        %parallel_loop3A_2890 = vector.shape_cast %parallel_loop3A_2889 : vector<16xf32> to vector<16xf32>
        %parallel_loop3A_2891 = vector.broadcast %squeeze3A_2637 : f32 to vector<16xf32>
        %parallel_loop3A_2892 = arith.mulf %parallel_loop3A_2891, %parallel_loop3A_2890 : vector<16xf32>
        %parallel_loop3A_2893 = arith.addi %sub3A_2674, %parallel_loop3A_2820 : i32
        %parallel_loop3A_2894 = arith.index_cast %parallel_loop3A_2893 : i32 to index
        %parallel_loop3A_2895 = tpu.vector_load %arg40[%parallel_loop3A_2894] {strides = array<i32>} : memref<3248xf32, #tpu.memory_space<vmem>>, vector<16xf32>,
        %parallel_loop3A_2896 = vector.shape_cast %parallel_loop3A_2895 : vector<16xf32> to vector<16xf32>
        %parallel_loop3A_2897 = vector.broadcast %squeeze3A_2681 : f32 to vector<16xf32>
        %parallel_loop3A_2898 = arith.mulf %parallel_loop3A_2897, %parallel_loop3A_2896 : vector<16xf32>
        %parallel_loop3A_2899 = arith.addi %sub3A_2718, %parallel_loop3A_2820 : i32
        %parallel_loop3A_2900 = arith.index_cast %parallel_loop3A_2899 : i32 to index
        %parallel_loop3A_2901 = tpu.vector_load %arg41[%parallel_loop3A_2900] {strides = array<i32>} : memref<3248xf32, #tpu.memory_space<vmem>>, vector<16xf32>,
        %parallel_loop3A_2902 = vector.shape_cast %parallel_loop3A_2901 : vector<16xf32> to vector<16xf32>
        %parallel_loop3A_2903 = vector.broadcast %squeeze3A_2725 : f32 to vector<16xf32>
        %parallel_loop3A_2904 = arith.mulf %parallel_loop3A_2903, %parallel_loop3A_2902 : vector<16xf32>
        %parallel_loop3A_2905 = arith.addi %sub3A_2762, %parallel_loop3A_2820 : i32
        %parallel_loop3A_2906 = arith.index_cast %parallel_loop3A_2905 : i32 to index
        %parallel_loop3A_2907 = tpu.vector_load %arg42[%parallel_loop3A_2906] {strides = array<i32>} : memref<3248xf32, #tpu.memory_space<vmem>>, vector<16xf32>,
        %parallel_loop3A_2908 = vector.shape_cast %parallel_loop3A_2907 : vector<16xf32> to vector<16xf32>
        %parallel_loop3A_2909 = vector.broadcast %squeeze3A_2769 : f32 to vector<16xf32>
        %parallel_loop3A_2910 = arith.mulf %parallel_loop3A_2909, %parallel_loop3A_2908 : vector<16xf32>
        %parallel_loop3A_2911 = arith.addi %sub3A_2806, %parallel_loop3A_2820 : i32
        %parallel_loop3A_2912 = arith.index_cast %parallel_loop3A_2911 : i32 to index
        %parallel_loop3A_2913 = tpu.vector_load %arg43[%parallel_loop3A_2912] {strides = array<i32>} : memref<3248xf32, #tpu.memory_space<vmem>>, vector<16xf32>,
        %parallel_loop3A_2914 = vector.shape_cast %parallel_loop3A_2913 : vector<16xf32> to vector<16xf32>
        %parallel_loop3A_2915 = vector.broadcast %squeeze3A_2813 : f32 to vector<16xf32>
        %parallel_loop3A_2916 = arith.mulf %parallel_loop3A_2915, %parallel_loop3A_2914 : vector<16xf32>
        %parallel_loop3A_2917 = arith.addf %parallel_loop3A_2826, %parallel_loop3A_2832 : vector<16xf32>
        %parallel_loop3A_2918 = arith.addf %parallel_loop3A_2838, %parallel_loop3A_2844 : vector<16xf32>
        %parallel_loop3A_2919 = arith.addf %parallel_loop3A_2850, %parallel_loop3A_2856 : vector<16xf32>
        %parallel_loop3A_2920 = arith.addf %parallel_loop3A_2862, %parallel_loop3A_2868 : vector<16xf32>
        %parallel_loop3A_2921 = arith.addf %parallel_loop3A_2874, %parallel_loop3A_2880 : vector<16xf32>
        %parallel_loop3A_2922 = arith.addf %parallel_loop3A_2886, %parallel_loop3A_2892 : vector<16xf32>
        %parallel_loop3A_2923 = arith.addf %parallel_loop3A_2898, %parallel_loop3A_2904 : vector<16xf32>
        %parallel_loop3A_2924 = arith.addf %parallel_loop3A_2910, %parallel_loop3A_2916 : vector<16xf32>
        %parallel_loop3A_2925 = arith.addf %parallel_loop3A_2917, %parallel_loop3A_2918 : vector<16xf32>
        %parallel_loop3A_2926 = arith.addf %parallel_loop3A_2919, %parallel_loop3A_2920 : vector<16xf32>
        %parallel_loop3A_2927 = arith.addf %parallel_loop3A_2921, %parallel_loop3A_2922 : vector<16xf32>
        %parallel_loop3A_2928 = arith.addf %parallel_loop3A_2923, %parallel_loop3A_2924 : vector<16xf32>
        %parallel_loop3A_2929 = arith.addf %parallel_loop3A_2925, %parallel_loop3A_2926 : vector<16xf32>
        %parallel_loop3A_2930 = arith.addf %parallel_loop3A_2927, %parallel_loop3A_2928 : vector<16xf32>
        %parallel_loop3A_2931 = arith.addf %parallel_loop3A_2929, %parallel_loop3A_2930 : vector<16xf32>
        %parallel_loop3A_2932 = arith.index_cast %parallel_loop3A_2820 : i32 to index
        %parallel_loop3A_2933 = tpu.vector_load %arg45[%parallel_loop3A_2932] {strides = array<i32>} : memref<3232xf32, #tpu.memory_space<vmem>>, vector<16xf32>,
        %parallel_loop3A_2934 = vector.shape_cast %parallel_loop3A_2933 : vector<16xf32> to vector<16xf32>
        %parallel_loop3A_2935 = arith.addf %parallel_loop3A_2934, %parallel_loop3A_2931 : vector<16xf32>
        %parallel_loop3A_2936 = arith.index_cast %parallel_loop3A_2820 : i32 to index
        %parallel_loop3A_2937 = tpu.vector_load %arg45[%parallel_loop3A_2936] {strides = array<i32>} : memref<3232xf32, #tpu.memory_space<vmem>>, vector<16xf32>,
        %parallel_loop3A_2938 = vector.shape_cast %parallel_loop3A_2937 : vector<16xf32> to vector<16xf32>
        %parallel_loop3A_2939 = vector.shape_cast %parallel_loop3A_2935 : vector<16xf32> to vector<16xf32>
        tpu.vector_store %arg45[%parallel_loop3A_2936], %parallel_loop3A_2939 {strides = array<i32>} : memref<3232xf32, #tpu.memory_space<vmem>>, vector<16xf32>,
      } {sc.loop_unroll_factor = 4 : i64, sc.parallel_access}
      %scan3A_2817 = arith.constant 0 : i32
      scf.yield %scan3A_2817 : i32
    }
    %scan3A_636 = arith.constant 8 : i32
    "tpu.region"() ({
      %run_scoped3A = tpu.sem_alloc : memref<!tpu.dma_semaphore, #tpu.memory_space<semaphore_mem>>
      %dma_start3A_639 = tpu.memref_slice %arg7[%min3A_3] : memref<103424xf32, #tpu.memory_space<hbm>> -> memref<3232xf32, #tpu.memory_space<hbm>>
      %dma_start3A_640 = tpu.memref_slice %arg7[%min3A_3] : memref<103424xf32, #tpu.memory_space<hbm>> -> memref<3232xf32, #tpu.memory_space<hbm>>
      tpu.enqueue_dma source(%arg45 : memref<3232xf32, #tpu.memory_space<vmem>>) target(%dma_start3A_640 : memref<3232xf32, #tpu.memory_space<hbm>>) target_semaphore(%run_scoped3A : memref<!tpu.dma_semaphore, #tpu.memory_space<semaphore_mem>>)
      %dma_wait3A_641 = tpu.memref_slice %arg7[%min3A_3] : memref<103424xf32, #tpu.memory_space<hbm>> -> memref<3232xf32, #tpu.memory_space<hbm>>
      %dma_wait3A_642 = tpu.memref_slice %arg7[%min3A_3] : memref<103424xf32, #tpu.memory_space<hbm>> -> memref<3232xf32, #tpu.memory_space<hbm>>
      tpu.wait_dma2 semaphore(%run_scoped3A : memref<!tpu.dma_semaphore, #tpu.memory_space<semaphore_mem>>) src(%arg45 : memref<3232xf32, #tpu.memory_space<vmem>>) dst(%dma_wait3A_642 : memref<3232xf32, #tpu.memory_space<hbm>>)
      tpu.yield
    }) : () -> ()
    "tpu.region"() ({
      %run_scoped3A = tpu.sem_alloc : memref<!tpu.dma_semaphore, #tpu.memory_space<semaphore_mem>>
      %dma_start3A_639 = tpu.memref_slice %arg8[%min3A_3] : memref<102928xf32, #tpu.memory_space<hbm>> -> memref<3232xf32, #tpu.memory_space<hbm>>
      %dma_start3A_640 = tpu.memref_slice %arg8[%min3A_3] : memref<102928xf32, #tpu.memory_space<hbm>> -> memref<3232xf32, #tpu.memory_space<hbm>>
      tpu.enqueue_dma source(%arg46 : memref<3232xf32, #tpu.memory_space<vmem>>) target(%dma_start3A_640 : memref<3232xf32, #tpu.memory_space<hbm>>) target_semaphore(%run_scoped3A : memref<!tpu.dma_semaphore, #tpu.memory_space<semaphore_mem>>)
      %dma_wait3A_641 = tpu.memref_slice %arg8[%min3A_3] : memref<102928xf32, #tpu.memory_space<hbm>> -> memref<3232xf32, #tpu.memory_space<hbm>>
      %dma_wait3A_642 = tpu.memref_slice %arg8[%min3A_3] : memref<102928xf32, #tpu.memory_space<hbm>> -> memref<3232xf32, #tpu.memory_space<hbm>>
      tpu.wait_dma2 semaphore(%run_scoped3A : memref<!tpu.dma_semaphore, #tpu.memory_space<semaphore_mem>>) src(%arg46 : memref<3232xf32, #tpu.memory_space<vmem>>) dst(%dma_wait3A_642 : memref<3232xf32, #tpu.memory_space<hbm>>)
      tpu.yield
    }) : () -> ()
    %eq3A = arith.constant 31 : i32
    %eq3A_637 = arith.cmpi eq, %add3A, %eq3A : i32
    %convert_element_type3A = arith.extui %eq3A_637 : i1 to i32
    %cond3A = arith.constant 0 : i32
    %cond3A_638 = arith.cmpi ne, %convert_element_type3A, %cond3A : i32
    scf.if %cond3A_638 {
      %parallel_loop3A_639 = arith.constant 0 : i32
      %parallel_loop3A_640 = arith.constant 31 : i32
      %parallel_loop3A_641 = arith.constant 1 : i32
      scf.for %parallel_loop3A_642 = %parallel_loop3A_639 to %parallel_loop3A_640 step %parallel_loop3A_641  : i32 {
        %parallel_loop3A_643 = arith.constant 0.000000e+00 : f32
        %parallel_loop3A_644 = vector.broadcast %parallel_loop3A_643 : f32 to vector<16xf32>
        %parallel_loop3A_645 = arith.constant 16 : i32
        %parallel_loop3A_646 = arith.muli %parallel_loop3A_642, %parallel_loop3A_645 : i32
        %parallel_loop3A_647 = arith.index_cast %parallel_loop3A_646 : i32 to index
        %parallel_loop3A_648 = tpu.vector_load %arg44[%parallel_loop3A_647] {strides = array<i32>} : memref<3248xf32, #tpu.memory_space<vmem>>, vector<16xf32>,
        %parallel_loop3A_649 = vector.shape_cast %parallel_loop3A_648 : vector<16xf32> to vector<16xf32>
        %parallel_loop3A_650 = vector.shape_cast %parallel_loop3A_644 : vector<16xf32> to vector<16xf32>
        tpu.vector_store %arg44[%parallel_loop3A_647], %parallel_loop3A_650 {strides = array<i32>} : memref<3248xf32, #tpu.memory_space<vmem>>, vector<16xf32>,
      } {sc.loop_unroll_factor = 2 : i64, sc.parallel_access}
      "tpu.region"() ({
        %run_scoped3A = tpu.sem_alloc : memref<!tpu.dma_semaphore, #tpu.memory_space<semaphore_mem>>
        %dma_start3A_642 = arith.constant 0 : i32
        %dma_start3A_643 = tpu.memref_slice %arg44[%dma_start3A_642] : memref<3248xf32, #tpu.memory_space<vmem>> -> memref<496xf32, #tpu.memory_space<vmem>>
        %dma_start3A_644 = arith.constant 102928 : i32
        %dma_start3A_645 = tpu.memref_slice %arg7[%dma_start3A_644] : memref<103424xf32, #tpu.memory_space<hbm>> -> memref<496xf32, #tpu.memory_space<hbm>>
        %dma_start3A_646 = arith.constant 102928 : i32
        %dma_start3A_647 = tpu.memref_slice %arg7[%dma_start3A_646] : memref<103424xf32, #tpu.memory_space<hbm>> -> memref<496xf32, #tpu.memory_space<hbm>>
        %dma_start3A_648 = arith.constant 0 : i32
        %dma_start3A_649 = tpu.memref_slice %arg44[%dma_start3A_648] : memref<3248xf32, #tpu.memory_space<vmem>> -> memref<496xf32, #tpu.memory_space<vmem>>
        tpu.enqueue_dma source(%dma_start3A_649 : memref<496xf32, #tpu.memory_space<vmem>>) target(%dma_start3A_647 : memref<496xf32, #tpu.memory_space<hbm>>) target_semaphore(%run_scoped3A : memref<!tpu.dma_semaphore, #tpu.memory_space<semaphore_mem>>)
        %dma_wait3A_650 = arith.constant 0 : i32
        %dma_wait3A_651 = tpu.memref_slice %arg44[%dma_wait3A_650] : memref<3248xf32, #tpu.memory_space<vmem>> -> memref<496xf32, #tpu.memory_space<vmem>>
        %dma_wait3A_652 = arith.constant 102928 : i32
        %dma_wait3A_653 = tpu.memref_slice %arg7[%dma_wait3A_652] : memref<103424xf32, #tpu.memory_space<hbm>> -> memref<496xf32, #tpu.memory_space<hbm>>
        %dma_wait3A_654 = arith.constant 102928 : i32
        %dma_wait3A_655 = tpu.memref_slice %arg7[%dma_wait3A_654] : memref<103424xf32, #tpu.memory_space<hbm>> -> memref<496xf32, #tpu.memory_space<hbm>>
        %dma_wait3A_656 = arith.constant 0 : i32
        %dma_wait3A_657 = tpu.memref_slice %arg44[%dma_wait3A_656] : memref<3248xf32, #tpu.memory_space<vmem>> -> memref<496xf32, #tpu.memory_space<vmem>>
        tpu.wait_dma2 semaphore(%run_scoped3A : memref<!tpu.dma_semaphore, #tpu.memory_space<semaphore_mem>>) src(%dma_wait3A_657 : memref<496xf32, #tpu.memory_space<vmem>>) dst(%dma_wait3A_655 : memref<496xf32, #tpu.memory_space<hbm>>)
        tpu.yield
      }) : () -> ()
    } else {
    }
    return
  }
}

module attributes {stable_mosaic.version = 14 : i64} {
  func.func @_clip_body(%arg0: memref<808x128xf32, #tpu.memory_space<vmem>>, %arg1: memref<808x128xf32, #tpu.memory_space<vmem>>) attributes {dimension_semantics = [], scalar_prefetch = 0 : i64, scratch_operands = 0 : i64, tpu.core_type = #tpu.core_type<tc>} {
    %get3A = arith.constant 0 : index
    %get3A_0 = arith.constant 0 : index
    %get3A_1 = vector.load %arg0[%get3A, %get3A_0] : memref<808x128xf32, #tpu.memory_space<vmem>>, vector<808x128xf32>
    %mul3A = arith.mulf %get3A_1, %get3A_1 : vector<808x128xf32>
    %reduce_sum3A = vector.shape_cast %mul3A : vector<808x128xf32> to vector<1x808x128xf32>
    %reduce_sum3A_2 = arith.constant dense<0.000000e+00> : vector<1xf32>
    %reduce_sum3A_3 = vector.multi_reduction <add>, %reduce_sum3A, %reduce_sum3A_2 [1, 2] : vector<1x808x128xf32> to vector<1xf32>
    %reduce_sum3A_4 = vector.shape_cast %reduce_sum3A_3 : vector<1xf32> to vector<1x1x1xf32>
    %reduce_sum3A_5 = vector.extract %reduce_sum3A_4[0, 0, 0] : f32 from vector<1x1x1xf32>
    %sqrt3A = math.sqrt %reduce_sum3A_5 : f32
    %max3A = arith.constant 4.000000e+01 : f32
    %max3A_6 = arith.maximumf %sqrt3A, %max3A : f32
    %div3A = arith.constant 4.000000e+01 : f32
    %div3A_7 = arith.divf %div3A, %max3A_6 : f32
    %mul3A_8 = vector.broadcast %div3A_7 : f32 to vector<808x128xf32>
    %mul3A_9 = arith.mulf %get3A_1, %mul3A_8 : vector<808x128xf32>
    %swap3A = arith.constant 0 : index
    %swap3A_10 = arith.constant 0 : index
    %swap3A_11 = vector.load %arg1[%swap3A, %swap3A_10] : memref<808x128xf32, #tpu.memory_space<vmem>>, vector<808x128xf32>
    tpu.vector_store %arg1[%swap3A, %swap3A_10], %mul3A_9 {strides = array<i32>} : memref<808x128xf32, #tpu.memory_space<vmem>>, vector<808x128xf32>,
    return
  }
}

module attributes {stable_mosaic.version = 14 : i64} {
  func.func @_coeff_body(%arg0: memref<256x2xf32, #tpu.memory_space<vmem>>, %arg1: memref<2x256xf32, #tpu.memory_space<vmem>>, %arg2: memref<256x1xf32, #tpu.memory_space<vmem>>, %arg3: memref<1x1xf32, #tpu.memory_space<smem>>, %arg4: memref<256x1xf32, #tpu.memory_space<vmem>>, %arg5: memref<16x1xf32, #tpu.memory_space<vmem>>) attributes {dimension_semantics = [], scalar_prefetch = 0 : i64, scratch_operands = 0 : i64, tpu.core_type = #tpu.core_type<tc>} {
    %iota3A = tpu.iota {dimensions = array<i32: 0>} : vector<256x256xi32>
    %iota3A_0 = tpu.iota {dimensions = array<i32: 1>} : vector<256x256xi32>
    %get3A = arith.constant 0 : index
    %get3A_1 = arith.constant 0 : index
    %get3A_2 = vector.load %arg0[%get3A, %get3A_1] : memref<256x2xf32, #tpu.memory_space<vmem>>, vector<256x1xf32>
    %neg3A = arith.constant 0.000000e+00 : f32
    %neg3A_3 = vector.broadcast %neg3A : f32 to vector<256x1xf32>
    %neg3A_4 = arith.subf %neg3A_3, %get3A_2 : vector<256x1xf32>
    %broadcast_in_dim3A = arith.constant 0.000000e+00 : f32
    %broadcast_in_dim3A_5 = vector.broadcast %broadcast_in_dim3A : f32 to vector<256x1xf32>
    %get3A_6 = arith.constant 0 : index
    %get3A_7 = arith.constant 0 : index
    %get3A_8 = vector.load %arg1[%get3A_6, %get3A_7] : memref<2x256xf32, #tpu.memory_space<vmem>>, vector<1x256xf32>
    %neg3A_9 = arith.constant 0.000000e+00 : f32
    %neg3A_10 = vector.broadcast %neg3A_9 : f32 to vector<1x256xf32>
    %neg3A_11 = arith.subf %neg3A_10, %get3A_8 : vector<1x256xf32>
    %lt3A = vector.broadcast %neg3A_11 : vector<1x256xf32> to vector<256x256xf32>
    %lt3A_12 = vector.broadcast %neg3A_4 : vector<256x1xf32> to vector<256x256xf32>
    %lt3A_13 = arith.cmpf olt, %lt3A, %lt3A_12 : vector<256x256xf32>
    %eq3A = vector.broadcast %neg3A_11 : vector<1x256xf32> to vector<256x256xf32>
    %eq3A_14 = vector.broadcast %neg3A_4 : vector<256x1xf32> to vector<256x256xf32>
    %eq3A_15 = arith.cmpf oeq, %eq3A, %eq3A_14 : vector<256x256xf32>
    %mul3A = arith.constant 2 : i32
    %mul3A_16 = vector.broadcast %mul3A : i32 to vector<256x256xi32>
    %mul3A_17 = arith.muli %mul3A_16, %iota3A_0 : vector<256x256xi32>
    %add3A = arith.constant 0 : i32
    %add3A_18 = vector.broadcast %add3A : i32 to vector<256x256xi32>
    %add3A_19 = arith.addi %mul3A_17, %add3A_18 : vector<256x256xi32>
    %mul3A_20 = arith.constant 2 : i32
    %mul3A_21 = vector.broadcast %mul3A_20 : i32 to vector<256x256xi32>
    %mul3A_22 = arith.muli %mul3A_21, %iota3A : vector<256x256xi32>
    %add3A_23 = arith.constant 0 : i32
    %add3A_24 = vector.broadcast %add3A_23 : i32 to vector<256x256xi32>
    %add3A_25 = arith.addi %mul3A_22, %add3A_24 : vector<256x256xi32>
    %lt3A_26 = arith.cmpi slt, %add3A_19, %add3A_25 : vector<256x256xi32>
    %and3A = arith.andi %eq3A_15, %lt3A_26 : vector<256x256xi1>
    %or3A = arith.ori %lt3A_13, %and3A : vector<256x256xi1>
    %jit3A = arith.constant 1.000000e+00 : f32
    %jit3A_27 = arith.constant 0.000000e+00 : f32
    %broadcast_in_dim3A_28 = vector.broadcast %jit3A : f32 to vector<256x256xf32>
    %broadcast_in_dim3A_29 = vector.broadcast %jit3A_27 : f32 to vector<256x256xf32>
    %select_n3A = arith.select %or3A, %broadcast_in_dim3A_28, %broadcast_in_dim3A_29 : vector<256x256xi1>, vector<256x256xf32>
    %reduce_sum3A = arith.constant dense<0.000000e+00> : vector<256xf32>
    %reduce_sum3A_30 = vector.multi_reduction <add>, %select_n3A, %reduce_sum3A [1] : vector<256x256xf32> to vector<256xf32>
    %broadcast_in_dim3A_31 = vector.shape_cast %reduce_sum3A_30 : vector<256xf32> to vector<256x1xf32>
    %add3A_32 = arith.addf %broadcast_in_dim3A_5, %broadcast_in_dim3A_31 : vector<256x1xf32>
    %get3A_33 = arith.constant 1 : index
    %get3A_34 = arith.constant 0 : index
    %get3A_35 = vector.load %arg1[%get3A_33, %get3A_34] : memref<2x256xf32, #tpu.memory_space<vmem>>, vector<1x256xf32>
    %neg3A_36 = arith.constant 0.000000e+00 : f32
    %neg3A_37 = vector.broadcast %neg3A_36 : f32 to vector<1x256xf32>
    %neg3A_38 = arith.subf %neg3A_37, %get3A_35 : vector<1x256xf32>
    %lt3A_39 = vector.broadcast %neg3A_38 : vector<1x256xf32> to vector<256x256xf32>
    %lt3A_40 = vector.broadcast %neg3A_4 : vector<256x1xf32> to vector<256x256xf32>
    %lt3A_41 = arith.cmpf olt, %lt3A_39, %lt3A_40 : vector<256x256xf32>
    %eq3A_42 = vector.broadcast %neg3A_38 : vector<1x256xf32> to vector<256x256xf32>
    %eq3A_43 = vector.broadcast %neg3A_4 : vector<256x1xf32> to vector<256x256xf32>
    %eq3A_44 = arith.cmpf oeq, %eq3A_42, %eq3A_43 : vector<256x256xf32>
    %mul3A_45 = arith.constant 2 : i32
    %mul3A_46 = vector.broadcast %mul3A_45 : i32 to vector<256x256xi32>
    %mul3A_47 = arith.muli %mul3A_46, %iota3A_0 : vector<256x256xi32>
    %add3A_48 = arith.constant 1 : i32
    %add3A_49 = vector.broadcast %add3A_48 : i32 to vector<256x256xi32>
    %add3A_50 = arith.addi %mul3A_47, %add3A_49 : vector<256x256xi32>
    %mul3A_51 = arith.constant 2 : i32
    %mul3A_52 = vector.broadcast %mul3A_51 : i32 to vector<256x256xi32>
    %mul3A_53 = arith.muli %mul3A_52, %iota3A : vector<256x256xi32>
    %add3A_54 = arith.constant 0 : i32
    %add3A_55 = vector.broadcast %add3A_54 : i32 to vector<256x256xi32>
    %add3A_56 = arith.addi %mul3A_53, %add3A_55 : vector<256x256xi32>
    %lt3A_57 = arith.cmpi slt, %add3A_50, %add3A_56 : vector<256x256xi32>
    %and3A_58 = arith.andi %eq3A_44, %lt3A_57 : vector<256x256xi1>
    %or3A_59 = arith.ori %lt3A_41, %and3A_58 : vector<256x256xi1>
    %jit3A_60 = arith.constant 1.000000e+00 : f32
    %jit3A_61 = arith.constant 0.000000e+00 : f32
    %broadcast_in_dim3A_62 = vector.broadcast %jit3A_60 : f32 to vector<256x256xf32>
    %broadcast_in_dim3A_63 = vector.broadcast %jit3A_61 : f32 to vector<256x256xf32>
    %select_n3A_64 = arith.select %or3A_59, %broadcast_in_dim3A_62, %broadcast_in_dim3A_63 : vector<256x256xi1>, vector<256x256xf32>
    %reduce_sum3A_65 = arith.constant dense<0.000000e+00> : vector<256xf32>
    %reduce_sum3A_66 = vector.multi_reduction <add>, %select_n3A_64, %reduce_sum3A_65 [1] : vector<256x256xf32> to vector<256xf32>
    %broadcast_in_dim3A_67 = vector.shape_cast %reduce_sum3A_66 : vector<256xf32> to vector<256x1xf32>
    %add3A_68 = arith.addf %add3A_32, %broadcast_in_dim3A_67 : vector<256x1xf32>
    %get3A_69 = arith.constant 0 : index
    %get3A_70 = arith.constant 1 : index
    %get3A_71 = vector.load %arg0[%get3A_69, %get3A_70] : memref<256x2xf32, #tpu.memory_space<vmem>>, vector<256x1xf32>
    %neg3A_72 = arith.constant 0.000000e+00 : f32
    %neg3A_73 = vector.broadcast %neg3A_72 : f32 to vector<256x1xf32>
    %neg3A_74 = arith.subf %neg3A_73, %get3A_71 : vector<256x1xf32>
    %broadcast_in_dim3A_75 = arith.constant 0.000000e+00 : f32
    %broadcast_in_dim3A_76 = vector.broadcast %broadcast_in_dim3A_75 : f32 to vector<256x1xf32>
    %get3A_77 = arith.constant 0 : index
    %get3A_78 = arith.constant 0 : index
    %get3A_79 = vector.load %arg1[%get3A_77, %get3A_78] : memref<2x256xf32, #tpu.memory_space<vmem>>, vector<1x256xf32>
    %neg3A_80 = arith.constant 0.000000e+00 : f32
    %neg3A_81 = vector.broadcast %neg3A_80 : f32 to vector<1x256xf32>
    %neg3A_82 = arith.subf %neg3A_81, %get3A_79 : vector<1x256xf32>
    %lt3A_83 = vector.broadcast %neg3A_82 : vector<1x256xf32> to vector<256x256xf32>
    %lt3A_84 = vector.broadcast %neg3A_74 : vector<256x1xf32> to vector<256x256xf32>
    %lt3A_85 = arith.cmpf olt, %lt3A_83, %lt3A_84 : vector<256x256xf32>
    %eq3A_86 = vector.broadcast %neg3A_82 : vector<1x256xf32> to vector<256x256xf32>
    %eq3A_87 = vector.broadcast %neg3A_74 : vector<256x1xf32> to vector<256x256xf32>
    %eq3A_88 = arith.cmpf oeq, %eq3A_86, %eq3A_87 : vector<256x256xf32>
    %mul3A_89 = arith.constant 2 : i32
    %mul3A_90 = vector.broadcast %mul3A_89 : i32 to vector<256x256xi32>
    %mul3A_91 = arith.muli %mul3A_90, %iota3A_0 : vector<256x256xi32>
    %add3A_92 = arith.constant 0 : i32
    %add3A_93 = vector.broadcast %add3A_92 : i32 to vector<256x256xi32>
    %add3A_94 = arith.addi %mul3A_91, %add3A_93 : vector<256x256xi32>
    %mul3A_95 = arith.constant 2 : i32
    %mul3A_96 = vector.broadcast %mul3A_95 : i32 to vector<256x256xi32>
    %mul3A_97 = arith.muli %mul3A_96, %iota3A : vector<256x256xi32>
    %add3A_98 = arith.constant 1 : i32
    %add3A_99 = vector.broadcast %add3A_98 : i32 to vector<256x256xi32>
    %add3A_100 = arith.addi %mul3A_97, %add3A_99 : vector<256x256xi32>
    %lt3A_101 = arith.cmpi slt, %add3A_94, %add3A_100 : vector<256x256xi32>
    %and3A_102 = arith.andi %eq3A_88, %lt3A_101 : vector<256x256xi1>
    %or3A_103 = arith.ori %lt3A_85, %and3A_102 : vector<256x256xi1>
    %jit3A_104 = arith.constant 1.000000e+00 : f32
    %jit3A_105 = arith.constant 0.000000e+00 : f32
    %broadcast_in_dim3A_106 = vector.broadcast %jit3A_104 : f32 to vector<256x256xf32>
    %broadcast_in_dim3A_107 = vector.broadcast %jit3A_105 : f32 to vector<256x256xf32>
    %select_n3A_108 = arith.select %or3A_103, %broadcast_in_dim3A_106, %broadcast_in_dim3A_107 : vector<256x256xi1>, vector<256x256xf32>
    %reduce_sum3A_109 = arith.constant dense<0.000000e+00> : vector<256xf32>
    %reduce_sum3A_110 = vector.multi_reduction <add>, %select_n3A_108, %reduce_sum3A_109 [1] : vector<256x256xf32> to vector<256xf32>
    %broadcast_in_dim3A_111 = vector.shape_cast %reduce_sum3A_110 : vector<256xf32> to vector<256x1xf32>
    %add3A_112 = arith.addf %broadcast_in_dim3A_76, %broadcast_in_dim3A_111 : vector<256x1xf32>
    %get3A_113 = arith.constant 1 : index
    %get3A_114 = arith.constant 0 : index
    %get3A_115 = vector.load %arg1[%get3A_113, %get3A_114] : memref<2x256xf32, #tpu.memory_space<vmem>>, vector<1x256xf32>
    %neg3A_116 = arith.constant 0.000000e+00 : f32
    %neg3A_117 = vector.broadcast %neg3A_116 : f32 to vector<1x256xf32>
    %neg3A_118 = arith.subf %neg3A_117, %get3A_115 : vector<1x256xf32>
    %lt3A_119 = vector.broadcast %neg3A_118 : vector<1x256xf32> to vector<256x256xf32>
    %lt3A_120 = vector.broadcast %neg3A_74 : vector<256x1xf32> to vector<256x256xf32>
    %lt3A_121 = arith.cmpf olt, %lt3A_119, %lt3A_120 : vector<256x256xf32>
    %eq3A_122 = vector.broadcast %neg3A_118 : vector<1x256xf32> to vector<256x256xf32>
    %eq3A_123 = vector.broadcast %neg3A_74 : vector<256x1xf32> to vector<256x256xf32>
    %eq3A_124 = arith.cmpf oeq, %eq3A_122, %eq3A_123 : vector<256x256xf32>
    %mul3A_125 = arith.constant 2 : i32
    %mul3A_126 = vector.broadcast %mul3A_125 : i32 to vector<256x256xi32>
    %mul3A_127 = arith.muli %mul3A_126, %iota3A_0 : vector<256x256xi32>
    %add3A_128 = arith.constant 1 : i32
    %add3A_129 = vector.broadcast %add3A_128 : i32 to vector<256x256xi32>
    %add3A_130 = arith.addi %mul3A_127, %add3A_129 : vector<256x256xi32>
    %mul3A_131 = arith.constant 2 : i32
    %mul3A_132 = vector.broadcast %mul3A_131 : i32 to vector<256x256xi32>
    %mul3A_133 = arith.muli %mul3A_132, %iota3A : vector<256x256xi32>
    %add3A_134 = arith.constant 1 : i32
    %add3A_135 = vector.broadcast %add3A_134 : i32 to vector<256x256xi32>
    %add3A_136 = arith.addi %mul3A_133, %add3A_135 : vector<256x256xi32>
    %lt3A_137 = arith.cmpi slt, %add3A_130, %add3A_136 : vector<256x256xi32>
    %and3A_138 = arith.andi %eq3A_124, %lt3A_137 : vector<256x256xi1>
    %or3A_139 = arith.ori %lt3A_121, %and3A_138 : vector<256x256xi1>
    %jit3A_140 = arith.constant 1.000000e+00 : f32
    %jit3A_141 = arith.constant 0.000000e+00 : f32
    %broadcast_in_dim3A_142 = vector.broadcast %jit3A_140 : f32 to vector<256x256xf32>
    %broadcast_in_dim3A_143 = vector.broadcast %jit3A_141 : f32 to vector<256x256xf32>
    %select_n3A_144 = arith.select %or3A_139, %broadcast_in_dim3A_142, %broadcast_in_dim3A_143 : vector<256x256xi1>, vector<256x256xf32>
    %reduce_sum3A_145 = arith.constant dense<0.000000e+00> : vector<256xf32>
    %reduce_sum3A_146 = vector.multi_reduction <add>, %select_n3A_144, %reduce_sum3A_145 [1] : vector<256x256xf32> to vector<256xf32>
    %broadcast_in_dim3A_147 = vector.shape_cast %reduce_sum3A_146 : vector<256xf32> to vector<256x1xf32>
    %add3A_148 = arith.addf %add3A_112, %broadcast_in_dim3A_147 : vector<256x1xf32>
    %div3A = arith.constant 5.110000e+02 : f32
    %div3A_149 = vector.broadcast %div3A : f32 to vector<256x1xf32>
    %div3A_150 = arith.divf %add3A_68, %div3A_149 : vector<256x1xf32>
    %sub3A = arith.constant 5.000000e-01 : f32
    %sub3A_151 = vector.broadcast %sub3A : f32 to vector<256x1xf32>
    %sub3A_152 = arith.subf %div3A_150, %sub3A_151 : vector<256x1xf32>
    %div3A_153 = arith.constant 5.110000e+02 : f32
    %div3A_154 = vector.broadcast %div3A_153 : f32 to vector<256x1xf32>
    %div3A_155 = arith.divf %add3A_148, %div3A_154 : vector<256x1xf32>
    %sub3A_156 = arith.constant 5.000000e-01 : f32
    %sub3A_157 = vector.broadcast %sub3A_156 : f32 to vector<256x1xf32>
    %sub3A_158 = arith.subf %div3A_155, %sub3A_157 : vector<256x1xf32>
    %sub3A_159 = arith.subf %sub3A_152, %sub3A_158 : vector<256x1xf32>
    %get3A_160 = arith.constant 0 : index
    %get3A_161 = arith.constant 0 : index
    %get3A_162 = vector.load %arg2[%get3A_160, %get3A_161] : memref<256x1xf32, #tpu.memory_space<vmem>>, vector<256x1xf32>
    %mul3A_163 = arith.mulf %sub3A_159, %get3A_162 : vector<256x1xf32>
    %mul3A_164 = arith.constant 0.001953125 : f32
    %mul3A_165 = vector.broadcast %mul3A_164 : f32 to vector<256x1xf32>
    %mul3A_166 = arith.mulf %mul3A_163, %mul3A_165 : vector<256x1xf32>
    %swap3A = arith.constant 0 : index
    %swap3A_167 = arith.constant 0 : index
    %swap3A_168 = vector.load %arg4[%swap3A, %swap3A_167] : memref<256x1xf32, #tpu.memory_space<vmem>>, vector<256x1xf32>
    tpu.vector_store %arg4[%swap3A, %swap3A_167], %mul3A_166 {strides = array<i32>} : memref<256x1xf32, #tpu.memory_space<vmem>>, vector<256x1xf32>,
    %get3A_169 = arith.constant 0 : index
    %get3A_170 = arith.constant 0 : index
    %get3A_171 = memref.load %arg3[%get3A_169, %get3A_170] : memref<1x1xf32, #tpu.memory_space<smem>>
    %mul3A_172 = arith.constant 2.000000e+00 : f32
    %mul3A_173 = arith.mulf %mul3A_172, %get3A_171 : f32
    %sub3A_174 = arith.constant 1.000000e+00 : f32
    %sub3A_175 = arith.subf %mul3A_173, %sub3A_174 : f32
    %mul3A_176 = vector.broadcast %sub3A_175 : f32 to vector<256x1xf32>
    %mul3A_177 = arith.mulf %mul3A_176, %get3A_162 : vector<256x1xf32>
    %slice3A = vector.extract_strided_slice %mul3A_177 {offsets = [0, 0], sizes = [16, 1], strides = [1, 1]} : vector<256x1xf32> to vector<16x1xf32>
    %swap3A_178 = arith.constant 0 : index
    %swap3A_179 = arith.constant 0 : index
    %swap3A_180 = vector.load %arg5[%swap3A_178, %swap3A_179] : memref<16x1xf32, #tpu.memory_space<vmem>>, vector<16x1xf32>
    tpu.vector_store %arg5[%swap3A_178, %swap3A_179], %slice3A {strides = array<i32>} : memref<16x1xf32, #tpu.memory_space<vmem>>, vector<16x1xf32>,
    return
  }
}

</mosaic_0001>

<sc_bundles>
// kernel: kernel.5.cloned.1.call-start
scs
__scs_entry_jumppad:
0x0: {  	(pc) =	sbr.rel $0x88, $3  }
0x1: {  	(tag) =	ssettag $0x0;
	lr =	simm.s32 $0x1  }
0x2: {  	[smem:$0x3F9B] =	sst lr;
	_ =	strace $0xD0000000  }
0x3: {  	_ = 	snop  }
0x4: {  	_ = 	snop  }
0x5: {  	_ = 	snop  }
0x6: {  	_ = 	snop  }
0x7: {  	_ = 	snop  }
__scs_overlays_trampoline_lowered:
0x8: {  	[smem:$0x3FAA] =	sst s0  }
0x9: {  	[smem:$0x3FAB] =	sst s1  }
0xa: {  	[smem:$0x3FAC] =	sst s2  }
0xb: {  	[smem:$0x3FAD] =	sst s3  }
0xc: {  	[smem:$0x3FAE] =	sst s4  }
0xd: {  	[smem:$0x3FAF] =	sst s5  }
0xe: {  	[smem:$0x3FB0] =	sst s6  }
0xf: {  	[smem:$0x3FB1] =	sst s7  }
0x10: {  	[smem:$0x3FB2] =	sst s8  }
0x11: {  	[smem:$0x3FB3] =	sst s9;
	s0 =	simm.s32 @!p0 $0x0  }
0x12: {  	s1 =	sld [smem:$0x3F99];
	s0 =	simm.s32 @p0 $0x1  }
0x13: {  	[smem:$0x3FB4] =	sst s0;
	s0 =	simm.s32 @!p1 $0x0  }
0x14: {  	s2 =	sld [smem:$0x3F98];
	s0 =	simm.s32 @p1 $0x1  }
0x15: {  	[smem:$0x3FB5] =	sst s0;
	s0 =	simm.s32 @!p2 $0x0  }
0x16: {  	s3 =	sld [smem:$0x3FDB];
	s0 =	simm.s32 @p2 $0x1  }
0x17: {  	s4 =	simm.s32 $0x1BF5;
	[smem:$0x3FB7] =	sst s0  }
0x18: {  	s0 =	sld [smem:$0x3F9A];
	_ =	swait.ge [sflag:s4], $0x0  }
0x19: {  	s7 =	sld [smem:$0x3F9B]  }
0x1a: {  	s8 =	sadd.s32 $0xFFFFE003, lr  }
0x1b: {  	s9 =	sadd.s32 $0xFFFFFEF7, lr;
	s5 =	simm.s32 $0xFFFFFFFF;
	p2 =	slt.u32 s8, $0xFFFFF086  }
0x1c: {  	p1 =	slt.u32 s9, $0xF7A;
	s5 =	simm.s32 @!p2 $0x0  }
0x1d: {  	s5 =	simm.s32 @p1 $0x1;
	p0 =	seq.s32 s7, s2  }
0x1e: {  	s7 =	smul.u32 @!p0 $0xF7A, s2;
	p2 =	seq.s32 @!p0 s5, $0x0  }
0x1f: {  	s9 =	smul.u32 $0xF7A, s1;
	s8 =	simm.s32 @!p0 $0x1BF5;
	p2 =	por !p2, p0  }
0x20: {  	[sflag:s8] =	ssyncset.s32 @!p0 $0xFFFFF086;
	s6 =	sadd.s32 @!p0 s3, s7;
	s7 =	simm.s32 @!p0 $0x108  }
0x21: {  	s3 =	sadd.s32 s3, s9;
	s6 =	sadd.s32 @!p0 $0x88, s6;
	s7 =	simm.s32 @p2 $0x1082  }
0x22: {  	[simem:s7], [sflag:s8] =	dma.local @!p0 [hbm:s6], $0xF7A  }
0x23: {  	s9 =	sor.u32 $0xD0000000, s2;
	s6 =	simm.s32 $0x108;
	_ =	swait.ge @!p0 [sflag:s8], $0x0  }
0x24: {  	s3 =	sadd.s32 $0x88, s3;
	s6 =	simm.s32 @!p1 $0x1082;
	[sflag:s4] =	ssyncset.s32 $0xFFFFF086  }
0x25: {  	[simem:s6], [sflag:s4] =	dma.local [hbm:s3], $0xF7A  }
0x26: {  	[smem:$0x3F9B] =	sst s1;
	(tag) =	ssettag s2;
	_ =	strace s9  }
0x27: {  	s1 =	sld [smem:$0x3FAB]  }
0x28: {  	s2 =	sld [smem:$0x3FAC]  }
0x29: {  	s4 =	sld [smem:$0x3FAE]  }
0x2a: {  	p0 =	seq.s32 s5, $0x0;
	s5 =	sld [smem:$0x3FAF]  }
0x2b: {  	s6 =	sld [smem:$0x3FB0]  }
0x2c: {  	s7 =	sld [smem:$0x3FB1]  }
0x2d: {  	s3 =	simm.s32 $0x108;
	s8 =	sld [smem:$0x3FB2]  }
0x2e: {  	s3 =	simm.s32 @!p0 $0x1082;
	s9 =	sld [smem:$0x3FB3]  }
0x2f: {  	lr =	sadd.s32 s0, s3;
	s0 =	sld [smem:$0x3FAA]  }
0x30: {  	s3 =	sld [smem:$0x3FAD]  }
0x31: {  	[smem:$0x3FB6] =	sst s10  }
0x32: {  	s10 =	sld [smem:$0x3FB4];
	_ =	sdelay $0x3  }
0x33: {  	p0 =	seq.s32 s10, $0x1;
	s10 =	sld [smem:$0x3FB6];
	_ =	sdelay $0x3  }
0x34: {  	[smem:$0x3FB6] =	sst s10  }
0x35: {  	s10 =	sld [smem:$0x3FB5];
	_ =	sdelay $0x3  }
0x36: {  	p1 =	seq.s32 s10, $0x1;
	s10 =	sld [smem:$0x3FB6];
	_ =	sdelay $0x3  }
0x37: {  	[smem:$0x3FB6] =	sst s10  }
0x38: {  	s10 =	sld [smem:$0x3FB7]  }
0x39: {  	_ = 	snop;
	(pc) =	sbr.ind lr, $3  }
0x3a: {  	_ = 	snop  }
0x3b: {  	_ = 	snop  }
0x3c: {  	p2 =	seq.s32 s10, $0x1;
	s10 =	sld [smem:$0x3FB6]  }
0x3d: {  	_ =	shalt  }
0x3e: {  	_ =	shalt  }
0x3f: {  	_ =	shalt  }
0x40: {  	_ =	shalt  }
0x41: {  	_ =	shalt  }
0x42: {  	_ =	shalt  }
0x43: {  	_ =	shalt  }
0x44: {  	_ =	shalt  }
0x45: {  	_ =	shalt  }
0x46: {  	_ =	shalt  }
0x47: {  	_ =	shalt  }
0x48: {  	_ =	shalt  }
0x49: {  	_ =	shalt  }
0x4a: {  	_ =	shalt  }
0x4b: {  	_ =	shalt  }
0x4c: {  	_ =	shalt  }
0x4d: {  	_ =	shalt  }
0x4e: {  	_ =	shalt  }
0x4f: {  	_ =	shalt  }
0x50: {  	_ =	shalt  }
0x51: {  	_ =	shalt  }
0x52: {  	_ =	shalt  }
0x53: {  	_ =	shalt  }
0x54: {  	_ =	shalt  }
0x55: {  	_ =	shalt  }
0x56: {  	_ =	shalt  }
0x57: {  	_ =	shalt  }
0x58: {  	_ =	shalt  }
0x59: {  	_ =	shalt  }
0x5a: {  	_ =	shalt  }
0x5b: {  	_ =	shalt  }
0x5c: {  	_ =	shalt  }
0x5d: {  	_ =	shalt  }
0x5e: {  	_ =	shalt  }
0x5f: {  	_ =	shalt  }
0x60: {  	_ =	shalt  }
0x61: {  	_ =	shalt  }
0x62: {  	_ =	shalt  }
0x63: {  	_ =	shalt  }
0x64: {  	_ =	shalt  }
0x65: {  	_ =	shalt  }
0x66: {  	_ =	shalt  }
0x67: {  	_ =	shalt  }
0x68: {  	_ =	shalt  }
0x69: {  	_ =	shalt  }
0x6a: {  	_ =	shalt  }
0x6b: {  	_ =	shalt  }
0x6c: {  	_ =	shalt  }
0x6d: {  	_ =	shalt  }
0x6e: {  	_ =	shalt  }
0x6f: {  	_ =	shalt  }
0x70: {  	_ =	shalt  }
0x71: {  	_ =	shalt  }
0x72: {  	_ =	shalt  }
0x73: {  	_ =	shalt  }
0x74: {  	_ =	shalt  }
0x75: {  	_ =	shalt  }
0x76: {  	_ =	shalt  }
0x77: {  	_ =	shalt  }
0x78: {  	_ =	shalt  }
0x79: {  	_ =	shalt  }
0x7a: {  	_ =	shalt  }
0x7b: {  	_ =	shalt  }
0x7c: {  	_ =	shalt  }
0x7d: {  	_ =	shalt  }
0x7e: {  	_ =	shalt  }
0x7f: {  	_ =	shalt  }
0x80: {  	_ =	shalt  }
0x81: {  	_ =	shalt  }
0x82: {  	_ =	shalt  }
0x83: {  	_ =	shalt  }
0x84: {  	_ =	shalt  }
0x85: {  	_ =	shalt  }
0x86: {  	_ =	shalt  }
0x87: {  	_ =	shalt  }
.Lfunc_end0:
.L_simem_size_0:
called_computation_lowered:
.L_overlay_start_0:
0x88: {  	s2 =	sld [smem:$0x3FD9]  }
0x89: {  	s3 =	sld [smem:$0x3FFE];
	_ =	sdelay $0x1  }
0x8a: {  	s1 =	srdreg.scid  }
0x8b: {  	s0 =	sand.u32 $0x1, s1  }
0x8c: {  	s14 =	sshll.u32 s0, $0xA;
	s2 =	sadd.s32 s3, s2  }
0x8d: {  	s2 =	sadd.s32 s2, s14  }
0x8e: {  	[smem:$0x3FC2] =	sst s2  }
0x8f: {  	_ = 	snop  }
0x90: {  	s2 =	sld [smem:$0x3FD0]  }
0x91: {  	s15 =	sld [smem:$0x3FC9]  }
0x92: {  	s4 =	sld [smem:$0x3FC8]  }
0x93: {  	s6 =	simm.s32 $0xA;
	s7 =	simm.s32 $0x10;
	s5 =	sld [smem:$0x3FC7]  }
0x94: {  	[smem:s7], [sflag:s6] =	dma.local [hbm:s2], $0x1  }
0x95: {  	_ =	swait.eq [sflag:s6], $0x1  }
0x96: {  	[sflag:s6] =	ssyncset.done $0x0  }
0x97: {  	s16 =	sld [smem:$0x10];
	[sflag:s6] =	ssyncadd.s32 $0xFFFFFFFF  }
0x98: {  	s17 =	sld [smem:$0x11];
	(tm) =	ssettm $0x1  }
0x99: {  	s18 =	sld [smem:$0x3FFB];
	_ =	sdelay $0x3  }
0x9a: {  	_ =	strace s18  }
0x9b: {  	s7 =	sld [smem:$0x3FFC];
	_ =	sdelay $0x3  }
0x9c: {  	_ =	strace s7  }
0x9d: {  	s7 =	sld [smem:$0x3FFD];
	_ =	sdelay $0x3  }
0x9e: {  	_ =	strace s7  }
0x9f: {  	_ =	strace $0x8FFFFFFF  }
0xa0: {  	s19 =	sld [smem:$0x3FDB];
	_ =	sdelay $0x1  }
0xa1: {  	s8 =	simm.s32 $_scs_section_size  }
0xa2: {  	s9 =	simm.s32 $_size__tile_overlayer_lowered;
	s10 =	simm.s32 $_tile_overlayer_lowered  }
0xa3: {  	s22 =	simm.s32 $0x1BFF;
	s21 =	sshll.u32 s10, $0x1;
	s7 =	sadd.s32 s8, s19  }
0xa4: {  	s11 =	simm.s32 $0x0;
	s20 =	sshll.u32 s9, $0x1;
	s9 =	sadd.s32 s21, s7  }
0xa5: {  	[timem:s11], [sflag:s22] =	dma.local [hbm:s9], s20  }
0xa6: {  	_ =	swait.ge [sflag:s22], s20  }
0xa7: {  	s8 =	ssub.s32 $0x0, s20;
	[sflag:s22] =	ssyncset.done $0x0  }
0xa8: {  	[sflag:s22] =	ssyncadd.s32 s8;
	_ =	sdelay $0x1  }
0xa9: {  	s23 =	simm.s32 $0x1B8B  }
0xaa: {  	_ =	swait.ge [sflag:s23], $0x1  }
0xab: {  	[sflag:s23] =	ssyncset.done $0x0  }
0xac: {  	s25 =	simm.s32 $0x1B8E;
	s24 =	sld [smem:$0x3FFE];
	[sflag:s23] =	ssyncadd.s32 $0xFFFFFFFF  }
0xad: {  	s26 =	simm.s32 $execute0_lowered;
	[smem:$0x3FD2] =	sst s25  }
0xae: {  	s9 =	sshll.u32 s26, $0x1;
	_ =	strace $0x80000046;
	[dreg:$0x1] =	wrdreg $0xFFFFFFFF  }
0xaf: {  	s28 =	simm.s32 $_size_execute0_lowered;
	s7 =	sadd.s32 s7, s9;
	[dreg:$0x0] =	wrdreg $0x0  }
0xb0: {  	s9 =	sshll.u32 s28, $0x1;
	[dreg:$0x2] =	wrdreg s7  }
0xb1: {  	[dreg:$0x3] =	wrdreg s9  }
0xb2: {  	[dreg:$0x4] =	wrdreg $0xC0  }
0xb3: {  	_ =	task [dreg:s11], $0x5FFFF  }
0xb4: {  	[dreg:$0x1] =	wrdreg $0xFFFFFFFF  }
0xb5: {  	[dreg:$0x0] =	wrdreg $0x60  }
0xb6: {  	[dreg:$0x2] =	wrdreg s15  }
0xb7: {  	[dreg:$0x3] =	wrdreg s4  }
0xb8: {  	[dreg:$0x4] =	wrdreg s5  }
0xb9: {  	[dreg:$0x5] =	wrdreg s24  }
0xba: {  	[dreg:$0x6] =	wrdreg s16  }
0xbb: {  	[dreg:$0x7] =	wrdreg s17  }
0xbc: {  	[dreg:$0x8] =	wrdreg $0x9  }
0xbd: {  	_ =	task.clear_ibuf [dreg:s11], $0x9FFFF;
	_ =	strace $0x90000046  }
0xbe: {  	s29 =	simm.s32 $0x9;
	_ =	strace $0x80000048  }
0xbf: {  	_ =	swait.ge [sflag:s29], $0x1  }
0xc0: {  	[sflag:s29] =	ssyncadd.s32 $0xFFFFFFFF  }
0xc1: {  	_ =	strace $0x90000048  }
0xc2: {  	_ =	sfence  }
0xc3: {  	s30 =	sld [smem:$0x0];
	_ =	sdelay $0x2  }
0xc4: {  	s31 =	sshll.u32 s1, $0xD;
	s1 =	sshrl.u32 s1, $0x2  }
0xc5: {  	s3 =	sand.u32 $0x4000, s31;
	s1 =	sadd.s32 s1, s30  }
0xc6: {  	s0 =	sor.u32 s3, s0;
	s1 =	sshll.u32 s1, $0x11  }
0xc7: {  	s0 =	sor.u32 s1, s0  }
0xc8: {  	s0 =	sadd.s32 $0x8F2B, s0  }
0xc9: {  	[sflag:s0] =	ssyncadd.remote.s32 $0x1  }
0xca: {  	_ =	sfence.sel $0xFFFF  }
0xcb: {  	[dreg:$0x0] =	wrdreg $0xFFFFFFFF;
	(pc) =	sbr.abs _section_cstart, $3  }
0xcc: {  	[dreg:$0x1] =	wrdreg $0xFFFFFFFF  }
0xcd: {  	_ =	task.clear_ibuf [dreg:s11], $0x2FFFF;
	_ =	strace $0x9FFFFFFF  }
0xce: {  	(tm) =	ssettm $0x7FFFFFFF  }
0xcf: {  	_ =	shalt  }
tec
execute0_lowered:
.L_overlay_start_1:
0x0: {  	(tag) =	ssettag $0x1  }
0x1: {  	s0 =	rddreg [dreg:$0x1]  }
0x2: {  	s1 =	rddreg [dreg:$0x3]  }
0x3: {  	s3 =	rddreg [dreg:$0x4]  }
0x4: {  	s2 =	srdreg.scid;
	s4 =	rddreg [dreg:$0x5]  }
0x5: {  	s7 =	stileid.u32;
	s6 =	simm.s32 $0x0;
	s2 =	sand.u32 $0x1, s2  }
0x6: {  	[smem:$0x7FF] =	sst s6;
	s23 =	sadd.s32 $0x400, s1;
	s5 =	sshll.u32 s2, $0x4  }
0x7: {  	s9 =	smul.u32 $0xCA0, s7;
	s1 =	sadd.s32 $0x600, s1;
	s5 =	sor.u32 s7, s5  }
0x8: {  	s31 =	sadd.s32 $0x3242, s3;
	s24 =	ssub.s32 $0x2, s2;
	[dreg:$0x7] =	wrdreg s5  }
0x9: {  	s5 =	smul.u32 $0xCA0, s5;
	_ =	strace $0x80000047;
	[dreg:$0x8] =	wrdreg s23  }
0xa: {  	s2 =	smul.u32 $0xCA00, s2;
	s25 =	sshrl.u32 s24, $0x1;
	[dreg:$0xa] =	wrdreg s1  }
0xb: {  	s26 =	ssub.s32 s24, s25;
	[dreg:$0xe] =	wrdreg s31;
	s8 =	smin.u32 s5, $0x18570  }
0xc: {  	s1 =	smax.u32 s26, $0x1;
	[dreg:$0x9] =	wrdreg s8;
	s8 =	sshrl.u32 s8, $0x3  }
.Ltmp0:
0xd: {  	[dreg:$0xf] =	wrdreg s1;
	s0 =	sadd.s32 s0, s8;
	(pc) =	sbr.rel .LBB2_1-.Ltmp0, $4  }
0xe: {  	s28 =	sadd.s32 s3, s8;
	[dreg:$0xb] =	wrdreg s0  }
0xf: {  	s30 =	sadd.s32 s9, s2;
	s29 =	sadd.s32 s4, s8;
	[dreg:$0xc] =	wrdreg s28  }
0x10: {  	s1 =	simm.s32 $0x0;
	[dreg:$0xd] =	wrdreg s29;
	s0 =	smin.u32 s30, $0x18570  }
0x11: {  	v0 =	vimm.f32 $0.0e+00;
	s3 =	simm.s32 $0x4;
	s4 =	simm.s32 $0x1BD80;
	[dreg:$0x10] =	wrdreg s0  }
.LBB2_20:
0x12: {  	s1 =	sadd.s32 $0x1, s1;
	s0 =	rddreg [dreg:$0xf]  }
0x13: {  	p0 =	sne.s32 s1, s0  }
.Ltmp1:
0x14: {  	_ = 	snop;
	(pc) =	sbr.rel @!p0 .LBB2_21-.Ltmp1, $1  }
0x15: {  	_ =	sdelay $0x3  }
.LBB2_1:
0x16: {  	[dreg:$0x11] =	wrdreg s1  }
0x17: {  	s0 =	rddreg [dreg:$0x2];
	s5 =	simm.s32 $0x0  }
0x18: {  	[tilespmem:s5], [sflag:$0x4] =	stream.linear.gather [hbm4b:s0+s5], $0x100, $0x38;
	[tilespmem:$0x1CA80] =	vst v63  }
0x19: {  	_ =	swait.ge [sflag:s3], $0x100  }
0x1a: {  	[sflag:s3] =	ssyncset.done $0x0  }
0x1b: {  	s15 =	simm.s32 $0x180;
	s14 =	rddreg [dreg:$0x8];
	[sflag:s3] =	ssyncadd.s32 $0xFFFFFF00  }
0x1c: {  	[tilespmem:s15], [sflag:$0x4] =	stream.linear.gather [hbm4b:s14+s5], $0x100, $0x38;
	[tilespmem:$0x1CA80] =	vst v63  }
0x1d: {  	_ =	swait.ge [sflag:s3], $0x100  }
0x1e: {  	[sflag:s3] =	ssyncset.done $0x0  }
0x1f: {  	s17 =	simm.s32 $0x300;
	s16 =	rddreg [dreg:$0xa];
	[sflag:s3] =	ssyncadd.s32 $0xFFFFFF00  }
0x20: {  	[tilespmem:s17], [sflag:$0x4] =	stream.linear.gather [hbm4b:s16+s5], $0x80, $0x38;
	[tilespmem:$0x1CA80] =	vst v63  }
0x21: {  	_ =	swait.ge [sflag:s3], $0x80  }
0x22: {  	[sflag:s3] =	ssyncset.done $0x0  }
0x23: {  	s18 =	rddreg [dreg:$0xb];
	[sflag:s3] =	ssyncadd.s32 $0xFFFFFF80  }
0x24: {  	[tilespmem:s4], [sflag:$0x4] =	stream.linear.gather [hbm4b:s18+s5], $0xCA0, $0x38;
	[tilespmem:$0x1CA80] =	vst v63  }
0x25: {  	_ =	swait.ge [sflag:s3], $0xCA0  }
0x26: {  	[sflag:s3] =	ssyncset.done $0x0  }
0x27: {  	[sflag:s3] =	ssyncadd.s32 $0xFFFFF360  }
0x28: {  	v1 =	vld [tilespmem:$0x0];
	_ =	sdelay $0x4  }
0x29: {  	(v2sf) =	vpush v1, $0x0;
	_ =	sdelay $0xe  }
0x2a: {  	s3 =	rddreg [dreg:$0x9];
	s19 =	spop (v2sf)  }
0x2b: {  	s20 =	sadd.s32 s3, s19;
	s0 =	sand.u32 $0xF, s19  }
0x2c: {  	s2 =	sshra.s32 s20, $0x1F;
	p0 =	slt.s32 s20, $0x1;
	p1 =	sne.s32 s0, $0x0  }
0x2d: {  	s21 =	sshrl.u32 s2, $0x1C;
	p0 =	por !p0, !p1  }
0x2e: {  	s1 =	simm.s32 $0x1;
	s0 =	sadd.s32 s21, s20;
	p0 =	por !p0, !p0  }
0x2f: {  	s0 =	sshrl.u32 s0, $0x4;
	s1 =	simm.s32 @!p0 $0x0  }
0x30: {  	s0 =	ssub.s32 s0, s1  }
0x31: {  	s0 =	sshll.u32 s0, $0x4  }
0x32: {  	p0 =	slt.s32 s0, $0x17D6B90  }
0x33: {  	s0 =	simm.s32 @!p0 $0x17D6B90  }
0x34: {  	s4 =	rddreg [dreg:$0x0];
	s0 =	sshrl.u32 s0, $0x3  }
0x35: {  	s22 =	simm.s32 $0x380;
	s0 =	sadd.s32 s4, s0  }
0x36: {  	[tilespmem:s22], [sflag:$0x1] =	stream.linear.gather [hbm4b:s0+s5], $0xCB0, $0x38;
	[tilespmem:$0x1CA80] =	vst v63  }
0x37: {  	v1 =	vld [tilespmem:$0x1];
	_ =	sdelay $0x4  }
0x38: {  	(v2sf) =	vpush v1, $0x0;
	_ =	sdelay $0xe  }
0x39: {  	s23 =	spop (v2sf)  }
0x3a: {  	s24 =	sadd.s32 s3, s23;
	s0 =	sand.u32 $0xF, s23  }
0x3b: {  	s25 =	sshra.s32 s24, $0x1F;
	p5 =	slt.s32 s24, $0x1;
	p6 =	sne.s32 s0, $0x0  }
0x3c: {  	s26 =	sshrl.u32 s25, $0x1C;
	p0 =	por !p5, !p6  }
0x3d: {  	s1 =	simm.s32 $0x1;
	s0 =	sadd.s32 s26, s24;
	p0 =	por !p0, !p0  }
0x3e: {  	s0 =	sshrl.u32 s0, $0x4;
	s1 =	simm.s32 @!p0 $0x0  }
0x3f: {  	s0 =	ssub.s32 s0, s1  }
0x40: {  	s0 =	sshll.u32 s0, $0x4  }
0x41: {  	p0 =	slt.s32 s0, $0x17D6B90  }
0x42: {  	s0 =	simm.s32 @!p0 $0x17D6B90  }
0x43: {  	s0 =	sshrl.u32 s0, $0x3  }
0x44: {  	s28 =	simm.s32 $0x1080;
	s0 =	sadd.s32 s4, s0  }
0x45: {  	[tilespmem:s28], [sflag:$0x1] =	stream.linear.gather [hbm4b:s0+s5], $0xCB0, $0x38;
	[tilespmem:$0x1CA80] =	vst v63  }
0x46: {  	v1 =	vld [tilespmem:$0x2];
	_ =	sdelay $0x4  }
0x47: {  	(v2sf) =	vpush v1, $0x0;
	_ =	sdelay $0xe  }
0x48: {  	s29 =	spop (v2sf)  }
0x49: {  	s30 =	sadd.s32 s3, s29;
	s0 =	sand.u32 $0xF, s29  }
0x4a: {  	s31 =	sshra.s32 s30, $0x1F;
	p1 =	slt.s32 s30, $0x1;
	p2 =	sne.s32 s0, $0x0  }
0x4b: {  	s2 =	sshrl.u32 s31, $0x1C;
	p0 =	por !p1, !p2  }
0x4c: {  	s1 =	simm.s32 $0x1;
	s0 =	sadd.s32 s2, s30;
	p0 =	por !p0, !p0  }
0x4d: {  	s0 =	sshrl.u32 s0, $0x4;
	s1 =	simm.s32 @!p0 $0x0  }
0x4e: {  	s0 =	ssub.s32 s0, s1  }
0x4f: {  	s0 =	sshll.u32 s0, $0x4  }
0x50: {  	p0 =	slt.s32 s0, $0x17D6B90  }
0x51: {  	s0 =	simm.s32 @!p0 $0x17D6B90  }
0x52: {  	s0 =	sshrl.u32 s0, $0x3  }
0x53: {  	s6 =	simm.s32 $0x1D80;
	s0 =	sadd.s32 s4, s0  }
0x54: {  	[tilespmem:s6], [sflag:$0x1] =	stream.linear.gather [hbm4b:s0+s5], $0xCB0, $0x38;
	[tilespmem:$0x1CA80] =	vst v63  }
0x55: {  	v1 =	vld [tilespmem:$0x3];
	_ =	sdelay $0x4  }
0x56: {  	(v2sf) =	vpush v1, $0x0;
	_ =	sdelay $0xe  }
0x57: {  	s7 =	spop (v2sf)  }
0x58: {  	s8 =	sadd.s32 s3, s7;
	s0 =	sand.u32 $0xF, s7  }
0x59: {  	s9 =	sshra.s32 s8, $0x1F;
	p3 =	slt.s32 s8, $0x1;
	p4 =	sne.s32 s0, $0x0  }
0x5a: {  	s10 =	sshrl.u32 s9, $0x1C;
	p0 =	por !p3, !p4  }
0x5b: {  	s1 =	simm.s32 $0x1;
	s0 =	sadd.s32 s10, s8;
	p0 =	por !p0, !p0  }
0x5c: {  	s0 =	sshrl.u32 s0, $0x4;
	s1 =	simm.s32 @!p0 $0x0  }
0x5d: {  	s0 =	ssub.s32 s0, s1  }
0x5e: {  	s0 =	sshll.u32 s0, $0x4  }
0x5f: {  	p0 =	slt.s32 s0, $0x17D6B90  }
0x60: {  	s0 =	simm.s32 @!p0 $0x17D6B90  }
0x61: {  	s0 =	sshrl.u32 s0, $0x3  }
0x62: {  	s11 =	simm.s32 $0x2A80;
	s0 =	sadd.s32 s4, s0  }
0x63: {  	[tilespmem:s11], [sflag:$0x1] =	stream.linear.gather [hbm4b:s0+s5], $0xCB0, $0x38;
	[tilespmem:$0x1CA80] =	vst v63  }
0x64: {  	v1 =	vld [tilespmem:$0x4];
	_ =	sdelay $0x4  }
0x65: {  	(v2sf) =	vpush v1, $0x0;
	_ =	sdelay $0xe  }
0x66: {  	s12 =	spop (v2sf)  }
0x67: {  	s13 =	sadd.s32 s3, s12;
	s0 =	sand.u32 $0xF, s12  }
0x68: {  	s14 =	sshra.s32 s13, $0x1F;
	p5 =	slt.s32 s13, $0x1;
	p6 =	sne.s32 s0, $0x0  }
0x69: {  	s15 =	sshrl.u32 s14, $0x1C;
	p0 =	por !p5, !p6  }
0x6a: {  	s1 =	simm.s32 $0x1;
	s0 =	sadd.s32 s15, s13;
	p0 =	por !p0, !p0  }
0x6b: {  	s0 =	sshrl.u32 s0, $0x4;
	s1 =	simm.s32 @!p0 $0x0  }
0x6c: {  	s0 =	ssub.s32 s0, s1  }
0x6d: {  	s0 =	sshll.u32 s0, $0x4  }
0x6e: {  	p0 =	slt.s32 s0, $0x17D6B90  }
0x6f: {  	s0 =	simm.s32 @!p0 $0x17D6B90  }
0x70: {  	s0 =	sshrl.u32 s0, $0x3  }
0x71: {  	s16 =	simm.s32 $0x3780;
	s0 =	sadd.s32 s4, s0  }
0x72: {  	[tilespmem:s16], [sflag:$0x1] =	stream.linear.gather [hbm4b:s0+s5], $0xCB0, $0x38;
	[tilespmem:$0x1CA80] =	vst v63  }
0x73: {  	v1 =	vld [tilespmem:$0x5];
	_ =	sdelay $0x4  }
0x74: {  	(v2sf) =	vpush v1, $0x0;
	_ =	sdelay $0xe  }
0x75: {  	s17 =	spop (v2sf)  }
0x76: {  	s18 =	sadd.s32 s3, s17;
	s0 =	sand.u32 $0xF, s17  }
0x77: {  	s19 =	sshra.s32 s18, $0x1F;
	p1 =	slt.s32 s18, $0x1;
	p2 =	sne.s32 s0, $0x0  }
0x78: {  	s20 =	sshrl.u32 s19, $0x1C;
	p0 =	por !p1, !p2  }
0x79: {  	s1 =	simm.s32 $0x1;
	s0 =	sadd.s32 s20, s18;
	p0 =	por !p0, !p0  }
0x7a: {  	s0 =	sshrl.u32 s0, $0x4;
	s1 =	simm.s32 @!p0 $0x0  }
0x7b: {  	s0 =	ssub.s32 s0, s1  }
0x7c: {  	s0 =	sshll.u32 s0, $0x4  }
0x7d: {  	p0 =	slt.s32 s0, $0x17D6B90  }
0x7e: {  	s0 =	simm.s32 @!p0 $0x17D6B90  }
0x7f: {  	s0 =	sshrl.u32 s0, $0x3  }
0x80: {  	s21 =	simm.s32 $0x4480;
	s0 =	sadd.s32 s4, s0  }
0x81: {  	[tilespmem:s21], [sflag:$0x1] =	stream.linear.gather [hbm4b:s0+s5], $0xCB0, $0x38;
	[tilespmem:$0x1CA80] =	vst v63  }
0x82: {  	v1 =	vld [tilespmem:$0x6];
	_ =	sdelay $0x4  }
0x83: {  	(v2sf) =	vpush v1, $0x0;
	_ =	sdelay $0xe  }
0x84: {  	s22 =	spop (v2sf)  }
0x85: {  	s23 =	sadd.s32 s3, s22;
	s0 =	sand.u32 $0xF, s22  }
0x86: {  	s24 =	sshra.s32 s23, $0x1F;
	p3 =	slt.s32 s23, $0x1;
	p4 =	sne.s32 s0, $0x0  }
0x87: {  	s25 =	sshrl.u32 s24, $0x1C;
	p0 =	por !p3, !p4  }
0x88: {  	s1 =	simm.s32 $0x1;
	s0 =	sadd.s32 s25, s23;
	p0 =	por !p0, !p0  }
0x89: {  	s0 =	sshrl.u32 s0, $0x4;
	s1 =	simm.s32 @!p0 $0x0  }
0x8a: {  	s0 =	ssub.s32 s0, s1  }
0x8b: {  	s0 =	sshll.u32 s0, $0x4  }
0x8c: {  	p0 =	slt.s32 s0, $0x17D6B90  }
0x8d: {  	s0 =	simm.s32 @!p0 $0x17D6B90  }
0x8e: {  	s0 =	sshrl.u32 s0, $0x3  }
0x8f: {  	s26 =	simm.s32 $0x5180;
	s0 =	sadd.s32 s4, s0  }
0x90: {  	[tilespmem:s26], [sflag:$0x1] =	stream.linear.gather [hbm4b:s0+s5], $0xCB0, $0x38;
	[tilespmem:$0x1CA80] =	vst v63  }
0x91: {  	v1 =	vld [tilespmem:$0x7];
	_ =	sdelay $0x4  }
0x92: {  	(v2sf) =	vpush v1, $0x0;
	_ =	sdelay $0xe  }
0x93: {  	s28 =	spop (v2sf)  }
0x94: {  	s29 =	sadd.s32 s3, s28;
	s0 =	sand.u32 $0xF, s28  }
0x95: {  	s30 =	sshra.s32 s29, $0x1F;
	p5 =	slt.s32 s29, $0x1;
	p6 =	sne.s32 s0, $0x0  }
0x96: {  	s31 =	sshrl.u32 s30, $0x1C;
	p0 =	por !p5, !p6  }
0x97: {  	s1 =	simm.s32 $0x1;
	s0 =	sadd.s32 s31, s29;
	p0 =	por !p0, !p0  }
0x98: {  	s0 =	sshrl.u32 s0, $0x4;
	s1 =	simm.s32 @!p0 $0x0  }
0x99: {  	s0 =	ssub.s32 s0, s1  }
0x9a: {  	s0 =	sshll.u32 s0, $0x4  }
0x9b: {  	p0 =	slt.s32 s0, $0x17D6B90  }
0x9c: {  	s0 =	simm.s32 @!p0 $0x17D6B90  }
0x9d: {  	s0 =	sshrl.u32 s0, $0x3  }
0x9e: {  	s2 =	simm.s32 $0x5E80;
	s0 =	sadd.s32 s4, s0  }
0x9f: {  	[tilespmem:s2], [sflag:$0x1] =	stream.linear.gather [hbm4b:s0+s5], $0xCB0, $0x38;
	[tilespmem:$0x1CA80] =	vst v63  }
0xa0: {  	v1 =	vld [tilespmem:$0x8];
	_ =	sdelay $0x4  }
0xa1: {  	(v2sf) =	vpush v1, $0x0;
	_ =	sdelay $0xe  }
0xa2: {  	s6 =	spop (v2sf)  }
0xa3: {  	s7 =	sadd.s32 s3, s6;
	s0 =	sand.u32 $0xF, s6  }
0xa4: {  	s8 =	sshra.s32 s7, $0x1F;
	p1 =	slt.s32 s7, $0x1;
	p2 =	sne.s32 s0, $0x0  }
0xa5: {  	s9 =	sshrl.u32 s8, $0x1C;
	p0 =	por !p1, !p2  }
0xa6: {  	s1 =	simm.s32 $0x1;
	s0 =	sadd.s32 s9, s7;
	p0 =	por !p0, !p0  }
0xa7: {  	s0 =	sshrl.u32 s0, $0x4;
	s1 =	simm.s32 @!p0 $0x0  }
0xa8: {  	s0 =	ssub.s32 s0, s1  }
0xa9: {  	s0 =	sshll.u32 s0, $0x4  }
0xaa: {  	p0 =	slt.s32 s0, $0x17D6B90  }
0xab: {  	s0 =	simm.s32 @!p0 $0x17D6B90  }
0xac: {  	s0 =	sshrl.u32 s0, $0x3  }
0xad: {  	s10 =	simm.s32 $0x6B80;
	s0 =	sadd.s32 s4, s0  }
0xae: {  	[tilespmem:s10], [sflag:$0x1] =	stream.linear.gather [hbm4b:s0+s5], $0xCB0, $0x38;
	[tilespmem:$0x1CA80] =	vst v63  }
0xaf: {  	v1 =	vld [tilespmem:$0x9];
	_ =	sdelay $0x4  }
0xb0: {  	(v2sf) =	vpush v1, $0x0;
	_ =	sdelay $0xe  }
0xb1: {  	s11 =	spop (v2sf)  }
0xb2: {  	s12 =	sadd.s32 s3, s11;
	s0 =	sand.u32 $0xF, s11  }
0xb3: {  	s13 =	sshra.s32 s12, $0x1F;
	p3 =	slt.s32 s12, $0x1;
	p4 =	sne.s32 s0, $0x0  }
0xb4: {  	s14 =	sshrl.u32 s13, $0x1C;
	p0 =	por !p3, !p4  }
0xb5: {  	s1 =	simm.s32 $0x1;
	s0 =	sadd.s32 s14, s12;
	p0 =	por !p0, !p0  }
0xb6: {  	s0 =	sshrl.u32 s0, $0x4;
	s1 =	simm.s32 @!p0 $0x0  }
0xb7: {  	s0 =	ssub.s32 s0, s1  }
0xb8: {  	s0 =	sshll.u32 s0, $0x4  }
0xb9: {  	p0 =	slt.s32 s0, $0x17D6B90  }
0xba: {  	s0 =	simm.s32 @!p0 $0x17D6B90  }
0xbb: {  	s0 =	sshrl.u32 s0, $0x3  }
0xbc: {  	s15 =	simm.s32 $0x7880;
	s0 =	sadd.s32 s4, s0  }
0xbd: {  	[tilespmem:s15], [sflag:$0x1] =	stream.linear.gather [hbm4b:s0+s5], $0xCB0, $0x38;
	[tilespmem:$0x1CA80] =	vst v63  }
0xbe: {  	v1 =	vld [tilespmem:$0xA];
	_ =	sdelay $0x4  }
0xbf: {  	(v2sf) =	vpush v1, $0x0;
	_ =	sdelay $0xe  }
0xc0: {  	s16 =	spop (v2sf)  }
0xc1: {  	s17 =	sadd.s32 s3, s16;
	s0 =	sand.u32 $0xF, s16  }
0xc2: {  	s18 =	sshra.s32 s17, $0x1F;
	p5 =	slt.s32 s17, $0x1;
	p6 =	sne.s32 s0, $0x0  }
0xc3: {  	s19 =	sshrl.u32 s18, $0x1C;
	p0 =	por !p5, !p6  }
0xc4: {  	s1 =	simm.s32 $0x1;
	s0 =	sadd.s32 s19, s17;
	p0 =	por !p0, !p0  }
0xc5: {  	s0 =	sshrl.u32 s0, $0x4;
	s1 =	simm.s32 @!p0 $0x0  }
0xc6: {  	s0 =	ssub.s32 s0, s1  }
0xc7: {  	s0 =	sshll.u32 s0, $0x4  }
0xc8: {  	p0 =	slt.s32 s0, $0x17D6B90  }
0xc9: {  	s0 =	simm.s32 @!p0 $0x17D6B90  }
0xca: {  	s0 =	sshrl.u32 s0, $0x3  }
0xcb: {  	s20 =	simm.s32 $0x8580;
	s0 =	sadd.s32 s4, s0  }
0xcc: {  	[tilespmem:s20], [sflag:$0x1] =	stream.linear.gather [hbm4b:s0+s5], $0xCB0, $0x38;
	[tilespmem:$0x1CA80] =	vst v63  }
0xcd: {  	v1 =	vld [tilespmem:$0xB];
	_ =	sdelay $0x4  }
0xce: {  	(v2sf) =	vpush v1, $0x0;
	_ =	sdelay $0xe  }
0xcf: {  	s21 =	spop (v2sf)  }
0xd0: {  	s22 =	sadd.s32 s3, s21;
	s0 =	sand.u32 $0xF, s21  }
0xd1: {  	s23 =	sshra.s32 s22, $0x1F;
	p1 =	slt.s32 s22, $0x1;
	p2 =	sne.s32 s0, $0x0  }
0xd2: {  	s24 =	sshrl.u32 s23, $0x1C;
	p0 =	por !p1, !p2  }
0xd3: {  	s1 =	simm.s32 $0x1;
	s0 =	sadd.s32 s24, s22;
	p0 =	por !p0, !p0  }
0xd4: {  	s0 =	sshrl.u32 s0, $0x4;
	s1 =	simm.s32 @!p0 $0x0  }
0xd5: {  	s0 =	ssub.s32 s0, s1  }
0xd6: {  	s0 =	sshll.u32 s0, $0x4  }
0xd7: {  	p0 =	slt.s32 s0, $0x17D6B90  }
0xd8: {  	s0 =	simm.s32 @!p0 $0x17D6B90  }
0xd9: {  	s0 =	sshrl.u32 s0, $0x3  }
0xda: {  	s25 =	simm.s32 $0x9280;
	s0 =	sadd.s32 s4, s0  }
0xdb: {  	[tilespmem:s25], [sflag:$0x1] =	stream.linear.gather [hbm4b:s0+s5], $0xCB0, $0x38;
	[tilespmem:$0x1CA80] =	vst v63  }
0xdc: {  	v1 =	vld [tilespmem:$0xC];
	_ =	sdelay $0x4  }
0xdd: {  	(v2sf) =	vpush v1, $0x0;
	_ =	sdelay $0xe  }
0xde: {  	s26 =	spop (v2sf)  }
0xdf: {  	s28 =	sadd.s32 s3, s26;
	s0 =	sand.u32 $0xF, s26  }
0xe0: {  	s29 =	sshra.s32 s28, $0x1F;
	p3 =	slt.s32 s28, $0x1;
	p4 =	sne.s32 s0, $0x0  }
0xe1: {  	s30 =	sshrl.u32 s29, $0x1C;
	p0 =	por !p3, !p4  }
0xe2: {  	s1 =	simm.s32 $0x1;
	s0 =	sadd.s32 s30, s28;
	p0 =	por !p0, !p0  }
0xe3: {  	s0 =	sshrl.u32 s0, $0x4;
	s1 =	simm.s32 @!p0 $0x0  }
0xe4: {  	s0 =	ssub.s32 s0, s1  }
0xe5: {  	s0 =	sshll.u32 s0, $0x4  }
0xe6: {  	p0 =	slt.s32 s0, $0x17D6B90  }
0xe7: {  	s0 =	simm.s32 @!p0 $0x17D6B90  }
0xe8: {  	s0 =	sshrl.u32 s0, $0x3  }
0xe9: {  	s31 =	simm.s32 $0x9F80;
	s0 =	sadd.s32 s4, s0  }
0xea: {  	[tilespmem:s31], [sflag:$0x1] =	stream.linear.gather [hbm4b:s0+s5], $0xCB0, $0x38;
	[tilespmem:$0x1CA80] =	vst v63  }
0xeb: {  	v1 =	vld [tilespmem:$0xD];
	_ =	sdelay $0x4  }
0xec: {  	(v2sf) =	vpush v1, $0x0;
	_ =	sdelay $0xe  }
0xed: {  	s2 =	spop (v2sf)  }
0xee: {  	s6 =	sadd.s32 s3, s2;
	s0 =	sand.u32 $0xF, s2  }
0xef: {  	s7 =	sshra.s32 s6, $0x1F;
	p5 =	slt.s32 s6, $0x1;
	p6 =	sne.s32 s0, $0x0  }
0xf0: {  	s8 =	sshrl.u32 s7, $0x1C;
	p0 =	por !p5, !p6  }
0xf1: {  	s1 =	simm.s32 $0x1;
	s0 =	sadd.s32 s8, s6;
	p0 =	por !p0, !p0  }
0xf2: {  	s0 =	sshrl.u32 s0, $0x4;
	s1 =	simm.s32 @!p0 $0x0  }
0xf3: {  	s0 =	ssub.s32 s0, s1  }
0xf4: {  	s0 =	sshll.u32 s0, $0x4  }
0xf5: {  	p0 =	slt.s32 s0, $0x17D6B90  }
0xf6: {  	s0 =	simm.s32 @!p0 $0x17D6B90  }
0xf7: {  	s0 =	sshrl.u32 s0, $0x3  }
0xf8: {  	s9 =	simm.s32 $0xAC80;
	s0 =	sadd.s32 s4, s0  }
0xf9: {  	[tilespmem:s9], [sflag:$0x1] =	stream.linear.gather [hbm4b:s0+s5], $0xCB0, $0x38;
	[tilespmem:$0x1CA80] =	vst v63  }
0xfa: {  	v1 =	vld [tilespmem:$0xE];
	_ =	sdelay $0x4  }
0xfb: {  	(v2sf) =	vpush v1, $0x0;
	_ =	sdelay $0xe  }
0xfc: {  	s10 =	spop (v2sf)  }
0xfd: {  	s11 =	sadd.s32 s3, s10;
	s0 =	sand.u32 $0xF, s10  }
0xfe: {  	s12 =	sshra.s32 s11, $0x1F;
	p1 =	slt.s32 s11, $0x1;
	p2 =	sne.s32 s0, $0x0  }
0xff: {  	s13 =	sshrl.u32 s12, $0x1C;
	p0 =	por !p1, !p2  }
0x100: {  	s1 =	simm.s32 $0x1;
	s0 =	sadd.s32 s13, s11;
	p0 =	por !p0, !p0  }
0x101: {  	s0 =	sshrl.u32 s0, $0x4;
	s1 =	simm.s32 @!p0 $0x0  }
0x102: {  	s0 =	ssub.s32 s0, s1  }
0x103: {  	s0 =	sshll.u32 s0, $0x4  }
0x104: {  	p0 =	slt.s32 s0, $0x17D6B90  }
0x105: {  	s0 =	simm.s32 @!p0 $0x17D6B90  }
0x106: {  	s0 =	sshrl.u32 s0, $0x3  }
0x107: {  	s14 =	simm.s32 $0xB980;
	s0 =	sadd.s32 s4, s0  }
0x108: {  	[tilespmem:s14], [sflag:$0x1] =	stream.linear.gather [hbm4b:s0+s5], $0xCB0, $0x38;
	[tilespmem:$0x1CA80] =	vst v63  }
0x109: {  	v1 =	vld [tilespmem:$0xF];
	_ =	sdelay $0x4  }
0x10a: {  	(v2sf) =	vpush v1, $0x0;
	_ =	sdelay $0xe  }
0x10b: {  	s15 =	spop (v2sf)  }
0x10c: {  	s16 =	sadd.s32 s3, s15;
	s0 =	sand.u32 $0xF, s15  }
0x10d: {  	s17 =	sshra.s32 s16, $0x1F;
	p3 =	slt.s32 s16, $0x1;
	p4 =	sne.s32 s0, $0x0  }
0x10e: {  	s18 =	sshrl.u32 s17, $0x1C;
	p0 =	por !p3, !p4  }
0x10f: {  	s1 =	simm.s32 $0x1;
	s0 =	sadd.s32 s18, s16;
	p0 =	por !p0, !p0  }
0x110: {  	s0 =	sshrl.u32 s0, $0x4;
	s1 =	simm.s32 @!p0 $0x0  }
0x111: {  	s0 =	ssub.s32 s0, s1  }
0x112: {  	s0 =	sshll.u32 s0, $0x4  }
0x113: {  	p0 =	slt.s32 s0, $0x17D6B90  }
0x114: {  	s0 =	simm.s32 @!p0 $0x17D6B90  }
0x115: {  	s0 =	sshrl.u32 s0, $0x3  }
0x116: {  	s19 =	simm.s32 $0xC680;
	s0 =	sadd.s32 s4, s0  }
0x117: {  	[tilespmem:s19], [sflag:$0x1] =	stream.linear.gather [hbm4b:s0+s5], $0xCB0, $0x38;
	[tilespmem:$0x1CA80] =	vst v63  }
0x118: {  	v1 =	vld [tilespmem:$0x0];
	_ =	sdelay $0x4  }
0x119: {  	(v2sf) =	vpush v1, $0x0;
	_ =	sdelay $0xe  }
0x11a: {  	s20 =	spop (v2sf)  }
0x11b: {  	s21 =	sadd.s32 s3, s20;
	s22 =	sand.u32 $0xF, s20  }
0x11c: {  	s3 =	sshra.s32 s21, $0x1F;
	p5 =	slt.s32 s21, $0x1;
	p6 =	sne.s32 s22, $0x0  }
0x11d: {  	s23 =	sshrl.u32 s3, $0x1C;
	p0 =	por !p5, !p6  }
0x11e: {  	s2 =	simm.s32 $0x1;
	s1 =	sadd.s32 s23, s21;
	p0 =	por !p0, !p0  }
0x11f: {  	s1 =	sshrl.u32 s1, $0x4;
	s2 =	simm.s32 @!p0 $0x0  }
0x120: {  	s1 =	ssub.s32 s1, s2  }
0x121: {  	s1 =	sshll.u32 s1, $0x4  }
0x122: {  	p0 =	slt.s32 s1, $0x17D6B90  }
0x123: {  	s1 =	simm.s32 @!p0 $0x17D6B90  }
0x124: {  	s25 =	simm.s32 $0x1A380;
	s26 =	rddreg [dreg:$0x10];
	s24 =	sshrl.u32 s1, $0x3  }
0x125: {  	s28 =	simm.s32 $0x3;
	s0 =	sadd.s32 s20, s26;
	s2 =	sadd.s32 s4, s24  }
0x126: {  	[tilespmem:s25], [sflag:$0x3] =	stream.linear.gather [hbm4b:s2+s5], $0xCB0, $0x38;
	[tilespmem:$0x1CA80] =	vst v63  }
0x127: {  	s0 =	ssub.s32 s0, s1;
	v1 =	vld.msk [tilespmem:$0x300 ss:$0x0], $0xffff;
	_ =	swait.ge [sflag:s28], $0xCB0  }
0x128: {  	s0 =	sshll.u32 s0, $0x2;
	[sflag:s28] =	ssyncset.done $0x0  }
0x129: {  	s29 =	simm.s32 $0x1B0A0;
	s0 =	sshra.s32 s0, $0x2;
	[sflag:s28] =	ssyncadd.s32 $0xFFFFF350  }
0x12a: {  	s30 =	sadd.s32 $0x1A3A0, s0;
	[tilespmem:s29+$0x10] =	vst v0  }
0x12b: {  	[tilespmem:s29+$0xFFFFFFF0] =	vst v0;
	v2 =	vld [tilespmem:s30+$0x10]  }
0x12c: {  	s1 =	simm.s32 $0x1BDA0;
	v3 =	vld [tilespmem:s30+$0xFFFFFFF0]  }
0x12d: {  	[tilespmem:s29+$0x0] =	vst v0;
	v4 =	vld [tilespmem:s1+$0x10]  }
0x12e: {  	[tilespmem:s29+$0xFFFFFFE0] =	vst v0;
	v6 =	vld [tilespmem:s30+$0x0]  }
0x12f: {  	v5 =	vld [tilespmem:s30+$0xFFFFFFE0]  }
0x130: {  	v7 =	vld [tilespmem:s1+$0xFFFFFFE0]  }
0x131: {  	s31 =	simm.s32 $0x1B0E0;
	v8 =	vld [tilespmem:s1+$0xFFFFFFF0]  }
0x132: {  	s2 =	sadd.s32 $0x40, s30;
	[tilespmem:s31+$0x10] =	vst v0;
	v9 =	vld [tilespmem:s1+$0x0]  }
0x133: {  	[tilespmem:s31+$0xFFFFFFF0] =	vst v0;
	v10 =	vld [tilespmem:s2+$0x10];
	v2 =	vmul.f32 v2, v1  }
0x134: {  	s3 =	simm.s32 $0x1BDE0;
	v11 =	vld [tilespmem:s2+$0xFFFFFFF0];
	v12 =	vmul.f32 v5, v1  }
0x135: {  	[tilespmem:s31+$0x0] =	vst v0;
	v13 =	vmul.f32 v3, v1;
	v5 =	vld [tilespmem:s3+$0x10];
	v2 =	vadd.f32 v2, v4  }
0x136: {  	[tilespmem:s31+$0xFFFFFFE0] =	vst v0;
	v3 =	vld [tilespmem:s2+$0x0];
	v63 =	vmul.f32 v6, v1;
	v7 =	vadd.f32 v12, v7  }
0x137: {  	v6 =	vld [tilespmem:s2+$0xFFFFFFE0];
	v13 =	vadd.f32 v13, v8;
	[tilespmem:s1+$0x10] =	vst v2  }
0x138: {  	v4 =	vld [tilespmem:s3+$0xFFFFFFE0];
	[tilespmem:s1+$0xFFFFFFE0] =	vst v7;
	v2 =	vadd.f32 v63, v9;
	v9 =	vmul.f32 v10, v1  }
0x139: {  	s6 =	simm.s32 $0x1B120;
	s4 =	simm.s32 $0x1BDE0;
	s5 =	simm.s32 $0x4;
	v8 =	vmul.f32 v11, v1;
	v7 =	vld [tilespmem:s3+$0xFFFFFFF0];
	[tilespmem:s1+$0xFFFFFFF0] =	vst v13  }
.LBB2_2:
0x13a: {  	[tilespmem:s6+$0x10] =	vst v0;
	s5 =	sadd.s32 $0x4, s5;
	v10 =	vld [tilespmem:s3+$0x0];
	v5 =	vadd.f32 v9, v5;
	s2 =	sadd.s32 $0x40, s2  }
0x13b: {  	[tilespmem:s6+$0xFFFFFFF0] =	vst v0;
	v9 =	vld [tilespmem:s2+$0x10];
	p0 =	slt.u32 s5, $0xC4;
	v11 =	vmul.f32 v3, v1  }
0x13c: {  	s3 =	sadd.s32 $0x40, s3;
	v12 =	vld [tilespmem:s2+$0xFFFFFFF0];
	v6 =	vmul.f32 v6, v1;
	[tilespmem:s4+$0x10] =	vst v5  }
.Ltmp2:
0x13d: {  	[tilespmem:s6+$0x0] =	vst v0;
	v5 =	vld [tilespmem:s3+$0x10];
	(pc) =	sbr.rel @p0 .LBB2_2-.Ltmp2, $4  }
0x13e: {  	[tilespmem:s6+$0xFFFFFFE0] =	vst v0;
	v3 =	vld [tilespmem:s2+$0x0];
	v13 =	vadd.f32 v6, v4;
	v14 =	vadd.f32 v8, v7  }
0x13f: {  	v6 =	vld [tilespmem:s2+$0xFFFFFFE0];
	[tilespmem:s1+$0x0] =	vst v2;
	v2 =	vadd.f32 v11, v10;
	s1 =	smov.u32 s4;
	s4 =	smov.u32 s3  }
0x140: {  	v4 =	vld [tilespmem:s3+$0xFFFFFFE0];
	v9 =	vmul.f32 v9, v1;
	[tilespmem:s1+$0xFFFFFFE0] =	vst v13  }
0x141: {  	s6 =	sadd.s32 $0x40, s6;
	v7 =	vld [tilespmem:s3+$0xFFFFFFF0];
	v8 =	vmul.f32 v12, v1;
	[tilespmem:s1+$0xFFFFFFF0] =	vst v14  }
0x142: {  	v10 =	vld [tilespmem:s3+$0x0];
	_ =	sdelay $0x2  }
0x143: {  	v3 =	vmul.f32 v3, v1  }
0x144: {  	v5 =	vadd.f32 v9, v5;
	v6 =	vmul.f32 v6, v1  }
0x145: {  	[tilespmem:s1+$0x0] =	vst v2;
	v2 =	vadd.f32 v3, v10  }
0x146: {  	s0 =	sadd.s32 $0x1B000, s0;
	[tilespmem:s4+$0x10] =	vst v5;
	v4 =	vadd.f32 v6, v4  }
0x147: {  	v63 =	vadd.f32 v8, v7;
	[tilespmem:s4+$0x0] =	vst v2;
	v2 =	vmov s0  }
0x148: {  	[tilespmem:s4+$0xFFFFFFE0] =	vst v4  }
0x149: {  	s2 =	simm.s32 $0x0;
	[tilespmem:s4+$0xFFFFFFF0] =	vst v63;
	s0 =	simm.s32 $0x0  }
.LBB2_4:
0x14a: {  	s1 =	sshra.s32 s0, $0x2  }
0x14b: {  	[tilespmem:s1+$0x1BD00] =	vst v0  }
0x14c: {  	v3 =	vld.idx.msk [tilespmem:v2+s1+$0x0 ss:$0x1], $0xffff;
	_ =	sdelay $0x1  }
0x14d: {  	v4 =	vld [tilespmem:s1+$0x1CA00];
	_ =	sdelay $0x1  }
0x14e: {  	p0 =	sne.s32 s0, $0x40  }
.Ltmp3:
0x14f: {  	v3 =	vmul.f32 v3, v1;
	(pc) =	sbr.rel @p0 .LBB2_4-.Ltmp3, $3  }
0x150: {  	_ = 	snop  }
0x151: {  	v3 =	vadd.f32 v3, v4;
	_ =	sdelay $0x1  }
0x152: {  	s0 =	sadd.s32 $0x40, s0;
	[tilespmem:s1+$0x1CA00] =	vst v3  }
.LBB2_5:
0x153: {  	s10 =	sshll.u32 s2, $0x5  }
0x154: {  	v1 =	vld [tilespmem:s10+$0x10];
	_ =	sdelay $0x4  }
0x155: {  	(v2sf) =	vpush v1, $0x0;
	_ =	sdelay $0xe  }
0x156: {  	s30 =	rddreg [dreg:$0x9];
	s0 =	spop (v2sf)  }
0x157: {  	s1 =	sadd.s32 s30, s0;
	s0 =	sand.u32 $0xF, s0  }
0x158: {  	s22 =	sshra.s32 s1, $0x1F;
	p0 =	slt.s32 s1, $0x1;
	p1 =	sne.s32 s0, $0x0  }
0x159: {  	s23 =	sshrl.u32 s22, $0x1C;
	p0 =	por !p0, !p1  }
0x15a: {  	s0 =	sadd.s32 s23, s1;
	p0 =	por !p0, !p0;
	s1 =	simm.s32 $0x1  }
0x15b: {  	s0 =	sshrl.u32 s0, $0x4;
	s1 =	simm.s32 @!p0 $0x0  }
0x15c: {  	s0 =	ssub.s32 s0, s1  }
0x15d: {  	s0 =	sshll.u32 s0, $0x4  }
0x15e: {  	p0 =	slt.s32 s0, $0x17D6B90  }
0x15f: {  	s0 =	simm.s32 @!p0 $0x17D6B90  }
0x160: {  	s4 =	rddreg [dreg:$0x0];
	s0 =	sshrl.u32 s0, $0x3  }
0x161: {  	s24 =	simm.s32 $0xD380;
	s1 =	simm.s32 $0x0;
	s0 =	sadd.s32 s4, s0  }
0x162: {  	[tilespmem:s24], [sflag:$0x2] =	stream.linear.gather [hbm4b:s0+s1], $0xCB0, $0x38;
	[tilespmem:$0x1CA80] =	vst v63  }
0x163: {  	v1 =	vld [tilespmem:s10+$0x11];
	_ =	sdelay $0x4  }
0x164: {  	(v2sf) =	vpush v1, $0x0;
	_ =	sdelay $0xe  }
0x165: {  	s25 =	spop (v2sf)  }
0x166: {  	s26 =	sadd.s32 s30, s25;
	s0 =	sand.u32 $0xF, s25  }
0x167: {  	s3 =	sshra.s32 s26, $0x1F;
	p5 =	slt.s32 s26, $0x1;
	p6 =	sne.s32 s0, $0x0  }
0x168: {  	[dreg:$0x12] =	wrdreg s2;
	s3 =	sshrl.u32 s3, $0x1C;
	p0 =	por !p5, !p6  }
0x169: {  	s2 =	simm.s32 $0x1;
	s0 =	sadd.s32 s3, s26;
	p0 =	por !p0, !p0  }
0x16a: {  	s0 =	sshrl.u32 s0, $0x4;
	s2 =	simm.s32 @!p0 $0x0  }
0x16b: {  	s0 =	ssub.s32 s0, s2  }
0x16c: {  	s0 =	sshll.u32 s0, $0x4  }
0x16d: {  	p0 =	slt.s32 s0, $0x17D6B90  }
0x16e: {  	s0 =	simm.s32 @!p0 $0x17D6B90  }
0x16f: {  	s0 =	sshrl.u32 s0, $0x3  }
0x170: {  	s5 =	simm.s32 $0xE080;
	s0 =	sadd.s32 s4, s0  }
0x171: {  	[tilespmem:s5], [sflag:$0x2] =	stream.linear.gather [hbm4b:s0+s1], $0xCB0, $0x38;
	[tilespmem:$0x1CA80] =	vst v63  }
0x172: {  	v1 =	vld [tilespmem:s10+$0x12];
	_ =	sdelay $0x4  }
0x173: {  	(v2sf) =	vpush v1, $0x0;
	_ =	sdelay $0xe  }
0x174: {  	s6 =	spop (v2sf)  }
0x175: {  	s7 =	sadd.s32 s30, s6;
	s0 =	sand.u32 $0xF, s6  }
0x176: {  	s8 =	sshra.s32 s7, $0x1F;
	p1 =	slt.s32 s7, $0x1;
	p2 =	sne.s32 s0, $0x0  }
0x177: {  	s9 =	sshrl.u32 s8, $0x1C;
	p0 =	por !p1, !p2  }
0x178: {  	s2 =	simm.s32 $0x1;
	s0 =	sadd.s32 s9, s7;
	p0 =	por !p0, !p0  }
0x179: {  	s0 =	sshrl.u32 s0, $0x4;
	s2 =	simm.s32 @!p0 $0x0  }
0x17a: {  	s0 =	ssub.s32 s0, s2  }
0x17b: {  	s0 =	sshll.u32 s0, $0x4  }
0x17c: {  	p0 =	slt.s32 s0, $0x17D6B90  }
0x17d: {  	s0 =	simm.s32 @!p0 $0x17D6B90  }
0x17e: {  	s0 =	sshrl.u32 s0, $0x3  }
0x17f: {  	s11 =	simm.s32 $0xED80;
	s0 =	sadd.s32 s4, s0  }
0x180: {  	[tilespmem:s11], [sflag:$0x2] =	stream.linear.gather [hbm4b:s0+s1], $0xCB0, $0x38;
	[tilespmem:$0x1CA80] =	vst v63  }
0x181: {  	v1 =	vld [tilespmem:s10+$0x13];
	_ =	sdelay $0x4  }
0x182: {  	(v2sf) =	vpush v1, $0x0;
	_ =	sdelay $0xe  }
0x183: {  	s12 =	spop (v2sf)  }
0x184: {  	s13 =	sadd.s32 s30, s12;
	s0 =	sand.u32 $0xF, s12  }
0x185: {  	s14 =	sshra.s32 s13, $0x1F;
	p3 =	slt.s32 s13, $0x1;
	p4 =	sne.s32 s0, $0x0  }
0x186: {  	s15 =	sshrl.u32 s14, $0x1C;
	p0 =	por !p3, !p4  }
0x187: {  	s2 =	simm.s32 $0x1;
	s0 =	sadd.s32 s15, s13;
	p0 =	por !p0, !p0  }
0x188: {  	s0 =	sshrl.u32 s0, $0x4;
	s2 =	simm.s32 @!p0 $0x0  }
0x189: {  	s0 =	ssub.s32 s0, s2  }
0x18a: {  	s0 =	sshll.u32 s0, $0x4  }
0x18b: {  	p0 =	slt.s32 s0, $0x17D6B90  }
0x18c: {  	s0 =	simm.s32 @!p0 $0x17D6B90  }
0x18d: {  	s0 =	sshrl.u32 s0, $0x3  }
0x18e: {  	s16 =	simm.s32 $0xFA80;
	s0 =	sadd.s32 s4, s0  }
0x18f: {  	[tilespmem:s16], [sflag:$0x2] =	stream.linear.gather [hbm4b:s0+s1], $0xCB0, $0x38;
	[tilespmem:$0x1CA80] =	vst v63  }
0x190: {  	v1 =	vld [tilespmem:s10+$0x14];
	_ =	sdelay $0x4  }
0x191: {  	(v2sf) =	vpush v1, $0x0;
	_ =	sdelay $0xe  }
0x192: {  	s17 =	spop (v2sf)  }
0x193: {  	s18 =	sadd.s32 s30, s17;
	s0 =	sand.u32 $0xF, s17  }
0x194: {  	s19 =	sshra.s32 s18, $0x1F;
	p5 =	slt.s32 s18, $0x1;
	p6 =	sne.s32 s0, $0x0  }
0x195: {  	s20 =	sshrl.u32 s19, $0x1C;
	p0 =	por !p5, !p6  }
0x196: {  	s2 =	simm.s32 $0x1;
	s0 =	sadd.s32 s20, s18;
	p0 =	por !p0, !p0  }
0x197: {  	s0 =	sshrl.u32 s0, $0x4;
	s2 =	simm.s32 @!p0 $0x0  }
0x198: {  	s0 =	ssub.s32 s0, s2  }
0x199: {  	s0 =	sshll.u32 s0, $0x4  }
0x19a: {  	p0 =	slt.s32 s0, $0x17D6B90  }
0x19b: {  	s0 =	simm.s32 @!p0 $0x17D6B90  }
0x19c: {  	s0 =	sshrl.u32 s0, $0x3  }
0x19d: {  	s21 =	simm.s32 $0x10780;
	s0 =	sadd.s32 s4, s0  }
0x19e: {  	[tilespmem:s21], [sflag:$0x2] =	stream.linear.gather [hbm4b:s0+s1], $0xCB0, $0x38;
	[tilespmem:$0x1CA80] =	vst v63  }
0x19f: {  	v1 =	vld [tilespmem:s10+$0x15];
	_ =	sdelay $0x4  }
0x1a0: {  	(v2sf) =	vpush v1, $0x0;
	_ =	sdelay $0xe  }
0x1a1: {  	s22 =	spop (v2sf)  }
0x1a2: {  	s23 =	sadd.s32 s30, s22;
	s0 =	sand.u32 $0xF, s22  }
0x1a3: {  	s24 =	sshra.s32 s23, $0x1F;
	p1 =	slt.s32 s23, $0x1;
	p2 =	sne.s32 s0, $0x0  }
0x1a4: {  	s25 =	sshrl.u32 s24, $0x1C;
	p0 =	por !p1, !p2  }
0x1a5: {  	s2 =	simm.s32 $0x1;
	s0 =	sadd.s32 s25, s23;
	p0 =	por !p0, !p0  }
0x1a6: {  	s0 =	sshrl.u32 s0, $0x4;
	s2 =	simm.s32 @!p0 $0x0  }
0x1a7: {  	s0 =	ssub.s32 s0, s2  }
0x1a8: {  	s0 =	sshll.u32 s0, $0x4  }
0x1a9: {  	p0 =	slt.s32 s0, $0x17D6B90  }
0x1aa: {  	s0 =	simm.s32 @!p0 $0x17D6B90  }
0x1ab: {  	s0 =	sshrl.u32 s0, $0x3  }
0x1ac: {  	s26 =	simm.s32 $0x11480;
	s0 =	sadd.s32 s4, s0  }
0x1ad: {  	[tilespmem:s26], [sflag:$0x2] =	stream.linear.gather [hbm4b:s0+s1], $0xCB0, $0x38;
	[tilespmem:$0x1CA80] =	vst v63  }
0x1ae: {  	v1 =	vld [tilespmem:s10+$0x16];
	_ =	sdelay $0x4  }
0x1af: {  	(v2sf) =	vpush v1, $0x0;
	_ =	sdelay $0xe  }
0x1b0: {  	s3 =	spop (v2sf)  }
0x1b1: {  	s5 =	sadd.s32 s30, s3;
	s0 =	sand.u32 $0xF, s3  }
0x1b2: {  	s6 =	sshra.s32 s5, $0x1F;
	p3 =	slt.s32 s5, $0x1;
	p4 =	sne.s32 s0, $0x0  }
0x1b3: {  	s7 =	sshrl.u32 s6, $0x1C;
	p0 =	por !p3, !p4  }
0x1b4: {  	s2 =	simm.s32 $0x1;
	s0 =	sadd.s32 s7, s5;
	p0 =	por !p0, !p0  }
0x1b5: {  	s0 =	sshrl.u32 s0, $0x4;
	s2 =	simm.s32 @!p0 $0x0  }
0x1b6: {  	s0 =	ssub.s32 s0, s2  }
0x1b7: {  	s0 =	sshll.u32 s0, $0x4  }
0x1b8: {  	p0 =	slt.s32 s0, $0x17D6B90  }
0x1b9: {  	s0 =	simm.s32 @!p0 $0x17D6B90  }
0x1ba: {  	s0 =	sshrl.u32 s0, $0x3  }
0x1bb: {  	s8 =	simm.s32 $0x12180;
	s0 =	sadd.s32 s4, s0  }
0x1bc: {  	[tilespmem:s8], [sflag:$0x2] =	stream.linear.gather [hbm4b:s0+s1], $0xCB0, $0x38;
	[tilespmem:$0x1CA80] =	vst v63  }
0x1bd: {  	v1 =	vld [tilespmem:s10+$0x17];
	_ =	sdelay $0x4  }
0x1be: {  	(v2sf) =	vpush v1, $0x0;
	_ =	sdelay $0xe  }
0x1bf: {  	s9 =	spop (v2sf)  }
0x1c0: {  	s11 =	sadd.s32 s30, s9;
	s0 =	sand.u32 $0xF, s9  }
0x1c1: {  	s12 =	sshra.s32 s11, $0x1F;
	p5 =	slt.s32 s11, $0x1;
	p6 =	sne.s32 s0, $0x0  }
0x1c2: {  	s13 =	sshrl.u32 s12, $0x1C;
	p0 =	por !p5, !p6  }
0x1c3: {  	s2 =	simm.s32 $0x1;
	s0 =	sadd.s32 s13, s11;
	p0 =	por !p0, !p0  }
0x1c4: {  	s0 =	sshrl.u32 s0, $0x4;
	s2 =	simm.s32 @!p0 $0x0  }
0x1c5: {  	s0 =	ssub.s32 s0, s2  }
0x1c6: {  	s0 =	sshll.u32 s0, $0x4  }
0x1c7: {  	p0 =	slt.s32 s0, $0x17D6B90  }
0x1c8: {  	s0 =	simm.s32 @!p0 $0x17D6B90  }
0x1c9: {  	s0 =	sshrl.u32 s0, $0x3  }
0x1ca: {  	s14 =	simm.s32 $0x12E80;
	s0 =	sadd.s32 s4, s0  }
0x1cb: {  	[tilespmem:s14], [sflag:$0x2] =	stream.linear.gather [hbm4b:s0+s1], $0xCB0, $0x38;
	[tilespmem:$0x1CA80] =	vst v63  }
0x1cc: {  	v1 =	vld [tilespmem:s10+$0x18];
	_ =	sdelay $0x4  }
0x1cd: {  	(v2sf) =	vpush v1, $0x0;
	_ =	sdelay $0xe  }
0x1ce: {  	s15 =	spop (v2sf)  }
0x1cf: {  	s16 =	sadd.s32 s30, s15;
	s0 =	sand.u32 $0xF, s15  }
0x1d0: {  	s17 =	sshra.s32 s16, $0x1F;
	p1 =	slt.s32 s16, $0x1;
	p2 =	sne.s32 s0, $0x0  }
0x1d1: {  	s18 =	sshrl.u32 s17, $0x1C;
	p0 =	por !p1, !p2  }
0x1d2: {  	s2 =	simm.s32 $0x1;
	s0 =	sadd.s32 s18, s16;
	p0 =	por !p0, !p0  }
0x1d3: {  	s0 =	sshrl.u32 s0, $0x4;
	s2 =	simm.s32 @!p0 $0x0  }
0x1d4: {  	s0 =	ssub.s32 s0, s2  }
0x1d5: {  	s0 =	sshll.u32 s0, $0x4  }
0x1d6: {  	p0 =	slt.s32 s0, $0x17D6B90  }
0x1d7: {  	s0 =	simm.s32 @!p0 $0x17D6B90  }
0x1d8: {  	s0 =	sshrl.u32 s0, $0x3  }
0x1d9: {  	s19 =	simm.s32 $0x13B80;
	s0 =	sadd.s32 s4, s0  }
0x1da: {  	[tilespmem:s19], [sflag:$0x2] =	stream.linear.gather [hbm4b:s0+s1], $0xCB0, $0x38;
	[tilespmem:$0x1CA80] =	vst v63  }
0x1db: {  	v1 =	vld [tilespmem:s10+$0x19];
	_ =	sdelay $0x4  }
0x1dc: {  	(v2sf) =	vpush v1, $0x0;
	_ =	sdelay $0xe  }
0x1dd: {  	s20 =	spop (v2sf)  }
0x1de: {  	s21 =	sadd.s32 s30, s20;
	s0 =	sand.u32 $0xF, s20  }
0x1df: {  	s22 =	sshra.s32 s21, $0x1F;
	p3 =	slt.s32 s21, $0x1;
	p4 =	sne.s32 s0, $0x0  }
0x1e0: {  	s23 =	sshrl.u32 s22, $0x1C;
	p0 =	por !p3, !p4  }
0x1e1: {  	s2 =	simm.s32 $0x1;
	s0 =	sadd.s32 s23, s21;
	p0 =	por !p0, !p0  }
0x1e2: {  	s0 =	sshrl.u32 s0, $0x4;
	s2 =	simm.s32 @!p0 $0x0  }
0x1e3: {  	s0 =	ssub.s32 s0, s2  }
0x1e4: {  	s0 =	sshll.u32 s0, $0x4  }
0x1e5: {  	p0 =	slt.s32 s0, $0x17D6B90  }
0x1e6: {  	s0 =	simm.s32 @!p0 $0x17D6B90  }
0x1e7: {  	s0 =	sshrl.u32 s0, $0x3  }
0x1e8: {  	s24 =	simm.s32 $0x14880;
	s0 =	sadd.s32 s4, s0  }
0x1e9: {  	[tilespmem:s24], [sflag:$0x2] =	stream.linear.gather [hbm4b:s0+s1], $0xCB0, $0x38;
	[tilespmem:$0x1CA80] =	vst v63  }
0x1ea: {  	v1 =	vld [tilespmem:s10+$0x1A];
	_ =	sdelay $0x4  }
0x1eb: {  	(v2sf) =	vpush v1, $0x0;
	_ =	sdelay $0xe  }
0x1ec: {  	s25 =	spop (v2sf)  }
0x1ed: {  	s26 =	sadd.s32 s30, s25;
	s0 =	sand.u32 $0xF, s25  }
0x1ee: {  	s5 =	sshra.s32 s26, $0x1F;
	p5 =	slt.s32 s26, $0x1;
	p6 =	sne.s32 s0, $0x0  }
0x1ef: {  	s6 =	sshrl.u32 s5, $0x1C;
	p0 =	por !p5, !p6  }
0x1f0: {  	s2 =	simm.s32 $0x1;
	s0 =	sadd.s32 s6, s26;
	p0 =	por !p0, !p0  }
0x1f1: {  	s0 =	sshrl.u32 s0, $0x4;
	s2 =	simm.s32 @!p0 $0x0  }
0x1f2: {  	s0 =	ssub.s32 s0, s2  }
0x1f3: {  	s0 =	sshll.u32 s0, $0x4  }
0x1f4: {  	p0 =	slt.s32 s0, $0x17D6B90  }
0x1f5: {  	s0 =	simm.s32 @!p0 $0x17D6B90  }
0x1f6: {  	s0 =	sshrl.u32 s0, $0x3  }
0x1f7: {  	s7 =	simm.s32 $0x15580;
	s0 =	sadd.s32 s4, s0  }
0x1f8: {  	[tilespmem:s7], [sflag:$0x2] =	stream.linear.gather [hbm4b:s0+s1], $0xCB0, $0x38;
	[tilespmem:$0x1CA80] =	vst v63  }
0x1f9: {  	v1 =	vld [tilespmem:s10+$0x1B];
	_ =	sdelay $0x4  }
0x1fa: {  	(v2sf) =	vpush v1, $0x0;
	_ =	sdelay $0xe  }
0x1fb: {  	s8 =	spop (v2sf)  }
0x1fc: {  	s9 =	sadd.s32 s30, s8;
	s0 =	sand.u32 $0xF, s8  }
0x1fd: {  	s11 =	sshra.s32 s9, $0x1F;
	p1 =	slt.s32 s9, $0x1;
	p2 =	sne.s32 s0, $0x0  }
0x1fe: {  	s12 =	sshrl.u32 s11, $0x1C;
	p0 =	por !p1, !p2  }
0x1ff: {  	s2 =	simm.s32 $0x1;
	s0 =	sadd.s32 s12, s9;
	p0 =	por !p0, !p0  }
0x200: {  	s0 =	sshrl.u32 s0, $0x4;
	s2 =	simm.s32 @!p0 $0x0  }
0x201: {  	s0 =	ssub.s32 s0, s2  }
0x202: {  	s0 =	sshll.u32 s0, $0x4  }
0x203: {  	p0 =	slt.s32 s0, $0x17D6B90  }
0x204: {  	s0 =	simm.s32 @!p0 $0x17D6B90  }
0x205: {  	s0 =	sshrl.u32 s0, $0x3  }
0x206: {  	s13 =	simm.s32 $0x16280;
	s0 =	sadd.s32 s4, s0  }
0x207: {  	[tilespmem:s13], [sflag:$0x2] =	stream.linear.gather [hbm4b:s0+s1], $0xCB0, $0x38;
	[tilespmem:$0x1CA80] =	vst v63  }
0x208: {  	v1 =	vld [tilespmem:s10+$0x1C];
	_ =	sdelay $0x4  }
0x209: {  	(v2sf) =	vpush v1, $0x0;
	_ =	sdelay $0xe  }
0x20a: {  	s14 =	spop (v2sf)  }
0x20b: {  	s15 =	sadd.s32 s30, s14;
	s0 =	sand.u32 $0xF, s14  }
0x20c: {  	s16 =	sshra.s32 s15, $0x1F;
	p3 =	slt.s32 s15, $0x1;
	p4 =	sne.s32 s0, $0x0  }
0x20d: {  	s17 =	sshrl.u32 s16, $0x1C;
	p0 =	por !p3, !p4  }
0x20e: {  	s2 =	simm.s32 $0x1;
	s0 =	sadd.s32 s17, s15;
	p0 =	por !p0, !p0  }
0x20f: {  	s0 =	sshrl.u32 s0, $0x4;
	s2 =	simm.s32 @!p0 $0x0  }
0x210: {  	s0 =	ssub.s32 s0, s2  }
0x211: {  	s0 =	sshll.u32 s0, $0x4  }
0x212: {  	p0 =	slt.s32 s0, $0x17D6B90  }
0x213: {  	s0 =	simm.s32 @!p0 $0x17D6B90  }
0x214: {  	s0 =	sshrl.u32 s0, $0x3  }
0x215: {  	s18 =	simm.s32 $0x16F80;
	s0 =	sadd.s32 s4, s0  }
0x216: {  	[tilespmem:s18], [sflag:$0x2] =	stream.linear.gather [hbm4b:s0+s1], $0xCB0, $0x38;
	[tilespmem:$0x1CA80] =	vst v63  }
0x217: {  	v1 =	vld [tilespmem:s10+$0x1D];
	_ =	sdelay $0x4  }
0x218: {  	(v2sf) =	vpush v1, $0x0;
	_ =	sdelay $0xe  }
0x219: {  	s19 =	spop (v2sf)  }
0x21a: {  	s20 =	sadd.s32 s30, s19;
	s0 =	sand.u32 $0xF, s19  }
0x21b: {  	s21 =	sshra.s32 s20, $0x1F;
	p5 =	slt.s32 s20, $0x1;
	p6 =	sne.s32 s0, $0x0  }
0x21c: {  	s22 =	sshrl.u32 s21, $0x1C;
	p0 =	por !p5, !p6  }
0x21d: {  	s2 =	simm.s32 $0x1;
	s0 =	sadd.s32 s22, s20;
	p0 =	por !p0, !p0  }
0x21e: {  	s0 =	sshrl.u32 s0, $0x4;
	s2 =	simm.s32 @!p0 $0x0  }
0x21f: {  	s0 =	ssub.s32 s0, s2  }
0x220: {  	s0 =	sshll.u32 s0, $0x4  }
0x221: {  	p0 =	slt.s32 s0, $0x17D6B90  }
0x222: {  	s0 =	simm.s32 @!p0 $0x17D6B90  }
0x223: {  	s0 =	sshrl.u32 s0, $0x3  }
0x224: {  	s23 =	simm.s32 $0x17C80;
	s0 =	sadd.s32 s4, s0  }
0x225: {  	[tilespmem:s23], [sflag:$0x2] =	stream.linear.gather [hbm4b:s0+s1], $0xCB0, $0x38;
	[tilespmem:$0x1CA80] =	vst v63  }
0x226: {  	v1 =	vld [tilespmem:s10+$0x1E];
	_ =	sdelay $0x4  }
0x227: {  	(v2sf) =	vpush v1, $0x0;
	_ =	sdelay $0xe  }
0x228: {  	s24 =	spop (v2sf)  }
0x229: {  	s25 =	sadd.s32 s30, s24;
	s0 =	sand.u32 $0xF, s24  }
0x22a: {  	s26 =	sshra.s32 s25, $0x1F;
	p1 =	slt.s32 s25, $0x1;
	p2 =	sne.s32 s0, $0x0  }
0x22b: {  	s3 =	sshrl.u32 s26, $0x1C;
	p0 =	por !p1, !p2  }
0x22c: {  	s2 =	simm.s32 $0x1;
	s0 =	sadd.s32 s3, s25;
	p0 =	por !p0, !p0  }
0x22d: {  	s0 =	sshrl.u32 s0, $0x4;
	s2 =	simm.s32 @!p0 $0x0  }
0x22e: {  	s0 =	ssub.s32 s0, s2  }
0x22f: {  	s0 =	sshll.u32 s0, $0x4  }
0x230: {  	p0 =	slt.s32 s0, $0x17D6B90  }
0x231: {  	s0 =	simm.s32 @!p0 $0x17D6B90  }
0x232: {  	s0 =	sshrl.u32 s0, $0x3  }
0x233: {  	s5 =	simm.s32 $0x18980;
	s0 =	sadd.s32 s4, s0  }
0x234: {  	[tilespmem:s5], [sflag:$0x2] =	stream.linear.gather [hbm4b:s0+s1], $0xCB0, $0x38;
	[tilespmem:$0x1CA80] =	vst v63  }
0x235: {  	v1 =	vld [tilespmem:s10+$0x1F];
	_ =	sdelay $0x4  }
0x236: {  	(v2sf) =	vpush v1, $0x0;
	_ =	sdelay $0xe  }
0x237: {  	s6 =	spop (v2sf)  }
0x238: {  	s7 =	sadd.s32 s30, s6;
	s0 =	sand.u32 $0xF, s6  }
0x239: {  	s8 =	sshra.s32 s7, $0x1F;
	p3 =	slt.s32 s7, $0x1;
	p4 =	sne.s32 s0, $0x0  }
0x23a: {  	s9 =	sshrl.u32 s8, $0x1C;
	p0 =	por !p3, !p4  }
0x23b: {  	s2 =	simm.s32 $0x1;
	s0 =	sadd.s32 s9, s7;
	p0 =	por !p0, !p0  }
0x23c: {  	s0 =	sshrl.u32 s0, $0x4;
	s2 =	simm.s32 @!p0 $0x0  }
0x23d: {  	s0 =	ssub.s32 s0, s2  }
0x23e: {  	s0 =	sshll.u32 s0, $0x4  }
0x23f: {  	p0 =	slt.s32 s0, $0x17D6B90  }
0x240: {  	s0 =	simm.s32 @!p0 $0x17D6B90  }
0x241: {  	s0 =	sshrl.u32 s0, $0x3  }
0x242: {  	s11 =	simm.s32 $0x19680;
	s12 =	simm.s32 $0x1;
	s0 =	sadd.s32 s4, s0  }
0x243: {  	[tilespmem:s11], [sflag:$0x2] =	stream.linear.gather [hbm4b:s0+s1], $0xCB0, $0x38;
	[tilespmem:$0x1CA80] =	vst v63  }
0x244: {  	_ =	swait.ge [sflag:s12], $0xCB0  }
0x245: {  	[sflag:s12] =	ssyncset.done $0x0  }
0x246: {  	[sflag:s12] =	ssyncadd.s32 $0xFFFFF350  }
0x247: {  	_ =	swait.ge [sflag:s12], $0xCB0  }
0x248: {  	[sflag:s12] =	ssyncset.done $0x0  }
0x249: {  	[sflag:s12] =	ssyncadd.s32 $0xFFFFF350  }
0x24a: {  	_ =	swait.ge [sflag:s12], $0xCB0  }
0x24b: {  	[sflag:s12] =	ssyncset.done $0x0  }
0x24c: {  	[sflag:s12] =	ssyncadd.s32 $0xFFFFF350  }
0x24d: {  	_ =	swait.ge [sflag:s12], $0xCB0  }
0x24e: {  	[sflag:s12] =	ssyncset.done $0x0  }
0x24f: {  	[sflag:s12] =	ssyncadd.s32 $0xFFFFF350  }
0x250: {  	_ =	swait.ge [sflag:s12], $0xCB0  }
0x251: {  	[sflag:s12] =	ssyncset.done $0x0  }
0x252: {  	[sflag:s12] =	ssyncadd.s32 $0xFFFFF350  }
0x253: {  	_ =	swait.ge [sflag:s12], $0xCB0  }
0x254: {  	[sflag:s12] =	ssyncset.done $0x0  }
0x255: {  	[sflag:s12] =	ssyncadd.s32 $0xFFFFF350  }
0x256: {  	_ =	swait.ge [sflag:s12], $0xCB0  }
0x257: {  	[sflag:s12] =	ssyncset.done $0x0  }
0x258: {  	[sflag:s12] =	ssyncadd.s32 $0xFFFFF350  }
0x259: {  	_ =	swait.ge [sflag:s12], $0xCB0  }
0x25a: {  	[sflag:s12] =	ssyncset.done $0x0  }
0x25b: {  	[sflag:s12] =	ssyncadd.s32 $0xFFFFF350  }
0x25c: {  	_ =	swait.ge [sflag:s12], $0xCB0  }
0x25d: {  	[sflag:s12] =	ssyncset.done $0x0  }
0x25e: {  	[sflag:s12] =	ssyncadd.s32 $0xFFFFF350  }
0x25f: {  	_ =	swait.ge [sflag:s12], $0xCB0  }
0x260: {  	[sflag:s12] =	ssyncset.done $0x0  }
0x261: {  	[sflag:s12] =	ssyncadd.s32 $0xFFFFF350  }
0x262: {  	_ =	swait.ge [sflag:s12], $0xCB0  }
0x263: {  	[sflag:s12] =	ssyncset.done $0x0  }
0x264: {  	[sflag:s12] =	ssyncadd.s32 $0xFFFFF350  }
0x265: {  	_ =	swait.ge [sflag:s12], $0xCB0  }
0x266: {  	[sflag:s12] =	ssyncset.done $0x0  }
0x267: {  	[sflag:s12] =	ssyncadd.s32 $0xFFFFF350  }
0x268: {  	_ =	swait.ge [sflag:s12], $0xCB0  }
0x269: {  	[sflag:s12] =	ssyncset.done $0x0  }
0x26a: {  	[sflag:s12] =	ssyncadd.s32 $0xFFFFF350  }
0x26b: {  	_ =	swait.ge [sflag:s12], $0xCB0  }
0x26c: {  	[sflag:s12] =	ssyncset.done $0x0  }
0x26d: {  	[sflag:s12] =	ssyncadd.s32 $0xFFFFF350  }
0x26e: {  	_ =	swait.ge [sflag:s12], $0xCB0  }
0x26f: {  	[sflag:s12] =	ssyncset.done $0x0  }
0x270: {  	[sflag:s12] =	ssyncadd.s32 $0xFFFFF350  }
0x271: {  	_ =	swait.ge [sflag:s12], $0xCB0  }
0x272: {  	[sflag:s12] =	ssyncset.done $0x0  }
0x273: {  	[sflag:s12] =	ssyncadd.s32 $0xFFFFF350  }
0x274: {  	v1 =	vld [tilespmem:s10+$0x0];
	_ =	sdelay $0x4  }
0x275: {  	(v2sf) =	vpush v1, $0x0;
	v1 =	vld [tilespmem:s10+$0x1];
	_ =	sdelay $0x4  }
0x276: {  	(v2sf) =	vpush v1, $0x0;
	v1 =	vld [tilespmem:s10+$0x2];
	_ =	sdelay $0x1  }
0x277: {  	v2 =	vld [tilespmem:s10+$0x3];
	_ =	sdelay $0x2  }
0x278: {  	(v2sf) =	vpush v1, $0x0;
	_ =	sdelay $0x1  }
0x279: {  	(v2sf) =	vpush v2, $0x0;
	_ =	sdelay $0x1  }
0x27a: {  	v1 =	vld [tilespmem:s10+$0x4];
	_ =	sdelay $0x1  }
0x27b: {  	s3 =	simm.s32 $0x1;
	s13 =	spop (v2sf)  }
0x27c: {  	s4 =	simm.s32 $0x1;
	s14 =	sadd.s32 s30, s13;
	s16 =	sand.u32 $0xF, s13  }
0x27d: {  	s15 =	sshra.s32 s14, $0x1F;
	p5 =	slt.s32 s14, $0x1;
	p6 =	sne.s32 s16, $0x0  }
0x27e: {  	(v2sf) =	vpush v1, $0x0;
	[dreg:$0x1a] =	wrdreg s13;
	s2 =	sshrl.u32 s15, $0x1C;
	p0 =	por !p5, !p6  }
0x27f: {  	v1 =	vld [tilespmem:s10+$0x5];
	s2 =	sadd.s32 s2, s14;
	p0 =	por !p0, !p0;
	s8 =	spop (v2sf)  }
0x280: {  	s17 =	sshrl.u32 s2, $0x4;
	s3 =	simm.s32 @!p0 $0x0;
	s18 =	sadd.s32 s30, s8  }
0x281: {  	s6 =	sand.u32 $0xF, s8;
	s0 =	ssub.s32 s17, s3;
	s5 =	sshra.s32 s18, $0x1F  }
0x282: {  	p1 =	slt.s32 s18, $0x1;
	p2 =	sne.s32 s6, $0x0;
	s5 =	sshrl.u32 s5, $0x1C  }
0x283: {  	[smem:$0x7FB] =	sst s0;
	p0 =	por !p1, !p2;
	s19 =	sadd.s32 s5, s18  }
0x284: {  	v2 =	vld [tilespmem:s10+$0x6];
	(v2sf) =	vpush v1, $0x0;
	p0 =	por !p0, !p0;
	s5 =	simm.s32 $0x1;
	s3 =	spop (v2sf)  }
0x285: {  	s0 =	sshrl.u32 s19, $0x4;
	s4 =	simm.s32 @!p0 $0x0;
	s20 =	sadd.s32 s30, s3  }
0x286: {  	v1 =	vld [tilespmem:s10+$0x7];
	s0 =	ssub.s32 s0, s4;
	s22 =	sand.u32 $0xF, s3;
	s4 =	spop (v2sf)  }
0x287: {  	[smem:$0x7FC] =	sst s0;
	s21 =	sshra.s32 s20, $0x1F;
	p3 =	slt.s32 s20, $0x1  }
0x288: {  	p4 =	sne.s32 s22, $0x0;
	s9 =	sadd.s32 s30, s4;
	s24 =	sand.u32 $0xF, s4  }
0x289: {  	(v2sf) =	vpush v2, $0x0;
	s0 =	sshrl.u32 s21, $0x1C;
	p0 =	por !p3, !p4;
	s11 =	sshra.s32 s9, $0x1F  }
0x28a: {  	p5 =	slt.s32 s9, $0x1;
	p6 =	sne.s32 s24, $0x0;
	s0 =	sadd.s32 s0, s20  }
0x28b: {  	(v2sf) =	vpush v1, $0x0;
	p0 =	por !p0, !p0;
	s23 =	sshrl.u32 s11, $0x1C;
	s11 =	simm.s32 $0x1  }
0x28c: {  	s0 =	sshrl.u32 s0, $0x4;
	s5 =	simm.s32 @!p0 $0x0;
	p0 =	por !p5, !p6  }
0x28d: {  	s0 =	ssub.s32 s0, s5;
	s5 =	spop (v2sf);
	p0 =	por !p0, !p0  }
0x28e: {  	v1 =	vld [tilespmem:s10+$0x8];
	[smem:$0x7FD] =	sst s0;
	s0 =	sadd.s32 s23, s9;
	s9 =	simm.s32 $0x1  }
0x28f: {  	s25 =	sadd.s32 s30, s5;
	s13 =	sand.u32 $0xF, s5;
	s0 =	sshrl.u32 s0, $0x4  }
0x290: {  	s12 =	sshra.s32 s25, $0x1F;
	p1 =	slt.s32 s25, $0x1;
	p2 =	sne.s32 s13, $0x0  }
0x291: {  	s9 =	simm.s32 @!p0 $0x0;
	s15 =	sshrl.u32 s12, $0x1C;
	p0 =	por !p1, !p2  }
0x292: {  	v2 =	vld [tilespmem:s10+$0x9];
	s12 =	ssub.s32 s0, s9;
	s26 =	sadd.s32 s15, s25;
	p0 =	por !p0, !p0  }
0x293: {  	(v2sf) =	vpush v1, $0x0;
	s9 =	spop (v2sf);
	s15 =	simm.s32 $0x1;
	s0 =	sshrl.u32 s26, $0x4  }
0x294: {  	s11 =	simm.s32 @!p0 $0x0;
	s1 =	sadd.s32 s30, s9;
	s6 =	sand.u32 $0xF, s9  }
0x295: {  	s2 =	sshra.s32 s1, $0x1F;
	p3 =	slt.s32 s1, $0x1;
	p4 =	sne.s32 s6, $0x0  }
0x296: {  	s13 =	ssub.s32 s0, s11;
	s0 =	sshrl.u32 s2, $0x1C;
	p0 =	por !p3, !p4  }
0x297: {  	v1 =	vld [tilespmem:s10+$0xA];
	(v2sf) =	vpush v2, $0x0;
	s12 =	sshll.u32 s12, $0x4;
	s0 =	sadd.s32 s0, s1;
	p0 =	por !p0, !p0  }
0x298: {  	s11 =	spop (v2sf);
	s0 =	sshrl.u32 s0, $0x4;
	s15 =	simm.s32 @!p0 $0x0  }
0x299: {  	s13 =	sshll.u32 s13, $0x4;
	s17 =	sadd.s32 s30, s11;
	s6 =	ssub.s32 s0, s15  }
0x29a: {  	s14 =	sand.u32 $0xF, s11;
	s15 =	spop (v2sf);
	s18 =	sshra.s32 s17, $0x1F  }
0x29b: {  	p5 =	slt.s32 s17, $0x1;
	p6 =	sne.s32 s14, $0x0;
	s19 =	sadd.s32 s30, s15  }
0x29c: {  	(v2sf) =	vpush v1, $0x0;
	v1 =	vld [tilespmem:s10+$0xB];
	s20 =	sand.u32 $0xF, s15;
	s6 =	sshll.u32 s6, $0x4;
	s7 =	sshrl.u32 s18, $0x1C  }
0x29d: {  	p0 =	por !p5, !p6;
	s16 =	sshra.s32 s19, $0x1F;
	p1 =	slt.s32 s19, $0x1  }
0x29e: {  	v2 =	vld [tilespmem:s10+$0xC];
	p2 =	sne.s32 s20, $0x0;
	s0 =	sadd.s32 s7, s17;
	p0 =	por !p0, !p0  }
0x29f: {  	s17 =	simm.s32 $0x1;
	s21 =	sshrl.u32 s16, $0x1C;
	s0 =	sshrl.u32 s0, $0x4  }
0x2a0: {  	s17 =	simm.s32 @!p0 $0x0;
	s21 =	sadd.s32 s21, s19;
	p0 =	por !p1, !p2  }
0x2a1: {  	(v2sf) =	vpush v1, $0x0;
	s19 =	simm.s32 $0x1;
	s18 =	ssub.s32 s0, s17;
	p0 =	por !p0, !p0  }
0x2a2: {  	s17 =	spop (v2sf);
	s0 =	sshrl.u32 s21, $0x4;
	s19 =	simm.s32 @!p0 $0x0  }
0x2a3: {  	(v2sf) =	vpush v2, $0x0;
	s22 =	sadd.s32 s30, s17;
	s24 =	sand.u32 $0xF, s17;
	s20 =	ssub.s32 s0, s19  }
0x2a4: {  	v1 =	vld [tilespmem:s10+$0xD];
	s23 =	sshra.s32 s22, $0x1F;
	p3 =	slt.s32 s22, $0x1;
	p4 =	sne.s32 s24, $0x0  }
0x2a5: {  	s19 =	simm.s32 $0x1;
	s0 =	sshrl.u32 s23, $0x1C;
	p0 =	por !p3, !p4  }
0x2a6: {  	s0 =	sadd.s32 s0, s22;
	s22 =	spop (v2sf);
	p0 =	por !p0, !p0  }
0x2a7: {  	v2 =	vld [tilespmem:s10+$0xE];
	s23 =	sadd.s32 s30, s22;
	s0 =	sshrl.u32 s0, $0x4;
	s19 =	simm.s32 @!p0 $0x0  }
0x2a8: {  	s26 =	sand.u32 $0xF, s22;
	s24 =	sshra.s32 s23, $0x1F;
	s21 =	ssub.s32 s0, s19  }
0x2a9: {  	(v2sf) =	vpush v1, $0x0;
	p5 =	slt.s32 s23, $0x1;
	p6 =	sne.s32 s26, $0x0;
	s25 =	sshrl.u32 s24, $0x1C  }
0x2aa: {  	s19 =	simm.s32 $0x1;
	p0 =	por !p5, !p6;
	s0 =	sadd.s32 s25, s23  }
0x2ab: {  	p0 =	por !p0, !p0;
	s0 =	sshrl.u32 s0, $0x4;
	s24 =	spop (v2sf)  }
0x2ac: {  	v1 =	vld [tilespmem:s10+$0xF];
	(v2sf) =	vpush v2, $0x0;
	s19 =	simm.s32 @!p0 $0x0;
	s1 =	sadd.s32 s30, s24;
	s26 =	sand.u32 $0xF, s24  }
0x2ad: {  	s25 =	sshra.s32 s1, $0x1F;
	p1 =	slt.s32 s1, $0x1;
	p2 =	sne.s32 s26, $0x0  }
0x2ae: {  	s28 =	sshrl.u32 s25, $0x1C;
	s25 =	ssub.s32 s0, s19;
	p0 =	por !p1, !p2  }
0x2af: {  	s19 =	simm.s32 $0x1;
	s2 =	sadd.s32 s28, s1;
	p0 =	por !p0, !p0  }
0x2b0: {  	s26 =	spop (v2sf);
	s0 =	sshrl.u32 s2, $0x4;
	s19 =	simm.s32 @!p0 $0x0  }
0x2b1: {  	s23 =	simm.s32 $0x1;
	(v2sf) =	vpush v1, $0x0;
	s7 =	sadd.s32 s30, s26;
	s31 =	ssub.s32 s0, s19  }
0x2b2: {  	s16 =	sand.u32 $0xF, s26;
	s19 =	spop (v2sf);
	s14 =	sshra.s32 s7, $0x1F  }
0x2b3: {  	p3 =	sne.s32 s16, $0x0;
	p4 =	slt.s32 s7, $0x1;
	s29 =	sadd.s32 s30, s19  }
0x2b4: {  	s1 =	sand.u32 $0xF, s19;
	s0 =	sshrl.u32 s14, $0x1C;
	p0 =	por !p4, !p3  }
0x2b5: {  	p5 =	slt.s32 s29, $0x1;
	s0 =	sadd.s32 s0, s7;
	p0 =	por !p0, !p0  }
0x2b6: {  	p6 =	sne.s32 s1, $0x0;
	s0 =	sshrl.u32 s0, $0x4;
	s23 =	simm.s32 @!p0 $0x0  }
0x2b7: {  	s14 =	sshra.s32 s29, $0x1F;
	p0 =	por !p5, !p6;
	s28 =	ssub.s32 s0, s23  }
0x2b8: {  	s23 =	sshrl.u32 s14, $0x1C;
	s14 =	spop (v2sf);
	p0 =	por !p0, !p0  }
0x2b9: {  	s0 =	sadd.s32 s23, s29;
	s23 =	simm.s32 $0x1;
	s29 =	sadd.s32 s30, s14  }
0x2ba: {  	s0 =	sshrl.u32 s0, $0x4;
	s23 =	simm.s32 @!p0 $0x0;
	s7 =	sshra.s32 s29, $0x1F  }
0x2bb: {  	p1 =	slt.s32 s29, $0x1;
	s23 =	ssub.s32 s0, s23;
	s16 =	spop (v2sf)  }
0x2bc: {  	s2 =	sshrl.u32 s7, $0x1C;
	s0 =	sand.u32 $0xF, s14;
	s7 =	sadd.s32 s30, s16  }
0x2bd: {  	s2 =	sadd.s32 s2, s29;
	p5 =	sne.s32 s0, $0x0;
	s1 =	sshra.s32 s7, $0x1F  }
0x2be: {  	p0 =	por !p1, !p5;
	s2 =	sshrl.u32 s2, $0x4;
	s1 =	sshrl.u32 s1, $0x1C  }
0x2bf: {  	p2 =	slt.s32 s7, $0x1;
	s0 =	sadd.s32 s1, s7;
	s1 =	sand.u32 $0xF, s16  }
0x2c0: {  	p0 =	por !p0, !p0;
	s29 =	spop (v2sf);
	p3 =	sne.s32 s1, $0x0  }
0x2c1: {  	s1 =	simm.s32 $0x1;
	s7 =	sand.u32 $0xF, s29;
	p2 =	por !p2, !p3  }
0x2c2: {  	p4 =	sne.s32 s7, $0x0;
	p2 =	por !p2, !p2;
	s7 =	sadd.s32 s30, s29  }
0x2c3: {  	s0 =	sshrl.u32 s0, $0x4;
	s1 =	simm.s32 @!p2 $0x0;
	s30 =	sshra.s32 s7, $0x1F  }
0x2c4: {  	p6 =	slt.s32 s7, $0x1;
	s0 =	ssub.s32 s0, s1;
	s1 =	sshrl.u32 s30, $0x1C  }
0x2c5: {  	p2 =	por !p6, !p4;
	s30 =	rddreg [dreg:$0x10];
	s1 =	sadd.s32 s1, s7  }
0x2c6: {  	p2 =	por !p2, !p2;
	s7 =	simm.s32 $0x1;
	s0 =	sshll.u32 s0, $0x4  }
0x2c7: {  	s16 =	sadd.s32 s16, s30;
	s17 =	sadd.s32 s17, s30;
	s15 =	sadd.s32 s15, s30  }
0x2c8: {  	s11 =	sadd.s32 s11, s30;
	s9 =	sadd.s32 s9, s30;
	s5 =	sadd.s32 s5, s30  }
0x2c9: {  	s4 =	sadd.s32 s4, s30;
	s1 =	sshrl.u32 s1, $0x4;
	s7 =	simm.s32 @!p2 $0x0  }
0x2ca: {  	s8 =	sadd.s32 s8, s30;
	s1 =	ssub.s32 s1, s7;
	s7 =	simm.s32 $0x1  }
0x2cb: {  	s3 =	sadd.s32 s3, s30;
	s7 =	simm.s32 @!p0 $0x0;
	p0 =	slt.s32 s0, $0x17D6B90  }
0x2cc: {  	s1 =	sshll.u32 s1, $0x4;
	s2 =	ssub.s32 s2, s7;
	s0 =	simm.s32 @!p0 $0x17D6B90  }
0x2cd: {  	p0 =	slt.s32 s1, $0x17D6B90;
	s7 =	sadd.s32 s29, s30;
	s2 =	sshll.u32 s2, $0x4  }
0x2ce: {  	s1 =	simm.s32 @!p0 $0x17D6B90;
	s0 =	ssub.s32 s16, s0;
	s16 =	sadd.s32 s26, s30  }
0x2cf: {  	s29 =	ssub.s32 s7, s1;
	p0 =	slt.s32 s2, $0x17D6B90;
	s1 =	sshll.u32 s23, $0x4  }
0x2d0: {  	s23 =	sadd.s32 s14, s30;
	s7 =	sshll.u32 s28, $0x4;
	s14 =	sld [smem:$0x7FC]  }
0x2d1: {  	s2 =	simm.s32 @!p0 $0x17D6B90;
	p0 =	slt.s32 s1, $0x17D6B90;
	p1 =	slt.s32 s7, $0x17D6B90  }
0x2d2: {  	s23 =	ssub.s32 s23, s2;
	s2 =	sshll.u32 s25, $0x4;
	s1 =	simm.s32 @!p0 $0x17D6B90  }
0x2d3: {  	s25 =	sadd.s32 s19, s30;
	s7 =	simm.s32 @!p1 $0x17D6B90;
	s19 =	sadd.s32 s24, s30  }
0x2d4: {  	s24 =	sadd.s32 s22, s30;
	s25 =	ssub.s32 s25, s1;
	p0 =	slt.s32 s2, $0x17D6B90  }
0x2d5: {  	s1 =	sshll.u32 s31, $0x4;
	s26 =	ssub.s32 s16, s7;
	s7 =	sld [smem:$0x7FB]  }
0x2d6: {  	s16 =	sld [smem:$0x7FD];
	s2 =	simm.s32 @!p0 $0x17D6B90;
	p0 =	slt.s32 s1, $0x17D6B90  }
0x2d7: {  	s1 =	simm.s32 @!p0 $0x17D6B90;
	s24 =	ssub.s32 s24, s2;
	s2 =	sshll.u32 s14, $0x4  }
0x2d8: {  	s14 =	sshll.u32 s20, $0x4;
	s22 =	ssub.s32 s19, s1;
	s1 =	sshll.u32 s7, $0x4  }
0x2d9: {  	v3 =	vld.msk [tilespmem:s10+$0x182 ss:$0x0], $0xffff;
	s7 =	sshll.u32 s16, $0x4;
	s16 =	sshll.u32 s18, $0x4;
	s18 =	sshll.u32 s21, $0x4  }
0x2da: {  	v4 =	vld.msk [tilespmem:s10+$0x183 ss:$0x0], $0xffff;
	s19 =	rddreg [dreg:$0x1a];
	p0 =	slt.s32 s1, $0x17D6B90;
	p1 =	slt.s32 s7, $0x17D6B90  }
0x2db: {  	v5 =	vld.msk [tilespmem:s10+$0x184 ss:$0x0], $0xffff;
	s1 =	simm.s32 @!p0 $0x17D6B90;
	p0 =	slt.s32 s2, $0x17D6B90;
	s7 =	simm.s32 @!p1 $0x17D6B90  }
0x2dc: {  	v6 =	vld.msk [tilespmem:s10+$0x185 ss:$0x0], $0xffff;
	p1 =	slt.s32 s6, $0x17D6B90;
	s2 =	simm.s32 @!p0 $0x17D6B90;
	p0 =	slt.s32 s12, $0x17D6B90  }
0x2dd: {  	v7 =	vld.msk [tilespmem:s10+$0x186 ss:$0x0], $0xffff;
	s6 =	simm.s32 @!p1 $0x17D6B90;
	p1 =	slt.s32 s16, $0x17D6B90;
	s3 =	ssub.s32 s3, s7  }
0x2de: {  	v8 =	vld.msk [tilespmem:s10+$0x187 ss:$0x0], $0xffff;
	s12 =	simm.s32 @!p0 $0x17D6B90;
	p0 =	slt.s32 s13, $0x17D6B90;
	s16 =	simm.s32 @!p1 $0x17D6B90  }
0x2df: {  	v9 =	vld.msk [tilespmem:s10+$0x188 ss:$0x0], $0xffff;
	s6 =	ssub.s32 s9, s6;
	s9 =	sadd.s32 s19, s30;
	s2 =	ssub.s32 s8, s2  }
0x2e0: {  	v10 =	vld.msk [tilespmem:s10+$0x189 ss:$0x0], $0xffff;
	s20 =	sshll.u32 s3, $0x2;
	s13 =	simm.s32 @!p0 $0x17D6B90;
	p0 =	slt.s32 s14, $0x17D6B90  }
0x2e1: {  	v11 =	vld.msk [tilespmem:s10+$0x18A ss:$0x0], $0xffff;
	s4 =	ssub.s32 s4, s12;
	s1 =	ssub.s32 s9, s1;
	s2 =	sshll.u32 s2, $0x2  }
0x2e2: {  	v12 =	vld.msk [tilespmem:s10+$0x18B ss:$0x0], $0xffff;
	s7 =	sshra.s32 s20, $0x2;
	s19 =	sshll.u32 s6, $0x2;
	s14 =	simm.s32 @!p0 $0x17D6B90  }
0x2e3: {  	v13 =	vld.msk [tilespmem:s10+$0x18C ss:$0x0], $0xffff;
	p0 =	slt.s32 s18, $0x17D6B90;
	s5 =	ssub.s32 s5, s13;
	s21 =	sshra.s32 s2, $0x2  }
0x2e4: {  	v14 =	vld.msk [tilespmem:s10+$0x18D ss:$0x0], $0xffff;
	s1 =	sshll.u32 s1, $0x2;
	s8 =	sshll.u32 s4, $0x2;
	s9 =	sadd.s32 $0x10B0, s21  }
0x2e5: {  	v15 =	vld.msk [tilespmem:s10+$0x18E ss:$0x0], $0xffff;
	s18 =	simm.s32 @!p0 $0x17D6B90;
	s14 =	ssub.s32 s15, s14;
	s12 =	sshra.s32 s1, $0x2;
	v18 =	vmov s9  }
0x2e6: {  	v16 =	vld.msk [tilespmem:s10+$0x18F ss:$0x0], $0xffff;
	s15 =	ssub.s32 s11, s16;
	s11 =	sshra.s32 s8, $0x2;
	s3 =	sadd.s32 $0x3B0, s12  }
0x2e7: {  	v2 =	vld.msk [tilespmem:s10+$0x181 ss:$0x0], $0xffff;
	s17 =	ssub.s32 s17, s18;
	s18 =	sadd.s32 $0x1DB0, s7;
	s20 =	sadd.s32 $0x2AB0, s11;
	v17 =	vmov s3  }
0x2e8: {  	v1 =	vld.msk [tilespmem:s10+$0x180 ss:$0x0], $0xffff;
	s13 =	sshll.u32 s5, $0x2;
	s5 =	sshra.s32 s19, $0x2;
	v19 =	vmov s18;
	v20 =	vmov s20;
	s20 =	simm.s32 $0x0  }
0x2e9: {  	s8 =	sadd.s32 $0x44B0, s5;
	v59 =	vld [tilespmem:s20+$0x1B0B0]  }
0x2ea: {  	v22 =	vmov s8;
	v34 =	vld.idx.msk [tilespmem:v18+s20+$0x0 ss:$0x1], $0xffff  }
0x2eb: {  	v50 =	vld.idx.msk [tilespmem:v18+s20+$0xFFFFFFD0 ss:$0x1], $0xffff  }
0x2ec: {  	v33 =	vld.idx.msk [tilespmem:v17+s20+$0x0 ss:$0x1], $0xffff  }
0x2ed: {  	s13 =	sshra.s32 s13, $0x2;
	v35 =	vld.idx.msk [tilespmem:v19+s20+$0x0 ss:$0x1], $0xffff  }
0x2ee: {  	s4 =	sshll.u32 s15, $0x2;
	s6 =	sadd.s32 $0x37B0, s13;
	v36 =	vld.idx.msk [tilespmem:v20+s20+$0x0 ss:$0x1], $0xffff  }
0x2ef: {  	s14 =	sshll.u32 s14, $0x2;
	s31 =	sshra.s32 s4, $0x2;
	v21 =	vmov s6;
	v38 =	vld.idx.msk [tilespmem:v22+s20+$0x0 ss:$0x1], $0xffff  }
0x2f0: {  	s15 =	sshll.u32 s24, $0x2;
	s4 =	sshra.s32 s14, $0x2;
	s3 =	sadd.s32 $0x51B0, s31;
	v49 =	vld.idx.msk [tilespmem:v17+s20+$0xFFFFFFD0 ss:$0x1], $0xffff  }
0x2f1: {  	s9 =	sshll.u32 s17, $0x2;
	s1 =	sshra.s32 s15, $0x2;
	s17 =	sadd.s32 $0x5EB0, s4;
	v23 =	vmov s3;
	v51 =	vld.idx.msk [tilespmem:v19+s20+$0xFFFFFFD0 ss:$0x1], $0xffff  }
0x2f2: {  	s24 =	sadd.s32 $0x78B0, s1;
	v24 =	vmov s17;
	v52 =	vld.idx.msk [tilespmem:v20+s20+$0xFFFFFFD0 ss:$0x1], $0xffff  }
0x2f3: {  	v26 =	vmov s24;
	v54 =	vld.idx.msk [tilespmem:v22+s20+$0xFFFFFFD0 ss:$0x1], $0xffff  }
0x2f4: {  	v37 =	vld.idx.msk [tilespmem:v21+s20+$0x0 ss:$0x1], $0xffff  }
0x2f5: {  	s18 =	sshll.u32 s22, $0x2;
	s22 =	sshll.u32 s26, $0x2;
	s2 =	sshra.s32 s9, $0x2;
	v53 =	vld.idx.msk [tilespmem:v21+s20+$0xFFFFFFD0 ss:$0x1], $0xffff  }
0x2f6: {  	s14 =	sshra.s32 s22, $0x2;
	s19 =	sadd.s32 $0x6BB0, s2;
	v39 =	vld.idx.msk [tilespmem:v23+s20+$0x0 ss:$0x1], $0xffff  }
0x2f7: {  	s3 =	sshra.s32 s18, $0x2;
	s18 =	sadd.s32 $0x92B0, s14;
	v25 =	vmov s19;
	v40 =	vld.idx.msk [tilespmem:v24+s20+$0x0 ss:$0x1], $0xffff  }
0x2f8: {  	s25 =	sshll.u32 s25, $0x2;
	v28 =	vmov s18;
	v42 =	vld.idx.msk [tilespmem:v26+s20+$0x0 ss:$0x1], $0xffff  }
0x2f9: {  	s15 =	sshra.s32 s25, $0x2;
	s22 =	sshll.u32 s29, $0x2;
	s26 =	sadd.s32 $0x85B0, s3;
	v55 =	vld.idx.msk [tilespmem:v23+s20+$0xFFFFFFD0 ss:$0x1], $0xffff  }
0x2fa: {  	s6 =	sshra.s32 s22, $0x2;
	s19 =	sadd.s32 $0x9FB0, s15;
	v27 =	vmov s26;
	v56 =	vld.idx.msk [tilespmem:v24+s20+$0xFFFFFFD0 ss:$0x1], $0xffff  }
0x2fb: {  	s17 =	sshll.u32 s23, $0x2;
	s25 =	sadd.s32 $0xC6B0, s6;
	v29 =	vmov s19;
	v58 =	vld.idx.msk [tilespmem:v26+s20+$0xFFFFFFD0 ss:$0x1], $0xffff  }
0x2fc: {  	s0 =	sshll.u32 s0, $0x2;
	s17 =	sshra.s32 s17, $0x2;
	v32 =	vmov s25;
	v41 =	vld.idx.msk [tilespmem:v25+s20+$0x0 ss:$0x1], $0xffff  }
0x2fd: {  	s18 =	sshra.s32 s0, $0x2;
	s23 =	sadd.s32 $0xACB0, s17;
	v44 =	vld.idx.msk [tilespmem:v28+s20+$0x0 ss:$0x1], $0xffff  }
0x2fe: {  	s24 =	sadd.s32 $0xB9B0, s18;
	v30 =	vmov s23;
	v57 =	vld.idx.msk [tilespmem:v25+s20+$0xFFFFFFD0 ss:$0x1], $0xffff  }
0x2ff: {  	v31 =	vmov s24;
	v43 =	vld.idx.msk [tilespmem:v27+s20+$0x0 ss:$0x1], $0xffff  }
0x300: {  	v45 =	vld.idx.msk [tilespmem:v29+s20+$0x0 ss:$0x1], $0xffff  }
0x301: {  	v48 =	vld.idx.msk [tilespmem:v32+s20+$0x0 ss:$0x1], $0xffff  }
0x302: {  	v60 =	vld.idx.msk [tilespmem:v27+s20+$0xFFFFFFD0 ss:$0x1], $0xffff  }
0x303: {  	v34 =	vmul.f32 v34, v2;
	v46 =	vld.idx.msk [tilespmem:v30+s20+$0x0 ss:$0x1], $0xffff;
	v33 =	vmul.f32 v33, v1  }
0x304: {  	v47 =	vld.idx.msk [tilespmem:v31+s20+$0x0 ss:$0x1], $0xffff;
	v35 =	vmul.f32 v35, v3;
	v36 =	vmul.f32 v36, v4  }
0x305: {  	v38 =	vmul.f32 v38, v6;
	v37 =	vmul.f32 v37, v5;
	v33 =	vadd.f32 v34, v33;
	v34 =	vld.idx.msk [tilespmem:v28+s20+$0xFFFFFFD0 ss:$0x1], $0xffff  }
0x306: {  	v39 =	vmul.f32 v39, v7;
	v40 =	vmul.f32 v40, v8;
	v35 =	vadd.f32 v36, v35;
	v36 =	vld.idx.msk [tilespmem:v29+s20+$0xFFFFFFD0 ss:$0x1], $0xffff  }
0x307: {  	v42 =	vmul.f32 v42, v10;
	v41 =	vmul.f32 v41, v9;
	v37 =	vadd.f32 v38, v37;
	v38 =	vld.idx.msk [tilespmem:v30+s20+$0xFFFFFFD0 ss:$0x1], $0xffff  }
0x308: {  	v44 =	vmul.f32 v44, v12;
	v43 =	vmul.f32 v43, v11;
	v39 =	vadd.f32 v40, v39;
	v40 =	vld.idx.msk [tilespmem:v31+s20+$0xFFFFFFD0 ss:$0x1], $0xffff  }
0x309: {  	v41 =	vadd.f32 v42, v41;
	v42 =	vld.idx.msk [tilespmem:v19+s20+$0xFFFFFFE0 ss:$0x1], $0xffff  }
0x30a: {  	v45 =	vmul.f32 v45, v13;
	v46 =	vmul.f32 v46, v14;
	v62 =	vadd.f32 v44, v43;
	v43 =	vld.idx.msk [tilespmem:v32+s20+$0xFFFFFFD0 ss:$0x1], $0xffff  }
0x30b: {  	v33 =	vadd.f32 v35, v33;
	v35 =	vadd.f32 v39, v37;
	v37 =	vld.idx.msk [tilespmem:v18+s20+$0xFFFFFFE0 ss:$0x1], $0xffff  }
0x30c: {  	v48 =	vmul.f32 v48, v16;
	v47 =	vmul.f32 v47, v15;
	v44 =	vadd.f32 v46, v45;
	v46 =	vld.idx.msk [tilespmem:v17+s20+$0xFFFFFFE0 ss:$0x1], $0xffff  }
0x30d: {  	v45 =	vld.idx.msk [tilespmem:v20+s20+$0xFFFFFFE0 ss:$0x1], $0xffff  }
0x30e: {  	v63 =	vadd.f32 v48, v47;
	v48 =	vmul.f32 v51, v3;
	v51 =	vld.idx.msk [tilespmem:v21+s20+$0xFFFFFFE0 ss:$0x1], $0xffff  }
0x30f: {  	v61 =	vmul.f32 v50, v2;
	v39 =	vmul.f32 v49, v1;
	v33 =	vadd.f32 v35, v33;
	v35 =	vld.idx.msk [tilespmem:v24+s20+$0xFFFFFFE0 ss:$0x1], $0xffff  }
0x310: {  	v36 =	vmul.f32 v36, v13;
	v41 =	vadd.f32 v62, v41;
	v62 =	vmul.f32 v52, v4;
	v52 =	vld.idx.msk [tilespmem:v27+s20+$0xFFFFFFE0 ss:$0x1], $0xffff  }
0x311: {  	v38 =	vmul.f32 v38, v14;
	v44 =	vadd.f32 v63, v44;
	v63 =	vmul.f32 v53, v5;
	v53 =	vld.idx.msk [tilespmem:v25+s20+$0xFFFFFFE0 ss:$0x1], $0xffff  }
0x312: {  	v54 =	vmul.f32 v54, v6;
	v62 =	vadd.f32 v62, v48;
	v48 =	vld.idx.msk [tilespmem:v23+s20+$0xFFFFFFE0 ss:$0x1], $0xffff  }
0x313: {  	v56 =	vmul.f32 v56, v8;
	v39 =	vadd.f32 v61, v39;
	v36 =	vadd.f32 v38, v36;
	v38 =	vld.idx.msk [tilespmem:v30+s20+$0xFFFFFFE0 ss:$0x1], $0xffff  }
0x314: {  	v40 =	vmul.f32 v40, v15;
	v61 =	vadd.f32 v44, v41;
	v41 =	vld.idx.msk [tilespmem:v22+s20+$0xFFFFFFE0 ss:$0x1], $0xffff;
	v47 =	vadd.f32 v54, v63  }
0x315: {  	v43 =	vmul.f32 v43, v16;
	v39 =	vadd.f32 v62, v39;
	v62 =	vmul.f32 v58, v10;
	v58 =	vld.idx.msk [tilespmem:v29+s20+$0xFFFFFFE0 ss:$0x1], $0xffff  }
0x316: {  	v63 =	vmul.f32 v55, v7;
	v33 =	vadd.f32 v61, v33;
	v61 =	vmul.f32 v57, v9;
	v57 =	vld.idx.msk [tilespmem:v28+s20+$0xFFFFFFE0 ss:$0x1], $0xffff  }
0x317: {  	v40 =	vadd.f32 v43, v40;
	v43 =	vld.idx.msk [tilespmem:v31+s20+$0xFFFFFFE0 ss:$0x1], $0xffff  }
0x318: {  	v49 =	vadd.f32 v56, v63;
	v63 =	vmul.f32 v60, v11;
	v60 =	vld.idx.msk [tilespmem:v32+s20+$0xFFFFFFE0 ss:$0x1], $0xffff  }
0x319: {  	v56 =	vmul.f32 v52, v11;
	v52 =	vld.idx.msk [tilespmem:v25+s20+$0xFFFFFFF0 ss:$0x1], $0xffff  }
0x31a: {  	v34 =	vmul.f32 v34, v12;
	v50 =	vadd.f32 v33, v59;
	v33 =	vld.idx.msk [tilespmem:v26+s20+$0xFFFFFFE0 ss:$0x1], $0xffff  }
0x31b: {  	v42 =	vmul.f32 v42, v3;
	v37 =	vmul.f32 v37, v2;
	v36 =	vadd.f32 v40, v36;
	v40 =	vld.idx.msk [tilespmem:v17+s20+$0xFFFFFFF0 ss:$0x1], $0xffff  }
0x31c: {  	v46 =	vmul.f32 v46, v1;
	v35 =	vmul.f32 v35, v8;
	v47 =	vadd.f32 v49, v47;
	v49 =	vld.idx.msk [tilespmem:v22+s20+$0xFFFFFFF0 ss:$0x1], $0xffff  }
0x31d: {  	v44 =	vadd.f32 v62, v61;
	v34 =	vadd.f32 v34, v63;
	v62 =	vmul.f32 v48, v7;
	v48 =	vld.idx.msk [tilespmem:v24+s20+$0xFFFFFFF0 ss:$0x1], $0xffff  }
0x31e: {  	v37 =	vadd.f32 v37, v46;
	v59 =	vmul.f32 v45, v4;
	v63 =	vmul.f32 v53, v9;
	v53 =	vld.idx.msk [tilespmem:v27+s20+$0xFFFFFFF0 ss:$0x1], $0xffff  }
0x31f: {  	v61 =	vmul.f32 v51, v5;
	v41 =	vmul.f32 v41, v6;
	v34 =	vadd.f32 v34, v44;
	v44 =	vld.idx.msk [tilespmem:v18+s20+$0xFFFFFFF0 ss:$0x1], $0xffff  }
0x320: {  	v38 =	vmul.f32 v38, v14;
	v39 =	vadd.f32 v47, v39;
	v42 =	vadd.f32 v59, v42;
	v47 =	vld.idx.msk [tilespmem:v19+s20+$0xFFFFFFF0 ss:$0x1], $0xffff  }
0x321: {  	v35 =	vadd.f32 v35, v62;
	v58 =	vmul.f32 v58, v13;
	v59 =	vld.idx.msk [tilespmem:v23+s20+$0xFFFFFFF0 ss:$0x1], $0xffff;
	v41 =	vadd.f32 v41, v61  }
0x322: {  	v43 =	vmul.f32 v43, v15;
	v45 =	vmul.f32 v60, v16;
	v37 =	vadd.f32 v42, v37;
	v42 =	vld.idx.msk [tilespmem:v20+s20+$0xFFFFFFF0 ss:$0x1], $0xffff  }
0x323: {  	v34 =	vadd.f32 v36, v34;
	v36 =	vld.idx.msk [tilespmem:v21+s20+$0xFFFFFFF0 ss:$0x1], $0xffff;
	v60 =	vadd.f32 v38, v58;
	v55 =	vmul.f32 v33, v10  }
0x324: {  	s16 =	rddreg [dreg:$0x12];
	s26 =	sor.u32 $0x10, s10;
	v57 =	vmul.f32 v57, v12;
	v35 =	vadd.f32 v35, v41;
	v61 =	vadd.f32 v45, v43;
	v41 =	vld.idx.msk [tilespmem:v26+s20+$0xFFFFFFF0 ss:$0x1], $0xffff  }
0x325: {  	s8 =	sor.u32 $0x11, s10;
	v62 =	vmul.f32 v40, v1;
	v33 =	vadd.f32 v34, v39;
	v46 =	vadd.f32 v55, v63;
	v55 =	vld.idx.msk [tilespmem:v28+s20+$0xFFFFFFF0 ss:$0x1], $0xffff;
	[dreg:$0x19] =	wrdreg s26  }
0x326: {  	s9 =	sor.u32 $0x13, s10;
	v58 =	vmul.f32 v49, v6;
	v34 =	vadd.f32 v57, v56;
	v37 =	vadd.f32 v35, v37;
	[dreg:$0x18] =	wrdreg s8  }
0x327: {  	s19 =	sor.u32 $0x15, s10;
	v63 =	vmul.f32 v44, v2;
	v54 =	vmul.f32 v47, v3;
	v38 =	vadd.f32 v61, v60;
	v35 =	vld.idx.msk [tilespmem:v29+s20+$0xFFFFFFF0 ss:$0x1], $0xffff;
	[dreg:$0x17] =	wrdreg s9  }
0x328: {  	s30 =	sor.u32 $0x1B, s10;
	s24 =	sor.u32 $0x16, s10;
	v59 =	vmul.f32 v59, v7;
	[dreg:$0x15] =	wrdreg s19;
	v34 =	vadd.f32 v34, v46;
	v42 =	vmul.f32 v42, v4  }
0x329: {  	s28 =	sshllo.u32 s16, $0x5;
	s25 =	sor.u32 $0x18, s10;
	v60 =	vmul.f32 v48, v8;
	v56 =	vadd.f32 v63, v62;
	v57 =	vmul.f32 v36, v5;
	v36 =	vld.idx.msk [tilespmem:v30+s20+$0xFFFFFFF0 ss:$0x1], $0xffff;
	[dreg:$0x16] =	wrdreg s24  }
0x32a: {  	s29 =	sor.u32 $0x17, s10;
	s26 =	sor.u32 $0x19, s10;
	v62 =	vmul.f32 v52, v9;
	v39 =	vld.idx.msk [tilespmem:v31+s20+$0xFFFFFFF0 ss:$0x1], $0xffff;
	[dreg:$0x13] =	wrdreg s25;
	v34 =	vadd.f32 v38, v34;
	v42 =	vadd.f32 v42, v54  }
0x32b: {  	s22 =	sor.u32 $0x14, s10;
	s23 =	sor.u32 $0x12, s10;
	v47 =	vadd.f32 v60, v59;
	v63 =	vmul.f32 v41, v10;
	v61 =	vadd.f32 v58, v57;
	v40 =	vld.idx.msk [tilespmem:v32+s20+$0xFFFFFFF0 ss:$0x1], $0xffff;
	[dreg:$0x14] =	wrdreg s26  }
0x32c: {  	v43 =	vmul.f32 v53, v11;
	s8 =	simm.s32 $0x0;
	s19 =	sor.u32 $0x1E, s10;
	s9 =	simm.s32 $0x100;
	v41 =	vld [tilespmem:s20+$0x1B090];
	v38 =	vadd.f32 v42, v56;
	v34 =	vadd.f32 v34, v37  }
0x32d: {  	s24 =	sor.u32 $0x1C, s10;
	s25 =	sor.u32 $0x1A, s10;
	s26 =	sor.u32 $0x1D, s10;
	[tilespmem:s20+$0x1B0B0] =	vst v50;
	v45 =	vmul.f32 v55, v12;
	v37 =	vld [tilespmem:s20+$0x1B080];
	v42 =	vadd.f32 v63, v62;
	v44 =	vadd.f32 v47, v61  }
.LBB2_6:
0x32e: {  	s0 =	sshra.s32 s9, $0x2;
	v35 =	vmul.f32 v35, v13;
	v46 =	vld [tilespmem:s20+$0x1B0A0]  }
0x32f: {  	v36 =	vmul.f32 v36, v14;
	v47 =	vld.idx.msk [tilespmem:v17+s0+$0x0 ss:$0x1], $0xffff;
	v43 =	vadd.f32 v45, v43;
	v38 =	vadd.f32 v44, v38  }
0x330: {  	v39 =	vmul.f32 v39, v15;
	v44 =	vld.idx.msk [tilespmem:v18+s0+$0x0 ss:$0x1], $0xffff  }
0x331: {  	v40 =	vmul.f32 v40, v16;
	v35 =	vadd.f32 v36, v35;
	v45 =	vld.idx.msk [tilespmem:v19+s0+$0x0 ss:$0x1], $0xffff;
	v36 =	vadd.f32 v43, v42  }
0x332: {  	v33 =	vadd.f32 v33, v37;
	v42 =	vld.idx.msk [tilespmem:v20+s0+$0x0 ss:$0x1], $0xffff;
	v34 =	vadd.f32 v34, v41  }
0x333: {  	v39 =	vadd.f32 v40, v39;
	v37 =	vld.idx.msk [tilespmem:v21+s0+$0x0 ss:$0x1], $0xffff  }
0x334: {  	v40 =	vld.idx.msk [tilespmem:v22+s0+$0x0 ss:$0x1], $0xffff;
	[tilespmem:s20+$0x1B080] =	vst v33  }
0x335: {  	v33 =	vld.idx.msk [tilespmem:v23+s0+$0x0 ss:$0x1], $0xffff;
	[tilespmem:s20+$0x1B090] =	vst v34;
	v34 =	vadd.f32 v39, v35  }
0x336: {  	v35 =	vld.idx.msk [tilespmem:v24+s0+$0x0 ss:$0x1], $0xffff  }
0x337: {  	v39 =	vld.idx.msk [tilespmem:v25+s0+$0x0 ss:$0x1], $0xffff;
	v34 =	vadd.f32 v34, v36  }
0x338: {  	v36 =	vld.idx.msk [tilespmem:v26+s0+$0x0 ss:$0x1], $0xffff  }
0x339: {  	v41 =	vld.idx.msk [tilespmem:v27+s0+$0x0 ss:$0x1], $0xffff;
	v34 =	vadd.f32 v34, v38  }
0x33a: {  	v38 =	vld.idx.msk [tilespmem:v28+s0+$0x0 ss:$0x1], $0xffff  }
0x33b: {  	v43 =	vld.idx.msk [tilespmem:v29+s0+$0x0 ss:$0x1], $0xffff;
	v34 =	vadd.f32 v34, v46  }
0x33c: {  	v44 =	vmul.f32 v44, v2;
	v46 =	vmul.f32 v47, v1;
	v47 =	vld.idx.msk [tilespmem:v30+s0+$0x0 ss:$0x1], $0xffff  }
0x33d: {  	s8 =	sadd.s32 $0x4, s8;
	v45 =	vmul.f32 v45, v3;
	v42 =	vmul.f32 v42, v4;
	v48 =	vld.idx.msk [tilespmem:v31+s0+$0x0 ss:$0x1], $0xffff;
	[tilespmem:s20+$0x1B0A0] =	vst v34;
	s20 =	smov.u32 s0  }
0x33e: {  	p0 =	slt.u32 s8, $0xC4;
	v34 =	vmul.f32 v37, v5;
	v37 =	vmul.f32 v40, v6;
	v40 =	vld.idx.msk [tilespmem:v32+s20+$0x0 ss:$0x1], $0xffff  }
0x33f: {  	v33 =	vmul.f32 v33, v7;
	v35 =	vmul.f32 v35, v8;
	v49 =	vld.idx.msk [tilespmem:v17+s20+$0xFFFFFFD0 ss:$0x1], $0xffff  }
0x340: {  	v39 =	vmul.f32 v39, v9;
	v36 =	vmul.f32 v36, v10;
	v50 =	vld.idx.msk [tilespmem:v18+s20+$0xFFFFFFD0 ss:$0x1], $0xffff  }
0x341: {  	v41 =	vmul.f32 v41, v11;
	v38 =	vmul.f32 v38, v12;
	v51 =	vld.idx.msk [tilespmem:v19+s20+$0xFFFFFFD0 ss:$0x1], $0xffff  }
0x342: {  	v43 =	vmul.f32 v43, v13;
	v47 =	vmul.f32 v47, v14;
	v52 =	vld.idx.msk [tilespmem:v20+s20+$0xFFFFFFD0 ss:$0x1], $0xffff  }
0x343: {  	v42 =	vadd.f32 v42, v45;
	v44 =	vadd.f32 v44, v46;
	v48 =	vmul.f32 v48, v15;
	v53 =	vld.idx.msk [tilespmem:v21+s20+$0xFFFFFFD0 ss:$0x1], $0xffff  }
0x344: {  	v33 =	vadd.f32 v35, v33;
	v34 =	vadd.f32 v37, v34;
	v40 =	vmul.f32 v40, v16;
	v45 =	vld.idx.msk [tilespmem:v22+s20+$0xFFFFFFD0 ss:$0x1], $0xffff  }
0x345: {  	v36 =	vadd.f32 v36, v39;
	v38 =	vadd.f32 v38, v41;
	v35 =	vmul.f32 v49, v1;
	v37 =	vld.idx.msk [tilespmem:v23+s20+$0xFFFFFFD0 ss:$0x1], $0xffff  }
0x346: {  	v43 =	vadd.f32 v47, v43;
	v39 =	vmul.f32 v50, v2;
	v40 =	vadd.f32 v40, v48;
	v41 =	vld.idx.msk [tilespmem:v24+s20+$0xFFFFFFD0 ss:$0x1], $0xffff  }
0x347: {  	v42 =	vadd.f32 v42, v44;
	v33 =	vadd.f32 v33, v34;
	v46 =	vmul.f32 v51, v3;
	v47 =	vld.idx.msk [tilespmem:v25+s20+$0xFFFFFFD0 ss:$0x1], $0xffff  }
0x348: {  	v36 =	vadd.f32 v38, v36;
	v34 =	vmul.f32 v52, v4;
	v38 =	vadd.f32 v40, v43;
	v44 =	vld.idx.msk [tilespmem:v26+s20+$0xFFFFFFD0 ss:$0x1], $0xffff  }
0x349: {  	v35 =	vadd.f32 v39, v35;
	v40 =	vmul.f32 v53, v5;
	v39 =	vld [tilespmem:s20+$0x1B0B0]  }
0x34a: {  	v33 =	vadd.f32 v33, v42;
	v43 =	vmul.f32 v45, v6;
	v36 =	vadd.f32 v38, v36;
	v45 =	vld.idx.msk [tilespmem:v27+s20+$0xFFFFFFD0 ss:$0x1], $0xffff  }
0x34b: {  	v34 =	vadd.f32 v34, v46;
	v37 =	vmul.f32 v37, v7;
	v38 =	vld.idx.msk [tilespmem:v28+s20+$0xFFFFFFD0 ss:$0x1], $0xffff  }
0x34c: {  	v41 =	vmul.f32 v41, v8;
	v40 =	vadd.f32 v43, v40;
	v33 =	vadd.f32 v36, v33;
	v42 =	vld.idx.msk [tilespmem:v29+s20+$0xFFFFFFD0 ss:$0x1], $0xffff  }
0x34d: {  	v34 =	vadd.f32 v34, v35;
	v36 =	vmul.f32 v47, v9;
	v43 =	vld.idx.msk [tilespmem:v30+s20+$0xFFFFFFD0 ss:$0x1], $0xffff  }
0x34e: {  	v35 =	vmul.f32 v44, v10;
	v37 =	vadd.f32 v41, v37;
	v44 =	vld.idx.msk [tilespmem:v31+s20+$0xFFFFFFD0 ss:$0x1], $0xffff;
	v33 =	vadd.f32 v33, v39  }
0x34f: {  	v39 =	vld.idx.msk [tilespmem:v32+s20+$0xFFFFFFD0 ss:$0x1], $0xffff  }
0x350: {  	v41 =	vmul.f32 v45, v11;
	v35 =	vadd.f32 v35, v36;
	v36 =	vld.idx.msk [tilespmem:v17+s20+$0xFFFFFFE0 ss:$0x1], $0xffff;
	[tilespmem:s20+$0x1B0B0] =	vst v33  }
0x351: {  	v37 =	vadd.f32 v37, v40;
	v33 =	vmul.f32 v38, v12;
	v38 =	vld.idx.msk [tilespmem:v18+s20+$0xFFFFFFE0 ss:$0x1], $0xffff  }
0x352: {  	v40 =	vmul.f32 v42, v13;
	v42 =	vld.idx.msk [tilespmem:v19+s20+$0xFFFFFFE0 ss:$0x1], $0xffff  }
0x353: {  	v34 =	vadd.f32 v37, v34;
	v43 =	vmul.f32 v43, v14;
	v33 =	vadd.f32 v33, v41;
	v37 =	vld.idx.msk [tilespmem:v20+s20+$0xFFFFFFE0 ss:$0x1], $0xffff  }
0x354: {  	v41 =	vmul.f32 v44, v15;
	v44 =	vld.idx.msk [tilespmem:v21+s20+$0xFFFFFFE0 ss:$0x1], $0xffff  }
0x355: {  	v39 =	vmul.f32 v39, v16;
	v40 =	vadd.f32 v43, v40;
	v33 =	vadd.f32 v33, v35;
	v35 =	vld.idx.msk [tilespmem:v22+s20+$0xFFFFFFE0 ss:$0x1], $0xffff  }
0x356: {  	v36 =	vmul.f32 v36, v1;
	v43 =	vld.idx.msk [tilespmem:v23+s20+$0xFFFFFFE0 ss:$0x1], $0xffff  }
0x357: {  	v39 =	vadd.f32 v39, v41;
	v38 =	vmul.f32 v38, v2;
	v41 =	vld.idx.msk [tilespmem:v24+s20+$0xFFFFFFE0 ss:$0x1], $0xffff  }
0x358: {  	v42 =	vmul.f32 v42, v3;
	v45 =	vld.idx.msk [tilespmem:v25+s20+$0xFFFFFFE0 ss:$0x1], $0xffff  }
0x359: {  	v39 =	vadd.f32 v39, v40;
	v37 =	vmul.f32 v37, v4;
	v36 =	vadd.f32 v38, v36;
	v40 =	vld.idx.msk [tilespmem:v26+s20+$0xFFFFFFE0 ss:$0x1], $0xffff  }
0x35a: {  	v38 =	vmul.f32 v44, v5;
	v44 =	vld.idx.msk [tilespmem:v27+s20+$0xFFFFFFE0 ss:$0x1], $0xffff  }
0x35b: {  	v33 =	vadd.f32 v39, v33;
	v35 =	vmul.f32 v35, v6;
	v37 =	vadd.f32 v37, v42;
	v39 =	vld.idx.msk [tilespmem:v28+s20+$0xFFFFFFE0 ss:$0x1], $0xffff  }
0x35c: {  	v42 =	vmul.f32 v43, v7;
	v43 =	vld.idx.msk [tilespmem:v29+s20+$0xFFFFFFE0 ss:$0x1], $0xffff  }
0x35d: {  	v41 =	vmul.f32 v41, v8;
	v35 =	vadd.f32 v35, v38;
	v36 =	vadd.f32 v37, v36;
	v46 =	vld.idx.msk [tilespmem:v30+s20+$0xFFFFFFE0 ss:$0x1], $0xffff  }
0x35e: {  	v33 =	vadd.f32 v33, v34;
	v34 =	vmul.f32 v45, v9;
	v37 =	vld.idx.msk [tilespmem:v31+s20+$0xFFFFFFE0 ss:$0x1], $0xffff  }
0x35f: {  	v38 =	vmul.f32 v40, v10;
	v41 =	vadd.f32 v41, v42;
	v40 =	vld.idx.msk [tilespmem:v32+s20+$0xFFFFFFE0 ss:$0x1], $0xffff  }
0x360: {  	v42 =	vmul.f32 v44, v11;
	v44 =	vld.idx.msk [tilespmem:v17+s20+$0xFFFFFFF0 ss:$0x1], $0xffff  }
0x361: {  	v39 =	vmul.f32 v39, v12;
	v34 =	vadd.f32 v38, v34;
	v35 =	vadd.f32 v41, v35;
	v38 =	vld.idx.msk [tilespmem:v18+s20+$0xFFFFFFF0 ss:$0x1], $0xffff  }
0x362: {  	v41 =	vmul.f32 v43, v13;
	v43 =	vld.idx.msk [tilespmem:v19+s20+$0xFFFFFFF0 ss:$0x1], $0xffff  }
0x363: {  	v45 =	vmul.f32 v46, v14;
	v39 =	vadd.f32 v39, v42;
	v42 =	vadd.f32 v35, v36;
	v35 =	vld.idx.msk [tilespmem:v20+s20+$0xFFFFFFF0 ss:$0x1], $0xffff  }
0x364: {  	v36 =	vmul.f32 v37, v15;
	v37 =	vld.idx.msk [tilespmem:v21+s20+$0xFFFFFFF0 ss:$0x1], $0xffff  }
0x365: {  	v40 =	vmul.f32 v40, v16;
	v41 =	vadd.f32 v45, v41;
	v34 =	vadd.f32 v39, v34;
	v39 =	vld.idx.msk [tilespmem:v22+s20+$0xFFFFFFF0 ss:$0x1], $0xffff  }
0x366: {  	v44 =	vmul.f32 v44, v1;
	v45 =	vld.idx.msk [tilespmem:v23+s20+$0xFFFFFFF0 ss:$0x1], $0xffff  }
0x367: {  	v36 =	vadd.f32 v40, v36;
	v38 =	vmul.f32 v38, v2;
	v40 =	vld.idx.msk [tilespmem:v24+s20+$0xFFFFFFF0 ss:$0x1], $0xffff  }
0x368: {  	v43 =	vmul.f32 v43, v3;
	v46 =	vld.idx.msk [tilespmem:v25+s20+$0xFFFFFFF0 ss:$0x1], $0xffff  }
0x369: {  	v36 =	vadd.f32 v36, v41;
	v35 =	vmul.f32 v35, v4;
	v38 =	vadd.f32 v38, v44;
	v41 =	vld.idx.msk [tilespmem:v26+s20+$0xFFFFFFF0 ss:$0x1], $0xffff  }
0x36a: {  	v37 =	vmul.f32 v37, v5;
	v44 =	vld.idx.msk [tilespmem:v27+s20+$0xFFFFFFF0 ss:$0x1], $0xffff  }
0x36b: {  	v34 =	vadd.f32 v36, v34;
	v39 =	vmul.f32 v39, v6;
	v43 =	vadd.f32 v35, v43;
	v47 =	vld.idx.msk [tilespmem:v28+s20+$0xFFFFFFF0 ss:$0x1], $0xffff  }
0x36c: {  	v45 =	vmul.f32 v45, v7;
	v35 =	vld.idx.msk [tilespmem:v29+s20+$0xFFFFFFF0 ss:$0x1], $0xffff  }
.Ltmp4:
0x36d: {  	v48 =	vmul.f32 v40, v8;
	v49 =	vadd.f32 v39, v37;
	v38 =	vadd.f32 v43, v38;
	v36 =	vld.idx.msk [tilespmem:v30+s20+$0xFFFFFFF0 ss:$0x1], $0xffff;
	(pc) =	sbr.rel @p0 .LBB2_6-.Ltmp4, $4  }
0x36e: {  	v34 =	vadd.f32 v34, v42;
	v42 =	vmul.f32 v46, v9;
	v39 =	vld.idx.msk [tilespmem:v31+s20+$0xFFFFFFF0 ss:$0x1], $0xffff  }
0x36f: {  	v46 =	vmul.f32 v41, v10;
	v48 =	vadd.f32 v48, v45;
	v40 =	vld.idx.msk [tilespmem:v32+s20+$0xFFFFFFF0 ss:$0x1], $0xffff  }
0x370: {  	v43 =	vmul.f32 v44, v11;
	v37 =	vld [tilespmem:s20+$0x1B080]  }
0x371: {  	s9 =	sadd.s32 $0x100, s9;
	v45 =	vmul.f32 v47, v12;
	v42 =	vadd.f32 v46, v42;
	v44 =	vadd.f32 v48, v49;
	v41 =	vld [tilespmem:s20+$0x1B090]  }
0x372: {  	_ = 	snop  }
0x373: {  	v17 =	vmul.f32 v35, v13;
	v18 =	vmul.f32 v36, v14  }
0x374: {  	v19 =	vmul.f32 v39, v15;
	v20 =	vmul.f32 v40, v16  }
0x375: {  	v21 =	vadd.f32 v45, v43  }
0x376: {  	v17 =	vadd.f32 v18, v17;
	v18 =	vadd.f32 v20, v19;
	_ =	sdelay $0x1  }
0x377: {  	v19 =	vadd.f32 v21, v42;
	v17 =	vadd.f32 v18, v17  }
0x378: {  	v18 =	vld [tilespmem:s20+$0x1B0A0]  }
0x379: {  	s31 =	sadd.s32 $0x5180, s31;
	s5 =	sadd.s32 $0x4480, s5;
	v20 =	vadd.f32 v44, v38;
	v17 =	vadd.f32 v17, v19  }
0x37a: {  	s0 =	sadd.s32 $0x380, s12;
	s1 =	sadd.s32 $0x7880, s1;
	s2 =	sadd.s32 $0x6B80, s2;
	v22 =	vmov s5;
	v23 =	vmov s31  }
0x37b: {  	s12 =	sadd.s32 $0x3780, s13;
	s13 =	sadd.s32 $0x9F80, s15;
	s14 =	sadd.s32 $0x9280, s14;
	v25 =	vmov s2;
	v26 =	vmov s1;
	v17 =	vadd.f32 v17, v20  }
0x37c: {  	v28 =	vmov s14;
	v29 =	vmov s13;
	v24 =	vadd.f32 v33, v37  }
0x37d: {  	s9 =	sadd.s32 $0x1080, s21;
	s15 =	sadd.s32 $0xC680, s6;
	s21 =	sadd.s32 $0xB980, s18;
	v27 =	vadd.f32 v34, v41;
	v30 =	vadd.f32 v17, v18;
	v17 =	vmov s0  }
0x37e: {  	s7 =	sadd.s32 $0x1D80, s7;
	s4 =	sadd.s32 $0x5E80, s4;
	v31 =	vmov s21;
	v32 =	vmov s15;
	[tilespmem:s20+$0x1B080] =	vst v24;
	v18 =	vmov s9  }
0x37f: {  	s8 =	sadd.s32 $0x2A80, s11;
	s3 =	sadd.s32 $0x8580, s3;
	s31 =	sadd.s32 $0xAC80, s17;
	v21 =	vmov s12;
	v24 =	vmov s4;
	[tilespmem:s20+$0x1B090] =	vst v27;
	v19 =	vmov s7  }
0x380: {  	v27 =	vmov s3;
	v20 =	vmov s8;
	s0 =	simm.s32 $0x3200;
	[tilespmem:s20+$0x1B0A0] =	vst v30;
	v30 =	vmov s31  }
.LBB2_8:
0x381: {  	s1 =	sshra.s32 s0, $0x2  }
0x382: {  	v33 =	vld.idx.msk [tilespmem:v17+s1+$0x0 ss:$0x1], $0xffff  }
0x383: {  	v34 =	vld.idx.msk [tilespmem:v18+s1+$0x0 ss:$0x1], $0xffff  }
0x384: {  	v35 =	vld.idx.msk [tilespmem:v19+s1+$0x0 ss:$0x1], $0xffff  }
0x385: {  	v36 =	vld.idx.msk [tilespmem:v20+s1+$0x0 ss:$0x1], $0xffff  }
0x386: {  	v37 =	vld.idx.msk [tilespmem:v21+s1+$0x0 ss:$0x1], $0xffff  }
0x387: {  	v38 =	vld.idx.msk [tilespmem:v22+s1+$0x0 ss:$0x1], $0xffff  }
0x388: {  	v39 =	vld.idx.msk [tilespmem:v23+s1+$0x0 ss:$0x1], $0xffff  }
0x389: {  	v40 =	vld.idx.msk [tilespmem:v24+s1+$0x0 ss:$0x1], $0xffff  }
0x38a: {  	v41 =	vld.idx.msk [tilespmem:v25+s1+$0x0 ss:$0x1], $0xffff  }
0x38b: {  	v42 =	vld.idx.msk [tilespmem:v26+s1+$0x0 ss:$0x1], $0xffff  }
0x38c: {  	v43 =	vld.idx.msk [tilespmem:v27+s1+$0x0 ss:$0x1], $0xffff  }
0x38d: {  	v44 =	vld.idx.msk [tilespmem:v28+s1+$0x0 ss:$0x1], $0xffff  }
0x38e: {  	v45 =	vld.idx.msk [tilespmem:v29+s1+$0x0 ss:$0x1], $0xffff;
	v33 =	vmul.f32 v33, v1;
	v34 =	vmul.f32 v34, v2  }
0x38f: {  	v46 =	vld.idx.msk [tilespmem:v30+s1+$0x0 ss:$0x1], $0xffff;
	v35 =	vmul.f32 v35, v3;
	v36 =	vmul.f32 v36, v4  }
0x390: {  	v47 =	vld.idx.msk [tilespmem:v31+s1+$0x0 ss:$0x1], $0xffff;
	v37 =	vmul.f32 v37, v5;
	v38 =	vmul.f32 v38, v6  }
0x391: {  	v48 =	vld.idx.msk [tilespmem:v32+s1+$0x0 ss:$0x1], $0xffff;
	v39 =	vmul.f32 v39, v7;
	v40 =	vmul.f32 v40, v8  }
0x392: {  	v41 =	vmul.f32 v41, v9;
	v42 =	vmul.f32 v42, v10  }
0x393: {  	v43 =	vmul.f32 v43, v11;
	v44 =	vmul.f32 v44, v12  }
0x394: {  	v45 =	vmul.f32 v45, v13;
	v46 =	vmul.f32 v46, v14  }
0x395: {  	v47 =	vmul.f32 v47, v15;
	v33 =	vadd.f32 v34, v33;
	v53 =	vadd.f32 v36, v35  }
0x396: {  	v54 =	vmul.f32 v48, v16;
	v55 =	vadd.f32 v38, v37;
	v56 =	vadd.f32 v40, v39  }
0x397: {  	v57 =	vadd.f32 v42, v41;
	v58 =	vadd.f32 v44, v43  }
0x398: {  	v59 =	vadd.f32 v46, v45;
	v35 =	vadd.f32 v54, v47  }
0x399: {  	v33 =	vadd.f32 v53, v33;
	v60 =	vadd.f32 v56, v55  }
0x39a: {  	v61 =	vadd.f32 v58, v57;
	v35 =	vadd.f32 v35, v59  }
0x39b: {  	v62 =	vld [tilespmem:s1+$0x1B080]  }
0x39c: {  	v33 =	vadd.f32 v60, v33;
	v63 =	vadd.f32 v35, v61  }
0x39d: {  	p0 =	sne.s32 s0, $0x3240  }
.Ltmp5:
0x39e: {  	v33 =	vadd.f32 v63, v33;
	(pc) =	sbr.rel @p0 .LBB2_8-.Ltmp5, $3  }
0x39f: {  	_ = 	snop  }
0x3a0: {  	v33 =	vadd.f32 v33, v62;
	_ =	sdelay $0x1  }
0x3a1: {  	s0 =	sadd.s32 $0x40, s0;
	[tilespmem:s1+$0x1B080] =	vst v33  }
0x3a2: {  	p0 =	seq.s32 s16, $0x7  }
.Ltmp6:
0x3a3: {  	_ = 	snop;
	(pc) =	sbr.rel @p0 .LBB2_11-.Ltmp6, $1  }
0x3a4: {  	_ =	sdelay $0x3  }
0x3a5: {  	v1 =	vld [tilespmem:s10+$0x20];
	_ =	sdelay $0x4  }
0x3a6: {  	(v2sf) =	vpush v1, $0x0;
	_ =	sdelay $0xe  }
0x3a7: {  	s5 =	rddreg [dreg:$0x9];
	s0 =	spop (v2sf)  }
0x3a8: {  	s1 =	sadd.s32 s5, s0;
	s0 =	sand.u32 $0xF, s0  }
0x3a9: {  	s2 =	sshra.s32 s1, $0x1F;
	p0 =	slt.s32 s1, $0x1;
	p1 =	sne.s32 s0, $0x0  }
0x3aa: {  	s6 =	sshrl.u32 s2, $0x1C;
	p0 =	por !p0, !p1  }
0x3ab: {  	s0 =	sadd.s32 s6, s1;
	p0 =	por !p0, !p0;
	s1 =	simm.s32 $0x1  }
0x3ac: {  	s0 =	sshrl.u32 s0, $0x4;
	s1 =	simm.s32 @!p0 $0x0  }
0x3ad: {  	s0 =	ssub.s32 s0, s1  }
0x3ae: {  	s0 =	sshll.u32 s0, $0x4  }
0x3af: {  	p0 =	slt.s32 s0, $0x17D6B90  }
0x3b0: {  	s0 =	simm.s32 @!p0 $0x17D6B90  }
0x3b1: {  	s3 =	rddreg [dreg:$0x0];
	s0 =	sshrl.u32 s0, $0x3  }
0x3b2: {  	s4 =	simm.s32 $0x0;
	s7 =	simm.s32 $0x380;
	s0 =	sadd.s32 s3, s0  }
0x3b3: {  	[tilespmem:s7], [sflag:$0x1] =	stream.linear.gather [hbm4b:s0+s4], $0xCB0, $0x38;
	[tilespmem:$0x1CA80] =	vst v63  }
0x3b4: {  	v1 =	vld [tilespmem:s10+$0x21];
	_ =	sdelay $0x4  }
0x3b5: {  	(v2sf) =	vpush v1, $0x0;
	_ =	sdelay $0xe  }
0x3b6: {  	s8 =	spop (v2sf)  }
0x3b7: {  	s9 =	sadd.s32 s5, s8;
	s0 =	sand.u32 $0xF, s8  }
0x3b8: {  	s11 =	sshra.s32 s9, $0x1F;
	p1 =	slt.s32 s9, $0x1;
	p2 =	sne.s32 s0, $0x0  }
0x3b9: {  	s12 =	sshrl.u32 s11, $0x1C;
	p0 =	por !p1, !p2  }
0x3ba: {  	s1 =	simm.s32 $0x1;
	s0 =	sadd.s32 s12, s9;
	p0 =	por !p0, !p0  }
0x3bb: {  	s0 =	sshrl.u32 s0, $0x4;
	s1 =	simm.s32 @!p0 $0x0  }
0x3bc: {  	s0 =	ssub.s32 s0, s1  }
0x3bd: {  	s0 =	sshll.u32 s0, $0x4  }
0x3be: {  	p0 =	slt.s32 s0, $0x17D6B90  }
0x3bf: {  	s0 =	simm.s32 @!p0 $0x17D6B90  }
0x3c0: {  	s0 =	sshrl.u32 s0, $0x3  }
0x3c1: {  	s13 =	simm.s32 $0x1080;
	s0 =	sadd.s32 s3, s0  }
0x3c2: {  	[tilespmem:s13], [sflag:$0x1] =	stream.linear.gather [hbm4b:s0+s4], $0xCB0, $0x38;
	[tilespmem:$0x1CA80] =	vst v63  }
0x3c3: {  	v1 =	vld [tilespmem:s10+$0x22];
	_ =	sdelay $0x4  }
0x3c4: {  	(v2sf) =	vpush v1, $0x0;
	_ =	sdelay $0xe  }
0x3c5: {  	s14 =	spop (v2sf)  }
0x3c6: {  	s15 =	sadd.s32 s5, s14;
	s0 =	sand.u32 $0xF, s14  }
0x3c7: {  	s16 =	sshra.s32 s15, $0x1F;
	p3 =	slt.s32 s15, $0x1;
	p4 =	sne.s32 s0, $0x0  }
0x3c8: {  	s17 =	sshrl.u32 s16, $0x1C;
	p0 =	por !p3, !p4  }
0x3c9: {  	s1 =	simm.s32 $0x1;
	s0 =	sadd.s32 s17, s15;
	p0 =	por !p0, !p0  }
0x3ca: {  	s0 =	sshrl.u32 s0, $0x4;
	s1 =	simm.s32 @!p0 $0x0  }
0x3cb: {  	s0 =	ssub.s32 s0, s1  }
0x3cc: {  	s0 =	sshll.u32 s0, $0x4  }
0x3cd: {  	p0 =	slt.s32 s0, $0x17D6B90  }
0x3ce: {  	s0 =	simm.s32 @!p0 $0x17D6B90  }
0x3cf: {  	s0 =	sshrl.u32 s0, $0x3  }
0x3d0: {  	s18 =	simm.s32 $0x1D80;
	s0 =	sadd.s32 s3, s0  }
0x3d1: {  	[tilespmem:s18], [sflag:$0x1] =	stream.linear.gather [hbm4b:s0+s4], $0xCB0, $0x38;
	[tilespmem:$0x1CA80] =	vst v63  }
0x3d2: {  	v1 =	vld [tilespmem:s10+$0x23];
	_ =	sdelay $0x4  }
0x3d3: {  	(v2sf) =	vpush v1, $0x0;
	_ =	sdelay $0xe  }
0x3d4: {  	s20 =	spop (v2sf)  }
0x3d5: {  	s21 =	sadd.s32 s5, s20;
	s0 =	sand.u32 $0xF, s20  }
0x3d6: {  	s31 =	sshra.s32 s21, $0x1F;
	p5 =	slt.s32 s21, $0x1;
	p6 =	sne.s32 s0, $0x0  }
0x3d7: {  	s6 =	sshrl.u32 s31, $0x1C;
	p0 =	por !p5, !p6  }
0x3d8: {  	s1 =	simm.s32 $0x1;
	s0 =	sadd.s32 s6, s21;
	p0 =	por !p0, !p0  }
0x3d9: {  	s0 =	sshrl.u32 s0, $0x4;
	s1 =	simm.s32 @!p0 $0x0  }
0x3da: {  	s0 =	ssub.s32 s0, s1  }
0x3db: {  	s0 =	sshll.u32 s0, $0x4  }
0x3dc: {  	p0 =	slt.s32 s0, $0x17D6B90  }
0x3dd: {  	s0 =	simm.s32 @!p0 $0x17D6B90  }
0x3de: {  	s0 =	sshrl.u32 s0, $0x3  }
0x3df: {  	s7 =	simm.s32 $0x2A80;
	s0 =	sadd.s32 s3, s0  }
0x3e0: {  	[tilespmem:s7], [sflag:$0x1] =	stream.linear.gather [hbm4b:s0+s4], $0xCB0, $0x38;
	[tilespmem:$0x1CA80] =	vst v63  }
0x3e1: {  	v1 =	vld [tilespmem:s10+$0x24];
	_ =	sdelay $0x4  }
0x3e2: {  	(v2sf) =	vpush v1, $0x0;
	_ =	sdelay $0xe  }
0x3e3: {  	s8 =	spop (v2sf)  }
0x3e4: {  	s9 =	sadd.s32 s5, s8;
	s0 =	sand.u32 $0xF, s8  }
0x3e5: {  	s11 =	sshra.s32 s9, $0x1F;
	p1 =	slt.s32 s9, $0x1;
	p2 =	sne.s32 s0, $0x0  }
0x3e6: {  	s12 =	sshrl.u32 s11, $0x1C;
	p0 =	por !p1, !p2  }
0x3e7: {  	s1 =	simm.s32 $0x1;
	s0 =	sadd.s32 s12, s9;
	p0 =	por !p0, !p0  }
0x3e8: {  	s0 =	sshrl.u32 s0, $0x4;
	s1 =	simm.s32 @!p0 $0x0  }
0x3e9: {  	s0 =	ssub.s32 s0, s1  }
0x3ea: {  	s0 =	sshll.u32 s0, $0x4  }
0x3eb: {  	p0 =	slt.s32 s0, $0x17D6B90  }
0x3ec: {  	s0 =	simm.s32 @!p0 $0x17D6B90  }
0x3ed: {  	s0 =	sshrl.u32 s0, $0x3  }
0x3ee: {  	s13 =	simm.s32 $0x3780;
	s0 =	sadd.s32 s3, s0  }
0x3ef: {  	[tilespmem:s13], [sflag:$0x1] =	stream.linear.gather [hbm4b:s0+s4], $0xCB0, $0x38;
	[tilespmem:$0x1CA80] =	vst v63  }
0x3f0: {  	v1 =	vld [tilespmem:s10+$0x25];
	_ =	sdelay $0x4  }
0x3f1: {  	(v2sf) =	vpush v1, $0x0;
	_ =	sdelay $0xe  }
0x3f2: {  	s14 =	spop (v2sf)  }
0x3f3: {  	s15 =	sadd.s32 s5, s14;
	s0 =	sand.u32 $0xF, s14  }
0x3f4: {  	s16 =	sshra.s32 s15, $0x1F;
	p3 =	slt.s32 s15, $0x1;
	p4 =	sne.s32 s0, $0x0  }
0x3f5: {  	s17 =	sshrl.u32 s16, $0x1C;
	p0 =	por !p3, !p4  }
0x3f6: {  	s1 =	simm.s32 $0x1;
	s0 =	sadd.s32 s17, s15;
	p0 =	por !p0, !p0  }
0x3f7: {  	s0 =	sshrl.u32 s0, $0x4;
	s1 =	simm.s32 @!p0 $0x0  }
0x3f8: {  	s0 =	ssub.s32 s0, s1  }
0x3f9: {  	s0 =	sshll.u32 s0, $0x4  }
0x3fa: {  	p0 =	slt.s32 s0, $0x17D6B90  }
0x3fb: {  	s0 =	simm.s32 @!p0 $0x17D6B90  }
0x3fc: {  	s0 =	sshrl.u32 s0, $0x3  }
0x3fd: {  	s18 =	simm.s32 $0x4480;
	s0 =	sadd.s32 s3, s0  }
0x3fe: {  	[tilespmem:s18], [sflag:$0x1] =	stream.linear.gather [hbm4b:s0+s4], $0xCB0, $0x38;
	[tilespmem:$0x1CA80] =	vst v63  }
0x3ff: {  	v1 =	vld [tilespmem:s10+$0x26];
	_ =	sdelay $0x4  }
0x400: {  	(v2sf) =	vpush v1, $0x0;
	_ =	sdelay $0xe  }
0x401: {  	s20 =	spop (v2sf)  }
0x402: {  	s21 =	sadd.s32 s5, s20;
	s0 =	sand.u32 $0xF, s20  }
0x403: {  	s31 =	sshra.s32 s21, $0x1F;
	p5 =	slt.s32 s21, $0x1;
	p6 =	sne.s32 s0, $0x0  }
0x404: {  	s6 =	sshrl.u32 s31, $0x1C;
	p0 =	por !p5, !p6  }
0x405: {  	s1 =	simm.s32 $0x1;
	s0 =	sadd.s32 s6, s21;
	p0 =	por !p0, !p0  }
0x406: {  	s0 =	sshrl.u32 s0, $0x4;
	s1 =	simm.s32 @!p0 $0x0  }
0x407: {  	s0 =	ssub.s32 s0, s1  }
0x408: {  	s0 =	sshll.u32 s0, $0x4  }
0x409: {  	p0 =	slt.s32 s0, $0x17D6B90  }
0x40a: {  	s0 =	simm.s32 @!p0 $0x17D6B90  }
0x40b: {  	s0 =	sshrl.u32 s0, $0x3  }
0x40c: {  	s7 =	simm.s32 $0x5180;
	s0 =	sadd.s32 s3, s0  }
0x40d: {  	[tilespmem:s7], [sflag:$0x1] =	stream.linear.gather [hbm4b:s0+s4], $0xCB0, $0x38;
	[tilespmem:$0x1CA80] =	vst v63  }
0x40e: {  	v1 =	vld [tilespmem:s10+$0x27];
	_ =	sdelay $0x4  }
0x40f: {  	(v2sf) =	vpush v1, $0x0;
	_ =	sdelay $0xe  }
0x410: {  	s8 =	spop (v2sf)  }
0x411: {  	s9 =	sadd.s32 s5, s8;
	s0 =	sand.u32 $0xF, s8  }
0x412: {  	s11 =	sshra.s32 s9, $0x1F;
	p1 =	slt.s32 s9, $0x1;
	p2 =	sne.s32 s0, $0x0  }
0x413: {  	s12 =	sshrl.u32 s11, $0x1C;
	p0 =	por !p1, !p2  }
0x414: {  	s1 =	simm.s32 $0x1;
	s0 =	sadd.s32 s12, s9;
	p0 =	por !p0, !p0  }
0x415: {  	s0 =	sshrl.u32 s0, $0x4;
	s1 =	simm.s32 @!p0 $0x0  }
0x416: {  	s0 =	ssub.s32 s0, s1  }
0x417: {  	s0 =	sshll.u32 s0, $0x4  }
0x418: {  	p0 =	slt.s32 s0, $0x17D6B90  }
0x419: {  	s0 =	simm.s32 @!p0 $0x17D6B90  }
0x41a: {  	s0 =	sshrl.u32 s0, $0x3  }
0x41b: {  	s13 =	simm.s32 $0x5E80;
	s0 =	sadd.s32 s3, s0  }
0x41c: {  	[tilespmem:s13], [sflag:$0x1] =	stream.linear.gather [hbm4b:s0+s4], $0xCB0, $0x38;
	[tilespmem:$0x1CA80] =	vst v63  }
0x41d: {  	v1 =	vld [tilespmem:s10+$0x28];
	_ =	sdelay $0x4  }
0x41e: {  	(v2sf) =	vpush v1, $0x0;
	_ =	sdelay $0xe  }
0x41f: {  	s14 =	spop (v2sf)  }
0x420: {  	s15 =	sadd.s32 s5, s14;
	s0 =	sand.u32 $0xF, s14  }
0x421: {  	s16 =	sshra.s32 s15, $0x1F;
	p3 =	slt.s32 s15, $0x1;
	p4 =	sne.s32 s0, $0x0  }
0x422: {  	s17 =	sshrl.u32 s16, $0x1C;
	p0 =	por !p3, !p4  }
0x423: {  	s1 =	simm.s32 $0x1;
	s0 =	sadd.s32 s17, s15;
	p0 =	por !p0, !p0  }
0x424: {  	s0 =	sshrl.u32 s0, $0x4;
	s1 =	simm.s32 @!p0 $0x0  }
0x425: {  	s0 =	ssub.s32 s0, s1  }
0x426: {  	s0 =	sshll.u32 s0, $0x4  }
0x427: {  	p0 =	slt.s32 s0, $0x17D6B90  }
0x428: {  	s0 =	simm.s32 @!p0 $0x17D6B90  }
0x429: {  	s0 =	sshrl.u32 s0, $0x3  }
0x42a: {  	s18 =	simm.s32 $0x6B80;
	s0 =	sadd.s32 s3, s0  }
0x42b: {  	[tilespmem:s18], [sflag:$0x1] =	stream.linear.gather [hbm4b:s0+s4], $0xCB0, $0x38;
	[tilespmem:$0x1CA80] =	vst v63  }
0x42c: {  	v1 =	vld [tilespmem:s10+$0x29];
	_ =	sdelay $0x4  }
0x42d: {  	(v2sf) =	vpush v1, $0x0;
	_ =	sdelay $0xe  }
0x42e: {  	s20 =	spop (v2sf)  }
0x42f: {  	s21 =	sadd.s32 s5, s20;
	s0 =	sand.u32 $0xF, s20  }
0x430: {  	s31 =	sshra.s32 s21, $0x1F;
	p5 =	slt.s32 s21, $0x1;
	p6 =	sne.s32 s0, $0x0  }
0x431: {  	s2 =	sshrl.u32 s31, $0x1C;
	p0 =	por !p5, !p6  }
0x432: {  	s1 =	simm.s32 $0x1;
	s0 =	sadd.s32 s2, s21;
	p0 =	por !p0, !p0  }
0x433: {  	s0 =	sshrl.u32 s0, $0x4;
	s1 =	simm.s32 @!p0 $0x0  }
0x434: {  	s0 =	ssub.s32 s0, s1  }
0x435: {  	s0 =	sshll.u32 s0, $0x4  }
0x436: {  	p0 =	slt.s32 s0, $0x17D6B90  }
0x437: {  	s0 =	simm.s32 @!p0 $0x17D6B90  }
0x438: {  	s0 =	sshrl.u32 s0, $0x3  }
0x439: {  	s6 =	simm.s32 $0x7880;
	s0 =	sadd.s32 s3, s0  }
0x43a: {  	[tilespmem:s6], [sflag:$0x1] =	stream.linear.gather [hbm4b:s0+s4], $0xCB0, $0x38;
	[tilespmem:$0x1CA80] =	vst v63  }
0x43b: {  	v1 =	vld [tilespmem:s10+$0x2A];
	_ =	sdelay $0x4  }
0x43c: {  	(v2sf) =	vpush v1, $0x0;
	_ =	sdelay $0xe  }
0x43d: {  	s7 =	spop (v2sf)  }
0x43e: {  	s8 =	sadd.s32 s5, s7;
	s0 =	sand.u32 $0xF, s7  }
0x43f: {  	s9 =	sshra.s32 s8, $0x1F;
	p1 =	slt.s32 s8, $0x1;
	p2 =	sne.s32 s0, $0x0  }
0x440: {  	s11 =	sshrl.u32 s9, $0x1C;
	p0 =	por !p1, !p2  }
0x441: {  	s1 =	simm.s32 $0x1;
	s0 =	sadd.s32 s11, s8;
	p0 =	por !p0, !p0  }
0x442: {  	s0 =	sshrl.u32 s0, $0x4;
	s1 =	simm.s32 @!p0 $0x0  }
0x443: {  	s0 =	ssub.s32 s0, s1  }
0x444: {  	s0 =	sshll.u32 s0, $0x4  }
0x445: {  	p0 =	slt.s32 s0, $0x17D6B90  }
0x446: {  	s0 =	simm.s32 @!p0 $0x17D6B90  }
0x447: {  	s0 =	sshrl.u32 s0, $0x3  }
0x448: {  	s12 =	simm.s32 $0x8580;
	s0 =	sadd.s32 s3, s0  }
0x449: {  	[tilespmem:s12], [sflag:$0x1] =	stream.linear.gather [hbm4b:s0+s4], $0xCB0, $0x38;
	[tilespmem:$0x1CA80] =	vst v63  }
0x44a: {  	v1 =	vld [tilespmem:s10+$0x2B];
	_ =	sdelay $0x4  }
0x44b: {  	(v2sf) =	vpush v1, $0x0;
	_ =	sdelay $0xe  }
0x44c: {  	s13 =	spop (v2sf)  }
0x44d: {  	s14 =	sadd.s32 s5, s13;
	s0 =	sand.u32 $0xF, s13  }
0x44e: {  	s15 =	sshra.s32 s14, $0x1F;
	p3 =	slt.s32 s14, $0x1;
	p4 =	sne.s32 s0, $0x0  }
0x44f: {  	s16 =	sshrl.u32 s15, $0x1C;
	p0 =	por !p3, !p4  }
0x450: {  	s1 =	simm.s32 $0x1;
	s0 =	sadd.s32 s16, s14;
	p0 =	por !p0, !p0  }
0x451: {  	s0 =	sshrl.u32 s0, $0x4;
	s1 =	simm.s32 @!p0 $0x0  }
0x452: {  	s0 =	ssub.s32 s0, s1  }
0x453: {  	s0 =	sshll.u32 s0, $0x4  }
0x454: {  	p0 =	slt.s32 s0, $0x17D6B90  }
0x455: {  	s0 =	simm.s32 @!p0 $0x17D6B90  }
0x456: {  	s0 =	sshrl.u32 s0, $0x3  }
0x457: {  	s17 =	simm.s32 $0x9280;
	s0 =	sadd.s32 s3, s0  }
0x458: {  	[tilespmem:s17], [sflag:$0x1] =	stream.linear.gather [hbm4b:s0+s4], $0xCB0, $0x38;
	[tilespmem:$0x1CA80] =	vst v63  }
0x459: {  	v1 =	vld [tilespmem:s10+$0x2C];
	_ =	sdelay $0x4  }
0x45a: {  	(v2sf) =	vpush v1, $0x0;
	_ =	sdelay $0xe  }
0x45b: {  	s18 =	spop (v2sf)  }
0x45c: {  	s20 =	sadd.s32 s5, s18;
	s0 =	sand.u32 $0xF, s18  }
0x45d: {  	s21 =	sshra.s32 s20, $0x1F;
	p5 =	slt.s32 s20, $0x1;
	p6 =	sne.s32 s0, $0x0  }
0x45e: {  	s31 =	sshrl.u32 s21, $0x1C;
	p0 =	por !p5, !p6  }
0x45f: {  	s1 =	simm.s32 $0x1;
	s0 =	sadd.s32 s31, s20;
	p0 =	por !p0, !p0  }
0x460: {  	s0 =	sshrl.u32 s0, $0x4;
	s1 =	simm.s32 @!p0 $0x0  }
0x461: {  	s0 =	ssub.s32 s0, s1  }
0x462: {  	s0 =	sshll.u32 s0, $0x4  }
0x463: {  	p0 =	slt.s32 s0, $0x17D6B90  }
0x464: {  	s0 =	simm.s32 @!p0 $0x17D6B90  }
0x465: {  	s0 =	sshrl.u32 s0, $0x3  }
0x466: {  	s2 =	simm.s32 $0x9F80;
	s0 =	sadd.s32 s3, s0  }
0x467: {  	[tilespmem:s2], [sflag:$0x1] =	stream.linear.gather [hbm4b:s0+s4], $0xCB0, $0x38;
	[tilespmem:$0x1CA80] =	vst v63  }
0x468: {  	v1 =	vld [tilespmem:s10+$0x2D];
	_ =	sdelay $0x4  }
0x469: {  	(v2sf) =	vpush v1, $0x0;
	_ =	sdelay $0xe  }
0x46a: {  	s6 =	spop (v2sf)  }
0x46b: {  	s7 =	sadd.s32 s5, s6;
	s0 =	sand.u32 $0xF, s6  }
0x46c: {  	s8 =	sshra.s32 s7, $0x1F;
	p1 =	slt.s32 s7, $0x1;
	p2 =	sne.s32 s0, $0x0  }
0x46d: {  	s9 =	sshrl.u32 s8, $0x1C;
	p0 =	por !p1, !p2  }
0x46e: {  	s1 =	simm.s32 $0x1;
	s0 =	sadd.s32 s9, s7;
	p0 =	por !p0, !p0  }
0x46f: {  	s0 =	sshrl.u32 s0, $0x4;
	s1 =	simm.s32 @!p0 $0x0  }
0x470: {  	s0 =	ssub.s32 s0, s1  }
0x471: {  	s0 =	sshll.u32 s0, $0x4  }
0x472: {  	p0 =	slt.s32 s0, $0x17D6B90  }
0x473: {  	s0 =	simm.s32 @!p0 $0x17D6B90  }
0x474: {  	s0 =	sshrl.u32 s0, $0x3  }
0x475: {  	s11 =	simm.s32 $0xAC80;
	s0 =	sadd.s32 s3, s0  }
0x476: {  	[tilespmem:s11], [sflag:$0x1] =	stream.linear.gather [hbm4b:s0+s4], $0xCB0, $0x38;
	[tilespmem:$0x1CA80] =	vst v63  }
0x477: {  	v1 =	vld [tilespmem:s10+$0x2E];
	_ =	sdelay $0x4  }
0x478: {  	(v2sf) =	vpush v1, $0x0;
	_ =	sdelay $0xe  }
0x479: {  	s12 =	spop (v2sf)  }
0x47a: {  	s13 =	sadd.s32 s5, s12;
	s0 =	sand.u32 $0xF, s12  }
0x47b: {  	s14 =	sshra.s32 s13, $0x1F;
	p3 =	slt.s32 s13, $0x1;
	p4 =	sne.s32 s0, $0x0  }
0x47c: {  	s15 =	sshrl.u32 s14, $0x1C;
	p0 =	por !p3, !p4  }
0x47d: {  	s1 =	simm.s32 $0x1;
	s0 =	sadd.s32 s15, s13;
	p0 =	por !p0, !p0  }
0x47e: {  	s0 =	sshrl.u32 s0, $0x4;
	s1 =	simm.s32 @!p0 $0x0  }
0x47f: {  	s0 =	ssub.s32 s0, s1  }
0x480: {  	s0 =	sshll.u32 s0, $0x4  }
0x481: {  	p0 =	slt.s32 s0, $0x17D6B90  }
0x482: {  	s0 =	simm.s32 @!p0 $0x17D6B90  }
0x483: {  	s0 =	sshrl.u32 s0, $0x3  }
0x484: {  	s16 =	simm.s32 $0xB980;
	s0 =	sadd.s32 s3, s0  }
0x485: {  	[tilespmem:s16], [sflag:$0x1] =	stream.linear.gather [hbm4b:s0+s4], $0xCB0, $0x38;
	[tilespmem:$0x1CA80] =	vst v63  }
0x486: {  	v1 =	vld [tilespmem:s10+$0x2F];
	_ =	sdelay $0x4  }
0x487: {  	(v2sf) =	vpush v1, $0x0;
	_ =	sdelay $0xe  }
0x488: {  	s17 =	spop (v2sf)  }
0x489: {  	s18 =	sadd.s32 s5, s17;
	s0 =	sand.u32 $0xF, s17  }
0x48a: {  	s20 =	sshra.s32 s18, $0x1F;
	p5 =	slt.s32 s18, $0x1;
	p6 =	sne.s32 s0, $0x0  }
0x48b: {  	s21 =	sshrl.u32 s20, $0x1C;
	p0 =	por !p5, !p6  }
0x48c: {  	s1 =	simm.s32 $0x1;
	s0 =	sadd.s32 s21, s18;
	p0 =	por !p0, !p0  }
0x48d: {  	s0 =	sshrl.u32 s0, $0x4;
	s1 =	simm.s32 @!p0 $0x0  }
0x48e: {  	s0 =	ssub.s32 s0, s1  }
0x48f: {  	s0 =	sshll.u32 s0, $0x4  }
0x490: {  	p0 =	slt.s32 s0, $0x17D6B90  }
0x491: {  	s0 =	simm.s32 @!p0 $0x17D6B90  }
0x492: {  	s0 =	sshrl.u32 s0, $0x3  }
0x493: {  	s31 =	simm.s32 $0xC680;
	s0 =	sadd.s32 s3, s0  }
0x494: {  	[tilespmem:s31], [sflag:$0x1] =	stream.linear.gather [hbm4b:s0+s4], $0xCB0, $0x38;
	[tilespmem:$0x1CA80] =	vst v63  }
.LBB2_11:
0x495: {  	s0 =	simm.s32 $0x2  }
0x496: {  	_ =	swait.ge [sflag:s0], $0xCB0  }
0x497: {  	[sflag:s0] =	ssyncset.done $0x0  }
0x498: {  	[sflag:s0] =	ssyncadd.s32 $0xFFFFF350  }
0x499: {  	_ =	swait.ge [sflag:s0], $0xCB0  }
0x49a: {  	[sflag:s0] =	ssyncset.done $0x0  }
0x49b: {  	[sflag:s0] =	ssyncadd.s32 $0xFFFFF350  }
0x49c: {  	_ =	swait.ge [sflag:s0], $0xCB0  }
0x49d: {  	[sflag:s0] =	ssyncset.done $0x0  }
0x49e: {  	[sflag:s0] =	ssyncadd.s32 $0xFFFFF350  }
0x49f: {  	_ =	swait.ge [sflag:s0], $0xCB0  }
0x4a0: {  	[sflag:s0] =	ssyncset.done $0x0  }
0x4a1: {  	[sflag:s0] =	ssyncadd.s32 $0xFFFFF350  }
0x4a2: {  	_ =	swait.ge [sflag:s0], $0xCB0  }
0x4a3: {  	[sflag:s0] =	ssyncset.done $0x0  }
0x4a4: {  	[sflag:s0] =	ssyncadd.s32 $0xFFFFF350  }
0x4a5: {  	_ =	swait.ge [sflag:s0], $0xCB0  }
0x4a6: {  	[sflag:s0] =	ssyncset.done $0x0  }
0x4a7: {  	[sflag:s0] =	ssyncadd.s32 $0xFFFFF350  }
0x4a8: {  	_ =	swait.ge [sflag:s0], $0xCB0  }
0x4a9: {  	[sflag:s0] =	ssyncset.done $0x0  }
0x4aa: {  	[sflag:s0] =	ssyncadd.s32 $0xFFFFF350  }
0x4ab: {  	_ =	swait.ge [sflag:s0], $0xCB0  }
0x4ac: {  	[sflag:s0] =	ssyncset.done $0x0  }
0x4ad: {  	[sflag:s0] =	ssyncadd.s32 $0xFFFFF350  }
0x4ae: {  	_ =	swait.ge [sflag:s0], $0xCB0  }
0x4af: {  	[sflag:s0] =	ssyncset.done $0x0  }
0x4b0: {  	[sflag:s0] =	ssyncadd.s32 $0xFFFFF350  }
0x4b1: {  	_ =	swait.ge [sflag:s0], $0xCB0  }
0x4b2: {  	[sflag:s0] =	ssyncset.done $0x0  }
0x4b3: {  	[sflag:s0] =	ssyncadd.s32 $0xFFFFF350  }
0x4b4: {  	_ =	swait.ge [sflag:s0], $0xCB0  }
0x4b5: {  	[sflag:s0] =	ssyncset.done $0x0  }
0x4b6: {  	[sflag:s0] =	ssyncadd.s32 $0xFFFFF350  }
0x4b7: {  	_ =	swait.ge [sflag:s0], $0xCB0  }
0x4b8: {  	[sflag:s0] =	ssyncset.done $0x0  }
0x4b9: {  	[sflag:s0] =	ssyncadd.s32 $0xFFFFF350  }
0x4ba: {  	_ =	swait.ge [sflag:s0], $0xCB0  }
0x4bb: {  	[sflag:s0] =	ssyncset.done $0x0  }
0x4bc: {  	[sflag:s0] =	ssyncadd.s32 $0xFFFFF350  }
0x4bd: {  	_ =	swait.ge [sflag:s0], $0xCB0  }
0x4be: {  	[sflag:s0] =	ssyncset.done $0x0  }
0x4bf: {  	[sflag:s0] =	ssyncadd.s32 $0xFFFFF350  }
0x4c0: {  	_ =	swait.ge [sflag:s0], $0xCB0  }
0x4c1: {  	[sflag:s0] =	ssyncset.done $0x0  }
0x4c2: {  	[sflag:s0] =	ssyncadd.s32 $0xFFFFF350  }
0x4c3: {  	_ =	swait.ge [sflag:s0], $0xCB0  }
0x4c4: {  	[sflag:s0] =	ssyncset.done $0x0  }
0x4c5: {  	s13 =	rddreg [dreg:$0x19];
	[sflag:s0] =	ssyncadd.s32 $0xFFFFF350  }
0x4c6: {  	v1 =	vld [tilespmem:s13+$0x0]  }
0x4c7: {  	s14 =	rddreg [dreg:$0x18]  }
0x4c8: {  	v2 =	vld [tilespmem:s14+$0x0];
	_ =	sdelay $0x2  }
0x4c9: {  	(v2sf) =	vpush v1, $0x0;
	_ =	sdelay $0x1  }
0x4ca: {  	(v2sf) =	vpush v2, $0x0;
	_ =	sdelay $0x1  }
0x4cb: {  	[dreg:$0x1b] =	wrdreg s22;
	v1 =	vld [tilespmem:s23+$0x0]  }
0x4cc: {  	[dreg:$0x1c] =	wrdreg s23  }
0x4cd: {  	s15 =	rddreg [dreg:$0x17]  }
0x4ce: {  	s1 =	rddreg [dreg:$0x15]  }
0x4cf: {  	s31 =	rddreg [dreg:$0x16];
	v2 =	vld [tilespmem:s15+$0x0]  }
0x4d0: {  	[smem:$0x7F7] =	sst s24;
	(v2sf) =	vpush v1, $0x0  }
0x4d1: {  	[smem:$0x7F5] =	sst s25  }
0x4d2: {  	[smem:$0x7F4] =	sst s29  }
0x4d3: {  	[smem:$0x7F6] =	sst s30  }
0x4d4: {  	[smem:$0x7F8] =	sst s26;
	(v2sf) =	vpush v2, $0x0  }
0x4d5: {  	s4 =	simm.s32 $0x1;
	[smem:$0x7FA] =	sst s28  }
0x4d6: {  	s7 =	simm.s32 $0x1;
	s14 =	rddreg [dreg:$0x9];
	v1 =	vld [tilespmem:s22+$0x0];
	s22 =	spop (v2sf)  }
0x4d7: {  	[smem:$0x7F9] =	sst s19;
	s16 =	sadd.s32 s14, s22;
	s17 =	sand.u32 $0xF, s22  }
0x4d8: {  	s23 =	spop (v2sf);
	s2 =	sshra.s32 s16, $0x1F;
	p0 =	slt.s32 s16, $0x1  }
0x4d9: {  	p1 =	sne.s32 s17, $0x0;
	s18 =	sadd.s32 s14, s23;
	s21 =	sand.u32 $0xF, s23  }
0x4da: {  	s3 =	sshrl.u32 s2, $0x1C;
	p0 =	por !p0, !p1;
	s5 =	sshra.s32 s18, $0x1F  }
0x4db: {  	(v2sf) =	vpush v1, $0x0;
	v1 =	vld [tilespmem:s1+$0x0];
	p5 =	slt.s32 s18, $0x1;
	p6 =	sne.s32 s21, $0x0;
	s21 =	rddreg [dreg:$0x14]  }
0x4dc: {  	s0 =	sadd.s32 s3, s16;
	p0 =	por !p0, !p0;
	s5 =	sshrl.u32 s5, $0x1C  }
0x4dd: {  	v2 =	vld [tilespmem:s31+$0x0];
	s0 =	sshrl.u32 s0, $0x4;
	s4 =	simm.s32 @!p0 $0x0;
	s20 =	sadd.s32 s5, s18  }
0x4de: {  	p0 =	por !p5, !p6;
	s18 =	rddreg [dreg:$0x13];
	s0 =	ssub.s32 s0, s4  }
0x4df: {  	s4 =	spop (v2sf);
	p0 =	por !p0, !p0;
	[dreg:$0x1d] =	wrdreg s0  }
0x4e0: {  	(v2sf) =	vpush v1, $0x0;
	s0 =	sshrl.u32 s20, $0x4;
	s2 =	sadd.s32 s14, s4;
	s7 =	simm.s32 @!p0 $0x0  }
0x4e1: {  	s3 =	sand.u32 $0xF, s4;
	s6 =	sshra.s32 s2, $0x1F;
	p1 =	slt.s32 s2, $0x1  }
0x4e2: {  	(v2sf) =	vpush v2, $0x0;
	p2 =	sne.s32 s3, $0x0;
	s0 =	ssub.s32 s0, s7;
	s7 =	simm.s32 $0x1  }
0x4e3: {  	v1 =	vld [tilespmem:s29+$0x0];
	s8 =	sshrl.u32 s6, $0x1C;
	s6 =	spop (v2sf);
	p0 =	por !p1, !p2  }
0x4e4: {  	[dreg:$0x1f] =	wrdreg s0;
	s5 =	sadd.s32 s8, s2;
	s10 =	sadd.s32 s14, s6  }
0x4e5: {  	p0 =	por !p0, !p0;
	s8 =	simm.s32 $0x1;
	s13 =	sand.u32 $0xF, s6  }
0x4e6: {  	s9 =	sshra.s32 s10, $0x1F;
	s5 =	sshrl.u32 s5, $0x4;
	s8 =	simm.s32 @!p0 $0x0  }
0x4e7: {  	p3 =	slt.s32 s10, $0x1;
	p4 =	sne.s32 s13, $0x0;
	s11 =	sshrl.u32 s9, $0x1C  }
0x4e8: {  	(v2sf) =	vpush v1, $0x0;
	s9 =	ssub.s32 s5, s8;
	p0 =	por !p3, !p4;
	s5 =	simm.s32 $0x1  }
0x4e9: {  	v1 =	vld [tilespmem:s18+$0x0];
	[dreg:$0x1e] =	wrdreg s9;
	s12 =	sadd.s32 s11, s10;
	p0 =	por !p0, !p0  }
0x4ea: {  	s0 =	sshrl.u32 s12, $0x4;
	s7 =	simm.s32 @!p0 $0x0;
	s15 =	spop (v2sf)  }
0x4eb: {  	v2 =	vld [tilespmem:s21+$0x0];
	s0 =	ssub.s32 s0, s7;
	s16 =	sand.u32 $0xF, s15;
	s17 =	sadd.s32 s14, s15  }
0x4ec: {  	p5 =	sne.s32 s16, $0x0;
	s20 =	sshra.s32 s17, $0x1F;
	p6 =	slt.s32 s17, $0x1  }
0x4ed: {  	s7 =	simm.s32 $0x1;
	s10 =	sshrl.u32 s20, $0x1C;
	p0 =	por !p6, !p5  }
0x4ee: {  	[smem:$0x7F3] =	sst s0;
	(v2sf) =	vpush v1, $0x0;
	s31 =	sadd.s32 s10, s17;
	p0 =	por !p0, !p0  }
0x4ef: {  	s0 =	sshrl.u32 s31, $0x4;
	s5 =	simm.s32 @!p0 $0x0;
	s17 =	spop (v2sf)  }
0x4f0: {  	(v2sf) =	vpush v2, $0x0;
	s0 =	ssub.s32 s0, s5;
	s5 =	simm.s32 $0x1;
	s1 =	sadd.s32 s14, s17  }
0x4f1: {  	v1 =	vld [tilespmem:s25+$0x0];
	[smem:$0x7F2] =	sst s0;
	s3 =	sand.u32 $0xF, s17;
	s20 =	spop (v2sf)  }
0x4f2: {  	s2 =	sshra.s32 s1, $0x1F;
	p2 =	sne.s32 s3, $0x0;
	p3 =	slt.s32 s1, $0x1  }
0x4f3: {  	s8 =	sadd.s32 s14, s20;
	s13 =	sand.u32 $0xF, s20;
	s0 =	sshrl.u32 s2, $0x1C  }
0x4f4: {  	p0 =	por !p3, !p2;
	s11 =	sshra.s32 s8, $0x1F;
	p4 =	slt.s32 s8, $0x1  }
0x4f5: {  	p5 =	sne.s32 s13, $0x0;
	s0 =	sadd.s32 s0, s1;
	p0 =	por !p0, !p0  }
0x4f6: {  	(v2sf) =	vpush v1, $0x0;
	s12 =	sshrl.u32 s11, $0x1C;
	s0 =	sshrl.u32 s0, $0x4;
	s5 =	simm.s32 @!p0 $0x0  }
0x4f7: {  	v1 =	vld [tilespmem:s30+$0x0];
	s21 =	spop (v2sf);
	p0 =	por !p4, !p5;
	s9 =	ssub.s32 s0, s5  }
0x4f8: {  	s0 =	sadd.s32 s12, s8;
	s16 =	sand.u32 $0xF, s21;
	s31 =	sadd.s32 s14, s21  }
0x4f9: {  	p0 =	por !p0, !p0;
	s5 =	simm.s32 $0x1;
	p2 =	sne.s32 s16, $0x0  }
0x4fa: {  	s0 =	sshrl.u32 s0, $0x4;
	s1 =	sshra.s32 s31, $0x1F;
	p6 =	slt.s32 s31, $0x1  }
0x4fb: {  	v2 =	vld [tilespmem:s24+$0x0];
	s7 =	simm.s32 @!p0 $0x0;
	s10 =	sshrl.u32 s1, $0x1C;
	p0 =	por !p6, !p2  }
0x4fc: {  	(v2sf) =	vpush v1, $0x0;
	s8 =	ssub.s32 s0, s7;
	s2 =	sadd.s32 s10, s31;
	p0 =	por !p0, !p0  }
0x4fd: {  	s24 =	spop (v2sf);
	s0 =	sshrl.u32 s2, $0x4;
	s5 =	simm.s32 @!p0 $0x0  }
0x4fe: {  	s7 =	simm.s32 $0x1;
	s3 =	sadd.s32 s14, s24;
	s25 =	ssub.s32 s0, s5  }
0x4ff: {  	v1 =	vld [tilespmem:s26+$0x0];
	s11 =	sand.u32 $0xF, s24;
	s29 =	spop (v2sf);
	s5 =	simm.s32 $0x1  }
0x500: {  	(v2sf) =	vpush v2, $0x0;
	s10 =	sshra.s32 s3, $0x1F;
	p1 =	sne.s32 s11, $0x0;
	p2 =	slt.s32 s3, $0x1  }
0x501: {  	s12 =	sadd.s32 s14, s29;
	s1 =	sand.u32 $0xF, s29;
	s0 =	sshrl.u32 s10, $0x1C  }
0x502: {  	p0 =	por !p2, !p1;
	s13 =	sshra.s32 s12, $0x1F;
	p3 =	slt.s32 s12, $0x1  }
0x503: {  	v2 =	vld [tilespmem:s19+$0x0];
	p4 =	sne.s32 s1, $0x0;
	s0 =	sadd.s32 s0, s3;
	p0 =	por !p0, !p0  }
0x504: {  	(v2sf) =	vpush v1, $0x0;
	s16 =	sshrl.u32 s13, $0x1C;
	s0 =	sshrl.u32 s0, $0x4;
	s5 =	simm.s32 @!p0 $0x0  }
0x505: {  	v1 =	vld [tilespmem:s28+$0x0];
	p0 =	por !p3, !p4;
	s31 =	ssub.s32 s0, s5;
	s10 =	spop (v2sf)  }
0x506: {  	s0 =	sadd.s32 s16, s12;
	p0 =	por !p0, !p0;
	s2 =	sand.u32 $0xF, s10  }
0x507: {  	s0 =	sshrl.u32 s0, $0x4;
	s3 =	sadd.s32 s14, s10;
	s7 =	simm.s32 @!p0 $0x0  }
0x508: {  	(v2sf) =	vpush v2, $0x0;
	p5 =	sne.s32 s2, $0x0;
	s13 =	sshra.s32 s3, $0x1F;
	p6 =	slt.s32 s3, $0x1  }
0x509: {  	s11 =	ssub.s32 s0, s7;
	s12 =	sshrl.u32 s13, $0x1C;
	p0 =	por !p6, !p5  }
0x50a: {  	(v2sf) =	vpush v1, $0x0;
	s7 =	simm.s32 $0x1;
	s16 =	sadd.s32 s12, s3;
	p0 =	por !p0, !p0  }
0x50b: {  	s5 =	spop (v2sf);
	s0 =	sshrl.u32 s16, $0x4;
	s7 =	simm.s32 @!p0 $0x0  }
0x50c: {  	v9 =	vld.msk [tilespmem:s18+$0x180 ss:$0x0], $0xffff;
	s18 =	sld [smem:$0x7F8];
	s13 =	sadd.s32 s14, s5;
	s12 =	ssub.s32 s0, s7  }
0x50d: {  	s2 =	sand.u32 $0xF, s5;
	s7 =	simm.s32 $0x1;
	s1 =	sshra.s32 s13, $0x1F  }
0x50e: {  	p1 =	sne.s32 s2, $0x0;
	p2 =	slt.s32 s13, $0x1;
	s0 =	sshrl.u32 s1, $0x1C  }
0x50f: {  	p0 =	por !p2, !p1;
	s0 =	sadd.s32 s0, s13;
	s13 =	spop (v2sf)  }
0x510: {  	p0 =	por !p0, !p0;
	s16 =	sadd.s32 s14, s13;
	s0 =	sshrl.u32 s0, $0x4  }
0x511: {  	s7 =	simm.s32 @!p0 $0x0;
	s1 =	sand.u32 $0xF, s13;
	s3 =	sshra.s32 s16, $0x1F  }
0x512: {  	s19 =	ssub.s32 s0, s7;
	p3 =	slt.s32 s16, $0x1;
	p4 =	sne.s32 s1, $0x0  }
0x513: {  	s7 =	spop (v2sf);
	s30 =	sshrl.u32 s3, $0x1C;
	p0 =	por !p3, !p4  }
0x514: {  	s26 =	sadd.s32 s14, s7;
	s1 =	sand.u32 $0xF, s7;
	s0 =	sadd.s32 s30, s16  }
0x515: {  	p0 =	por !p0, !p0;
	s16 =	simm.s32 $0x1;
	s2 =	sshra.s32 s26, $0x1F  }
0x516: {  	p1 =	sne.s32 s1, $0x0;
	s0 =	sshrl.u32 s0, $0x4;
	s16 =	simm.s32 @!p0 $0x0  }
0x517: {  	s28 =	spop (v2sf);
	s3 =	sshrl.u32 s2, $0x1C;
	p0 =	slt.s32 s26, $0x1  }
0x518: {  	s16 =	ssub.s32 s0, s16;
	s30 =	sadd.s32 s14, s28;
	s3 =	sadd.s32 s3, s26  }
0x519: {  	s26 =	spop (v2sf);
	p0 =	por !p0, !p1;
	s2 =	sshra.s32 s30, $0x1F  }
0x51a: {  	p5 =	slt.s32 s30, $0x1;
	s1 =	sshrl.u32 s2, $0x1C;
	s2 =	sand.u32 $0xF, s28  }
0x51b: {  	p0 =	por !p0, !p0;
	s0 =	sadd.s32 s1, s30;
	p3 =	sne.s32 s2, $0x0  }
0x51c: {  	s30 =	sand.u32 $0xF, s26;
	s1 =	simm.s32 $0x1;
	s2 =	simm.s32 $0x1  }
0x51d: {  	p4 =	sne.s32 s30, $0x0;
	p2 =	por !p5, !p3;
	s30 =	sadd.s32 s14, s26  }
0x51e: {  	s0 =	sshrl.u32 s0, $0x4;
	p2 =	por !p2, !p2;
	p6 =	slt.s32 s30, $0x1  }
0x51f: {  	s14 =	sshra.s32 s30, $0x1F;
	s1 =	simm.s32 @!p2 $0x0;
	p2 =	por !p6, !p4  }
0x520: {  	s1 =	ssub.s32 s0, s1;
	s0 =	sshrl.u32 s14, $0x1C;
	p2 =	por !p2, !p2  }
0x521: {  	s3 =	sshrl.u32 s3, $0x4;
	s0 =	sadd.s32 s0, s30;
	s2 =	simm.s32 @!p2 $0x0  }
0x522: {  	s1 =	sshll.u32 s1, $0x4;
	s30 =	rddreg [dreg:$0x10];
	s0 =	sshrl.u32 s0, $0x4  }
0x523: {  	s26 =	sadd.s32 s26, s30;
	s28 =	sadd.s32 s28, s30;
	s14 =	sadd.s32 s7, s30  }
0x524: {  	s21 =	sadd.s32 s21, s30;
	s15 =	sadd.s32 s15, s30;
	s6 =	sadd.s32 s6, s30  }
0x525: {  	s4 =	sadd.s32 s4, s30;
	s0 =	ssub.s32 s0, s2;
	s2 =	simm.s32 $0x1  }
0x526: {  	s2 =	simm.s32 @!p0 $0x0;
	p0 =	slt.s32 s1, $0x17D6B90;
	s0 =	sshll.u32 s0, $0x4  }
0x527: {  	s2 =	ssub.s32 s3, s2;
	s1 =	simm.s32 @!p0 $0x17D6B90;
	p0 =	slt.s32 s0, $0x17D6B90  }
0x528: {  	s3 =	sshll.u32 s12, $0x4;
	s2 =	sshll.u32 s2, $0x4;
	s0 =	simm.s32 @!p0 $0x17D6B90  }
0x529: {  	s26 =	ssub.s32 s26, s0;
	s0 =	ssub.s32 s28, s1;
	p0 =	slt.s32 s2, $0x17D6B90  }
0x52a: {  	s1 =	sshll.u32 s19, $0x4;
	s28 =	sadd.s32 s5, s30;
	s2 =	simm.s32 @!p0 $0x17D6B90  }
0x52b: {  	p0 =	slt.s32 s1, $0x17D6B90;
	s19 =	ssub.s32 s14, s2;
	s2 =	sshll.u32 s16, $0x4  }
0x52c: {  	s1 =	simm.s32 @!p0 $0x17D6B90;
	s14 =	sadd.s32 s29, s30;
	s29 =	rddreg [dreg:$0x19]  }
0x52d: {  	s16 =	sadd.s32 s13, s30;
	s13 =	sadd.s32 s10, s30;
	s10 =	rddreg [dreg:$0x18]  }
0x52e: {  	p0 =	slt.s32 s2, $0x17D6B90;
	s12 =	ssub.s32 s28, s1;
	s1 =	sshll.u32 s31, $0x4  }
0x52f: {  	s28 =	sadd.s32 s17, s30;
	s17 =	rddreg [dreg:$0x1d];
	s2 =	simm.s32 @!p0 $0x17D6B90  }
0x530: {  	v1 =	vld.msk [tilespmem:s29+$0x180 ss:$0x0], $0xffff;
	s29 =	sadd.s32 s22, s30;
	p0 =	slt.s32 s3, $0x17D6B90;
	s5 =	ssub.s32 s16, s2  }
0x531: {  	s3 =	simm.s32 @!p0 $0x17D6B90;
	p0 =	slt.s32 s1, $0x17D6B90;
	s16 =	sadd.s32 s24, s30  }
0x532: {  	s24 =	sld [smem:$0x7F2];
	s31 =	ssub.s32 s13, s3;
	s3 =	sshll.u32 s25, $0x4  }
0x533: {  	s1 =	simm.s32 @!p0 $0x17D6B90;
	s25 =	sadd.s32 s20, s30;
	s20 =	rddreg [dreg:$0x17]  }
0x534: {  	s2 =	sshll.u32 s11, $0x4;
	s13 =	ssub.s32 s16, s1;
	s16 =	rddreg [dreg:$0x1c]  }
0x535: {  	s1 =	sshll.u32 s9, $0x4;
	s9 =	sshll.u32 s17, $0x4;
	s17 =	sld [smem:$0x7F4]  }
0x536: {  	p0 =	slt.s32 s2, $0x17D6B90;
	v4 =	vld.msk [tilespmem:s20+$0x180 ss:$0x0], $0xffff;
	s20 =	sadd.s32 s23, s30;
	s23 =	rddreg [dreg:$0x14]  }
0x537: {  	v14 =	vld.msk [tilespmem:s18+$0x180 ss:$0x0], $0xffff;
	s18 =	sshll.u32 s12, $0x2;
	s2 =	simm.s32 @!p0 $0x17D6B90;
	s30 =	sld [smem:$0x7F6]  }
0x538: {  	p0 =	slt.s32 s3, $0x17D6B90;
	s11 =	ssub.s32 s14, s2;
	s14 =	sld [smem:$0x7F3]  }
0x539: {  	s3 =	simm.s32 @!p0 $0x17D6B90;
	s7 =	sshll.u32 s24, $0x4;
	s24 =	rddreg [dreg:$0x1f]  }
0x53a: {  	p0 =	slt.s32 s1, $0x17D6B90;
	v3 =	vld.msk [tilespmem:s16+$0x180 ss:$0x0], $0xffff;
	p1 =	slt.s32 s9, $0x17D6B90;
	s16 =	rddreg [dreg:$0x16]  }
0x53b: {  	s2 =	ssub.s32 s21, s3;
	s3 =	sshll.u32 s8, $0x4;
	s1 =	simm.s32 @!p0 $0x17D6B90  }
0x53c: {  	s21 =	rddreg [dreg:$0x1b];
	s9 =	simm.s32 @!p1 $0x17D6B90;
	p0 =	slt.s32 s3, $0x17D6B90  }
0x53d: {  	s1 =	ssub.s32 s28, s1;
	s28 =	rddreg [dreg:$0x1e];
	s9 =	ssub.s32 s29, s9  }
0x53e: {  	v2 =	vld.msk [tilespmem:s10+$0x180 ss:$0x0], $0xffff;
	s3 =	simm.s32 @!p0 $0x17D6B90;
	p0 =	slt.s32 s7, $0x17D6B90;
	s10 =	sshll.u32 s28, $0x4  }
0x53f: {  	s22 =	sshll.u32 s9, $0x2;
	s9 =	sshll.u32 s2, $0x2;
	s1 =	sshll.u32 s1, $0x2  }
0x540: {  	s8 =	ssub.s32 s25, s3;
	s3 =	sshll.u32 s14, $0x4;
	s7 =	simm.s32 @!p0 $0x17D6B90  }
0x541: {  	v10 =	vld.msk [tilespmem:s23+$0x180 ss:$0x0], $0xffff;
	s25 =	rddreg [dreg:$0x15];
	s9 =	sshra.s32 s9, $0x2;
	p0 =	slt.s32 s3, $0x17D6B90  }
0x542: {  	s7 =	ssub.s32 s15, s7;
	v6 =	vld.msk [tilespmem:s25+$0x180 ss:$0x0], $0xffff;
	s25 =	sld [smem:$0x7F5];
	s3 =	simm.s32 @!p0 $0x17D6B90  }
0x543: {  	v12 =	vld.msk [tilespmem:s30+$0x180 ss:$0x0], $0xffff;
	s30 =	sadd.s32 $0x12EB0, s9;
	s3 =	ssub.s32 s6, s3;
	s6 =	sshll.u32 s24, $0x4  }
0x544: {  	v7 =	vld.msk [tilespmem:s16+$0x180 ss:$0x0], $0xffff;
	s15 =	sld [smem:$0x7F7];
	s7 =	sshll.u32 s7, $0x2;
	v24 =	vmov s30;
	p0 =	slt.s32 s6, $0x17D6B90  }
0x545: {  	v5 =	vld.msk [tilespmem:s21+$0x180 ss:$0x0], $0xffff;
	s2 =	sshra.s32 s7, $0x2;
	s6 =	simm.s32 @!p0 $0x17D6B90;
	p0 =	slt.s32 s10, $0x17D6B90  }
0x546: {  	v8 =	vld.msk [tilespmem:s17+$0x180 ss:$0x0], $0xffff;
	s3 =	sshll.u32 s3, $0x2;
	s23 =	sadd.s32 $0x107B0, s2;
	s10 =	simm.s32 @!p0 $0x17D6B90  }
0x547: {  	v11 =	vld.msk [tilespmem:s25+$0x180 ss:$0x0], $0xffff;
	s21 =	ssub.s32 s20, s6;
	s10 =	ssub.s32 s4, s10;
	s4 =	sshra.s32 s22, $0x2  }
0x548: {  	v13 =	vld.msk [tilespmem:s15+$0x180 ss:$0x0], $0xffff;
	v21 =	vmov s23;
	s22 =	sshll.u32 s8, $0x2;
	s8 =	sshra.s32 s1, $0x2;
	s1 =	simm.s32 $0x0  }
0x549: {  	s15 =	sshra.s32 s18, $0x2;
	s24 =	sshll.u32 s21, $0x2;
	s21 =	sld [smem:$0x7F9];
	v40 =	vld.idx.msk [tilespmem:v24+s1+$0x0 ss:$0x1], $0xffff  }
0x54a: {  	s3 =	sshra.s32 s3, $0x2;
	s23 =	sadd.s32 $0x162B0, s15;
	v56 =	vld.idx.msk [tilespmem:v24+s1+$0xFFFFFFD0 ss:$0x1], $0xffff  }
0x54b: {  	s20 =	sadd.s32 $0xFAB0, s3;
	v28 =	vmov s23;
	v59 =	vld [tilespmem:s1+$0x1B0B0]  }
0x54c: {  	v20 =	vmov s20;
	s16 =	sshra.s32 s24, $0x2;
	s24 =	sld [smem:$0x7FA];
	v15 =	vld.msk [tilespmem:s21+$0x180 ss:$0x0], $0xffff  }
0x54d: {  	s29 =	sadd.s32 $0xD3B0, s4;
	v37 =	vld.idx.msk [tilespmem:v21+s1+$0x0 ss:$0x1], $0xffff  }
0x54e: {  	s25 =	sadd.s32 $0x114B0, s8;
	v17 =	vmov s29;
	v53 =	vld.idx.msk [tilespmem:v21+s1+$0xFFFFFFD0 ss:$0x1], $0xffff  }
0x54f: {  	v22 =	vmov s25;
	v16 =	vld.msk [tilespmem:s24+$0x180 ss:$0x0], $0xffff  }
0x550: {  	v44 =	vld.idx.msk [tilespmem:v28+s1+$0x0 ss:$0x1], $0xffff  }
0x551: {  	s28 =	sshll.u32 s10, $0x2;
	s10 =	sshra.s32 s22, $0x2;
	s14 =	sadd.s32 $0xE0B0, s16;
	v36 =	vld.idx.msk [tilespmem:v20+s1+$0x0 ss:$0x1], $0xffff  }
0x552: {  	s6 =	sshra.s32 s28, $0x2;
	s28 =	sadd.s32 $0x121B0, s10;
	v18 =	vmov s14;
	v52 =	vld.idx.msk [tilespmem:v20+s1+$0xFFFFFFD0 ss:$0x1], $0xffff  }
0x553: {  	v23 =	vmov s28;
	v33 =	vld.idx.msk [tilespmem:v17+s1+$0x0 ss:$0x1], $0xffff  }
0x554: {  	s31 =	sshll.u32 s31, $0x2;
	v38 =	vld.idx.msk [tilespmem:v22+s1+$0x0 ss:$0x1], $0xffff  }
0x555: {  	s12 =	sshra.s32 s31, $0x2;
	s17 =	sadd.s32 $0xEDB0, s6;
	v49 =	vld.idx.msk [tilespmem:v17+s1+$0xFFFFFFD0 ss:$0x1], $0xffff  }
0x556: {  	s21 =	sadd.s32 $0x155B0, s12;
	v19 =	vmov s17;
	v54 =	vld.idx.msk [tilespmem:v22+s1+$0xFFFFFFD0 ss:$0x1], $0xffff  }
0x557: {  	s13 =	sshll.u32 s13, $0x2;
	v27 =	vmov s21;
	v34 =	vld.idx.msk [tilespmem:v18+s1+$0x0 ss:$0x1], $0xffff  }
0x558: {  	s29 =	sshll.u32 s11, $0x2;
	s11 =	sshra.s32 s13, $0x2;
	v39 =	vld.idx.msk [tilespmem:v23+s1+$0x0 ss:$0x1], $0xffff  }
0x559: {  	s13 =	sshra.s32 s29, $0x2;
	s17 =	sadd.s32 $0x13BB0, s11;
	v50 =	vld.idx.msk [tilespmem:v18+s1+$0xFFFFFFD0 ss:$0x1], $0xffff  }
0x55a: {  	s20 =	sadd.s32 $0x148B0, s13;
	v25 =	vmov s17;
	v55 =	vld.idx.msk [tilespmem:v23+s1+$0xFFFFFFD0 ss:$0x1], $0xffff  }
0x55b: {  	s22 =	sshll.u32 s19, $0x2;
	v26 =	vmov s20;
	v35 =	vld.idx.msk [tilespmem:v19+s1+$0x0 ss:$0x1], $0xffff  }
0x55c: {  	s5 =	sshll.u32 s5, $0x2;
	s24 =	sshll.u32 s0, $0x2;
	s0 =	sshra.s32 s22, $0x2;
	v43 =	vld.idx.msk [tilespmem:v27+s1+$0x0 ss:$0x1], $0xffff  }
0x55d: {  	s17 =	sshra.s32 s5, $0x2;
	s29 =	sadd.s32 $0x17CB0, s0;
	v51 =	vld.idx.msk [tilespmem:v19+s1+$0xFFFFFFD0 ss:$0x1], $0xffff  }
0x55e: {  	s28 =	sshll.u32 s26, $0x2;
	s18 =	sshra.s32 s24, $0x2;
	s25 =	sadd.s32 $0x16FB0, s17;
	v30 =	vmov s29;
	v60 =	vld.idx.msk [tilespmem:v27+s1+$0xFFFFFFD0 ss:$0x1], $0xffff  }
0x55f: {  	s20 =	sshra.s32 s28, $0x2;
	s30 =	sadd.s32 $0x189B0, s18;
	v29 =	vmov s25;
	v41 =	vld.idx.msk [tilespmem:v25+s1+$0x0 ss:$0x1], $0xffff  }
0x560: {  	s31 =	sadd.s32 $0x196B0, s20;
	v31 =	vmov s30;
	v42 =	vld.idx.msk [tilespmem:v26+s1+$0x0 ss:$0x1], $0xffff  }
0x561: {  	v32 =	vmov s31;
	v57 =	vld.idx.msk [tilespmem:v25+s1+$0xFFFFFFD0 ss:$0x1], $0xffff  }
0x562: {  	v58 =	vld.idx.msk [tilespmem:v26+s1+$0xFFFFFFD0 ss:$0x1], $0xffff  }
0x563: {  	v46 =	vld.idx.msk [tilespmem:v30+s1+$0x0 ss:$0x1], $0xffff  }
0x564: {  	v45 =	vld.idx.msk [tilespmem:v29+s1+$0x0 ss:$0x1], $0xffff  }
0x565: {  	v37 =	vmul.f32 v37, v5;
	v47 =	vld.idx.msk [tilespmem:v31+s1+$0x0 ss:$0x1], $0xffff;
	v33 =	vmul.f32 v33, v1  }
0x566: {  	v48 =	vld.idx.msk [tilespmem:v32+s1+$0x0 ss:$0x1], $0xffff;
	v38 =	vmul.f32 v38, v6;
	v34 =	vmul.f32 v34, v2  }
0x567: {  	v62 =	vmul.f32 v50, v2;
	v50 =	vmul.f32 v53, v5;
	v53 =	vld.idx.msk [tilespmem:v25+s1+$0xFFFFFFE0 ss:$0x1], $0xffff  }
0x568: {  	v40 =	vmul.f32 v40, v8;
	v39 =	vmul.f32 v39, v7;
	v37 =	vadd.f32 v38, v37;
	v38 =	vld.idx.msk [tilespmem:v30+s1+$0xFFFFFFD0 ss:$0x1], $0xffff  }
0x569: {  	v36 =	vmul.f32 v36, v4;
	v35 =	vmul.f32 v35, v3;
	v33 =	vadd.f32 v34, v33;
	v34 =	vld.idx.msk [tilespmem:v28+s1+$0xFFFFFFD0 ss:$0x1], $0xffff  }
0x56a: {  	v44 =	vmul.f32 v44, v12;
	v43 =	vmul.f32 v43, v11;
	v39 =	vadd.f32 v40, v39;
	v40 =	vld.idx.msk [tilespmem:v31+s1+$0xFFFFFFD0 ss:$0x1], $0xffff  }
0x56b: {  	v41 =	vmul.f32 v41, v9;
	v42 =	vmul.f32 v42, v10;
	v35 =	vadd.f32 v36, v35;
	v36 =	vld.idx.msk [tilespmem:v29+s1+$0xFFFFFFD0 ss:$0x1], $0xffff  }
0x56c: {  	v61 =	vmul.f32 v49, v1;
	v46 =	vmul.f32 v46, v14;
	v63 =	vadd.f32 v44, v43;
	v43 =	vld.idx.msk [tilespmem:v32+s1+$0xFFFFFFD0 ss:$0x1], $0xffff  }
0x56d: {  	v45 =	vmul.f32 v45, v13;
	v47 =	vmul.f32 v47, v15;
	v41 =	vadd.f32 v42, v41;
	v42 =	vld.idx.msk [tilespmem:v19+s1+$0xFFFFFFE0 ss:$0x1], $0xffff  }
0x56e: {  	v48 =	vmul.f32 v48, v16;
	v33 =	vadd.f32 v35, v33;
	v35 =	vadd.f32 v39, v37;
	v37 =	vld.idx.msk [tilespmem:v18+s1+$0xFFFFFFE0 ss:$0x1], $0xffff  }
0x56f: {  	v39 =	vadd.f32 v62, v61;
	v44 =	vadd.f32 v46, v45;
	v46 =	vld.idx.msk [tilespmem:v17+s1+$0xFFFFFFE0 ss:$0x1], $0xffff  }
0x570: {  	v61 =	vmul.f32 v54, v6;
	v45 =	vadd.f32 v48, v47;
	v48 =	vmul.f32 v51, v3;
	v51 =	vld.idx.msk [tilespmem:v21+s1+$0xFFFFFFE0 ss:$0x1], $0xffff  }
0x571: {  	v41 =	vadd.f32 v63, v41;
	v63 =	vmul.f32 v52, v4;
	v33 =	vadd.f32 v35, v33;
	v35 =	vld.idx.msk [tilespmem:v24+s1+$0xFFFFFFE0 ss:$0x1], $0xffff  }
0x572: {  	v47 =	vadd.f32 v61, v50;
	v61 =	vmul.f32 v56, v8;
	v56 =	vmul.f32 v53, v9;
	v53 =	vld.idx.msk [tilespmem:v26+s1+$0xFFFFFFF0 ss:$0x1], $0xffff  }
0x573: {  	v49 =	vmul.f32 v55, v7;
	v44 =	vadd.f32 v45, v44;
	v45 =	vld.idx.msk [tilespmem:v20+s1+$0xFFFFFFE0 ss:$0x1], $0xffff  }
0x574: {  	v63 =	vadd.f32 v63, v48;
	v48 =	vld.idx.msk [tilespmem:v23+s1+$0xFFFFFFE0 ss:$0x1], $0xffff  }
0x575: {  	v38 =	vmul.f32 v38, v14;
	v49 =	vadd.f32 v61, v49;
	v61 =	vld.idx.msk [tilespmem:v30+s1+$0xFFFFFFE0 ss:$0x1], $0xffff  }
0x576: {  	v40 =	vmul.f32 v40, v15;
	v43 =	vmul.f32 v43, v16;
	v62 =	vadd.f32 v44, v41;
	v41 =	vld.idx.msk [tilespmem:v22+s1+$0xFFFFFFE0 ss:$0x1], $0xffff  }
0x577: {  	v36 =	vmul.f32 v36, v13;
	v39 =	vadd.f32 v63, v39;
	v63 =	vmul.f32 v58, v10;
	v58 =	vld.idx.msk [tilespmem:v27+s1+$0xFFFFFFE0 ss:$0x1], $0xffff  }
0x578: {  	v34 =	vmul.f32 v34, v12;
	v40 =	vadd.f32 v43, v40;
	v43 =	vld.idx.msk [tilespmem:v31+s1+$0xFFFFFFE0 ss:$0x1], $0xffff  }
0x579: {  	v42 =	vmul.f32 v42, v3;
	v36 =	vadd.f32 v38, v36;
	v47 =	vadd.f32 v49, v47;
	v49 =	vld.idx.msk [tilespmem:v22+s1+$0xFFFFFFF0 ss:$0x1], $0xffff  }
0x57a: {  	v33 =	vadd.f32 v62, v33;
	v62 =	vmul.f32 v57, v9;
	v57 =	vmul.f32 v60, v11;
	v60 =	vld.idx.msk [tilespmem:v29+s1+$0xFFFFFFE0 ss:$0x1], $0xffff  }
0x57b: {  	v37 =	vmul.f32 v37, v2;
	v46 =	vmul.f32 v46, v1;
	v36 =	vadd.f32 v40, v36;
	v40 =	vld.idx.msk [tilespmem:v17+s1+$0xFFFFFFF0 ss:$0x1], $0xffff  }
0x57c: {  	v51 =	vmul.f32 v51, v5;
	v35 =	vmul.f32 v35, v8;
	v39 =	vadd.f32 v47, v39;
	v47 =	vld.idx.msk [tilespmem:v19+s1+$0xFFFFFFF0 ss:$0x1], $0xffff  }
0x57d: {  	v37 =	vadd.f32 v37, v46;
	v55 =	vmul.f32 v48, v7;
	v50 =	vadd.f32 v33, v59;
	v33 =	vld.idx.msk [tilespmem:v26+s1+$0xFFFFFFE0 ss:$0x1], $0xffff  }
0x57e: {  	v44 =	vadd.f32 v63, v62;
	v59 =	vld.idx.msk [tilespmem:v28+s1+$0xFFFFFFE0 ss:$0x1], $0xffff;
	v34 =	vadd.f32 v34, v57;
	v62 =	vmul.f32 v45, v4  }
0x57f: {  	v63 =	vld.idx.msk [tilespmem:v32+s1+$0xFFFFFFE0 ss:$0x1], $0xffff;
	v38 =	vmul.f32 v61, v14;
	v41 =	vmul.f32 v41, v6;
	v35 =	vadd.f32 v35, v55  }
0x580: {  	v61 =	vld.idx.msk [tilespmem:v23+s1+$0xFFFFFFF0 ss:$0x1], $0xffff;
	v58 =	vmul.f32 v58, v11;
	v34 =	vadd.f32 v34, v44;
	v42 =	vadd.f32 v62, v42  }
0x581: {  	v43 =	vmul.f32 v43, v15;
	v44 =	vld.idx.msk [tilespmem:v18+s1+$0xFFFFFFF0 ss:$0x1], $0xffff;
	v41 =	vadd.f32 v41, v51;
	v60 =	vmul.f32 v60, v13  }
0x582: {  	v62 =	vld.idx.msk [tilespmem:v24+s1+$0xFFFFFFF0 ss:$0x1], $0xffff;
	v40 =	vmul.f32 v40, v1;
	v34 =	vadd.f32 v36, v34;
	v37 =	vadd.f32 v42, v37  }
0x583: {  	v42 =	vld.idx.msk [tilespmem:v20+s1+$0xFFFFFFF0 ss:$0x1], $0xffff;
	v57 =	vmul.f32 v33, v10;
	v59 =	vmul.f32 v59, v12;
	v35 =	vadd.f32 v35, v41  }
0x584: {  	v36 =	vld.idx.msk [tilespmem:v21+s1+$0xFFFFFFF0 ss:$0x1], $0xffff;
	v45 =	vmul.f32 v63, v16;
	v38 =	vadd.f32 v38, v60;
	v60 =	vmul.f32 v49, v6  }
0x585: {  	v63 =	vld.idx.msk [tilespmem:v25+s1+$0xFFFFFFF0 ss:$0x1], $0xffff;
	v61 =	vmul.f32 v61, v7;
	v33 =	vadd.f32 v34, v39;
	v46 =	vadd.f32 v57, v56  }
0x586: {  	v55 =	vld.idx.msk [tilespmem:v27+s1+$0xFFFFFFF0 ss:$0x1], $0xffff;
	v34 =	vadd.f32 v59, v58;
	v52 =	vadd.f32 v45, v43;
	v54 =	vmul.f32 v44, v2  }
0x587: {  	v35 =	vadd.f32 v35, v37;
	v56 =	vmul.f32 v47, v3;
	v58 =	vld.idx.msk [tilespmem:v28+s1+$0xFFFFFFF0 ss:$0x1], $0xffff;
	v48 =	vmul.f32 v62, v8  }
0x588: {  	v41 =	vld.idx.msk [tilespmem:v32+s1+$0xFFFFFFF0 ss:$0x1], $0xffff;
	v34 =	vadd.f32 v34, v46;
	v38 =	vadd.f32 v52, v38;
	v57 =	vmul.f32 v42, v4  }
0x589: {  	v43 =	vadd.f32 v54, v40;
	v59 =	vmul.f32 v36, v5;
	v36 =	vld.idx.msk [tilespmem:v29+s1+$0xFFFFFFF0 ss:$0x1], $0xffff;
	v47 =	vadd.f32 v48, v61  }
0x58a: {  	v62 =	vmul.f32 v63, v9;
	v63 =	vmul.f32 v53, v10;
	v34 =	vadd.f32 v38, v34;
	v38 =	vld.idx.msk [tilespmem:v30+s1+$0xFFFFFFF0 ss:$0x1], $0xffff  }
0x58b: {  	v40 =	vld.idx.msk [tilespmem:v31+s1+$0xFFFFFFF0 ss:$0x1], $0xffff;
	v39 =	vadd.f32 v57, v56;
	v46 =	vadd.f32 v60, v59  }
0x58c: {  	v45 =	vmul.f32 v58, v12;
	v42 =	vadd.f32 v63, v62;
	v34 =	vadd.f32 v34, v35;
	v35 =	vld [tilespmem:s1+$0x1B080]  }
0x58d: {  	s21 =	simm.s32 $0x0;
	s22 =	simm.s32 $0x100;
	[tilespmem:s1+$0x1B0B0] =	vst v50;
	v37 =	vadd.f32 v39, v43;
	v43 =	vmul.f32 v55, v11;
	v39 =	vld [tilespmem:s1+$0x1B090];
	v44 =	vadd.f32 v47, v46  }
.LBB2_12:
0x58e: {  	s5 =	sshra.s32 s22, $0x2;
	v36 =	vmul.f32 v36, v13;
	v46 =	vld [tilespmem:s1+$0x1B0A0]  }
0x58f: {  	v38 =	vmul.f32 v38, v14;
	v47 =	vld.idx.msk [tilespmem:v17+s5+$0x0 ss:$0x1], $0xffff;
	v43 =	vadd.f32 v45, v43;
	v37 =	vadd.f32 v44, v37  }
0x590: {  	v40 =	vmul.f32 v40, v15;
	v44 =	vld.idx.msk [tilespmem:v18+s5+$0x0 ss:$0x1], $0xffff  }
0x591: {  	v41 =	vmul.f32 v41, v16;
	v36 =	vadd.f32 v38, v36;
	v45 =	vld.idx.msk [tilespmem:v19+s5+$0x0 ss:$0x1], $0xffff;
	v38 =	vadd.f32 v43, v42  }
0x592: {  	v33 =	vadd.f32 v33, v35;
	v42 =	vld.idx.msk [tilespmem:v20+s5+$0x0 ss:$0x1], $0xffff;
	v34 =	vadd.f32 v34, v39  }
0x593: {  	v39 =	vadd.f32 v41, v40;
	v35 =	vld.idx.msk [tilespmem:v21+s5+$0x0 ss:$0x1], $0xffff  }
0x594: {  	v40 =	vld.idx.msk [tilespmem:v22+s5+$0x0 ss:$0x1], $0xffff;
	[tilespmem:s1+$0x1B080] =	vst v33  }
0x595: {  	v33 =	vld.idx.msk [tilespmem:v23+s5+$0x0 ss:$0x1], $0xffff;
	[tilespmem:s1+$0x1B090] =	vst v34;
	v34 =	vadd.f32 v39, v36  }
0x596: {  	v36 =	vld.idx.msk [tilespmem:v24+s5+$0x0 ss:$0x1], $0xffff  }
0x597: {  	v39 =	vld.idx.msk [tilespmem:v25+s5+$0x0 ss:$0x1], $0xffff;
	v34 =	vadd.f32 v34, v38  }
0x598: {  	v38 =	vld.idx.msk [tilespmem:v26+s5+$0x0 ss:$0x1], $0xffff  }
0x599: {  	v41 =	vld.idx.msk [tilespmem:v27+s5+$0x0 ss:$0x1], $0xffff;
	v34 =	vadd.f32 v34, v37  }
0x59a: {  	v37 =	vld.idx.msk [tilespmem:v28+s5+$0x0 ss:$0x1], $0xffff  }
0x59b: {  	v43 =	vld.idx.msk [tilespmem:v29+s5+$0x0 ss:$0x1], $0xffff;
	v34 =	vadd.f32 v34, v46  }
0x59c: {  	v44 =	vmul.f32 v44, v2;
	v46 =	vmul.f32 v47, v1;
	v47 =	vld.idx.msk [tilespmem:v30+s5+$0x0 ss:$0x1], $0xffff  }
0x59d: {  	s21 =	sadd.s32 $0x4, s21;
	v45 =	vmul.f32 v45, v3;
	v42 =	vmul.f32 v42, v4;
	v48 =	vld.idx.msk [tilespmem:v31+s5+$0x0 ss:$0x1], $0xffff;
	[tilespmem:s1+$0x1B0A0] =	vst v34;
	s1 =	smov.u32 s5  }
0x59e: {  	p0 =	slt.u32 s21, $0xC4;
	v34 =	vmul.f32 v35, v5;
	v35 =	vmul.f32 v40, v6;
	v40 =	vld.idx.msk [tilespmem:v32+s1+$0x0 ss:$0x1], $0xffff  }
0x59f: {  	v33 =	vmul.f32 v33, v7;
	v36 =	vmul.f32 v36, v8;
	v49 =	vld.idx.msk [tilespmem:v17+s1+$0xFFFFFFD0 ss:$0x1], $0xffff  }
0x5a0: {  	v39 =	vmul.f32 v39, v9;
	v38 =	vmul.f32 v38, v10;
	v50 =	vld.idx.msk [tilespmem:v18+s1+$0xFFFFFFD0 ss:$0x1], $0xffff  }
0x5a1: {  	v41 =	vmul.f32 v41, v11;
	v37 =	vmul.f32 v37, v12;
	v51 =	vld.idx.msk [tilespmem:v19+s1+$0xFFFFFFD0 ss:$0x1], $0xffff  }
0x5a2: {  	v43 =	vmul.f32 v43, v13;
	v47 =	vmul.f32 v47, v14;
	v52 =	vld.idx.msk [tilespmem:v20+s1+$0xFFFFFFD0 ss:$0x1], $0xffff  }
0x5a3: {  	v42 =	vadd.f32 v42, v45;
	v44 =	vadd.f32 v44, v46;
	v48 =	vmul.f32 v48, v15;
	v53 =	vld.idx.msk [tilespmem:v21+s1+$0xFFFFFFD0 ss:$0x1], $0xffff  }
0x5a4: {  	v33 =	vadd.f32 v36, v33;
	v34 =	vadd.f32 v35, v34;
	v40 =	vmul.f32 v40, v16;
	v45 =	vld.idx.msk [tilespmem:v22+s1+$0xFFFFFFD0 ss:$0x1], $0xffff  }
0x5a5: {  	v38 =	vadd.f32 v38, v39;
	v37 =	vadd.f32 v37, v41;
	v35 =	vmul.f32 v49, v1;
	v36 =	vld.idx.msk [tilespmem:v23+s1+$0xFFFFFFD0 ss:$0x1], $0xffff  }
0x5a6: {  	v43 =	vadd.f32 v47, v43;
	v39 =	vmul.f32 v50, v2;
	v40 =	vadd.f32 v40, v48;
	v41 =	vld.idx.msk [tilespmem:v24+s1+$0xFFFFFFD0 ss:$0x1], $0xffff  }
0x5a7: {  	v42 =	vadd.f32 v42, v44;
	v33 =	vadd.f32 v33, v34;
	v46 =	vmul.f32 v51, v3;
	v47 =	vld.idx.msk [tilespmem:v25+s1+$0xFFFFFFD0 ss:$0x1], $0xffff  }
0x5a8: {  	v37 =	vadd.f32 v37, v38;
	v34 =	vmul.f32 v52, v4;
	v38 =	vadd.f32 v40, v43;
	v44 =	vld.idx.msk [tilespmem:v26+s1+$0xFFFFFFD0 ss:$0x1], $0xffff  }
0x5a9: {  	v35 =	vadd.f32 v39, v35;
	v40 =	vmul.f32 v53, v5;
	v39 =	vld [tilespmem:s1+$0x1B0B0]  }
0x5aa: {  	v33 =	vadd.f32 v33, v42;
	v43 =	vmul.f32 v45, v6;
	v37 =	vadd.f32 v38, v37;
	v45 =	vld.idx.msk [tilespmem:v27+s1+$0xFFFFFFD0 ss:$0x1], $0xffff  }
0x5ab: {  	v34 =	vadd.f32 v34, v46;
	v36 =	vmul.f32 v36, v7;
	v38 =	vld.idx.msk [tilespmem:v28+s1+$0xFFFFFFD0 ss:$0x1], $0xffff  }
0x5ac: {  	v41 =	vmul.f32 v41, v8;
	v40 =	vadd.f32 v43, v40;
	v33 =	vadd.f32 v37, v33;
	v42 =	vld.idx.msk [tilespmem:v29+s1+$0xFFFFFFD0 ss:$0x1], $0xffff  }
0x5ad: {  	v34 =	vadd.f32 v34, v35;
	v37 =	vmul.f32 v47, v9;
	v43 =	vld.idx.msk [tilespmem:v30+s1+$0xFFFFFFD0 ss:$0x1], $0xffff  }
0x5ae: {  	v35 =	vmul.f32 v44, v10;
	v36 =	vadd.f32 v41, v36;
	v44 =	vld.idx.msk [tilespmem:v31+s1+$0xFFFFFFD0 ss:$0x1], $0xffff;
	v33 =	vadd.f32 v33, v39  }
0x5af: {  	v39 =	vld.idx.msk [tilespmem:v32+s1+$0xFFFFFFD0 ss:$0x1], $0xffff  }
0x5b0: {  	v41 =	vmul.f32 v45, v11;
	v35 =	vadd.f32 v35, v37;
	v37 =	vld.idx.msk [tilespmem:v17+s1+$0xFFFFFFE0 ss:$0x1], $0xffff;
	[tilespmem:s1+$0x1B0B0] =	vst v33  }
0x5b1: {  	v36 =	vadd.f32 v36, v40;
	v33 =	vmul.f32 v38, v12;
	v38 =	vld.idx.msk [tilespmem:v18+s1+$0xFFFFFFE0 ss:$0x1], $0xffff  }
0x5b2: {  	v40 =	vmul.f32 v42, v13;
	v42 =	vld.idx.msk [tilespmem:v19+s1+$0xFFFFFFE0 ss:$0x1], $0xffff  }
0x5b3: {  	v34 =	vadd.f32 v36, v34;
	v43 =	vmul.f32 v43, v14;
	v33 =	vadd.f32 v33, v41;
	v36 =	vld.idx.msk [tilespmem:v20+s1+$0xFFFFFFE0 ss:$0x1], $0xffff  }
0x5b4: {  	v41 =	vmul.f32 v44, v15;
	v44 =	vld.idx.msk [tilespmem:v21+s1+$0xFFFFFFE0 ss:$0x1], $0xffff  }
0x5b5: {  	v39 =	vmul.f32 v39, v16;
	v40 =	vadd.f32 v43, v40;
	v33 =	vadd.f32 v33, v35;
	v35 =	vld.idx.msk [tilespmem:v22+s1+$0xFFFFFFE0 ss:$0x1], $0xffff  }
0x5b6: {  	v37 =	vmul.f32 v37, v1;
	v43 =	vld.idx.msk [tilespmem:v23+s1+$0xFFFFFFE0 ss:$0x1], $0xffff  }
0x5b7: {  	v39 =	vadd.f32 v39, v41;
	v38 =	vmul.f32 v38, v2;
	v41 =	vld.idx.msk [tilespmem:v24+s1+$0xFFFFFFE0 ss:$0x1], $0xffff  }
0x5b8: {  	v42 =	vmul.f32 v42, v3;
	v45 =	vld.idx.msk [tilespmem:v25+s1+$0xFFFFFFE0 ss:$0x1], $0xffff  }
0x5b9: {  	v39 =	vadd.f32 v39, v40;
	v36 =	vmul.f32 v36, v4;
	v37 =	vadd.f32 v38, v37;
	v40 =	vld.idx.msk [tilespmem:v26+s1+$0xFFFFFFE0 ss:$0x1], $0xffff  }
0x5ba: {  	v38 =	vmul.f32 v44, v5;
	v44 =	vld.idx.msk [tilespmem:v27+s1+$0xFFFFFFE0 ss:$0x1], $0xffff  }
0x5bb: {  	v33 =	vadd.f32 v39, v33;
	v35 =	vmul.f32 v35, v6;
	v36 =	vadd.f32 v36, v42;
	v39 =	vld.idx.msk [tilespmem:v28+s1+$0xFFFFFFE0 ss:$0x1], $0xffff  }
0x5bc: {  	v42 =	vmul.f32 v43, v7;
	v43 =	vld.idx.msk [tilespmem:v29+s1+$0xFFFFFFE0 ss:$0x1], $0xffff  }
0x5bd: {  	v41 =	vmul.f32 v41, v8;
	v35 =	vadd.f32 v35, v38;
	v36 =	vadd.f32 v36, v37;
	v46 =	vld.idx.msk [tilespmem:v30+s1+$0xFFFFFFE0 ss:$0x1], $0xffff  }
0x5be: {  	v33 =	vadd.f32 v33, v34;
	v34 =	vmul.f32 v45, v9;
	v37 =	vld.idx.msk [tilespmem:v31+s1+$0xFFFFFFE0 ss:$0x1], $0xffff  }
0x5bf: {  	v38 =	vmul.f32 v40, v10;
	v41 =	vadd.f32 v41, v42;
	v40 =	vld.idx.msk [tilespmem:v32+s1+$0xFFFFFFE0 ss:$0x1], $0xffff  }
0x5c0: {  	v42 =	vmul.f32 v44, v11;
	v44 =	vld.idx.msk [tilespmem:v17+s1+$0xFFFFFFF0 ss:$0x1], $0xffff  }
0x5c1: {  	v39 =	vmul.f32 v39, v12;
	v34 =	vadd.f32 v38, v34;
	v35 =	vadd.f32 v41, v35;
	v38 =	vld.idx.msk [tilespmem:v18+s1+$0xFFFFFFF0 ss:$0x1], $0xffff  }
0x5c2: {  	v41 =	vmul.f32 v43, v13;
	v43 =	vld.idx.msk [tilespmem:v19+s1+$0xFFFFFFF0 ss:$0x1], $0xffff  }
0x5c3: {  	v45 =	vmul.f32 v46, v14;
	v39 =	vadd.f32 v39, v42;
	v35 =	vadd.f32 v35, v36;
	v36 =	vld.idx.msk [tilespmem:v20+s1+$0xFFFFFFF0 ss:$0x1], $0xffff  }
0x5c4: {  	v37 =	vmul.f32 v37, v15;
	v42 =	vld.idx.msk [tilespmem:v21+s1+$0xFFFFFFF0 ss:$0x1], $0xffff  }
0x5c5: {  	v40 =	vmul.f32 v40, v16;
	v41 =	vadd.f32 v45, v41;
	v34 =	vadd.f32 v39, v34;
	v39 =	vld.idx.msk [tilespmem:v22+s1+$0xFFFFFFF0 ss:$0x1], $0xffff  }
0x5c6: {  	v44 =	vmul.f32 v44, v1;
	v45 =	vld.idx.msk [tilespmem:v23+s1+$0xFFFFFFF0 ss:$0x1], $0xffff  }
0x5c7: {  	v37 =	vadd.f32 v40, v37;
	v38 =	vmul.f32 v38, v2;
	v40 =	vld.idx.msk [tilespmem:v24+s1+$0xFFFFFFF0 ss:$0x1], $0xffff  }
0x5c8: {  	v43 =	vmul.f32 v43, v3;
	v46 =	vld.idx.msk [tilespmem:v25+s1+$0xFFFFFFF0 ss:$0x1], $0xffff  }
0x5c9: {  	v37 =	vadd.f32 v37, v41;
	v36 =	vmul.f32 v36, v4;
	v44 =	vadd.f32 v38, v44;
	v41 =	vld.idx.msk [tilespmem:v26+s1+$0xFFFFFFF0 ss:$0x1], $0xffff  }
0x5ca: {  	v42 =	vmul.f32 v42, v5;
	v47 =	vld.idx.msk [tilespmem:v27+s1+$0xFFFFFFF0 ss:$0x1], $0xffff  }
0x5cb: {  	v34 =	vadd.f32 v37, v34;
	v37 =	vmul.f32 v39, v6;
	v39 =	vadd.f32 v36, v43;
	v48 =	vld.idx.msk [tilespmem:v28+s1+$0xFFFFFFF0 ss:$0x1], $0xffff  }
0x5cc: {  	v43 =	vmul.f32 v45, v7;
	v36 =	vld.idx.msk [tilespmem:v29+s1+$0xFFFFFFF0 ss:$0x1], $0xffff  }
.Ltmp7:
0x5cd: {  	v45 =	vmul.f32 v40, v8;
	v49 =	vadd.f32 v37, v42;
	v37 =	vadd.f32 v39, v44;
	v38 =	vld.idx.msk [tilespmem:v30+s1+$0xFFFFFFF0 ss:$0x1], $0xffff;
	(pc) =	sbr.rel @p0 .LBB2_12-.Ltmp7, $4  }
0x5ce: {  	v34 =	vadd.f32 v34, v35;
	v42 =	vmul.f32 v46, v9;
	v40 =	vld.idx.msk [tilespmem:v31+s1+$0xFFFFFFF0 ss:$0x1], $0xffff  }
0x5cf: {  	v44 =	vmul.f32 v41, v10;
	v46 =	vadd.f32 v45, v43;
	v41 =	vld.idx.msk [tilespmem:v32+s1+$0xFFFFFFF0 ss:$0x1], $0xffff  }
0x5d0: {  	v43 =	vmul.f32 v47, v11;
	v35 =	vld [tilespmem:s1+$0x1B080]  }
0x5d1: {  	s22 =	sadd.s32 $0x100, s22;
	v45 =	vmul.f32 v48, v12;
	v42 =	vadd.f32 v44, v42;
	v44 =	vadd.f32 v46, v49;
	v39 =	vld [tilespmem:s1+$0x1B090]  }
0x5d2: {  	_ = 	snop  }
0x5d3: {  	v17 =	vmul.f32 v36, v13;
	v18 =	vmul.f32 v38, v14  }
0x5d4: {  	v19 =	vmul.f32 v40, v15;
	v20 =	vmul.f32 v41, v16  }
0x5d5: {  	v21 =	vadd.f32 v45, v43  }
0x5d6: {  	v17 =	vadd.f32 v18, v17;
	v18 =	vadd.f32 v20, v19;
	_ =	sdelay $0x1  }
0x5d7: {  	v19 =	vadd.f32 v21, v42;
	v17 =	vadd.f32 v18, v17  }
0x5d8: {  	v18 =	vld [tilespmem:s1+$0x1B0A0]  }
0x5d9: {  	s21 =	sadd.s32 $0x12180, s10;
	s7 =	sadd.s32 $0x11480, s8;
	v20 =	vadd.f32 v44, v37;
	v17 =	vadd.f32 v17, v19  }
0x5da: {  	s23 =	sadd.s32 $0x13B80, s11;
	v22 =	vmov s7;
	v23 =	vmov s21  }
0x5db: {  	s22 =	sadd.s32 $0x14880, s13;
	s26 =	sadd.s32 $0x16280, s15;
	v25 =	vmov s23;
	v24 =	vadd.f32 v33, v35;
	v17 =	vadd.f32 v17, v20  }
0x5dc: {  	s4 =	sadd.s32 $0xD380, s4;
	s25 =	sadd.s32 $0x16F80, s17;
	v26 =	vmov s22;
	v28 =	vmov s26;
	v27 =	vadd.f32 v34, v39  }
0x5dd: {  	s19 =	sadd.s32 $0xE080, s16;
	s29 =	sadd.s32 $0x19680, s20;
	s30 =	sadd.s32 $0x18980, s18;
	v29 =	vmov s25;
	[tilespmem:s1+$0x1B080] =	vst v24;
	v30 =	vadd.f32 v17, v18;
	v17 =	vmov s4  }
0x5de: {  	s5 =	sadd.s32 $0xED80, s6;
	s2 =	sadd.s32 $0x10780, s2;
	s24 =	sadd.s32 $0x12E80, s9;
	v31 =	vmov s30;
	v32 =	vmov s29;
	[tilespmem:s1+$0x1B090] =	vst v27;
	v18 =	vmov s19  }
0x5df: {  	s3 =	sadd.s32 $0xFA80, s3;
	s28 =	sadd.s32 $0x15580, s12;
	s31 =	sadd.s32 $0x17C80, s0;
	v21 =	vmov s2;
	v24 =	vmov s24;
	v19 =	vmov s5;
	[tilespmem:s1+$0x1B0A0] =	vst v30  }
0x5e0: {  	s0 =	simm.s32 $0x3200;
	v27 =	vmov s28;
	v20 =	vmov s3;
	v30 =	vmov s31;
	s2 =	rddreg [dreg:$0x12]  }
.LBB2_14:
0x5e1: {  	s1 =	sshra.s32 s0, $0x2  }
0x5e2: {  	v33 =	vld.idx.msk [tilespmem:v17+s1+$0x0 ss:$0x1], $0xffff  }
0x5e3: {  	v34 =	vld.idx.msk [tilespmem:v18+s1+$0x0 ss:$0x1], $0xffff  }
0x5e4: {  	v35 =	vld.idx.msk [tilespmem:v19+s1+$0x0 ss:$0x1], $0xffff  }
0x5e5: {  	v36 =	vld.idx.msk [tilespmem:v20+s1+$0x0 ss:$0x1], $0xffff  }
0x5e6: {  	v37 =	vld.idx.msk [tilespmem:v21+s1+$0x0 ss:$0x1], $0xffff  }
0x5e7: {  	v38 =	vld.idx.msk [tilespmem:v22+s1+$0x0 ss:$0x1], $0xffff  }
0x5e8: {  	v39 =	vld.idx.msk [tilespmem:v23+s1+$0x0 ss:$0x1], $0xffff  }
0x5e9: {  	v40 =	vld.idx.msk [tilespmem:v24+s1+$0x0 ss:$0x1], $0xffff  }
0x5ea: {  	v41 =	vld.idx.msk [tilespmem:v25+s1+$0x0 ss:$0x1], $0xffff  }
0x5eb: {  	v42 =	vld.idx.msk [tilespmem:v26+s1+$0x0 ss:$0x1], $0xffff  }
0x5ec: {  	v43 =	vld.idx.msk [tilespmem:v27+s1+$0x0 ss:$0x1], $0xffff  }
0x5ed: {  	v44 =	vld.idx.msk [tilespmem:v28+s1+$0x0 ss:$0x1], $0xffff  }
0x5ee: {  	v45 =	vld.idx.msk [tilespmem:v29+s1+$0x0 ss:$0x1], $0xffff;
	v33 =	vmul.f32 v33, v1;
	v34 =	vmul.f32 v34, v2  }
0x5ef: {  	v46 =	vld.idx.msk [tilespmem:v30+s1+$0x0 ss:$0x1], $0xffff;
	v35 =	vmul.f32 v35, v3;
	v36 =	vmul.f32 v36, v4  }
0x5f0: {  	v47 =	vld.idx.msk [tilespmem:v31+s1+$0x0 ss:$0x1], $0xffff;
	v37 =	vmul.f32 v37, v5;
	v38 =	vmul.f32 v38, v6  }
0x5f1: {  	v48 =	vld.idx.msk [tilespmem:v32+s1+$0x0 ss:$0x1], $0xffff;
	v39 =	vmul.f32 v39, v7;
	v40 =	vmul.f32 v40, v8  }
0x5f2: {  	v41 =	vmul.f32 v41, v9;
	v42 =	vmul.f32 v42, v10  }
0x5f3: {  	v43 =	vmul.f32 v43, v11;
	v44 =	vmul.f32 v44, v12  }
0x5f4: {  	v45 =	vmul.f32 v45, v13;
	v46 =	vmul.f32 v46, v14  }
0x5f5: {  	v47 =	vmul.f32 v47, v15;
	v33 =	vadd.f32 v34, v33;
	v53 =	vadd.f32 v36, v35  }
0x5f6: {  	v54 =	vmul.f32 v48, v16;
	v55 =	vadd.f32 v38, v37;
	v56 =	vadd.f32 v40, v39  }
0x5f7: {  	v57 =	vadd.f32 v42, v41;
	v58 =	vadd.f32 v44, v43  }
0x5f8: {  	v59 =	vadd.f32 v46, v45;
	v35 =	vadd.f32 v54, v47  }
0x5f9: {  	v33 =	vadd.f32 v53, v33;
	v60 =	vadd.f32 v56, v55  }
0x5fa: {  	v61 =	vadd.f32 v58, v57;
	v35 =	vadd.f32 v35, v59  }
0x5fb: {  	v62 =	vld [tilespmem:s1+$0x1B080]  }
0x5fc: {  	v33 =	vadd.f32 v60, v33;
	v63 =	vadd.f32 v35, v61  }
0x5fd: {  	p0 =	sne.s32 s0, $0x3240  }
.Ltmp8:
0x5fe: {  	v33 =	vadd.f32 v63, v33;
	(pc) =	sbr.rel @p0 .LBB2_14-.Ltmp8, $3  }
0x5ff: {  	_ = 	snop  }
0x600: {  	v33 =	vadd.f32 v33, v62;
	_ =	sdelay $0x1  }
0x601: {  	s0 =	sadd.s32 $0x40, s0;
	[tilespmem:s1+$0x1B080] =	vst v33  }
0x602: {  	s2 =	sadd.s32 $0x1, s2  }
0x603: {  	p0 =	sne.s32 s2, $0x8  }
.Ltmp9:
0x604: {  	_ = 	snop;
	(pc) =	sbr.rel @p0 .LBB2_5-.Ltmp9, $1  }
0x605: {  	_ =	sdelay $0x3  }
0x606: {  	s0 =	simm.s32 $0x0  }
0x607: {  	s1 =	rddreg [dreg:$0xc];
	s2 =	simm.s32 $0x1B080;
	s3 =	simm.s32 $0x4  }
0x608: {  	[hbm4b:s1+s0] =	stream.linear.scatter [tilespmem:s2], [sflag:$0x4], $0xCA0, $0x38;
	[tilespmem:$0x1CA80] =	vst v63  }
0x609: {  	_ =	swait.ge [sflag:s3], $0xCA0  }
0x60a: {  	[sflag:s3] =	ssyncset.done $0x0  }
0x60b: {  	s4 =	simm.s32 $0x1BD80;
	s30 =	rddreg [dreg:$0xd];
	[sflag:s3] =	ssyncadd.s32 $0xFFFFF360  }
0x60c: {  	[hbm4b:s30+s0] =	stream.linear.scatter [tilespmem:s4], [sflag:$0x4], $0xCA0, $0x38;
	[tilespmem:$0x1CA80] =	vst v63  }
0x60d: {  	_ =	swait.ge [sflag:s3], $0xCA0  }
0x60e: {  	s31 =	rddreg [dreg:$0x7]  }
0x60f: {  	p0 =	sne.s32 s31, $0x1F  }
.Ltmp10:
0x610: {  	_ = 	snop;
	(pc) =	sbr.rel @p0 .LBB2_20-.Ltmp10, $3  }
0x611: {  	_ =	sdelay $0x1  }
0x612: {  	[sflag:s3] =	ssyncset.done $0x0  }
0x613: {  	s2 =	simm.s32 $0x0;
	s1 =	rddreg [dreg:$0x11];
	[sflag:s3] =	ssyncadd.s32 $0xFFFFF360  }
0x614: {  	s0 =	simm.s32 $0x1A390  }
0x615: {  	s1 =	simm.s32 $0x0;
	[tilespmem:s0+$0xFFFFFFF0] =	vst v0  }
.LBB2_18:
0x616: {  	s1 =	sadd.s32 $0x2, s1  }
0x617: {  	p0 =	slt.u32 s1, $0x1C  }
.Ltmp11:
0x618: {  	_ = 	snop;
	(pc) =	sbr.rel @p0 .LBB2_18-.Ltmp11, $3  }
0x619: {  	_ =	sdelay $0x1  }
0x61a: {  	[tilespmem:s0+$0x0] =	vst v0;
	s0 =	sadd.s32 $0x20, s0  }
0x61b: {  	[tilespmem:s0+$0xFFFFFFF0] =	vst v0  }
0x61c: {  	[tilespmem:s0+$0x0] =	vst v0  }
.Ltmp12:
0x61d: {  	s1 =	simm.s32 $0x1A380;
	[tilespmem:$0x1A560] =	vst v0;
	s0 =	rddreg [dreg:$0xe];
	(pc) =	sbr.rel .LBB2_20-.Ltmp12, $4  }
0x61e: {  	[hbm4b:s0+s2] =	stream.linear.scatter [tilespmem:s1], [sflag:$0x4], $0x1F0, $0x38;
	[tilespmem:$0x1CA80] =	vst v63  }
0x61f: {  	_ =	swait.ge [sflag:s3], $0x1F0  }
0x620: {  	[sflag:s3] =	ssyncset.done $0x0  }
0x621: {  	s1 =	rddreg [dreg:$0x11];
	[sflag:s3] =	ssyncadd.s32 $0xFFFFFE10  }
.LBB2_21:
0x622: {  	_ =	sfence.sel $0x180000  }
0x623: {  	[bflag:$0x0] =	sbarrier.arrive $0xFFFF  }
0x624: {  	_ =	strace $0x90000047  }
0x625: {  	s0 =	stileid.u32;
	[bflag:$0x2] =	sbarrier.arrive $0xFFFF  }
0x626: {  	p0 =	sne.s32 s0, $0x0;
	s0 =	rddreg [dreg:$0x6]  }
0x627: {  	s0 =	sadd.s32 @!p0 $0x100000, s0  }
0x628: {  	[sflag:s0] =	ssyncadd.tile.s32 @!p0 $0x1;
	_ =	shalt  }
.Lfunc_end2:
_tile_overlayer_lowered:
.L_overlay_start_2:
0x629: {  	(tag) =	ssettag $0x2  }
0x62a: {  	s0 =	rddreg [dreg:$0x0];
	s2 =	stileid.u32  }
0x62b: {  	s1 =	rddreg [dreg:$0x1];
	p0 =	sne.s32 s2, $0x0  }
0x62c: {  	s3 =	rddreg [dreg:$0x2];
	[bflag:$0x3] =	sbarrier.arrive $0xFFFF;
	s2 =	simm.s32 @!p0 $0x1C04  }
0x62d: {  	[timem:s3], [sflag:s2] =	dma.local @!p0 [hbm:s0], s1  }
0x62e: {  	s0 =	simm.s32 @!p0 $0x4  }
0x62f: {  	_ =	swait.ge @!p0 [sflag:s0], s1  }
0x630: {  	s1 =	ssub.s32 @!p0 $0x0, s1;
	[sflag:s0] =	ssyncset.done @!p0 $0x0  }
0x631: {  	[sflag:s0] =	ssyncadd.s32 @!p0 s1  }
0x632: {  	[bflag:$0x3] =	sbarrier.arrive $0xFFFF  }
0x633: {  	_ =	shalt  }

</sc_bundles>
